<compile_context>
chip_gen: v7x
topology: tpu7x:2x2x1
jax: 0.10.2.dev20260603
libtpu: 0.0.44.dev20260713+nightly
codegen_flags: <defaults>
</compile_context>

<pallas_src>
import functools

import jax
import jax.numpy as jnp
from jax import lax
from jax.experimental import pallas as pl
from jax.experimental.pallas import tpu as pltpu
from jax.experimental.pallas import tpu_sc as plsc

N_FACTORS = 64
BATCH = 16384
_LANES = 16
_CHUNK = 128
_PITCH = 17
_NBUF = 2


def _make_sc_call():
    info = plsc.get_sparse_core_info()
    nc, ns = info.num_cores, info.num_subcores
    nw = nc * ns
    rows = BATCH // nw
    n_chunks = rows // _CHUNK
    groups_per_chunk = _CHUNK // _LANES
    width = 2 * N_FACTORS

    mesh = plsc.VectorSubcoreMesh(core_axis_name="c", subcore_axis_name="s")

    @functools.partial(
        pl.kernel,
        mesh=mesh,
        compiler_params=pltpu.CompilerParams(needs_layout_passes=False,
                                             use_tc_tiling_on_sc=False,
                                             disable_bounds_checks=True,
                                             disable_semaphore_checks=True,
                                             skip_device_barrier=True),
        out_type=jax.ShapeDtypeStruct((BATCH,), jnp.float32),
        scratch_types=[
            pltpu.VMEM((rows,), jnp.int32),
            pltpu.VMEM((rows,), jnp.int32),
            pltpu.VMEM((_NBUF, _CHUNK, width), jnp.float32),
            pltpu.VMEM((_NBUF, _CHUNK, width), jnp.float32),
            pltpu.VMEM((_LANES * _PITCH,), jnp.float32),
            pltpu.VMEM((rows,), jnp.float32),
            pltpu.SemaphoreType.DMA,
        ],
    )
    def sc_call(cats_hbm, c_hbm, out_hbm,
                uidx_v, bidx_v, ubuf_v, bbuf_v, stage_v, out_v, sem):
        wid = lax.axis_index("s") * nc + lax.axis_index("c")
        base = wid * rows

        blk0 = wid * n_chunks
        for j in range(n_chunks):
            pltpu.sync_copy(cats_hbm.at[blk0 + j, 0, :],
                            uidx_v.at[pl.ds(j * _CHUNK, _CHUNK)])
            pltpu.sync_copy(cats_hbm.at[blk0 + j, 1, :],
                            bidx_v.at[pl.ds(j * _CHUNK, _CHUNK)])

        def fire(c, buf):
            sl = pl.ds(c * _CHUNK, _CHUNK)
            return (pltpu.async_copy(c_hbm.at[uidx_v.at[sl]],
                                     ubuf_v.at[buf], sem),
                    pltpu.async_copy(c_hbm.at[bidx_v.at[sl]],
                                     bbuf_v.at[buf], sem))

        iota17 = lax.iota(jnp.int32, _LANES) * _PITCH

        def compute(c, buf):
            def group_body(g, carry):
                for r in range(_LANES):
                    row = g * _LANES + r
                    partial = (ubuf_v[buf, row, pl.ds(0, _LANES)]
                               * bbuf_v[buf, row, pl.ds(N_FACTORS, _LANES)])
                    for k in range(1, N_FACTORS // _LANES):
                        partial = partial + (
                            ubuf_v[buf, row, pl.ds(k * _LANES, _LANES)]
                            * bbuf_v[buf, row,
                                     pl.ds(N_FACTORS + k * _LANES, _LANES)])
                    stage_v[pl.ds(r * _PITCH, _LANES)] = partial
                acc = plsc.load_gather(stage_v, [iota17])
                for k in range(1, _LANES):
                    acc = acc + plsc.load_gather(stage_v, [iota17 + k])
                out_v[pl.ds(c * _CHUNK + g * _LANES, _LANES)] = acc
                return carry

            lax.fori_loop(0, groups_per_chunk, group_body, 0)

        pending = [fire(0, 0)]
        for c in range(1, n_chunks):
            pending.append(fire(c, c % _NBUF))
            for cp in pending[c - 1]:
                cp.wait()
            compute(c - 1, (c - 1) % _NBUF)
        for cp in pending[n_chunks - 1]:
            cp.wait()
        compute(n_chunks - 1, (n_chunks - 1) % _NBUF)

        pltpu.sync_copy(out_v, out_hbm.at[pl.ds(base, rows)])

    return sc_call


def kernel(cats, conts, U, B):
    del conts
    cats3 = cats.reshape(BATCH // 128, 128, 2).transpose(0, 2, 1)
    c_tab = jnp.concatenate([U, B], axis=1)
    return _make_sc_call()(cats3, c_tab)

# --- scband reference (transcript-rebuilt; emitter-appended) ---
"""Pipeline reference for scband-embedding-dot-62105227100325 (READ-ONLY COPY).

The authoritative reference and input builder live on the scoring server;
editing this copy changes nothing except your own understanding.
"""

import jax, jax.numpy as jnp
import numpy as np

N_USERS = 100000
N_BOOKS = 100000
N_FACTORS = 64
BATCH = 16384

def setup_inputs(seed: int = 0) -> dict:
    key = jax.random.key(seed)
    k1, k2, k3, k4 = jax.random.split(key, 4)
    cats = jax.random.randint(k1, (BATCH, 2), 0, N_USERS, dtype=jnp.int64 if jax.config.jax_enable_x64 else jnp.int32).astype(jnp.int32)
    conts = jax.random.normal(k2, (BATCH, 1), dtype=jnp.float32)
    U = jax.random.uniform(k3, (N_USERS, N_FACTORS), dtype=jnp.float32, minval=0.0, maxval=0.05)
    B = jax.random.uniform(k4, (N_BOOKS, N_FACTORS), dtype=jnp.float32, minval=0.0, maxval=0.05)
    return {"cats": cats, "conts": conts, "U": U, "B": B}

def reference(cats, conts, U, B):
    users = cats[:, 0]
    books = cats[:, 1]
    u = jnp.take(U, users, axis=0)
    b = jnp.take(B, books, axis=0)
    return (u * b).sum(axis=1)

if __name__ == "__main__":
    import jax
    _d = setup_inputs()
    print(jax.jit(kernel)(*tuple(_d.values())))

</pallas_src>

<mosaic_0001>
#map = affine_map<(d0, d1) -> (0, 0, 0)>
#map1 = affine_map<(d0, d1) -> (0, 0)>
#map2 = affine_map<(d0, d1) -> (0)>
module attributes {stable_mosaic.version = 14 : i64} {
  func.func @sc_call(%arg0: i32, %arg1: i32, %arg2: memref<128x2x128xi32, #tpu.memory_space<hbm>>, %arg3: memref<100000x128xf32, #tpu.memory_space<hbm>>, %arg4: memref<16384xf32, #tpu.memory_space<hbm>>, %arg5: memref<512xi32, #tpu.memory_space<vmem>>, %arg6: memref<512xi32, #tpu.memory_space<vmem>>, %arg7: memref<2x128x128xf32, #tpu.memory_space<vmem>>, %arg8: memref<2x128x128xf32, #tpu.memory_space<vmem>>, %arg9: memref<272xf32, #tpu.memory_space<vmem>>, %arg10: memref<512xf32, #tpu.memory_space<vmem>>, %arg11: memref<!tpu.dma_semaphore, #tpu.memory_space<semaphore_mem>>) attributes {dimension_semantics = [#tpu.dimension_semantics<core_parallel>, #tpu.dimension_semantics<subcore_parallel>], iteration_bounds = array<i64: 2, 16>, scalar_prefetch = 0 : i64, scratch_operands = 7 : i64, tpu.core_type = #tpu.core_type<sc_vector_subcore>, window_params = [{transform_indices = #map}, {transform_indices = #map1}, {transform_indices = #map2}]} {
    %mul3A = arith.constant 2 : i32
    %mul3A_0 = arith.muli %arg1, %mul3A : i32
    %add3A = arith.addi %mul3A_0, %arg0 : i32
    %mul3A_1 = arith.constant 512 : i32
    %mul3A_2 = arith.muli %add3A, %mul3A_1 : i32
    %mul3A_3 = arith.constant 4 : i32
    %mul3A_4 = arith.muli %add3A, %mul3A_3 : i32
    %add3A_5 = arith.constant 0 : i32
    %add3A_6 = arith.addi %mul3A_4, %add3A_5 : i32
    %run_scoped3A = arith.constant 0 : i32
    "tpu.region"() ({
      %run_scoped3A_212 = tpu.sem_alloc : memref<!tpu.dma_semaphore, #tpu.memory_space<semaphore_mem>>
      %dma_start3A_213 = arith.constant 0 : i32
      %dma_start3A_214 = tpu.memref_slice %arg5[%dma_start3A_213] : memref<512xi32, #tpu.memory_space<vmem>> -> memref<128xi32, #tpu.memory_space<vmem>>
      %dma_start3A_215 = arith.constant 0 : i32
      %dma_start3A_216 = tpu.memref_slice %arg2[%add3A_6, %run_scoped3A, %dma_start3A_215] : memref<128x2x128xi32, #tpu.memory_space<hbm>> -> memref<1x1x128xi32, #tpu.memory_space<hbm>>
      %dma_start3A_217 = tpu.memref_squeeze %dma_start3A_216 : memref<1x1x128xi32, #tpu.memory_space<hbm>> -> memref<128xi32, #tpu.memory_space<hbm>>
      %dma_start3A_218 = arith.constant 0 : i32
      %dma_start3A_219 = tpu.memref_slice %arg5[%dma_start3A_218] : memref<512xi32, #tpu.memory_space<vmem>> -> memref<128xi32, #tpu.memory_space<vmem>>
      %dma_start3A_220 = arith.constant 0 : i32
      %dma_start3A_221 = tpu.memref_slice %arg2[%add3A_6, %run_scoped3A, %dma_start3A_220] : memref<128x2x128xi32, #tpu.memory_space<hbm>> -> memref<1x1x128xi32, #tpu.memory_space<hbm>>
      %dma_start3A_222 = tpu.memref_squeeze %dma_start3A_221 : memref<1x1x128xi32, #tpu.memory_space<hbm>> -> memref<128xi32, #tpu.memory_space<hbm>>
      tpu.enqueue_dma source(%dma_start3A_222 : memref<128xi32, #tpu.memory_space<hbm>>) target(%dma_start3A_219 : memref<128xi32, #tpu.memory_space<vmem>>) target_semaphore(%run_scoped3A_212 : memref<!tpu.dma_semaphore, #tpu.memory_space<semaphore_mem>>)
      %dma_wait3A_223 = arith.constant 0 : i32
      %dma_wait3A_224 = tpu.memref_slice %arg5[%dma_wait3A_223] : memref<512xi32, #tpu.memory_space<vmem>> -> memref<128xi32, #tpu.memory_space<vmem>>
      %dma_wait3A_225 = arith.constant 0 : i32
      %dma_wait3A_226 = tpu.memref_slice %arg2[%add3A_6, %run_scoped3A, %dma_wait3A_225] : memref<128x2x128xi32, #tpu.memory_space<hbm>> -> memref<1x1x128xi32, #tpu.memory_space<hbm>>
      %dma_wait3A_227 = tpu.memref_squeeze %dma_wait3A_226 : memref<1x1x128xi32, #tpu.memory_space<hbm>> -> memref<128xi32, #tpu.memory_space<hbm>>
      %dma_wait3A_228 = arith.constant 0 : i32
      %dma_wait3A_229 = tpu.memref_slice %arg5[%dma_wait3A_228] : memref<512xi32, #tpu.memory_space<vmem>> -> memref<128xi32, #tpu.memory_space<vmem>>
      %dma_wait3A_230 = arith.constant 0 : i32
      %dma_wait3A_231 = tpu.memref_slice %arg2[%add3A_6, %run_scoped3A, %dma_wait3A_230] : memref<128x2x128xi32, #tpu.memory_space<hbm>> -> memref<1x1x128xi32, #tpu.memory_space<hbm>>
      %dma_wait3A_232 = tpu.memref_squeeze %dma_wait3A_231 : memref<1x1x128xi32, #tpu.memory_space<hbm>> -> memref<128xi32, #tpu.memory_space<hbm>>
      tpu.wait_dma2 semaphore(%run_scoped3A_212 : memref<!tpu.dma_semaphore, #tpu.memory_space<semaphore_mem>>) src(%dma_wait3A_232 : memref<128xi32, #tpu.memory_space<hbm>>) dst(%dma_wait3A_229 : memref<128xi32, #tpu.memory_space<vmem>>)
      tpu.yield
    }) : () -> ()
    %add3A_7 = arith.constant 0 : i32
    %add3A_8 = arith.addi %mul3A_4, %add3A_7 : i32
    %run_scoped3A_9 = arith.constant 1 : i32
    "tpu.region"() ({
      %run_scoped3A_212 = tpu.sem_alloc : memref<!tpu.dma_semaphore, #tpu.memory_space<semaphore_mem>>
      %dma_start3A_213 = arith.constant 0 : i32
      %dma_start3A_214 = tpu.memref_slice %arg6[%dma_start3A_213] : memref<512xi32, #tpu.memory_space<vmem>> -> memref<128xi32, #tpu.memory_space<vmem>>
      %dma_start3A_215 = arith.constant 0 : i32
      %dma_start3A_216 = tpu.memref_slice %arg2[%add3A_8, %run_scoped3A_9, %dma_start3A_215] : memref<128x2x128xi32, #tpu.memory_space<hbm>> -> memref<1x1x128xi32, #tpu.memory_space<hbm>>
      %dma_start3A_217 = tpu.memref_squeeze %dma_start3A_216 : memref<1x1x128xi32, #tpu.memory_space<hbm>> -> memref<128xi32, #tpu.memory_space<hbm>>
      %dma_start3A_218 = arith.constant 0 : i32
      %dma_start3A_219 = tpu.memref_slice %arg6[%dma_start3A_218] : memref<512xi32, #tpu.memory_space<vmem>> -> memref<128xi32, #tpu.memory_space<vmem>>
      %dma_start3A_220 = arith.constant 0 : i32
      %dma_start3A_221 = tpu.memref_slice %arg2[%add3A_8, %run_scoped3A_9, %dma_start3A_220] : memref<128x2x128xi32, #tpu.memory_space<hbm>> -> memref<1x1x128xi32, #tpu.memory_space<hbm>>
      %dma_start3A_222 = tpu.memref_squeeze %dma_start3A_221 : memref<1x1x128xi32, #tpu.memory_space<hbm>> -> memref<128xi32, #tpu.memory_space<hbm>>
      tpu.enqueue_dma source(%dma_start3A_222 : memref<128xi32, #tpu.memory_space<hbm>>) target(%dma_start3A_219 : memref<128xi32, #tpu.memory_space<vmem>>) target_semaphore(%run_scoped3A_212 : memref<!tpu.dma_semaphore, #tpu.memory_space<semaphore_mem>>)
      %dma_wait3A_223 = arith.constant 0 : i32
      %dma_wait3A_224 = tpu.memref_slice %arg6[%dma_wait3A_223] : memref<512xi32, #tpu.memory_space<vmem>> -> memref<128xi32, #tpu.memory_space<vmem>>
      %dma_wait3A_225 = arith.constant 0 : i32
      %dma_wait3A_226 = tpu.memref_slice %arg2[%add3A_8, %run_scoped3A_9, %dma_wait3A_225] : memref<128x2x128xi32, #tpu.memory_space<hbm>> -> memref<1x1x128xi32, #tpu.memory_space<hbm>>
      %dma_wait3A_227 = tpu.memref_squeeze %dma_wait3A_226 : memref<1x1x128xi32, #tpu.memory_space<hbm>> -> memref<128xi32, #tpu.memory_space<hbm>>
      %dma_wait3A_228 = arith.constant 0 : i32
      %dma_wait3A_229 = tpu.memref_slice %arg6[%dma_wait3A_228] : memref<512xi32, #tpu.memory_space<vmem>> -> memref<128xi32, #tpu.memory_space<vmem>>
      %dma_wait3A_230 = arith.constant 0 : i32
      %dma_wait3A_231 = tpu.memref_slice %arg2[%add3A_8, %run_scoped3A_9, %dma_wait3A_230] : memref<128x2x128xi32, #tpu.memory_space<hbm>> -> memref<1x1x128xi32, #tpu.memory_space<hbm>>
      %dma_wait3A_232 = tpu.memref_squeeze %dma_wait3A_231 : memref<1x1x128xi32, #tpu.memory_space<hbm>> -> memref<128xi32, #tpu.memory_space<hbm>>
      tpu.wait_dma2 semaphore(%run_scoped3A_212 : memref<!tpu.dma_semaphore, #tpu.memory_space<semaphore_mem>>) src(%dma_wait3A_232 : memref<128xi32, #tpu.memory_space<hbm>>) dst(%dma_wait3A_229 : memref<128xi32, #tpu.memory_space<vmem>>)
      tpu.yield
    }) : () -> ()
    %add3A_10 = arith.constant 1 : i32
    %add3A_11 = arith.addi %mul3A_4, %add3A_10 : i32
    %run_scoped3A_12 = arith.constant 0 : i32
    "tpu.region"() ({
      %run_scoped3A_212 = tpu.sem_alloc : memref<!tpu.dma_semaphore, #tpu.memory_space<semaphore_mem>>
      %dma_start3A_213 = arith.constant 128 : i32
      %dma_start3A_214 = tpu.memref_slice %arg5[%dma_start3A_213] : memref<512xi32, #tpu.memory_space<vmem>> -> memref<128xi32, #tpu.memory_space<vmem>>
      %dma_start3A_215 = arith.constant 0 : i32
      %dma_start3A_216 = tpu.memref_slice %arg2[%add3A_11, %run_scoped3A_12, %dma_start3A_215] : memref<128x2x128xi32, #tpu.memory_space<hbm>> -> memref<1x1x128xi32, #tpu.memory_space<hbm>>
      %dma_start3A_217 = tpu.memref_squeeze %dma_start3A_216 : memref<1x1x128xi32, #tpu.memory_space<hbm>> -> memref<128xi32, #tpu.memory_space<hbm>>
      %dma_start3A_218 = arith.constant 128 : i32
      %dma_start3A_219 = tpu.memref_slice %arg5[%dma_start3A_218] : memref<512xi32, #tpu.memory_space<vmem>> -> memref<128xi32, #tpu.memory_space<vmem>>
      %dma_start3A_220 = arith.constant 0 : i32
      %dma_start3A_221 = tpu.memref_slice %arg2[%add3A_11, %run_scoped3A_12, %dma_start3A_220] : memref<128x2x128xi32, #tpu.memory_space<hbm>> -> memref<1x1x128xi32, #tpu.memory_space<hbm>>
      %dma_start3A_222 = tpu.memref_squeeze %dma_start3A_221 : memref<1x1x128xi32, #tpu.memory_space<hbm>> -> memref<128xi32, #tpu.memory_space<hbm>>
      tpu.enqueue_dma source(%dma_start3A_222 : memref<128xi32, #tpu.memory_space<hbm>>) target(%dma_start3A_219 : memref<128xi32, #tpu.memory_space<vmem>>) target_semaphore(%run_scoped3A_212 : memref<!tpu.dma_semaphore, #tpu.memory_space<semaphore_mem>>)
      %dma_wait3A_223 = arith.constant 128 : i32
      %dma_wait3A_224 = tpu.memref_slice %arg5[%dma_wait3A_223] : memref<512xi32, #tpu.memory_space<vmem>> -> memref<128xi32, #tpu.memory_space<vmem>>
      %dma_wait3A_225 = arith.constant 0 : i32
      %dma_wait3A_226 = tpu.memref_slice %arg2[%add3A_11, %run_scoped3A_12, %dma_wait3A_225] : memref<128x2x128xi32, #tpu.memory_space<hbm>> -> memref<1x1x128xi32, #tpu.memory_space<hbm>>
      %dma_wait3A_227 = tpu.memref_squeeze %dma_wait3A_226 : memref<1x1x128xi32, #tpu.memory_space<hbm>> -> memref<128xi32, #tpu.memory_space<hbm>>
      %dma_wait3A_228 = arith.constant 128 : i32
      %dma_wait3A_229 = tpu.memref_slice %arg5[%dma_wait3A_228] : memref<512xi32, #tpu.memory_space<vmem>> -> memref<128xi32, #tpu.memory_space<vmem>>
      %dma_wait3A_230 = arith.constant 0 : i32
      %dma_wait3A_231 = tpu.memref_slice %arg2[%add3A_11, %run_scoped3A_12, %dma_wait3A_230] : memref<128x2x128xi32, #tpu.memory_space<hbm>> -> memref<1x1x128xi32, #tpu.memory_space<hbm>>
      %dma_wait3A_232 = tpu.memref_squeeze %dma_wait3A_231 : memref<1x1x128xi32, #tpu.memory_space<hbm>> -> memref<128xi32, #tpu.memory_space<hbm>>
      tpu.wait_dma2 semaphore(%run_scoped3A_212 : memref<!tpu.dma_semaphore, #tpu.memory_space<semaphore_mem>>) src(%dma_wait3A_232 : memref<128xi32, #tpu.memory_space<hbm>>) dst(%dma_wait3A_229 : memref<128xi32, #tpu.memory_space<vmem>>)
      tpu.yield
    }) : () -> ()
    %add3A_13 = arith.constant 1 : i32
    %add3A_14 = arith.addi %mul3A_4, %add3A_13 : i32
    %run_scoped3A_15 = arith.constant 1 : i32
    "tpu.region"() ({
      %run_scoped3A_212 = tpu.sem_alloc : memref<!tpu.dma_semaphore, #tpu.memory_space<semaphore_mem>>
      %dma_start3A_213 = arith.constant 128 : i32
      %dma_start3A_214 = tpu.memref_slice %arg6[%dma_start3A_213] : memref<512xi32, #tpu.memory_space<vmem>> -> memref<128xi32, #tpu.memory_space<vmem>>
      %dma_start3A_215 = arith.constant 0 : i32
      %dma_start3A_216 = tpu.memref_slice %arg2[%add3A_14, %run_scoped3A_15, %dma_start3A_215] : memref<128x2x128xi32, #tpu.memory_space<hbm>> -> memref<1x1x128xi32, #tpu.memory_space<hbm>>
      %dma_start3A_217 = tpu.memref_squeeze %dma_start3A_216 : memref<1x1x128xi32, #tpu.memory_space<hbm>> -> memref<128xi32, #tpu.memory_space<hbm>>
      %dma_start3A_218 = arith.constant 128 : i32
      %dma_start3A_219 = tpu.memref_slice %arg6[%dma_start3A_218] : memref<512xi32, #tpu.memory_space<vmem>> -> memref<128xi32, #tpu.memory_space<vmem>>
      %dma_start3A_220 = arith.constant 0 : i32
      %dma_start3A_221 = tpu.memref_slice %arg2[%add3A_14, %run_scoped3A_15, %dma_start3A_220] : memref<128x2x128xi32, #tpu.memory_space<hbm>> -> memref<1x1x128xi32, #tpu.memory_space<hbm>>
      %dma_start3A_222 = tpu.memref_squeeze %dma_start3A_221 : memref<1x1x128xi32, #tpu.memory_space<hbm>> -> memref<128xi32, #tpu.memory_space<hbm>>
      tpu.enqueue_dma source(%dma_start3A_222 : memref<128xi32, #tpu.memory_space<hbm>>) target(%dma_start3A_219 : memref<128xi32, #tpu.memory_space<vmem>>) target_semaphore(%run_scoped3A_212 : memref<!tpu.dma_semaphore, #tpu.memory_space<semaphore_mem>>)
      %dma_wait3A_223 = arith.constant 128 : i32
      %dma_wait3A_224 = tpu.memref_slice %arg6[%dma_wait3A_223] : memref<512xi32, #tpu.memory_space<vmem>> -> memref<128xi32, #tpu.memory_space<vmem>>
      %dma_wait3A_225 = arith.constant 0 : i32
      %dma_wait3A_226 = tpu.memref_slice %arg2[%add3A_14, %run_scoped3A_15, %dma_wait3A_225] : memref<128x2x128xi32, #tpu.memory_space<hbm>> -> memref<1x1x128xi32, #tpu.memory_space<hbm>>
      %dma_wait3A_227 = tpu.memref_squeeze %dma_wait3A_226 : memref<1x1x128xi32, #tpu.memory_space<hbm>> -> memref<128xi32, #tpu.memory_space<hbm>>
      %dma_wait3A_228 = arith.constant 128 : i32
      %dma_wait3A_229 = tpu.memref_slice %arg6[%dma_wait3A_228] : memref<512xi32, #tpu.memory_space<vmem>> -> memref<128xi32, #tpu.memory_space<vmem>>
      %dma_wait3A_230 = arith.constant 0 : i32
      %dma_wait3A_231 = tpu.memref_slice %arg2[%add3A_14, %run_scoped3A_15, %dma_wait3A_230] : memref<128x2x128xi32, #tpu.memory_space<hbm>> -> memref<1x1x128xi32, #tpu.memory_space<hbm>>
      %dma_wait3A_232 = tpu.memref_squeeze %dma_wait3A_231 : memref<1x1x128xi32, #tpu.memory_space<hbm>> -> memref<128xi32, #tpu.memory_space<hbm>>
      tpu.wait_dma2 semaphore(%run_scoped3A_212 : memref<!tpu.dma_semaphore, #tpu.memory_space<semaphore_mem>>) src(%dma_wait3A_232 : memref<128xi32, #tpu.memory_space<hbm>>) dst(%dma_wait3A_229 : memref<128xi32, #tpu.memory_space<vmem>>)
      tpu.yield
    }) : () -> ()
    %add3A_16 = arith.constant 2 : i32
    %add3A_17 = arith.addi %mul3A_4, %add3A_16 : i32
    %run_scoped3A_18 = arith.constant 0 : i32
    "tpu.region"() ({
      %run_scoped3A_212 = tpu.sem_alloc : memref<!tpu.dma_semaphore, #tpu.memory_space<semaphore_mem>>
      %dma_start3A_213 = arith.constant 256 : i32
      %dma_start3A_214 = tpu.memref_slice %arg5[%dma_start3A_213] : memref<512xi32, #tpu.memory_space<vmem>> -> memref<128xi32, #tpu.memory_space<vmem>>
      %dma_start3A_215 = arith.constant 0 : i32
      %dma_start3A_216 = tpu.memref_slice %arg2[%add3A_17, %run_scoped3A_18, %dma_start3A_215] : memref<128x2x128xi32, #tpu.memory_space<hbm>> -> memref<1x1x128xi32, #tpu.memory_space<hbm>>
      %dma_start3A_217 = tpu.memref_squeeze %dma_start3A_216 : memref<1x1x128xi32, #tpu.memory_space<hbm>> -> memref<128xi32, #tpu.memory_space<hbm>>
      %dma_start3A_218 = arith.constant 256 : i32
      %dma_start3A_219 = tpu.memref_slice %arg5[%dma_start3A_218] : memref<512xi32, #tpu.memory_space<vmem>> -> memref<128xi32, #tpu.memory_space<vmem>>
      %dma_start3A_220 = arith.constant 0 : i32
      %dma_start3A_221 = tpu.memref_slice %arg2[%add3A_17, %run_scoped3A_18, %dma_start3A_220] : memref<128x2x128xi32, #tpu.memory_space<hbm>> -> memref<1x1x128xi32, #tpu.memory_space<hbm>>
      %dma_start3A_222 = tpu.memref_squeeze %dma_start3A_221 : memref<1x1x128xi32, #tpu.memory_space<hbm>> -> memref<128xi32, #tpu.memory_space<hbm>>
      tpu.enqueue_dma source(%dma_start3A_222 : memref<128xi32, #tpu.memory_space<hbm>>) target(%dma_start3A_219 : memref<128xi32, #tpu.memory_space<vmem>>) target_semaphore(%run_scoped3A_212 : memref<!tpu.dma_semaphore, #tpu.memory_space<semaphore_mem>>)
      %dma_wait3A_223 = arith.constant 256 : i32
      %dma_wait3A_224 = tpu.memref_slice %arg5[%dma_wait3A_223] : memref<512xi32, #tpu.memory_space<vmem>> -> memref<128xi32, #tpu.memory_space<vmem>>
      %dma_wait3A_225 = arith.constant 0 : i32
      %dma_wait3A_226 = tpu.memref_slice %arg2[%add3A_17, %run_scoped3A_18, %dma_wait3A_225] : memref<128x2x128xi32, #tpu.memory_space<hbm>> -> memref<1x1x128xi32, #tpu.memory_space<hbm>>
      %dma_wait3A_227 = tpu.memref_squeeze %dma_wait3A_226 : memref<1x1x128xi32, #tpu.memory_space<hbm>> -> memref<128xi32, #tpu.memory_space<hbm>>
      %dma_wait3A_228 = arith.constant 256 : i32
      %dma_wait3A_229 = tpu.memref_slice %arg5[%dma_wait3A_228] : memref<512xi32, #tpu.memory_space<vmem>> -> memref<128xi32, #tpu.memory_space<vmem>>
      %dma_wait3A_230 = arith.constant 0 : i32
      %dma_wait3A_231 = tpu.memref_slice %arg2[%add3A_17, %run_scoped3A_18, %dma_wait3A_230] : memref<128x2x128xi32, #tpu.memory_space<hbm>> -> memref<1x1x128xi32, #tpu.memory_space<hbm>>
      %dma_wait3A_232 = tpu.memref_squeeze %dma_wait3A_231 : memref<1x1x128xi32, #tpu.memory_space<hbm>> -> memref<128xi32, #tpu.memory_space<hbm>>
      tpu.wait_dma2 semaphore(%run_scoped3A_212 : memref<!tpu.dma_semaphore, #tpu.memory_space<semaphore_mem>>) src(%dma_wait3A_232 : memref<128xi32, #tpu.memory_space<hbm>>) dst(%dma_wait3A_229 : memref<128xi32, #tpu.memory_space<vmem>>)
      tpu.yield
    }) : () -> ()
    %add3A_19 = arith.constant 2 : i32
    %add3A_20 = arith.addi %mul3A_4, %add3A_19 : i32
    %run_scoped3A_21 = arith.constant 1 : i32
    "tpu.region"() ({
      %run_scoped3A_212 = tpu.sem_alloc : memref<!tpu.dma_semaphore, #tpu.memory_space<semaphore_mem>>
      %dma_start3A_213 = arith.constant 256 : i32
      %dma_start3A_214 = tpu.memref_slice %arg6[%dma_start3A_213] : memref<512xi32, #tpu.memory_space<vmem>> -> memref<128xi32, #tpu.memory_space<vmem>>
      %dma_start3A_215 = arith.constant 0 : i32
      %dma_start3A_216 = tpu.memref_slice %arg2[%add3A_20, %run_scoped3A_21, %dma_start3A_215] : memref<128x2x128xi32, #tpu.memory_space<hbm>> -> memref<1x1x128xi32, #tpu.memory_space<hbm>>
      %dma_start3A_217 = tpu.memref_squeeze %dma_start3A_216 : memref<1x1x128xi32, #tpu.memory_space<hbm>> -> memref<128xi32, #tpu.memory_space<hbm>>
      %dma_start3A_218 = arith.constant 256 : i32
      %dma_start3A_219 = tpu.memref_slice %arg6[%dma_start3A_218] : memref<512xi32, #tpu.memory_space<vmem>> -> memref<128xi32, #tpu.memory_space<vmem>>
      %dma_start3A_220 = arith.constant 0 : i32
      %dma_start3A_221 = tpu.memref_slice %arg2[%add3A_20, %run_scoped3A_21, %dma_start3A_220] : memref<128x2x128xi32, #tpu.memory_space<hbm>> -> memref<1x1x128xi32, #tpu.memory_space<hbm>>
      %dma_start3A_222 = tpu.memref_squeeze %dma_start3A_221 : memref<1x1x128xi32, #tpu.memory_space<hbm>> -> memref<128xi32, #tpu.memory_space<hbm>>
      tpu.enqueue_dma source(%dma_start3A_222 : memref<128xi32, #tpu.memory_space<hbm>>) target(%dma_start3A_219 : memref<128xi32, #tpu.memory_space<vmem>>) target_semaphore(%run_scoped3A_212 : memref<!tpu.dma_semaphore, #tpu.memory_space<semaphore_mem>>)
      %dma_wait3A_223 = arith.constant 256 : i32
      %dma_wait3A_224 = tpu.memref_slice %arg6[%dma_wait3A_223] : memref<512xi32, #tpu.memory_space<vmem>> -> memref<128xi32, #tpu.memory_space<vmem>>
      %dma_wait3A_225 = arith.constant 0 : i32
      %dma_wait3A_226 = tpu.memref_slice %arg2[%add3A_20, %run_scoped3A_21, %dma_wait3A_225] : memref<128x2x128xi32, #tpu.memory_space<hbm>> -> memref<1x1x128xi32, #tpu.memory_space<hbm>>
      %dma_wait3A_227 = tpu.memref_squeeze %dma_wait3A_226 : memref<1x1x128xi32, #tpu.memory_space<hbm>> -> memref<128xi32, #tpu.memory_space<hbm>>
      %dma_wait3A_228 = arith.constant 256 : i32
      %dma_wait3A_229 = tpu.memref_slice %arg6[%dma_wait3A_228] : memref<512xi32, #tpu.memory_space<vmem>> -> memref<128xi32, #tpu.memory_space<vmem>>
      %dma_wait3A_230 = arith.constant 0 : i32
      %dma_wait3A_231 = tpu.memref_slice %arg2[%add3A_20, %run_scoped3A_21, %dma_wait3A_230] : memref<128x2x128xi32, #tpu.memory_space<hbm>> -> memref<1x1x128xi32, #tpu.memory_space<hbm>>
      %dma_wait3A_232 = tpu.memref_squeeze %dma_wait3A_231 : memref<1x1x128xi32, #tpu.memory_space<hbm>> -> memref<128xi32, #tpu.memory_space<hbm>>
      tpu.wait_dma2 semaphore(%run_scoped3A_212 : memref<!tpu.dma_semaphore, #tpu.memory_space<semaphore_mem>>) src(%dma_wait3A_232 : memref<128xi32, #tpu.memory_space<hbm>>) dst(%dma_wait3A_229 : memref<128xi32, #tpu.memory_space<vmem>>)
      tpu.yield
    }) : () -> ()
    %add3A_22 = arith.constant 3 : i32
    %add3A_23 = arith.addi %mul3A_4, %add3A_22 : i32
    %run_scoped3A_24 = arith.constant 0 : i32
    "tpu.region"() ({
      %run_scoped3A_212 = tpu.sem_alloc : memref<!tpu.dma_semaphore, #tpu.memory_space<semaphore_mem>>
      %dma_start3A_213 = arith.constant 384 : i32
      %dma_start3A_214 = tpu.memref_slice %arg5[%dma_start3A_213] : memref<512xi32, #tpu.memory_space<vmem>> -> memref<128xi32, #tpu.memory_space<vmem>>
      %dma_start3A_215 = arith.constant 0 : i32
      %dma_start3A_216 = tpu.memref_slice %arg2[%add3A_23, %run_scoped3A_24, %dma_start3A_215] : memref<128x2x128xi32, #tpu.memory_space<hbm>> -> memref<1x1x128xi32, #tpu.memory_space<hbm>>
      %dma_start3A_217 = tpu.memref_squeeze %dma_start3A_216 : memref<1x1x128xi32, #tpu.memory_space<hbm>> -> memref<128xi32, #tpu.memory_space<hbm>>
      %dma_start3A_218 = arith.constant 384 : i32
      %dma_start3A_219 = tpu.memref_slice %arg5[%dma_start3A_218] : memref<512xi32, #tpu.memory_space<vmem>> -> memref<128xi32, #tpu.memory_space<vmem>>
      %dma_start3A_220 = arith.constant 0 : i32
      %dma_start3A_221 = tpu.memref_slice %arg2[%add3A_23, %run_scoped3A_24, %dma_start3A_220] : memref<128x2x128xi32, #tpu.memory_space<hbm>> -> memref<1x1x128xi32, #tpu.memory_space<hbm>>
      %dma_start3A_222 = tpu.memref_squeeze %dma_start3A_221 : memref<1x1x128xi32, #tpu.memory_space<hbm>> -> memref<128xi32, #tpu.memory_space<hbm>>
      tpu.enqueue_dma source(%dma_start3A_222 : memref<128xi32, #tpu.memory_space<hbm>>) target(%dma_start3A_219 : memref<128xi32, #tpu.memory_space<vmem>>) target_semaphore(%run_scoped3A_212 : memref<!tpu.dma_semaphore, #tpu.memory_space<semaphore_mem>>)
      %dma_wait3A_223 = arith.constant 384 : i32
      %dma_wait3A_224 = tpu.memref_slice %arg5[%dma_wait3A_223] : memref<512xi32, #tpu.memory_space<vmem>> -> memref<128xi32, #tpu.memory_space<vmem>>
      %dma_wait3A_225 = arith.constant 0 : i32
      %dma_wait3A_226 = tpu.memref_slice %arg2[%add3A_23, %run_scoped3A_24, %dma_wait3A_225] : memref<128x2x128xi32, #tpu.memory_space<hbm>> -> memref<1x1x128xi32, #tpu.memory_space<hbm>>
      %dma_wait3A_227 = tpu.memref_squeeze %dma_wait3A_226 : memref<1x1x128xi32, #tpu.memory_space<hbm>> -> memref<128xi32, #tpu.memory_space<hbm>>
      %dma_wait3A_228 = arith.constant 384 : i32
      %dma_wait3A_229 = tpu.memref_slice %arg5[%dma_wait3A_228] : memref<512xi32, #tpu.memory_space<vmem>> -> memref<128xi32, #tpu.memory_space<vmem>>
      %dma_wait3A_230 = arith.constant 0 : i32
      %dma_wait3A_231 = tpu.memref_slice %arg2[%add3A_23, %run_scoped3A_24, %dma_wait3A_230] : memref<128x2x128xi32, #tpu.memory_space<hbm>> -> memref<1x1x128xi32, #tpu.memory_space<hbm>>
      %dma_wait3A_232 = tpu.memref_squeeze %dma_wait3A_231 : memref<1x1x128xi32, #tpu.memory_space<hbm>> -> memref<128xi32, #tpu.memory_space<hbm>>
      tpu.wait_dma2 semaphore(%run_scoped3A_212 : memref<!tpu.dma_semaphore, #tpu.memory_space<semaphore_mem>>) src(%dma_wait3A_232 : memref<128xi32, #tpu.memory_space<hbm>>) dst(%dma_wait3A_229 : memref<128xi32, #tpu.memory_space<vmem>>)
      tpu.yield
    }) : () -> ()
    %add3A_25 = arith.constant 3 : i32
    %add3A_26 = arith.addi %mul3A_4, %add3A_25 : i32
    %run_scoped3A_27 = arith.constant 1 : i32
    "tpu.region"() ({
      %run_scoped3A_212 = tpu.sem_alloc : memref<!tpu.dma_semaphore, #tpu.memory_space<semaphore_mem>>
      %dma_start3A_213 = arith.constant 384 : i32
      %dma_start3A_214 = tpu.memref_slice %arg6[%dma_start3A_213] : memref<512xi32, #tpu.memory_space<vmem>> -> memref<128xi32, #tpu.memory_space<vmem>>
      %dma_start3A_215 = arith.constant 0 : i32
      %dma_start3A_216 = tpu.memref_slice %arg2[%add3A_26, %run_scoped3A_27, %dma_start3A_215] : memref<128x2x128xi32, #tpu.memory_space<hbm>> -> memref<1x1x128xi32, #tpu.memory_space<hbm>>
      %dma_start3A_217 = tpu.memref_squeeze %dma_start3A_216 : memref<1x1x128xi32, #tpu.memory_space<hbm>> -> memref<128xi32, #tpu.memory_space<hbm>>
      %dma_start3A_218 = arith.constant 384 : i32
      %dma_start3A_219 = tpu.memref_slice %arg6[%dma_start3A_218] : memref<512xi32, #tpu.memory_space<vmem>> -> memref<128xi32, #tpu.memory_space<vmem>>
      %dma_start3A_220 = arith.constant 0 : i32
      %dma_start3A_221 = tpu.memref_slice %arg2[%add3A_26, %run_scoped3A_27, %dma_start3A_220] : memref<128x2x128xi32, #tpu.memory_space<hbm>> -> memref<1x1x128xi32, #tpu.memory_space<hbm>>
      %dma_start3A_222 = tpu.memref_squeeze %dma_start3A_221 : memref<1x1x128xi32, #tpu.memory_space<hbm>> -> memref<128xi32, #tpu.memory_space<hbm>>
      tpu.enqueue_dma source(%dma_start3A_222 : memref<128xi32, #tpu.memory_space<hbm>>) target(%dma_start3A_219 : memref<128xi32, #tpu.memory_space<vmem>>) target_semaphore(%run_scoped3A_212 : memref<!tpu.dma_semaphore, #tpu.memory_space<semaphore_mem>>)
      %dma_wait3A_223 = arith.constant 384 : i32
      %dma_wait3A_224 = tpu.memref_slice %arg6[%dma_wait3A_223] : memref<512xi32, #tpu.memory_space<vmem>> -> memref<128xi32, #tpu.memory_space<vmem>>
      %dma_wait3A_225 = arith.constant 0 : i32
      %dma_wait3A_226 = tpu.memref_slice %arg2[%add3A_26, %run_scoped3A_27, %dma_wait3A_225] : memref<128x2x128xi32, #tpu.memory_space<hbm>> -> memref<1x1x128xi32, #tpu.memory_space<hbm>>
      %dma_wait3A_227 = tpu.memref_squeeze %dma_wait3A_226 : memref<1x1x128xi32, #tpu.memory_space<hbm>> -> memref<128xi32, #tpu.memory_space<hbm>>
      %dma_wait3A_228 = arith.constant 384 : i32
      %dma_wait3A_229 = tpu.memref_slice %arg6[%dma_wait3A_228] : memref<512xi32, #tpu.memory_space<vmem>> -> memref<128xi32, #tpu.memory_space<vmem>>
      %dma_wait3A_230 = arith.constant 0 : i32
      %dma_wait3A_231 = tpu.memref_slice %arg2[%add3A_26, %run_scoped3A_27, %dma_wait3A_230] : memref<128x2x128xi32, #tpu.memory_space<hbm>> -> memref<1x1x128xi32, #tpu.memory_space<hbm>>
      %dma_wait3A_232 = tpu.memref_squeeze %dma_wait3A_231 : memref<1x1x128xi32, #tpu.memory_space<hbm>> -> memref<128xi32, #tpu.memory_space<hbm>>
      tpu.wait_dma2 semaphore(%run_scoped3A_212 : memref<!tpu.dma_semaphore, #tpu.memory_space<semaphore_mem>>) src(%dma_wait3A_232 : memref<128xi32, #tpu.memory_space<hbm>>) dst(%dma_wait3A_229 : memref<128xi32, #tpu.memory_space<vmem>>)
      tpu.yield
    }) : () -> ()
    %iota3A = tpu.iota {dimensions = array<i32: 0>} : vector<16xi32>
    %mul3A_28 = arith.constant 17 : i32
    %mul3A_29 = vector.broadcast %mul3A_28 : i32 to vector<16xi32>
    %mul3A_30 = arith.muli %iota3A, %mul3A_29 : vector<16xi32>
    %dma_start3A = arith.constant 0 : i32
    %dma_start3A_31 = arith.constant 0 : i32
    %dma_start3A_32 = arith.constant 0 : i32
    %dma_start3A_33 = tpu.memref_slice %arg7[%dma_start3A, %dma_start3A_31, %dma_start3A_32] : memref<2x128x128xf32, #tpu.memory_space<vmem>> -> memref<1x128x128xf32, #tpu.memory_space<vmem>>
    %dma_start3A_34 = tpu.memref_squeeze %dma_start3A_33 : memref<1x128x128xf32, #tpu.memory_space<vmem>> -> memref<128x128xf32, #tpu.memory_space<vmem>>
    %dma_start3A_35 = arith.constant 0 : i32
    %dma_start3A_36 = tpu.memref_slice %arg5[%dma_start3A_35] : memref<512xi32, #tpu.memory_space<vmem>> -> memref<128xi32, #tpu.memory_space<vmem>>
    %dma_start3A_37 = arith.constant 0 : i32
    %dma_start3A_38 = arith.constant 0 : i32
    %dma_start3A_39 = tpu.memref_slice %arg3[%dma_start3A_37, %dma_start3A_38] : memref<100000x128xf32, #tpu.memory_space<hbm>> -> memref<100000x128xf32, #tpu.memory_space<hbm>>
    tpu.enqueue_indirect_dma source(%dma_start3A_39 : memref<100000x128xf32, #tpu.memory_space<hbm>>) target(%dma_start3A_34 : memref<128x128xf32, #tpu.memory_space<vmem>>) offsets(%dma_start3A_36 : memref<128xi32, #tpu.memory_space<vmem>>) semaphore(%arg11 : memref<!tpu.dma_semaphore, #tpu.memory_space<semaphore_mem>>)
    %dma_start3A_40 = arith.constant 0 : i32
    %dma_start3A_41 = arith.constant 0 : i32
    %dma_start3A_42 = arith.constant 0 : i32
    %dma_start3A_43 = tpu.memref_slice %arg8[%dma_start3A_40, %dma_start3A_41, %dma_start3A_42] : memref<2x128x128xf32, #tpu.memory_space<vmem>> -> memref<1x128x128xf32, #tpu.memory_space<vmem>>
    %dma_start3A_44 = tpu.memref_squeeze %dma_start3A_43 : memref<1x128x128xf32, #tpu.memory_space<vmem>> -> memref<128x128xf32, #tpu.memory_space<vmem>>
    %dma_start3A_45 = arith.constant 0 : i32
    %dma_start3A_46 = tpu.memref_slice %arg6[%dma_start3A_45] : memref<512xi32, #tpu.memory_space<vmem>> -> memref<128xi32, #tpu.memory_space<vmem>>
    %dma_start3A_47 = arith.constant 0 : i32
    %dma_start3A_48 = arith.constant 0 : i32
    %dma_start3A_49 = tpu.memref_slice %arg3[%dma_start3A_47, %dma_start3A_48] : memref<100000x128xf32, #tpu.memory_space<hbm>> -> memref<100000x128xf32, #tpu.memory_space<hbm>>
    tpu.enqueue_indirect_dma source(%dma_start3A_49 : memref<100000x128xf32, #tpu.memory_space<hbm>>) target(%dma_start3A_44 : memref<128x128xf32, #tpu.memory_space<vmem>>) offsets(%dma_start3A_46 : memref<128xi32, #tpu.memory_space<vmem>>) semaphore(%arg11 : memref<!tpu.dma_semaphore, #tpu.memory_space<semaphore_mem>>)
    %dma_start3A_50 = arith.constant 1 : i32
    %dma_start3A_51 = arith.constant 0 : i32
    %dma_start3A_52 = arith.constant 0 : i32
    %dma_start3A_53 = tpu.memref_slice %arg7[%dma_start3A_50, %dma_start3A_51, %dma_start3A_52] : memref<2x128x128xf32, #tpu.memory_space<vmem>> -> memref<1x128x128xf32, #tpu.memory_space<vmem>>
    %dma_start3A_54 = tpu.memref_squeeze %dma_start3A_53 : memref<1x128x128xf32, #tpu.memory_space<vmem>> -> memref<128x128xf32, #tpu.memory_space<vmem>>
    %dma_start3A_55 = arith.constant 128 : i32
    %dma_start3A_56 = tpu.memref_slice %arg5[%dma_start3A_55] : memref<512xi32, #tpu.memory_space<vmem>> -> memref<128xi32, #tpu.memory_space<vmem>>
    %dma_start3A_57 = arith.constant 0 : i32
    %dma_start3A_58 = arith.constant 0 : i32
    %dma_start3A_59 = tpu.memref_slice %arg3[%dma_start3A_57, %dma_start3A_58] : memref<100000x128xf32, #tpu.memory_space<hbm>> -> memref<100000x128xf32, #tpu.memory_space<hbm>>
    tpu.enqueue_indirect_dma source(%dma_start3A_59 : memref<100000x128xf32, #tpu.memory_space<hbm>>) target(%dma_start3A_54 : memref<128x128xf32, #tpu.memory_space<vmem>>) offsets(%dma_start3A_56 : memref<128xi32, #tpu.memory_space<vmem>>) semaphore(%arg11 : memref<!tpu.dma_semaphore, #tpu.memory_space<semaphore_mem>>)
    %dma_start3A_60 = arith.constant 1 : i32
    %dma_start3A_61 = arith.constant 0 : i32
    %dma_start3A_62 = arith.constant 0 : i32
    %dma_start3A_63 = tpu.memref_slice %arg8[%dma_start3A_60, %dma_start3A_61, %dma_start3A_62] : memref<2x128x128xf32, #tpu.memory_space<vmem>> -> memref<1x128x128xf32, #tpu.memory_space<vmem>>
    %dma_start3A_64 = tpu.memref_squeeze %dma_start3A_63 : memref<1x128x128xf32, #tpu.memory_space<vmem>> -> memref<128x128xf32, #tpu.memory_space<vmem>>
    %dma_start3A_65 = arith.constant 128 : i32
    %dma_start3A_66 = tpu.memref_slice %arg6[%dma_start3A_65] : memref<512xi32, #tpu.memory_space<vmem>> -> memref<128xi32, #tpu.memory_space<vmem>>
    %dma_start3A_67 = arith.constant 0 : i32
    %dma_start3A_68 = arith.constant 0 : i32
    %dma_start3A_69 = tpu.memref_slice %arg3[%dma_start3A_67, %dma_start3A_68] : memref<100000x128xf32, #tpu.memory_space<hbm>> -> memref<100000x128xf32, #tpu.memory_space<hbm>>
    tpu.enqueue_indirect_dma source(%dma_start3A_69 : memref<100000x128xf32, #tpu.memory_space<hbm>>) target(%dma_start3A_64 : memref<128x128xf32, #tpu.memory_space<vmem>>) offsets(%dma_start3A_66 : memref<128xi32, #tpu.memory_space<vmem>>) semaphore(%arg11 : memref<!tpu.dma_semaphore, #tpu.memory_space<semaphore_mem>>)
    %dma_wait3A = arith.constant 0 : i32
    %dma_wait3A_70 = arith.constant 0 : i32
    %dma_wait3A_71 = arith.constant 0 : i32
    %dma_wait3A_72 = tpu.memref_slice %arg7[%dma_wait3A, %dma_wait3A_70, %dma_wait3A_71] : memref<2x128x128xf32, #tpu.memory_space<vmem>> -> memref<1x128x128xf32, #tpu.memory_space<vmem>>
    %dma_wait3A_73 = tpu.memref_squeeze %dma_wait3A_72 : memref<1x128x128xf32, #tpu.memory_space<vmem>> -> memref<128x128xf32, #tpu.memory_space<vmem>>
    %dma_wait3A_74 = arith.constant 0 : i32
    %dma_wait3A_75 = tpu.memref_slice %arg5[%dma_wait3A_74] : memref<512xi32, #tpu.memory_space<vmem>> -> memref<128xi32, #tpu.memory_space<vmem>>
    %dma_wait3A_76 = arith.constant 0 : i32
    %dma_wait3A_77 = arith.constant 0 : i32
    %dma_wait3A_78 = tpu.memref_slice %arg3[%dma_wait3A_76, %dma_wait3A_77] : memref<100000x128xf32, #tpu.memory_space<hbm>> -> memref<100000x128xf32, #tpu.memory_space<hbm>>
    tpu.wait_indirect_dma semaphore(%arg11 : memref<!tpu.dma_semaphore, #tpu.memory_space<semaphore_mem>>) src(%dma_wait3A_78 : memref<100000x128xf32, #tpu.memory_space<hbm>>) dst(%dma_wait3A_73 : memref<128x128xf32, #tpu.memory_space<vmem>>)
    %dma_wait3A_79 = arith.constant 0 : i32
    %dma_wait3A_80 = arith.constant 0 : i32
    %dma_wait3A_81 = arith.constant 0 : i32
    %dma_wait3A_82 = tpu.memref_slice %arg8[%dma_wait3A_79, %dma_wait3A_80, %dma_wait3A_81] : memref<2x128x128xf32, #tpu.memory_space<vmem>> -> memref<1x128x128xf32, #tpu.memory_space<vmem>>
    %dma_wait3A_83 = tpu.memref_squeeze %dma_wait3A_82 : memref<1x128x128xf32, #tpu.memory_space<vmem>> -> memref<128x128xf32, #tpu.memory_space<vmem>>
    %dma_wait3A_84 = arith.constant 0 : i32
    %dma_wait3A_85 = tpu.memref_slice %arg6[%dma_wait3A_84] : memref<512xi32, #tpu.memory_space<vmem>> -> memref<128xi32, #tpu.memory_space<vmem>>
    %dma_wait3A_86 = arith.constant 0 : i32
    %dma_wait3A_87 = arith.constant 0 : i32
    %dma_wait3A_88 = tpu.memref_slice %arg3[%dma_wait3A_86, %dma_wait3A_87] : memref<100000x128xf32, #tpu.memory_space<hbm>> -> memref<100000x128xf32, #tpu.memory_space<hbm>>
    tpu.wait_indirect_dma semaphore(%arg11 : memref<!tpu.dma_semaphore, #tpu.memory_space<semaphore_mem>>) src(%dma_wait3A_88 : memref<100000x128xf32, #tpu.memory_space<hbm>>) dst(%dma_wait3A_83 : memref<128x128xf32, #tpu.memory_space<vmem>>)
    %scan3A = arith.constant 0 : i32
    %scan3A_89 = arith.constant 0 : i32
    %scan3A_90 = arith.constant 8 : i32
    %scan3A_91 = arith.addi %scan3A_89, %scan3A_90 : i32
    %scan3A_92 = arith.constant 1 : i32
    scf.for %scan3A_212 = %scan3A_89 to %scan3A_91 step %scan3A_92  : i32 {
      %mul3A_213 = arith.constant 16 : i32
      %mul3A_214 = arith.muli %scan3A_212, %mul3A_213 : i32
      %add3A_215 = arith.constant 0 : i32
      %add3A_216 = arith.addi %mul3A_214, %add3A_215 : i32
      %get3A = arith.constant 0 : i32
      %get3A_217 = arith.index_cast %get3A : i32 to index
      %get3A_218 = arith.index_cast %add3A_216 : i32 to index
      %get3A_219 = arith.constant 0 : index
      %get3A_220 = tpu.vector_load %arg7[%get3A_217, %get3A_218, %get3A_219] {strides = array<i32>} : memref<2x128x128xf32, #tpu.memory_space<vmem>>, vector<16xf32>,
      %get3A_221 = arith.constant 0 : i32
      %get3A_222 = arith.index_cast %get3A_221 : i32 to index
      %get3A_223 = arith.index_cast %add3A_216 : i32 to index
      %get3A_224 = arith.constant 64 : index
      %get3A_225 = tpu.vector_load %arg8[%get3A_222, %get3A_223, %get3A_224] {strides = array<i32>} : memref<2x128x128xf32, #tpu.memory_space<vmem>>, vector<16xf32>,
      %mul3A_226 = arith.mulf %get3A_220, %get3A_225 : vector<16xf32>
      %get3A_227 = arith.constant 0 : i32
      %get3A_228 = arith.index_cast %get3A_227 : i32 to index
      %get3A_229 = arith.index_cast %add3A_216 : i32 to index
      %get3A_230 = arith.constant 16 : index
      %get3A_231 = tpu.vector_load %arg7[%get3A_228, %get3A_229, %get3A_230] {strides = array<i32>} : memref<2x128x128xf32, #tpu.memory_space<vmem>>, vector<16xf32>,
      %get3A_232 = arith.constant 0 : i32
      %get3A_233 = arith.index_cast %get3A_232 : i32 to index
      %get3A_234 = arith.index_cast %add3A_216 : i32 to index
      %get3A_235 = arith.constant 80 : index
      %get3A_236 = tpu.vector_load %arg8[%get3A_233, %get3A_234, %get3A_235] {strides = array<i32>} : memref<2x128x128xf32, #tpu.memory_space<vmem>>, vector<16xf32>,
      %mul3A_237 = arith.mulf %get3A_231, %get3A_236 : vector<16xf32>
      %add3A_238 = arith.addf %mul3A_226, %mul3A_237 : vector<16xf32>
      %get3A_239 = arith.constant 0 : i32
      %get3A_240 = arith.index_cast %get3A_239 : i32 to index
      %get3A_241 = arith.index_cast %add3A_216 : i32 to index
      %get3A_242 = arith.constant 32 : index
      %get3A_243 = tpu.vector_load %arg7[%get3A_240, %get3A_241, %get3A_242] {strides = array<i32>} : memref<2x128x128xf32, #tpu.memory_space<vmem>>, vector<16xf32>,
      %get3A_244 = arith.constant 0 : i32
      %get3A_245 = arith.index_cast %get3A_244 : i32 to index
      %get3A_246 = arith.index_cast %add3A_216 : i32 to index
      %get3A_247 = arith.constant 96 : index
      %get3A_248 = tpu.vector_load %arg8[%get3A_245, %get3A_246, %get3A_247] {strides = array<i32>} : memref<2x128x128xf32, #tpu.memory_space<vmem>>, vector<16xf32>,
      %mul3A_249 = arith.mulf %get3A_243, %get3A_248 : vector<16xf32>
      %add3A_250 = arith.addf %add3A_238, %mul3A_249 : vector<16xf32>
      %get3A_251 = arith.constant 0 : i32
      %get3A_252 = arith.index_cast %get3A_251 : i32 to index
      %get3A_253 = arith.index_cast %add3A_216 : i32 to index
      %get3A_254 = arith.constant 48 : index
      %get3A_255 = tpu.vector_load %arg7[%get3A_252, %get3A_253, %get3A_254] {strides = array<i32>} : memref<2x128x128xf32, #tpu.memory_space<vmem>>, vector<16xf32>,
      %get3A_256 = arith.constant 0 : i32
      %get3A_257 = arith.index_cast %get3A_256 : i32 to index
      %get3A_258 = arith.index_cast %add3A_216 : i32 to index
      %get3A_259 = arith.constant 112 : index
      %get3A_260 = tpu.vector_load %arg8[%get3A_257, %get3A_258, %get3A_259] {strides = array<i32>} : memref<2x128x128xf32, #tpu.memory_space<vmem>>, vector<16xf32>,
      %mul3A_261 = arith.mulf %get3A_255, %get3A_260 : vector<16xf32>
      %add3A_262 = arith.addf %add3A_250, %mul3A_261 : vector<16xf32>
      %swap3A = arith.constant 0 : index
      %swap3A_263 = tpu.vector_load %arg9[%swap3A] {strides = array<i32>} : memref<272xf32, #tpu.memory_space<vmem>>, vector<16xf32>,
      tpu.vector_store %arg9[%swap3A], %add3A_262 {strides = array<i32>} : memref<272xf32, #tpu.memory_space<vmem>>, vector<16xf32>,
      %mul3A_264 = arith.constant 16 : i32
      %mul3A_265 = arith.muli %scan3A_212, %mul3A_264 : i32
      %add3A_266 = arith.constant 1 : i32
      %add3A_267 = arith.addi %mul3A_265, %add3A_266 : i32
      %get3A_268 = arith.constant 0 : i32
      %get3A_269 = arith.index_cast %get3A_268 : i32 to index
      %get3A_270 = arith.index_cast %add3A_267 : i32 to index
      %get3A_271 = arith.constant 0 : index
      %get3A_272 = tpu.vector_load %arg7[%get3A_269, %get3A_270, %get3A_271] {strides = array<i32>} : memref<2x128x128xf32, #tpu.memory_space<vmem>>, vector<16xf32>,
      %get3A_273 = arith.constant 0 : i32
      %get3A_274 = arith.index_cast %get3A_273 : i32 to index
      %get3A_275 = arith.index_cast %add3A_267 : i32 to index
      %get3A_276 = arith.constant 64 : index
      %get3A_277 = tpu.vector_load %arg8[%get3A_274, %get3A_275, %get3A_276] {strides = array<i32>} : memref<2x128x128xf32, #tpu.memory_space<vmem>>, vector<16xf32>,
      %mul3A_278 = arith.mulf %get3A_272, %get3A_277 : vector<16xf32>
      %get3A_279 = arith.constant 0 : i32
      %get3A_280 = arith.index_cast %get3A_279 : i32 to index
      %get3A_281 = arith.index_cast %add3A_267 : i32 to index
      %get3A_282 = arith.constant 16 : index
      %get3A_283 = tpu.vector_load %arg7[%get3A_280, %get3A_281, %get3A_282] {strides = array<i32>} : memref<2x128x128xf32, #tpu.memory_space<vmem>>, vector<16xf32>,
      %get3A_284 = arith.constant 0 : i32
      %get3A_285 = arith.index_cast %get3A_284 : i32 to index
      %get3A_286 = arith.index_cast %add3A_267 : i32 to index
      %get3A_287 = arith.constant 80 : index
      %get3A_288 = tpu.vector_load %arg8[%get3A_285, %get3A_286, %get3A_287] {strides = array<i32>} : memref<2x128x128xf32, #tpu.memory_space<vmem>>, vector<16xf32>,
      %mul3A_289 = arith.mulf %get3A_283, %get3A_288 : vector<16xf32>
      %add3A_290 = arith.addf %mul3A_278, %mul3A_289 : vector<16xf32>
      %get3A_291 = arith.constant 0 : i32
      %get3A_292 = arith.index_cast %get3A_291 : i32 to index
      %get3A_293 = arith.index_cast %add3A_267 : i32 to index
      %get3A_294 = arith.constant 32 : index
      %get3A_295 = tpu.vector_load %arg7[%get3A_292, %get3A_293, %get3A_294] {strides = array<i32>} : memref<2x128x128xf32, #tpu.memory_space<vmem>>, vector<16xf32>,
      %get3A_296 = arith.constant 0 : i32
      %get3A_297 = arith.index_cast %get3A_296 : i32 to index
      %get3A_298 = arith.index_cast %add3A_267 : i32 to index
      %get3A_299 = arith.constant 96 : index
      %get3A_300 = tpu.vector_load %arg8[%get3A_297, %get3A_298, %get3A_299] {strides = array<i32>} : memref<2x128x128xf32, #tpu.memory_space<vmem>>, vector<16xf32>,
      %mul3A_301 = arith.mulf %get3A_295, %get3A_300 : vector<16xf32>
      %add3A_302 = arith.addf %add3A_290, %mul3A_301 : vector<16xf32>
      %get3A_303 = arith.constant 0 : i32
      %get3A_304 = arith.index_cast %get3A_303 : i32 to index
      %get3A_305 = arith.index_cast %add3A_267 : i32 to index
      %get3A_306 = arith.constant 48 : index
      %get3A_307 = tpu.vector_load %arg7[%get3A_304, %get3A_305, %get3A_306] {strides = array<i32>} : memref<2x128x128xf32, #tpu.memory_space<vmem>>, vector<16xf32>,
      %get3A_308 = arith.constant 0 : i32
      %get3A_309 = arith.index_cast %get3A_308 : i32 to index
      %get3A_310 = arith.index_cast %add3A_267 : i32 to index
      %get3A_311 = arith.constant 112 : index
      %get3A_312 = tpu.vector_load %arg8[%get3A_309, %get3A_310, %get3A_311] {strides = array<i32>} : memref<2x128x128xf32, #tpu.memory_space<vmem>>, vector<16xf32>,
      %mul3A_313 = arith.mulf %get3A_307, %get3A_312 : vector<16xf32>
      %add3A_314 = arith.addf %add3A_302, %mul3A_313 : vector<16xf32>
      %swap3A_315 = arith.constant 17 : index
      %swap3A_316 = tpu.vector_load %arg9[%swap3A_315] {strides = array<i32>} : memref<272xf32, #tpu.memory_space<vmem>>, vector<16xf32>,
      tpu.vector_store %arg9[%swap3A_315], %add3A_314 {strides = array<i32>} : memref<272xf32, #tpu.memory_space<vmem>>, vector<16xf32>,
      %mul3A_317 = arith.constant 16 : i32
      %mul3A_318 = arith.muli %scan3A_212, %mul3A_317 : i32
      %add3A_319 = arith.constant 2 : i32
      %add3A_320 = arith.addi %mul3A_318, %add3A_319 : i32
      %get3A_321 = arith.constant 0 : i32
      %get3A_322 = arith.index_cast %get3A_321 : i32 to index
      %get3A_323 = arith.index_cast %add3A_320 : i32 to index
      %get3A_324 = arith.constant 0 : index
      %get3A_325 = tpu.vector_load %arg7[%get3A_322, %get3A_323, %get3A_324] {strides = array<i32>} : memref<2x128x128xf32, #tpu.memory_space<vmem>>, vector<16xf32>,
      %get3A_326 = arith.constant 0 : i32
      %get3A_327 = arith.index_cast %get3A_326 : i32 to index
      %get3A_328 = arith.index_cast %add3A_320 : i32 to index
      %get3A_329 = arith.constant 64 : index
      %get3A_330 = tpu.vector_load %arg8[%get3A_327, %get3A_328, %get3A_329] {strides = array<i32>} : memref<2x128x128xf32, #tpu.memory_space<vmem>>, vector<16xf32>,
      %mul3A_331 = arith.mulf %get3A_325, %get3A_330 : vector<16xf32>
      %get3A_332 = arith.constant 0 : i32
      %get3A_333 = arith.index_cast %get3A_332 : i32 to index
      %get3A_334 = arith.index_cast %add3A_320 : i32 to index
      %get3A_335 = arith.constant 16 : index
      %get3A_336 = tpu.vector_load %arg7[%get3A_333, %get3A_334, %get3A_335] {strides = array<i32>} : memref<2x128x128xf32, #tpu.memory_space<vmem>>, vector<16xf32>,
      %get3A_337 = arith.constant 0 : i32
      %get3A_338 = arith.index_cast %get3A_337 : i32 to index
      %get3A_339 = arith.index_cast %add3A_320 : i32 to index
      %get3A_340 = arith.constant 80 : index
      %get3A_341 = tpu.vector_load %arg8[%get3A_338, %get3A_339, %get3A_340] {strides = array<i32>} : memref<2x128x128xf32, #tpu.memory_space<vmem>>, vector<16xf32>,
      %mul3A_342 = arith.mulf %get3A_336, %get3A_341 : vector<16xf32>
      %add3A_343 = arith.addf %mul3A_331, %mul3A_342 : vector<16xf32>
      %get3A_344 = arith.constant 0 : i32
      %get3A_345 = arith.index_cast %get3A_344 : i32 to index
      %get3A_346 = arith.index_cast %add3A_320 : i32 to index
      %get3A_347 = arith.constant 32 : index
      %get3A_348 = tpu.vector_load %arg7[%get3A_345, %get3A_346, %get3A_347] {strides = array<i32>} : memref<2x128x128xf32, #tpu.memory_space<vmem>>, vector<16xf32>,
      %get3A_349 = arith.constant 0 : i32
      %get3A_350 = arith.index_cast %get3A_349 : i32 to index
      %get3A_351 = arith.index_cast %add3A_320 : i32 to index
      %get3A_352 = arith.constant 96 : index
      %get3A_353 = tpu.vector_load %arg8[%get3A_350, %get3A_351, %get3A_352] {strides = array<i32>} : memref<2x128x128xf32, #tpu.memory_space<vmem>>, vector<16xf32>,
      %mul3A_354 = arith.mulf %get3A_348, %get3A_353 : vector<16xf32>
      %add3A_355 = arith.addf %add3A_343, %mul3A_354 : vector<16xf32>
      %get3A_356 = arith.constant 0 : i32
      %get3A_357 = arith.index_cast %get3A_356 : i32 to index
      %get3A_358 = arith.index_cast %add3A_320 : i32 to index
      %get3A_359 = arith.constant 48 : index
      %get3A_360 = tpu.vector_load %arg7[%get3A_357, %get3A_358, %get3A_359] {strides = array<i32>} : memref<2x128x128xf32, #tpu.memory_space<vmem>>, vector<16xf32>,
      %get3A_361 = arith.constant 0 : i32
      %get3A_362 = arith.index_cast %get3A_361 : i32 to index
      %get3A_363 = arith.index_cast %add3A_320 : i32 to index
      %get3A_364 = arith.constant 112 : index
      %get3A_365 = tpu.vector_load %arg8[%get3A_362, %get3A_363, %get3A_364] {strides = array<i32>} : memref<2x128x128xf32, #tpu.memory_space<vmem>>, vector<16xf32>,
      %mul3A_366 = arith.mulf %get3A_360, %get3A_365 : vector<16xf32>
      %add3A_367 = arith.addf %add3A_355, %mul3A_366 : vector<16xf32>
      %swap3A_368 = arith.constant 34 : index
      %swap3A_369 = tpu.vector_load %arg9[%swap3A_368] {strides = array<i32>} : memref<272xf32, #tpu.memory_space<vmem>>, vector<16xf32>,
      tpu.vector_store %arg9[%swap3A_368], %add3A_367 {strides = array<i32>} : memref<272xf32, #tpu.memory_space<vmem>>, vector<16xf32>,
      %mul3A_370 = arith.constant 16 : i32
      %mul3A_371 = arith.muli %scan3A_212, %mul3A_370 : i32
      %add3A_372 = arith.constant 3 : i32
      %add3A_373 = arith.addi %mul3A_371, %add3A_372 : i32
      %get3A_374 = arith.constant 0 : i32
      %get3A_375 = arith.index_cast %get3A_374 : i32 to index
      %get3A_376 = arith.index_cast %add3A_373 : i32 to index
      %get3A_377 = arith.constant 0 : index
      %get3A_378 = tpu.vector_load %arg7[%get3A_375, %get3A_376, %get3A_377] {strides = array<i32>} : memref<2x128x128xf32, #tpu.memory_space<vmem>>, vector<16xf32>,
      %get3A_379 = arith.constant 0 : i32
      %get3A_380 = arith.index_cast %get3A_379 : i32 to index
      %get3A_381 = arith.index_cast %add3A_373 : i32 to index
      %get3A_382 = arith.constant 64 : index
      %get3A_383 = tpu.vector_load %arg8[%get3A_380, %get3A_381, %get3A_382] {strides = array<i32>} : memref<2x128x128xf32, #tpu.memory_space<vmem>>, vector<16xf32>,
      %mul3A_384 = arith.mulf %get3A_378, %get3A_383 : vector<16xf32>
      %get3A_385 = arith.constant 0 : i32
      %get3A_386 = arith.index_cast %get3A_385 : i32 to index
      %get3A_387 = arith.index_cast %add3A_373 : i32 to index
      %get3A_388 = arith.constant 16 : index
      %get3A_389 = tpu.vector_load %arg7[%get3A_386, %get3A_387, %get3A_388] {strides = array<i32>} : memref<2x128x128xf32, #tpu.memory_space<vmem>>, vector<16xf32>,
      %get3A_390 = arith.constant 0 : i32
      %get3A_391 = arith.index_cast %get3A_390 : i32 to index
      %get3A_392 = arith.index_cast %add3A_373 : i32 to index
      %get3A_393 = arith.constant 80 : index
      %get3A_394 = tpu.vector_load %arg8[%get3A_391, %get3A_392, %get3A_393] {strides = array<i32>} : memref<2x128x128xf32, #tpu.memory_space<vmem>>, vector<16xf32>,
      %mul3A_395 = arith.mulf %get3A_389, %get3A_394 : vector<16xf32>
      %add3A_396 = arith.addf %mul3A_384, %mul3A_395 : vector<16xf32>
      %get3A_397 = arith.constant 0 : i32
      %get3A_398 = arith.index_cast %get3A_397 : i32 to index
      %get3A_399 = arith.index_cast %add3A_373 : i32 to index
      %get3A_400 = arith.constant 32 : index
      %get3A_401 = tpu.vector_load %arg7[%get3A_398, %get3A_399, %get3A_400] {strides = array<i32>} : memref<2x128x128xf32, #tpu.memory_space<vmem>>, vector<16xf32>,
      %get3A_402 = arith.constant 0 : i32
      %get3A_403 = arith.index_cast %get3A_402 : i32 to index
      %get3A_404 = arith.index_cast %add3A_373 : i32 to index
      %get3A_405 = arith.constant 96 : index
      %get3A_406 = tpu.vector_load %arg8[%get3A_403, %get3A_404, %get3A_405] {strides = array<i32>} : memref<2x128x128xf32, #tpu.memory_space<vmem>>, vector<16xf32>,
      %mul3A_407 = arith.mulf %get3A_401, %get3A_406 : vector<16xf32>
      %add3A_408 = arith.addf %add3A_396, %mul3A_407 : vector<16xf32>
      %get3A_409 = arith.constant 0 : i32
      %get3A_410 = arith.index_cast %get3A_409 : i32 to index
      %get3A_411 = arith.index_cast %add3A_373 : i32 to index
      %get3A_412 = arith.constant 48 : index
      %get3A_413 = tpu.vector_load %arg7[%get3A_410, %get3A_411, %get3A_412] {strides = array<i32>} : memref<2x128x128xf32, #tpu.memory_space<vmem>>, vector<16xf32>,
      %get3A_414 = arith.constant 0 : i32
      %get3A_415 = arith.index_cast %get3A_414 : i32 to index
      %get3A_416 = arith.index_cast %add3A_373 : i32 to index
      %get3A_417 = arith.constant 112 : index
      %get3A_418 = tpu.vector_load %arg8[%get3A_415, %get3A_416, %get3A_417] {strides = array<i32>} : memref<2x128x128xf32, #tpu.memory_space<vmem>>, vector<16xf32>,
      %mul3A_419 = arith.mulf %get3A_413, %get3A_418 : vector<16xf32>
      %add3A_420 = arith.addf %add3A_408, %mul3A_419 : vector<16xf32>
      %swap3A_421 = arith.constant 51 : index
      %swap3A_422 = tpu.vector_load %arg9[%swap3A_421] {strides = array<i32>} : memref<272xf32, #tpu.memory_space<vmem>>, vector<16xf32>,
      tpu.vector_store %arg9[%swap3A_421], %add3A_420 {strides = array<i32>} : memref<272xf32, #tpu.memory_space<vmem>>, vector<16xf32>,
      %mul3A_423 = arith.constant 16 : i32
      %mul3A_424 = arith.muli %scan3A_212, %mul3A_423 : i32
      %add3A_425 = arith.constant 4 : i32
      %add3A_426 = arith.addi %mul3A_424, %add3A_425 : i32
      %get3A_427 = arith.constant 0 : i32
      %get3A_428 = arith.index_cast %get3A_427 : i32 to index
      %get3A_429 = arith.index_cast %add3A_426 : i32 to index
      %get3A_430 = arith.constant 0 : index
      %get3A_431 = tpu.vector_load %arg7[%get3A_428, %get3A_429, %get3A_430] {strides = array<i32>} : memref<2x128x128xf32, #tpu.memory_space<vmem>>, vector<16xf32>,
      %get3A_432 = arith.constant 0 : i32
      %get3A_433 = arith.index_cast %get3A_432 : i32 to index
      %get3A_434 = arith.index_cast %add3A_426 : i32 to index
      %get3A_435 = arith.constant 64 : index
      %get3A_436 = tpu.vector_load %arg8[%get3A_433, %get3A_434, %get3A_435] {strides = array<i32>} : memref<2x128x128xf32, #tpu.memory_space<vmem>>, vector<16xf32>,
      %mul3A_437 = arith.mulf %get3A_431, %get3A_436 : vector<16xf32>
      %get3A_438 = arith.constant 0 : i32
      %get3A_439 = arith.index_cast %get3A_438 : i32 to index
      %get3A_440 = arith.index_cast %add3A_426 : i32 to index
      %get3A_441 = arith.constant 16 : index
      %get3A_442 = tpu.vector_load %arg7[%get3A_439, %get3A_440, %get3A_441] {strides = array<i32>} : memref<2x128x128xf32, #tpu.memory_space<vmem>>, vector<16xf32>,
      %get3A_443 = arith.constant 0 : i32
      %get3A_444 = arith.index_cast %get3A_443 : i32 to index
      %get3A_445 = arith.index_cast %add3A_426 : i32 to index
      %get3A_446 = arith.constant 80 : index
      %get3A_447 = tpu.vector_load %arg8[%get3A_444, %get3A_445, %get3A_446] {strides = array<i32>} : memref<2x128x128xf32, #tpu.memory_space<vmem>>, vector<16xf32>,
      %mul3A_448 = arith.mulf %get3A_442, %get3A_447 : vector<16xf32>
      %add3A_449 = arith.addf %mul3A_437, %mul3A_448 : vector<16xf32>
      %get3A_450 = arith.constant 0 : i32
      %get3A_451 = arith.index_cast %get3A_450 : i32 to index
      %get3A_452 = arith.index_cast %add3A_426 : i32 to index
      %get3A_453 = arith.constant 32 : index
      %get3A_454 = tpu.vector_load %arg7[%get3A_451, %get3A_452, %get3A_453] {strides = array<i32>} : memref<2x128x128xf32, #tpu.memory_space<vmem>>, vector<16xf32>,
      %get3A_455 = arith.constant 0 : i32
      %get3A_456 = arith.index_cast %get3A_455 : i32 to index
      %get3A_457 = arith.index_cast %add3A_426 : i32 to index
      %get3A_458 = arith.constant 96 : index
      %get3A_459 = tpu.vector_load %arg8[%get3A_456, %get3A_457, %get3A_458] {strides = array<i32>} : memref<2x128x128xf32, #tpu.memory_space<vmem>>, vector<16xf32>,
      %mul3A_460 = arith.mulf %get3A_454, %get3A_459 : vector<16xf32>
      %add3A_461 = arith.addf %add3A_449, %mul3A_460 : vector<16xf32>
      %get3A_462 = arith.constant 0 : i32
      %get3A_463 = arith.index_cast %get3A_462 : i32 to index
      %get3A_464 = arith.index_cast %add3A_426 : i32 to index
      %get3A_465 = arith.constant 48 : index
      %get3A_466 = tpu.vector_load %arg7[%get3A_463, %get3A_464, %get3A_465] {strides = array<i32>} : memref<2x128x128xf32, #tpu.memory_space<vmem>>, vector<16xf32>,
      %get3A_467 = arith.constant 0 : i32
      %get3A_468 = arith.index_cast %get3A_467 : i32 to index
      %get3A_469 = arith.index_cast %add3A_426 : i32 to index
      %get3A_470 = arith.constant 112 : index
      %get3A_471 = tpu.vector_load %arg8[%get3A_468, %get3A_469, %get3A_470] {strides = array<i32>} : memref<2x128x128xf32, #tpu.memory_space<vmem>>, vector<16xf32>,
      %mul3A_472 = arith.mulf %get3A_466, %get3A_471 : vector<16xf32>
      %add3A_473 = arith.addf %add3A_461, %mul3A_472 : vector<16xf32>
      %swap3A_474 = arith.constant 68 : index
      %swap3A_475 = tpu.vector_load %arg9[%swap3A_474] {strides = array<i32>} : memref<272xf32, #tpu.memory_space<vmem>>, vector<16xf32>,
      tpu.vector_store %arg9[%swap3A_474], %add3A_473 {strides = array<i32>} : memref<272xf32, #tpu.memory_space<vmem>>, vector<16xf32>,
      %mul3A_476 = arith.constant 16 : i32
      %mul3A_477 = arith.muli %scan3A_212, %mul3A_476 : i32
      %add3A_478 = arith.constant 5 : i32
      %add3A_479 = arith.addi %mul3A_477, %add3A_478 : i32
      %get3A_480 = arith.constant 0 : i32
      %get3A_481 = arith.index_cast %get3A_480 : i32 to index
      %get3A_482 = arith.index_cast %add3A_479 : i32 to index
      %get3A_483 = arith.constant 0 : index
      %get3A_484 = tpu.vector_load %arg7[%get3A_481, %get3A_482, %get3A_483] {strides = array<i32>} : memref<2x128x128xf32, #tpu.memory_space<vmem>>, vector<16xf32>,
      %get3A_485 = arith.constant 0 : i32
      %get3A_486 = arith.index_cast %get3A_485 : i32 to index
      %get3A_487 = arith.index_cast %add3A_479 : i32 to index
      %get3A_488 = arith.constant 64 : index
      %get3A_489 = tpu.vector_load %arg8[%get3A_486, %get3A_487, %get3A_488] {strides = array<i32>} : memref<2x128x128xf32, #tpu.memory_space<vmem>>, vector<16xf32>,
      %mul3A_490 = arith.mulf %get3A_484, %get3A_489 : vector<16xf32>
      %get3A_491 = arith.constant 0 : i32
      %get3A_492 = arith.index_cast %get3A_491 : i32 to index
      %get3A_493 = arith.index_cast %add3A_479 : i32 to index
      %get3A_494 = arith.constant 16 : index
      %get3A_495 = tpu.vector_load %arg7[%get3A_492, %get3A_493, %get3A_494] {strides = array<i32>} : memref<2x128x128xf32, #tpu.memory_space<vmem>>, vector<16xf32>,
      %get3A_496 = arith.constant 0 : i32
      %get3A_497 = arith.index_cast %get3A_496 : i32 to index
      %get3A_498 = arith.index_cast %add3A_479 : i32 to index
      %get3A_499 = arith.constant 80 : index
      %get3A_500 = tpu.vector_load %arg8[%get3A_497, %get3A_498, %get3A_499] {strides = array<i32>} : memref<2x128x128xf32, #tpu.memory_space<vmem>>, vector<16xf32>,
      %mul3A_501 = arith.mulf %get3A_495, %get3A_500 : vector<16xf32>
      %add3A_502 = arith.addf %mul3A_490, %mul3A_501 : vector<16xf32>
      %get3A_503 = arith.constant 0 : i32
      %get3A_504 = arith.index_cast %get3A_503 : i32 to index
      %get3A_505 = arith.index_cast %add3A_479 : i32 to index
      %get3A_506 = arith.constant 32 : index
      %get3A_507 = tpu.vector_load %arg7[%get3A_504, %get3A_505, %get3A_506] {strides = array<i32>} : memref<2x128x128xf32, #tpu.memory_space<vmem>>, vector<16xf32>,
      %get3A_508 = arith.constant 0 : i32
      %get3A_509 = arith.index_cast %get3A_508 : i32 to index
      %get3A_510 = arith.index_cast %add3A_479 : i32 to index
      %get3A_511 = arith.constant 96 : index
      %get3A_512 = tpu.vector_load %arg8[%get3A_509, %get3A_510, %get3A_511] {strides = array<i32>} : memref<2x128x128xf32, #tpu.memory_space<vmem>>, vector<16xf32>,
      %mul3A_513 = arith.mulf %get3A_507, %get3A_512 : vector<16xf32>
      %add3A_514 = arith.addf %add3A_502, %mul3A_513 : vector<16xf32>
      %get3A_515 = arith.constant 0 : i32
      %get3A_516 = arith.index_cast %get3A_515 : i32 to index
      %get3A_517 = arith.index_cast %add3A_479 : i32 to index
      %get3A_518 = arith.constant 48 : index
      %get3A_519 = tpu.vector_load %arg7[%get3A_516, %get3A_517, %get3A_518] {strides = array<i32>} : memref<2x128x128xf32, #tpu.memory_space<vmem>>, vector<16xf32>,
      %get3A_520 = arith.constant 0 : i32
      %get3A_521 = arith.index_cast %get3A_520 : i32 to index
      %get3A_522 = arith.index_cast %add3A_479 : i32 to index
      %get3A_523 = arith.constant 112 : index
      %get3A_524 = tpu.vector_load %arg8[%get3A_521, %get3A_522, %get3A_523] {strides = array<i32>} : memref<2x128x128xf32, #tpu.memory_space<vmem>>, vector<16xf32>,
      %mul3A_525 = arith.mulf %get3A_519, %get3A_524 : vector<16xf32>
      %add3A_526 = arith.addf %add3A_514, %mul3A_525 : vector<16xf32>
      %swap3A_527 = arith.constant 85 : index
      %swap3A_528 = tpu.vector_load %arg9[%swap3A_527] {strides = array<i32>} : memref<272xf32, #tpu.memory_space<vmem>>, vector<16xf32>,
      tpu.vector_store %arg9[%swap3A_527], %add3A_526 {strides = array<i32>} : memref<272xf32, #tpu.memory_space<vmem>>, vector<16xf32>,
      %mul3A_529 = arith.constant 16 : i32
      %mul3A_530 = arith.muli %scan3A_212, %mul3A_529 : i32
      %add3A_531 = arith.constant 6 : i32
      %add3A_532 = arith.addi %mul3A_530, %add3A_531 : i32
      %get3A_533 = arith.constant 0 : i32
      %get3A_534 = arith.index_cast %get3A_533 : i32 to index
      %get3A_535 = arith.index_cast %add3A_532 : i32 to index
      %get3A_536 = arith.constant 0 : index
      %get3A_537 = tpu.vector_load %arg7[%get3A_534, %get3A_535, %get3A_536] {strides = array<i32>} : memref<2x128x128xf32, #tpu.memory_space<vmem>>, vector<16xf32>,
      %get3A_538 = arith.constant 0 : i32
      %get3A_539 = arith.index_cast %get3A_538 : i32 to index
      %get3A_540 = arith.index_cast %add3A_532 : i32 to index
      %get3A_541 = arith.constant 64 : index
      %get3A_542 = tpu.vector_load %arg8[%get3A_539, %get3A_540, %get3A_541] {strides = array<i32>} : memref<2x128x128xf32, #tpu.memory_space<vmem>>, vector<16xf32>,
      %mul3A_543 = arith.mulf %get3A_537, %get3A_542 : vector<16xf32>
      %get3A_544 = arith.constant 0 : i32
      %get3A_545 = arith.index_cast %get3A_544 : i32 to index
      %get3A_546 = arith.index_cast %add3A_532 : i32 to index
      %get3A_547 = arith.constant 16 : index
      %get3A_548 = tpu.vector_load %arg7[%get3A_545, %get3A_546, %get3A_547] {strides = array<i32>} : memref<2x128x128xf32, #tpu.memory_space<vmem>>, vector<16xf32>,
      %get3A_549 = arith.constant 0 : i32
      %get3A_550 = arith.index_cast %get3A_549 : i32 to index
      %get3A_551 = arith.index_cast %add3A_532 : i32 to index
      %get3A_552 = arith.constant 80 : index
      %get3A_553 = tpu.vector_load %arg8[%get3A_550, %get3A_551, %get3A_552] {strides = array<i32>} : memref<2x128x128xf32, #tpu.memory_space<vmem>>, vector<16xf32>,
      %mul3A_554 = arith.mulf %get3A_548, %get3A_553 : vector<16xf32>
      %add3A_555 = arith.addf %mul3A_543, %mul3A_554 : vector<16xf32>
      %get3A_556 = arith.constant 0 : i32
      %get3A_557 = arith.index_cast %get3A_556 : i32 to index
      %get3A_558 = arith.index_cast %add3A_532 : i32 to index
      %get3A_559 = arith.constant 32 : index
      %get3A_560 = tpu.vector_load %arg7[%get3A_557, %get3A_558, %get3A_559] {strides = array<i32>} : memref<2x128x128xf32, #tpu.memory_space<vmem>>, vector<16xf32>,
      %get3A_561 = arith.constant 0 : i32
      %get3A_562 = arith.index_cast %get3A_561 : i32 to index
      %get3A_563 = arith.index_cast %add3A_532 : i32 to index
      %get3A_564 = arith.constant 96 : index
      %get3A_565 = tpu.vector_load %arg8[%get3A_562, %get3A_563, %get3A_564] {strides = array<i32>} : memref<2x128x128xf32, #tpu.memory_space<vmem>>, vector<16xf32>,
      %mul3A_566 = arith.mulf %get3A_560, %get3A_565 : vector<16xf32>
      %add3A_567 = arith.addf %add3A_555, %mul3A_566 : vector<16xf32>
      %get3A_568 = arith.constant 0 : i32
      %get3A_569 = arith.index_cast %get3A_568 : i32 to index
      %get3A_570 = arith.index_cast %add3A_532 : i32 to index
      %get3A_571 = arith.constant 48 : index
      %get3A_572 = tpu.vector_load %arg7[%get3A_569, %get3A_570, %get3A_571] {strides = array<i32>} : memref<2x128x128xf32, #tpu.memory_space<vmem>>, vector<16xf32>,
      %get3A_573 = arith.constant 0 : i32
      %get3A_574 = arith.index_cast %get3A_573 : i32 to index
      %get3A_575 = arith.index_cast %add3A_532 : i32 to index
      %get3A_576 = arith.constant 112 : index
      %get3A_577 = tpu.vector_load %arg8[%get3A_574, %get3A_575, %get3A_576] {strides = array<i32>} : memref<2x128x128xf32, #tpu.memory_space<vmem>>, vector<16xf32>,
      %mul3A_578 = arith.mulf %get3A_572, %get3A_577 : vector<16xf32>
      %add3A_579 = arith.addf %add3A_567, %mul3A_578 : vector<16xf32>
      %swap3A_580 = arith.constant 102 : index
      %swap3A_581 = tpu.vector_load %arg9[%swap3A_580] {strides = array<i32>} : memref<272xf32, #tpu.memory_space<vmem>>, vector<16xf32>,
      tpu.vector_store %arg9[%swap3A_580], %add3A_579 {strides = array<i32>} : memref<272xf32, #tpu.memory_space<vmem>>, vector<16xf32>,
      %mul3A_582 = arith.constant 16 : i32
      %mul3A_583 = arith.muli %scan3A_212, %mul3A_582 : i32
      %add3A_584 = arith.constant 7 : i32
      %add3A_585 = arith.addi %mul3A_583, %add3A_584 : i32
      %get3A_586 = arith.constant 0 : i32
      %get3A_587 = arith.index_cast %get3A_586 : i32 to index
      %get3A_588 = arith.index_cast %add3A_585 : i32 to index
      %get3A_589 = arith.constant 0 : index
      %get3A_590 = tpu.vector_load %arg7[%get3A_587, %get3A_588, %get3A_589] {strides = array<i32>} : memref<2x128x128xf32, #tpu.memory_space<vmem>>, vector<16xf32>,
      %get3A_591 = arith.constant 0 : i32
      %get3A_592 = arith.index_cast %get3A_591 : i32 to index
      %get3A_593 = arith.index_cast %add3A_585 : i32 to index
      %get3A_594 = arith.constant 64 : index
      %get3A_595 = tpu.vector_load %arg8[%get3A_592, %get3A_593, %get3A_594] {strides = array<i32>} : memref<2x128x128xf32, #tpu.memory_space<vmem>>, vector<16xf32>,
      %mul3A_596 = arith.mulf %get3A_590, %get3A_595 : vector<16xf32>
      %get3A_597 = arith.constant 0 : i32
      %get3A_598 = arith.index_cast %get3A_597 : i32 to index
      %get3A_599 = arith.index_cast %add3A_585 : i32 to index
      %get3A_600 = arith.constant 16 : index
      %get3A_601 = tpu.vector_load %arg7[%get3A_598, %get3A_599, %get3A_600] {strides = array<i32>} : memref<2x128x128xf32, #tpu.memory_space<vmem>>, vector<16xf32>,
      %get3A_602 = arith.constant 0 : i32
      %get3A_603 = arith.index_cast %get3A_602 : i32 to index
      %get3A_604 = arith.index_cast %add3A_585 : i32 to index
      %get3A_605 = arith.constant 80 : index
      %get3A_606 = tpu.vector_load %arg8[%get3A_603, %get3A_604, %get3A_605] {strides = array<i32>} : memref<2x128x128xf32, #tpu.memory_space<vmem>>, vector<16xf32>,
      %mul3A_607 = arith.mulf %get3A_601, %get3A_606 : vector<16xf32>
      %add3A_608 = arith.addf %mul3A_596, %mul3A_607 : vector<16xf32>
      %get3A_609 = arith.constant 0 : i32
      %get3A_610 = arith.index_cast %get3A_609 : i32 to index
      %get3A_611 = arith.index_cast %add3A_585 : i32 to index
      %get3A_612 = arith.constant 32 : index
      %get3A_613 = tpu.vector_load %arg7[%get3A_610, %get3A_611, %get3A_612] {strides = array<i32>} : memref<2x128x128xf32, #tpu.memory_space<vmem>>, vector<16xf32>,
      %get3A_614 = arith.constant 0 : i32
      %get3A_615 = arith.index_cast %get3A_614 : i32 to index
      %get3A_616 = arith.index_cast %add3A_585 : i32 to index
      %get3A_617 = arith.constant 96 : index
      %get3A_618 = tpu.vector_load %arg8[%get3A_615, %get3A_616, %get3A_617] {strides = array<i32>} : memref<2x128x128xf32, #tpu.memory_space<vmem>>, vector<16xf32>,
      %mul3A_619 = arith.mulf %get3A_613, %get3A_618 : vector<16xf32>
      %add3A_620 = arith.addf %add3A_608, %mul3A_619 : vector<16xf32>
      %get3A_621 = arith.constant 0 : i32
      %get3A_622 = arith.index_cast %get3A_621 : i32 to index
      %get3A_623 = arith.index_cast %add3A_585 : i32 to index
      %get3A_624 = arith.constant 48 : index
      %get3A_625 = tpu.vector_load %arg7[%get3A_622, %get3A_623, %get3A_624] {strides = array<i32>} : memref<2x128x128xf32, #tpu.memory_space<vmem>>, vector<16xf32>,
      %get3A_626 = arith.constant 0 : i32
      %get3A_627 = arith.index_cast %get3A_626 : i32 to index
      %get3A_628 = arith.index_cast %add3A_585 : i32 to index
      %get3A_629 = arith.constant 112 : index
      %get3A_630 = tpu.vector_load %arg8[%get3A_627, %get3A_628, %get3A_629] {strides = array<i32>} : memref<2x128x128xf32, #tpu.memory_space<vmem>>, vector<16xf32>,
      %mul3A_631 = arith.mulf %get3A_625, %get3A_630 : vector<16xf32>
      %add3A_632 = arith.addf %add3A_620, %mul3A_631 : vector<16xf32>
      %swap3A_633 = arith.constant 119 : index
      %swap3A_634 = tpu.vector_load %arg9[%swap3A_633] {strides = array<i32>} : memref<272xf32, #tpu.memory_space<vmem>>, vector<16xf32>,
      tpu.vector_store %arg9[%swap3A_633], %add3A_632 {strides = array<i32>} : memref<272xf32, #tpu.memory_space<vmem>>, vector<16xf32>,
      %mul3A_635 = arith.constant 16 : i32
      %mul3A_636 = arith.muli %scan3A_212, %mul3A_635 : i32
      %add3A_637 = arith.constant 8 : i32
      %add3A_638 = arith.addi %mul3A_636, %add3A_637 : i32
      %get3A_639 = arith.constant 0 : i32
      %get3A_640 = arith.index_cast %get3A_639 : i32 to index
      %get3A_641 = arith.index_cast %add3A_638 : i32 to index
      %get3A_642 = arith.constant 0 : index
      %get3A_643 = tpu.vector_load %arg7[%get3A_640, %get3A_641, %get3A_642] {strides = array<i32>} : memref<2x128x128xf32, #tpu.memory_space<vmem>>, vector<16xf32>,
      %get3A_644 = arith.constant 0 : i32
      %get3A_645 = arith.index_cast %get3A_644 : i32 to index
      %get3A_646 = arith.index_cast %add3A_638 : i32 to index
      %get3A_647 = arith.constant 64 : index
      %get3A_648 = tpu.vector_load %arg8[%get3A_645, %get3A_646, %get3A_647] {strides = array<i32>} : memref<2x128x128xf32, #tpu.memory_space<vmem>>, vector<16xf32>,
      %mul3A_649 = arith.mulf %get3A_643, %get3A_648 : vector<16xf32>
      %get3A_650 = arith.constant 0 : i32
      %get3A_651 = arith.index_cast %get3A_650 : i32 to index
      %get3A_652 = arith.index_cast %add3A_638 : i32 to index
      %get3A_653 = arith.constant 16 : index
      %get3A_654 = tpu.vector_load %arg7[%get3A_651, %get3A_652, %get3A_653] {strides = array<i32>} : memref<2x128x128xf32, #tpu.memory_space<vmem>>, vector<16xf32>,
      %get3A_655 = arith.constant 0 : i32
      %get3A_656 = arith.index_cast %get3A_655 : i32 to index
      %get3A_657 = arith.index_cast %add3A_638 : i32 to index
      %get3A_658 = arith.constant 80 : index
      %get3A_659 = tpu.vector_load %arg8[%get3A_656, %get3A_657, %get3A_658] {strides = array<i32>} : memref<2x128x128xf32, #tpu.memory_space<vmem>>, vector<16xf32>,
      %mul3A_660 = arith.mulf %get3A_654, %get3A_659 : vector<16xf32>
      %add3A_661 = arith.addf %mul3A_649, %mul3A_660 : vector<16xf32>
      %get3A_662 = arith.constant 0 : i32
      %get3A_663 = arith.index_cast %get3A_662 : i32 to index
      %get3A_664 = arith.index_cast %add3A_638 : i32 to index
      %get3A_665 = arith.constant 32 : index
      %get3A_666 = tpu.vector_load %arg7[%get3A_663, %get3A_664, %get3A_665] {strides = array<i32>} : memref<2x128x128xf32, #tpu.memory_space<vmem>>, vector<16xf32>,
      %get3A_667 = arith.constant 0 : i32
      %get3A_668 = arith.index_cast %get3A_667 : i32 to index
      %get3A_669 = arith.index_cast %add3A_638 : i32 to index
      %get3A_670 = arith.constant 96 : index
      %get3A_671 = tpu.vector_load %arg8[%get3A_668, %get3A_669, %get3A_670] {strides = array<i32>} : memref<2x128x128xf32, #tpu.memory_space<vmem>>, vector<16xf32>,
      %mul3A_672 = arith.mulf %get3A_666, %get3A_671 : vector<16xf32>
      %add3A_673 = arith.addf %add3A_661, %mul3A_672 : vector<16xf32>
      %get3A_674 = arith.constant 0 : i32
      %get3A_675 = arith.index_cast %get3A_674 : i32 to index
      %get3A_676 = arith.index_cast %add3A_638 : i32 to index
      %get3A_677 = arith.constant 48 : index
      %get3A_678 = tpu.vector_load %arg7[%get3A_675, %get3A_676, %get3A_677] {strides = array<i32>} : memref<2x128x128xf32, #tpu.memory_space<vmem>>, vector<16xf32>,
      %get3A_679 = arith.constant 0 : i32
      %get3A_680 = arith.index_cast %get3A_679 : i32 to index
      %get3A_681 = arith.index_cast %add3A_638 : i32 to index
      %get3A_682 = arith.constant 112 : index
      %get3A_683 = tpu.vector_load %arg8[%get3A_680, %get3A_681, %get3A_682] {strides = array<i32>} : memref<2x128x128xf32, #tpu.memory_space<vmem>>, vector<16xf32>,
      %mul3A_684 = arith.mulf %get3A_678, %get3A_683 : vector<16xf32>
      %add3A_685 = arith.addf %add3A_673, %mul3A_684 : vector<16xf32>
      %swap3A_686 = arith.constant 136 : index
      %swap3A_687 = tpu.vector_load %arg9[%swap3A_686] {strides = array<i32>} : memref<272xf32, #tpu.memory_space<vmem>>, vector<16xf32>,
      tpu.vector_store %arg9[%swap3A_686], %add3A_685 {strides = array<i32>} : memref<272xf32, #tpu.memory_space<vmem>>, vector<16xf32>,
      %mul3A_688 = arith.constant 16 : i32
      %mul3A_689 = arith.muli %scan3A_212, %mul3A_688 : i32
      %add3A_690 = arith.constant 9 : i32
      %add3A_691 = arith.addi %mul3A_689, %add3A_690 : i32
      %get3A_692 = arith.constant 0 : i32
      %get3A_693 = arith.index_cast %get3A_692 : i32 to index
      %get3A_694 = arith.index_cast %add3A_691 : i32 to index
      %get3A_695 = arith.constant 0 : index
      %get3A_696 = tpu.vector_load %arg7[%get3A_693, %get3A_694, %get3A_695] {strides = array<i32>} : memref<2x128x128xf32, #tpu.memory_space<vmem>>, vector<16xf32>,
      %get3A_697 = arith.constant 0 : i32
      %get3A_698 = arith.index_cast %get3A_697 : i32 to index
      %get3A_699 = arith.index_cast %add3A_691 : i32 to index
      %get3A_700 = arith.constant 64 : index
      %get3A_701 = tpu.vector_load %arg8[%get3A_698, %get3A_699, %get3A_700] {strides = array<i32>} : memref<2x128x128xf32, #tpu.memory_space<vmem>>, vector<16xf32>,
      %mul3A_702 = arith.mulf %get3A_696, %get3A_701 : vector<16xf32>
      %get3A_703 = arith.constant 0 : i32
      %get3A_704 = arith.index_cast %get3A_703 : i32 to index
      %get3A_705 = arith.index_cast %add3A_691 : i32 to index
      %get3A_706 = arith.constant 16 : index
      %get3A_707 = tpu.vector_load %arg7[%get3A_704, %get3A_705, %get3A_706] {strides = array<i32>} : memref<2x128x128xf32, #tpu.memory_space<vmem>>, vector<16xf32>,
      %get3A_708 = arith.constant 0 : i32
      %get3A_709 = arith.index_cast %get3A_708 : i32 to index
      %get3A_710 = arith.index_cast %add3A_691 : i32 to index
      %get3A_711 = arith.constant 80 : index
      %get3A_712 = tpu.vector_load %arg8[%get3A_709, %get3A_710, %get3A_711] {strides = array<i32>} : memref<2x128x128xf32, #tpu.memory_space<vmem>>, vector<16xf32>,
      %mul3A_713 = arith.mulf %get3A_707, %get3A_712 : vector<16xf32>
      %add3A_714 = arith.addf %mul3A_702, %mul3A_713 : vector<16xf32>
      %get3A_715 = arith.constant 0 : i32
      %get3A_716 = arith.index_cast %get3A_715 : i32 to index
      %get3A_717 = arith.index_cast %add3A_691 : i32 to index
      %get3A_718 = arith.constant 32 : index
      %get3A_719 = tpu.vector_load %arg7[%get3A_716, %get3A_717, %get3A_718] {strides = array<i32>} : memref<2x128x128xf32, #tpu.memory_space<vmem>>, vector<16xf32>,
      %get3A_720 = arith.constant 0 : i32
      %get3A_721 = arith.index_cast %get3A_720 : i32 to index
      %get3A_722 = arith.index_cast %add3A_691 : i32 to index
      %get3A_723 = arith.constant 96 : index
      %get3A_724 = tpu.vector_load %arg8[%get3A_721, %get3A_722, %get3A_723] {strides = array<i32>} : memref<2x128x128xf32, #tpu.memory_space<vmem>>, vector<16xf32>,
      %mul3A_725 = arith.mulf %get3A_719, %get3A_724 : vector<16xf32>
      %add3A_726 = arith.addf %add3A_714, %mul3A_725 : vector<16xf32>
      %get3A_727 = arith.constant 0 : i32
      %get3A_728 = arith.index_cast %get3A_727 : i32 to index
      %get3A_729 = arith.index_cast %add3A_691 : i32 to index
      %get3A_730 = arith.constant 48 : index
      %get3A_731 = tpu.vector_load %arg7[%get3A_728, %get3A_729, %get3A_730] {strides = array<i32>} : memref<2x128x128xf32, #tpu.memory_space<vmem>>, vector<16xf32>,
      %get3A_732 = arith.constant 0 : i32
      %get3A_733 = arith.index_cast %get3A_732 : i32 to index
      %get3A_734 = arith.index_cast %add3A_691 : i32 to index
      %get3A_735 = arith.constant 112 : index
      %get3A_736 = tpu.vector_load %arg8[%get3A_733, %get3A_734, %get3A_735] {strides = array<i32>} : memref<2x128x128xf32, #tpu.memory_space<vmem>>, vector<16xf32>,
      %mul3A_737 = arith.mulf %get3A_731, %get3A_736 : vector<16xf32>
      %add3A_738 = arith.addf %add3A_726, %mul3A_737 : vector<16xf32>
      %swap3A_739 = arith.constant 153 : index
      %swap3A_740 = tpu.vector_load %arg9[%swap3A_739] {strides = array<i32>} : memref<272xf32, #tpu.memory_space<vmem>>, vector<16xf32>,
      tpu.vector_store %arg9[%swap3A_739], %add3A_738 {strides = array<i32>} : memref<272xf32, #tpu.memory_space<vmem>>, vector<16xf32>,
      %mul3A_741 = arith.constant 16 : i32
      %mul3A_742 = arith.muli %scan3A_212, %mul3A_741 : i32
      %add3A_743 = arith.constant 10 : i32
      %add3A_744 = arith.addi %mul3A_742, %add3A_743 : i32
      %get3A_745 = arith.constant 0 : i32
      %get3A_746 = arith.index_cast %get3A_745 : i32 to index
      %get3A_747 = arith.index_cast %add3A_744 : i32 to index
      %get3A_748 = arith.constant 0 : index
      %get3A_749 = tpu.vector_load %arg7[%get3A_746, %get3A_747, %get3A_748] {strides = array<i32>} : memref<2x128x128xf32, #tpu.memory_space<vmem>>, vector<16xf32>,
      %get3A_750 = arith.constant 0 : i32
      %get3A_751 = arith.index_cast %get3A_750 : i32 to index
      %get3A_752 = arith.index_cast %add3A_744 : i32 to index
      %get3A_753 = arith.constant 64 : index
      %get3A_754 = tpu.vector_load %arg8[%get3A_751, %get3A_752, %get3A_753] {strides = array<i32>} : memref<2x128x128xf32, #tpu.memory_space<vmem>>, vector<16xf32>,
      %mul3A_755 = arith.mulf %get3A_749, %get3A_754 : vector<16xf32>
      %get3A_756 = arith.constant 0 : i32
      %get3A_757 = arith.index_cast %get3A_756 : i32 to index
      %get3A_758 = arith.index_cast %add3A_744 : i32 to index
      %get3A_759 = arith.constant 16 : index
      %get3A_760 = tpu.vector_load %arg7[%get3A_757, %get3A_758, %get3A_759] {strides = array<i32>} : memref<2x128x128xf32, #tpu.memory_space<vmem>>, vector<16xf32>,
      %get3A_761 = arith.constant 0 : i32
      %get3A_762 = arith.index_cast %get3A_761 : i32 to index
      %get3A_763 = arith.index_cast %add3A_744 : i32 to index
      %get3A_764 = arith.constant 80 : index
      %get3A_765 = tpu.vector_load %arg8[%get3A_762, %get3A_763, %get3A_764] {strides = array<i32>} : memref<2x128x128xf32, #tpu.memory_space<vmem>>, vector<16xf32>,
      %mul3A_766 = arith.mulf %get3A_760, %get3A_765 : vector<16xf32>
      %add3A_767 = arith.addf %mul3A_755, %mul3A_766 : vector<16xf32>
      %get3A_768 = arith.constant 0 : i32
      %get3A_769 = arith.index_cast %get3A_768 : i32 to index
      %get3A_770 = arith.index_cast %add3A_744 : i32 to index
      %get3A_771 = arith.constant 32 : index
      %get3A_772 = tpu.vector_load %arg7[%get3A_769, %get3A_770, %get3A_771] {strides = array<i32>} : memref<2x128x128xf32, #tpu.memory_space<vmem>>, vector<16xf32>,
      %get3A_773 = arith.constant 0 : i32
      %get3A_774 = arith.index_cast %get3A_773 : i32 to index
      %get3A_775 = arith.index_cast %add3A_744 : i32 to index
      %get3A_776 = arith.constant 96 : index
      %get3A_777 = tpu.vector_load %arg8[%get3A_774, %get3A_775, %get3A_776] {strides = array<i32>} : memref<2x128x128xf32, #tpu.memory_space<vmem>>, vector<16xf32>,
      %mul3A_778 = arith.mulf %get3A_772, %get3A_777 : vector<16xf32>
      %add3A_779 = arith.addf %add3A_767, %mul3A_778 : vector<16xf32>
      %get3A_780 = arith.constant 0 : i32
      %get3A_781 = arith.index_cast %get3A_780 : i32 to index
      %get3A_782 = arith.index_cast %add3A_744 : i32 to index
      %get3A_783 = arith.constant 48 : index
      %get3A_784 = tpu.vector_load %arg7[%get3A_781, %get3A_782, %get3A_783] {strides = array<i32>} : memref<2x128x128xf32, #tpu.memory_space<vmem>>, vector<16xf32>,
      %get3A_785 = arith.constant 0 : i32
      %get3A_786 = arith.index_cast %get3A_785 : i32 to index
      %get3A_787 = arith.index_cast %add3A_744 : i32 to index
      %get3A_788 = arith.constant 112 : index
      %get3A_789 = tpu.vector_load %arg8[%get3A_786, %get3A_787, %get3A_788] {strides = array<i32>} : memref<2x128x128xf32, #tpu.memory_space<vmem>>, vector<16xf32>,
      %mul3A_790 = arith.mulf %get3A_784, %get3A_789 : vector<16xf32>
      %add3A_791 = arith.addf %add3A_779, %mul3A_790 : vector<16xf32>
      %swap3A_792 = arith.constant 170 : index
      %swap3A_793 = tpu.vector_load %arg9[%swap3A_792] {strides = array<i32>} : memref<272xf32, #tpu.memory_space<vmem>>, vector<16xf32>,
      tpu.vector_store %arg9[%swap3A_792], %add3A_791 {strides = array<i32>} : memref<272xf32, #tpu.memory_space<vmem>>, vector<16xf32>,
      %mul3A_794 = arith.constant 16 : i32
      %mul3A_795 = arith.muli %scan3A_212, %mul3A_794 : i32
      %add3A_796 = arith.constant 11 : i32
      %add3A_797 = arith.addi %mul3A_795, %add3A_796 : i32
      %get3A_798 = arith.constant 0 : i32
      %get3A_799 = arith.index_cast %get3A_798 : i32 to index
      %get3A_800 = arith.index_cast %add3A_797 : i32 to index
      %get3A_801 = arith.constant 0 : index
      %get3A_802 = tpu.vector_load %arg7[%get3A_799, %get3A_800, %get3A_801] {strides = array<i32>} : memref<2x128x128xf32, #tpu.memory_space<vmem>>, vector<16xf32>,
      %get3A_803 = arith.constant 0 : i32
      %get3A_804 = arith.index_cast %get3A_803 : i32 to index
      %get3A_805 = arith.index_cast %add3A_797 : i32 to index
      %get3A_806 = arith.constant 64 : index
      %get3A_807 = tpu.vector_load %arg8[%get3A_804, %get3A_805, %get3A_806] {strides = array<i32>} : memref<2x128x128xf32, #tpu.memory_space<vmem>>, vector<16xf32>,
      %mul3A_808 = arith.mulf %get3A_802, %get3A_807 : vector<16xf32>
      %get3A_809 = arith.constant 0 : i32
      %get3A_810 = arith.index_cast %get3A_809 : i32 to index
      %get3A_811 = arith.index_cast %add3A_797 : i32 to index
      %get3A_812 = arith.constant 16 : index
      %get3A_813 = tpu.vector_load %arg7[%get3A_810, %get3A_811, %get3A_812] {strides = array<i32>} : memref<2x128x128xf32, #tpu.memory_space<vmem>>, vector<16xf32>,
      %get3A_814 = arith.constant 0 : i32
      %get3A_815 = arith.index_cast %get3A_814 : i32 to index
      %get3A_816 = arith.index_cast %add3A_797 : i32 to index
      %get3A_817 = arith.constant 80 : index
      %get3A_818 = tpu.vector_load %arg8[%get3A_815, %get3A_816, %get3A_817] {strides = array<i32>} : memref<2x128x128xf32, #tpu.memory_space<vmem>>, vector<16xf32>,
      %mul3A_819 = arith.mulf %get3A_813, %get3A_818 : vector<16xf32>
      %add3A_820 = arith.addf %mul3A_808, %mul3A_819 : vector<16xf32>
      %get3A_821 = arith.constant 0 : i32
      %get3A_822 = arith.index_cast %get3A_821 : i32 to index
      %get3A_823 = arith.index_cast %add3A_797 : i32 to index
      %get3A_824 = arith.constant 32 : index
      %get3A_825 = tpu.vector_load %arg7[%get3A_822, %get3A_823, %get3A_824] {strides = array<i32>} : memref<2x128x128xf32, #tpu.memory_space<vmem>>, vector<16xf32>,
      %get3A_826 = arith.constant 0 : i32
      %get3A_827 = arith.index_cast %get3A_826 : i32 to index
      %get3A_828 = arith.index_cast %add3A_797 : i32 to index
      %get3A_829 = arith.constant 96 : index
      %get3A_830 = tpu.vector_load %arg8[%get3A_827, %get3A_828, %get3A_829] {strides = array<i32>} : memref<2x128x128xf32, #tpu.memory_space<vmem>>, vector<16xf32>,
      %mul3A_831 = arith.mulf %get3A_825, %get3A_830 : vector<16xf32>
      %add3A_832 = arith.addf %add3A_820, %mul3A_831 : vector<16xf32>
      %get3A_833 = arith.constant 0 : i32
      %get3A_834 = arith.index_cast %get3A_833 : i32 to index
      %get3A_835 = arith.index_cast %add3A_797 : i32 to index
      %get3A_836 = arith.constant 48 : index
      %get3A_837 = tpu.vector_load %arg7[%get3A_834, %get3A_835, %get3A_836] {strides = array<i32>} : memref<2x128x128xf32, #tpu.memory_space<vmem>>, vector<16xf32>,
      %get3A_838 = arith.constant 0 : i32
      %get3A_839 = arith.index_cast %get3A_838 : i32 to index
      %get3A_840 = arith.index_cast %add3A_797 : i32 to index
      %get3A_841 = arith.constant 112 : index
      %get3A_842 = tpu.vector_load %arg8[%get3A_839, %get3A_840, %get3A_841] {strides = array<i32>} : memref<2x128x128xf32, #tpu.memory_space<vmem>>, vector<16xf32>,
      %mul3A_843 = arith.mulf %get3A_837, %get3A_842 : vector<16xf32>
      %add3A_844 = arith.addf %add3A_832, %mul3A_843 : vector<16xf32>
      %swap3A_845 = arith.constant 187 : index
      %swap3A_846 = tpu.vector_load %arg9[%swap3A_845] {strides = array<i32>} : memref<272xf32, #tpu.memory_space<vmem>>, vector<16xf32>,
      tpu.vector_store %arg9[%swap3A_845], %add3A_844 {strides = array<i32>} : memref<272xf32, #tpu.memory_space<vmem>>, vector<16xf32>,
      %mul3A_847 = arith.constant 16 : i32
      %mul3A_848 = arith.muli %scan3A_212, %mul3A_847 : i32
      %add3A_849 = arith.constant 12 : i32
      %add3A_850 = arith.addi %mul3A_848, %add3A_849 : i32
      %get3A_851 = arith.constant 0 : i32
      %get3A_852 = arith.index_cast %get3A_851 : i32 to index
      %get3A_853 = arith.index_cast %add3A_850 : i32 to index
      %get3A_854 = arith.constant 0 : index
      %get3A_855 = tpu.vector_load %arg7[%get3A_852, %get3A_853, %get3A_854] {strides = array<i32>} : memref<2x128x128xf32, #tpu.memory_space<vmem>>, vector<16xf32>,
      %get3A_856 = arith.constant 0 : i32
      %get3A_857 = arith.index_cast %get3A_856 : i32 to index
      %get3A_858 = arith.index_cast %add3A_850 : i32 to index
      %get3A_859 = arith.constant 64 : index
      %get3A_860 = tpu.vector_load %arg8[%get3A_857, %get3A_858, %get3A_859] {strides = array<i32>} : memref<2x128x128xf32, #tpu.memory_space<vmem>>, vector<16xf32>,
      %mul3A_861 = arith.mulf %get3A_855, %get3A_860 : vector<16xf32>
      %get3A_862 = arith.constant 0 : i32
      %get3A_863 = arith.index_cast %get3A_862 : i32 to index
      %get3A_864 = arith.index_cast %add3A_850 : i32 to index
      %get3A_865 = arith.constant 16 : index
      %get3A_866 = tpu.vector_load %arg7[%get3A_863, %get3A_864, %get3A_865] {strides = array<i32>} : memref<2x128x128xf32, #tpu.memory_space<vmem>>, vector<16xf32>,
      %get3A_867 = arith.constant 0 : i32
      %get3A_868 = arith.index_cast %get3A_867 : i32 to index
      %get3A_869 = arith.index_cast %add3A_850 : i32 to index
      %get3A_870 = arith.constant 80 : index
      %get3A_871 = tpu.vector_load %arg8[%get3A_868, %get3A_869, %get3A_870] {strides = array<i32>} : memref<2x128x128xf32, #tpu.memory_space<vmem>>, vector<16xf32>,
      %mul3A_872 = arith.mulf %get3A_866, %get3A_871 : vector<16xf32>
      %add3A_873 = arith.addf %mul3A_861, %mul3A_872 : vector<16xf32>
      %get3A_874 = arith.constant 0 : i32
      %get3A_875 = arith.index_cast %get3A_874 : i32 to index
      %get3A_876 = arith.index_cast %add3A_850 : i32 to index
      %get3A_877 = arith.constant 32 : index
      %get3A_878 = tpu.vector_load %arg7[%get3A_875, %get3A_876, %get3A_877] {strides = array<i32>} : memref<2x128x128xf32, #tpu.memory_space<vmem>>, vector<16xf32>,
      %get3A_879 = arith.constant 0 : i32
      %get3A_880 = arith.index_cast %get3A_879 : i32 to index
      %get3A_881 = arith.index_cast %add3A_850 : i32 to index
      %get3A_882 = arith.constant 96 : index
      %get3A_883 = tpu.vector_load %arg8[%get3A_880, %get3A_881, %get3A_882] {strides = array<i32>} : memref<2x128x128xf32, #tpu.memory_space<vmem>>, vector<16xf32>,
      %mul3A_884 = arith.mulf %get3A_878, %get3A_883 : vector<16xf32>
      %add3A_885 = arith.addf %add3A_873, %mul3A_884 : vector<16xf32>
      %get3A_886 = arith.constant 0 : i32
      %get3A_887 = arith.index_cast %get3A_886 : i32 to index
      %get3A_888 = arith.index_cast %add3A_850 : i32 to index
      %get3A_889 = arith.constant 48 : index
      %get3A_890 = tpu.vector_load %arg7[%get3A_887, %get3A_888, %get3A_889] {strides = array<i32>} : memref<2x128x128xf32, #tpu.memory_space<vmem>>, vector<16xf32>,
      %get3A_891 = arith.constant 0 : i32
      %get3A_892 = arith.index_cast %get3A_891 : i32 to index
      %get3A_893 = arith.index_cast %add3A_850 : i32 to index
      %get3A_894 = arith.constant 112 : index
      %get3A_895 = tpu.vector_load %arg8[%get3A_892, %get3A_893, %get3A_894] {strides = array<i32>} : memref<2x128x128xf32, #tpu.memory_space<vmem>>, vector<16xf32>,
      %mul3A_896 = arith.mulf %get3A_890, %get3A_895 : vector<16xf32>
      %add3A_897 = arith.addf %add3A_885, %mul3A_896 : vector<16xf32>
      %swap3A_898 = arith.constant 204 : index
      %swap3A_899 = tpu.vector_load %arg9[%swap3A_898] {strides = array<i32>} : memref<272xf32, #tpu.memory_space<vmem>>, vector<16xf32>,
      tpu.vector_store %arg9[%swap3A_898], %add3A_897 {strides = array<i32>} : memref<272xf32, #tpu.memory_space<vmem>>, vector<16xf32>,
      %mul3A_900 = arith.constant 16 : i32
      %mul3A_901 = arith.muli %scan3A_212, %mul3A_900 : i32
      %add3A_902 = arith.constant 13 : i32
      %add3A_903 = arith.addi %mul3A_901, %add3A_902 : i32
      %get3A_904 = arith.constant 0 : i32
      %get3A_905 = arith.index_cast %get3A_904 : i32 to index
      %get3A_906 = arith.index_cast %add3A_903 : i32 to index
      %get3A_907 = arith.constant 0 : index
      %get3A_908 = tpu.vector_load %arg7[%get3A_905, %get3A_906, %get3A_907] {strides = array<i32>} : memref<2x128x128xf32, #tpu.memory_space<vmem>>, vector<16xf32>,
      %get3A_909 = arith.constant 0 : i32
      %get3A_910 = arith.index_cast %get3A_909 : i32 to index
      %get3A_911 = arith.index_cast %add3A_903 : i32 to index
      %get3A_912 = arith.constant 64 : index
      %get3A_913 = tpu.vector_load %arg8[%get3A_910, %get3A_911, %get3A_912] {strides = array<i32>} : memref<2x128x128xf32, #tpu.memory_space<vmem>>, vector<16xf32>,
      %mul3A_914 = arith.mulf %get3A_908, %get3A_913 : vector<16xf32>
      %get3A_915 = arith.constant 0 : i32
      %get3A_916 = arith.index_cast %get3A_915 : i32 to index
      %get3A_917 = arith.index_cast %add3A_903 : i32 to index
      %get3A_918 = arith.constant 16 : index
      %get3A_919 = tpu.vector_load %arg7[%get3A_916, %get3A_917, %get3A_918] {strides = array<i32>} : memref<2x128x128xf32, #tpu.memory_space<vmem>>, vector<16xf32>,
      %get3A_920 = arith.constant 0 : i32
      %get3A_921 = arith.index_cast %get3A_920 : i32 to index
      %get3A_922 = arith.index_cast %add3A_903 : i32 to index
      %get3A_923 = arith.constant 80 : index
      %get3A_924 = tpu.vector_load %arg8[%get3A_921, %get3A_922, %get3A_923] {strides = array<i32>} : memref<2x128x128xf32, #tpu.memory_space<vmem>>, vector<16xf32>,
      %mul3A_925 = arith.mulf %get3A_919, %get3A_924 : vector<16xf32>
      %add3A_926 = arith.addf %mul3A_914, %mul3A_925 : vector<16xf32>
      %get3A_927 = arith.constant 0 : i32
      %get3A_928 = arith.index_cast %get3A_927 : i32 to index
      %get3A_929 = arith.index_cast %add3A_903 : i32 to index
      %get3A_930 = arith.constant 32 : index
      %get3A_931 = tpu.vector_load %arg7[%get3A_928, %get3A_929, %get3A_930] {strides = array<i32>} : memref<2x128x128xf32, #tpu.memory_space<vmem>>, vector<16xf32>,
      %get3A_932 = arith.constant 0 : i32
      %get3A_933 = arith.index_cast %get3A_932 : i32 to index
      %get3A_934 = arith.index_cast %add3A_903 : i32 to index
      %get3A_935 = arith.constant 96 : index
      %get3A_936 = tpu.vector_load %arg8[%get3A_933, %get3A_934, %get3A_935] {strides = array<i32>} : memref<2x128x128xf32, #tpu.memory_space<vmem>>, vector<16xf32>,
      %mul3A_937 = arith.mulf %get3A_931, %get3A_936 : vector<16xf32>
      %add3A_938 = arith.addf %add3A_926, %mul3A_937 : vector<16xf32>
      %get3A_939 = arith.constant 0 : i32
      %get3A_940 = arith.index_cast %get3A_939 : i32 to index
      %get3A_941 = arith.index_cast %add3A_903 : i32 to index
      %get3A_942 = arith.constant 48 : index
      %get3A_943 = tpu.vector_load %arg7[%get3A_940, %get3A_941, %get3A_942] {strides = array<i32>} : memref<2x128x128xf32, #tpu.memory_space<vmem>>, vector<16xf32>,
      %get3A_944 = arith.constant 0 : i32
      %get3A_945 = arith.index_cast %get3A_944 : i32 to index
      %get3A_946 = arith.index_cast %add3A_903 : i32 to index
      %get3A_947 = arith.constant 112 : index
      %get3A_948 = tpu.vector_load %arg8[%get3A_945, %get3A_946, %get3A_947] {strides = array<i32>} : memref<2x128x128xf32, #tpu.memory_space<vmem>>, vector<16xf32>,
      %mul3A_949 = arith.mulf %get3A_943, %get3A_948 : vector<16xf32>
      %add3A_950 = arith.addf %add3A_938, %mul3A_949 : vector<16xf32>
      %swap3A_951 = arith.constant 221 : index
      %swap3A_952 = tpu.vector_load %arg9[%swap3A_951] {strides = array<i32>} : memref<272xf32, #tpu.memory_space<vmem>>, vector<16xf32>,
      tpu.vector_store %arg9[%swap3A_951], %add3A_950 {strides = array<i32>} : memref<272xf32, #tpu.memory_space<vmem>>, vector<16xf32>,
      %mul3A_953 = arith.constant 16 : i32
      %mul3A_954 = arith.muli %scan3A_212, %mul3A_953 : i32
      %add3A_955 = arith.constant 14 : i32
      %add3A_956 = arith.addi %mul3A_954, %add3A_955 : i32
      %get3A_957 = arith.constant 0 : i32
      %get3A_958 = arith.index_cast %get3A_957 : i32 to index
      %get3A_959 = arith.index_cast %add3A_956 : i32 to index
      %get3A_960 = arith.constant 0 : index
      %get3A_961 = tpu.vector_load %arg7[%get3A_958, %get3A_959, %get3A_960] {strides = array<i32>} : memref<2x128x128xf32, #tpu.memory_space<vmem>>, vector<16xf32>,
      %get3A_962 = arith.constant 0 : i32
      %get3A_963 = arith.index_cast %get3A_962 : i32 to index
      %get3A_964 = arith.index_cast %add3A_956 : i32 to index
      %get3A_965 = arith.constant 64 : index
      %get3A_966 = tpu.vector_load %arg8[%get3A_963, %get3A_964, %get3A_965] {strides = array<i32>} : memref<2x128x128xf32, #tpu.memory_space<vmem>>, vector<16xf32>,
      %mul3A_967 = arith.mulf %get3A_961, %get3A_966 : vector<16xf32>
      %get3A_968 = arith.constant 0 : i32
      %get3A_969 = arith.index_cast %get3A_968 : i32 to index
      %get3A_970 = arith.index_cast %add3A_956 : i32 to index
      %get3A_971 = arith.constant 16 : index
      %get3A_972 = tpu.vector_load %arg7[%get3A_969, %get3A_970, %get3A_971] {strides = array<i32>} : memref<2x128x128xf32, #tpu.memory_space<vmem>>, vector<16xf32>,
      %get3A_973 = arith.constant 0 : i32
      %get3A_974 = arith.index_cast %get3A_973 : i32 to index
      %get3A_975 = arith.index_cast %add3A_956 : i32 to index
      %get3A_976 = arith.constant 80 : index
      %get3A_977 = tpu.vector_load %arg8[%get3A_974, %get3A_975, %get3A_976] {strides = array<i32>} : memref<2x128x128xf32, #tpu.memory_space<vmem>>, vector<16xf32>,
      %mul3A_978 = arith.mulf %get3A_972, %get3A_977 : vector<16xf32>
      %add3A_979 = arith.addf %mul3A_967, %mul3A_978 : vector<16xf32>
      %get3A_980 = arith.constant 0 : i32
      %get3A_981 = arith.index_cast %get3A_980 : i32 to index
      %get3A_982 = arith.index_cast %add3A_956 : i32 to index
      %get3A_983 = arith.constant 32 : index
      %get3A_984 = tpu.vector_load %arg7[%get3A_981, %get3A_982, %get3A_983] {strides = array<i32>} : memref<2x128x128xf32, #tpu.memory_space<vmem>>, vector<16xf32>,
      %get3A_985 = arith.constant 0 : i32
      %get3A_986 = arith.index_cast %get3A_985 : i32 to index
      %get3A_987 = arith.index_cast %add3A_956 : i32 to index
      %get3A_988 = arith.constant 96 : index
      %get3A_989 = tpu.vector_load %arg8[%get3A_986, %get3A_987, %get3A_988] {strides = array<i32>} : memref<2x128x128xf32, #tpu.memory_space<vmem>>, vector<16xf32>,
      %mul3A_990 = arith.mulf %get3A_984, %get3A_989 : vector<16xf32>
      %add3A_991 = arith.addf %add3A_979, %mul3A_990 : vector<16xf32>
      %get3A_992 = arith.constant 0 : i32
      %get3A_993 = arith.index_cast %get3A_992 : i32 to index
      %get3A_994 = arith.index_cast %add3A_956 : i32 to index
      %get3A_995 = arith.constant 48 : index
      %get3A_996 = tpu.vector_load %arg7[%get3A_993, %get3A_994, %get3A_995] {strides = array<i32>} : memref<2x128x128xf32, #tpu.memory_space<vmem>>, vector<16xf32>,
      %get3A_997 = arith.constant 0 : i32
      %get3A_998 = arith.index_cast %get3A_997 : i32 to index
      %get3A_999 = arith.index_cast %add3A_956 : i32 to index
      %get3A_1000 = arith.constant 112 : index
      %get3A_1001 = tpu.vector_load %arg8[%get3A_998, %get3A_999, %get3A_1000] {strides = array<i32>} : memref<2x128x128xf32, #tpu.memory_space<vmem>>, vector<16xf32>,
      %mul3A_1002 = arith.mulf %get3A_996, %get3A_1001 : vector<16xf32>
      %add3A_1003 = arith.addf %add3A_991, %mul3A_1002 : vector<16xf32>
      %swap3A_1004 = arith.constant 238 : index
      %swap3A_1005 = tpu.vector_load %arg9[%swap3A_1004] {strides = array<i32>} : memref<272xf32, #tpu.memory_space<vmem>>, vector<16xf32>,
      tpu.vector_store %arg9[%swap3A_1004], %add3A_1003 {strides = array<i32>} : memref<272xf32, #tpu.memory_space<vmem>>, vector<16xf32>,
      %mul3A_1006 = arith.constant 16 : i32
      %mul3A_1007 = arith.muli %scan3A_212, %mul3A_1006 : i32
      %add3A_1008 = arith.constant 15 : i32
      %add3A_1009 = arith.addi %mul3A_1007, %add3A_1008 : i32
      %get3A_1010 = arith.constant 0 : i32
      %get3A_1011 = arith.index_cast %get3A_1010 : i32 to index
      %get3A_1012 = arith.index_cast %add3A_1009 : i32 to index
      %get3A_1013 = arith.constant 0 : index
      %get3A_1014 = tpu.vector_load %arg7[%get3A_1011, %get3A_1012, %get3A_1013] {strides = array<i32>} : memref<2x128x128xf32, #tpu.memory_space<vmem>>, vector<16xf32>,
      %get3A_1015 = arith.constant 0 : i32
      %get3A_1016 = arith.index_cast %get3A_1015 : i32 to index
      %get3A_1017 = arith.index_cast %add3A_1009 : i32 to index
      %get3A_1018 = arith.constant 64 : index
      %get3A_1019 = tpu.vector_load %arg8[%get3A_1016, %get3A_1017, %get3A_1018] {strides = array<i32>} : memref<2x128x128xf32, #tpu.memory_space<vmem>>, vector<16xf32>,
      %mul3A_1020 = arith.mulf %get3A_1014, %get3A_1019 : vector<16xf32>
      %get3A_1021 = arith.constant 0 : i32
      %get3A_1022 = arith.index_cast %get3A_1021 : i32 to index
      %get3A_1023 = arith.index_cast %add3A_1009 : i32 to index
      %get3A_1024 = arith.constant 16 : index
      %get3A_1025 = tpu.vector_load %arg7[%get3A_1022, %get3A_1023, %get3A_1024] {strides = array<i32>} : memref<2x128x128xf32, #tpu.memory_space<vmem>>, vector<16xf32>,
      %get3A_1026 = arith.constant 0 : i32
      %get3A_1027 = arith.index_cast %get3A_1026 : i32 to index
      %get3A_1028 = arith.index_cast %add3A_1009 : i32 to index
      %get3A_1029 = arith.constant 80 : index
      %get3A_1030 = tpu.vector_load %arg8[%get3A_1027, %get3A_1028, %get3A_1029] {strides = array<i32>} : memref<2x128x128xf32, #tpu.memory_space<vmem>>, vector<16xf32>,
      %mul3A_1031 = arith.mulf %get3A_1025, %get3A_1030 : vector<16xf32>
      %add3A_1032 = arith.addf %mul3A_1020, %mul3A_1031 : vector<16xf32>
      %get3A_1033 = arith.constant 0 : i32
      %get3A_1034 = arith.index_cast %get3A_1033 : i32 to index
      %get3A_1035 = arith.index_cast %add3A_1009 : i32 to index
      %get3A_1036 = arith.constant 32 : index
      %get3A_1037 = tpu.vector_load %arg7[%get3A_1034, %get3A_1035, %get3A_1036] {strides = array<i32>} : memref<2x128x128xf32, #tpu.memory_space<vmem>>, vector<16xf32>,
      %get3A_1038 = arith.constant 0 : i32
      %get3A_1039 = arith.index_cast %get3A_1038 : i32 to index
      %get3A_1040 = arith.index_cast %add3A_1009 : i32 to index
      %get3A_1041 = arith.constant 96 : index
      %get3A_1042 = tpu.vector_load %arg8[%get3A_1039, %get3A_1040, %get3A_1041] {strides = array<i32>} : memref<2x128x128xf32, #tpu.memory_space<vmem>>, vector<16xf32>,
      %mul3A_1043 = arith.mulf %get3A_1037, %get3A_1042 : vector<16xf32>
      %add3A_1044 = arith.addf %add3A_1032, %mul3A_1043 : vector<16xf32>
      %get3A_1045 = arith.constant 0 : i32
      %get3A_1046 = arith.index_cast %get3A_1045 : i32 to index
      %get3A_1047 = arith.index_cast %add3A_1009 : i32 to index
      %get3A_1048 = arith.constant 48 : index
      %get3A_1049 = tpu.vector_load %arg7[%get3A_1046, %get3A_1047, %get3A_1048] {strides = array<i32>} : memref<2x128x128xf32, #tpu.memory_space<vmem>>, vector<16xf32>,
      %get3A_1050 = arith.constant 0 : i32
      %get3A_1051 = arith.index_cast %get3A_1050 : i32 to index
      %get3A_1052 = arith.index_cast %add3A_1009 : i32 to index
      %get3A_1053 = arith.constant 112 : index
      %get3A_1054 = tpu.vector_load %arg8[%get3A_1051, %get3A_1052, %get3A_1053] {strides = array<i32>} : memref<2x128x128xf32, #tpu.memory_space<vmem>>, vector<16xf32>,
      %mul3A_1055 = arith.mulf %get3A_1049, %get3A_1054 : vector<16xf32>
      %add3A_1056 = arith.addf %add3A_1044, %mul3A_1055 : vector<16xf32>
      %swap3A_1057 = arith.constant 255 : index
      %swap3A_1058 = tpu.vector_load %arg9[%swap3A_1057] {strides = array<i32>} : memref<272xf32, #tpu.memory_space<vmem>>, vector<16xf32>,
      tpu.vector_store %arg9[%swap3A_1057], %add3A_1056 {strides = array<i32>} : memref<272xf32, #tpu.memory_space<vmem>>, vector<16xf32>,
      %gather3A = tpu.vector_load_idx %arg9[%mul3A_30] : memref<272xf32, #tpu.memory_space<vmem>>[vector<16xi32>], vector<16xf32>,
      %add3A_1059 = arith.constant 1 : i32
      %add3A_1060 = vector.broadcast %add3A_1059 : i32 to vector<16xi32>
      %add3A_1061 = arith.addi %mul3A_30, %add3A_1060 : vector<16xi32>
      %gather3A_1062 = tpu.vector_load_idx %arg9[%add3A_1061] : memref<272xf32, #tpu.memory_space<vmem>>[vector<16xi32>], vector<16xf32>,
      %add3A_1063 = arith.addf %gather3A, %gather3A_1062 : vector<16xf32>
      %add3A_1064 = arith.constant 2 : i32
      %add3A_1065 = vector.broadcast %add3A_1064 : i32 to vector<16xi32>
      %add3A_1066 = arith.addi %mul3A_30, %add3A_1065 : vector<16xi32>
      %gather3A_1067 = tpu.vector_load_idx %arg9[%add3A_1066] : memref<272xf32, #tpu.memory_space<vmem>>[vector<16xi32>], vector<16xf32>,
      %add3A_1068 = arith.addf %add3A_1063, %gather3A_1067 : vector<16xf32>
      %add3A_1069 = arith.constant 3 : i32
      %add3A_1070 = vector.broadcast %add3A_1069 : i32 to vector<16xi32>
      %add3A_1071 = arith.addi %mul3A_30, %add3A_1070 : vector<16xi32>
      %gather3A_1072 = tpu.vector_load_idx %arg9[%add3A_1071] : memref<272xf32, #tpu.memory_space<vmem>>[vector<16xi32>], vector<16xf32>,
      %add3A_1073 = arith.addf %add3A_1068, %gather3A_1072 : vector<16xf32>
      %add3A_1074 = arith.constant 4 : i32
      %add3A_1075 = vector.broadcast %add3A_1074 : i32 to vector<16xi32>
      %add3A_1076 = arith.addi %mul3A_30, %add3A_1075 : vector<16xi32>
      %gather3A_1077 = tpu.vector_load_idx %arg9[%add3A_1076] : memref<272xf32, #tpu.memory_space<vmem>>[vector<16xi32>], vector<16xf32>,
      %add3A_1078 = arith.addf %add3A_1073, %gather3A_1077 : vector<16xf32>
      %add3A_1079 = arith.constant 5 : i32
      %add3A_1080 = vector.broadcast %add3A_1079 : i32 to vector<16xi32>
      %add3A_1081 = arith.addi %mul3A_30, %add3A_1080 : vector<16xi32>
      %gather3A_1082 = tpu.vector_load_idx %arg9[%add3A_1081] : memref<272xf32, #tpu.memory_space<vmem>>[vector<16xi32>], vector<16xf32>,
      %add3A_1083 = arith.addf %add3A_1078, %gather3A_1082 : vector<16xf32>
      %add3A_1084 = arith.constant 6 : i32
      %add3A_1085 = vector.broadcast %add3A_1084 : i32 to vector<16xi32>
      %add3A_1086 = arith.addi %mul3A_30, %add3A_1085 : vector<16xi32>
      %gather3A_1087 = tpu.vector_load_idx %arg9[%add3A_1086] : memref<272xf32, #tpu.memory_space<vmem>>[vector<16xi32>], vector<16xf32>,
      %add3A_1088 = arith.addf %add3A_1083, %gather3A_1087 : vector<16xf32>
      %add3A_1089 = arith.constant 7 : i32
      %add3A_1090 = vector.broadcast %add3A_1089 : i32 to vector<16xi32>
      %add3A_1091 = arith.addi %mul3A_30, %add3A_1090 : vector<16xi32>
      %gather3A_1092 = tpu.vector_load_idx %arg9[%add3A_1091] : memref<272xf32, #tpu.memory_space<vmem>>[vector<16xi32>], vector<16xf32>,
      %add3A_1093 = arith.addf %add3A_1088, %gather3A_1092 : vector<16xf32>
      %add3A_1094 = arith.constant 8 : i32
      %add3A_1095 = vector.broadcast %add3A_1094 : i32 to vector<16xi32>
      %add3A_1096 = arith.addi %mul3A_30, %add3A_1095 : vector<16xi32>
      %gather3A_1097 = tpu.vector_load_idx %arg9[%add3A_1096] : memref<272xf32, #tpu.memory_space<vmem>>[vector<16xi32>], vector<16xf32>,
      %add3A_1098 = arith.addf %add3A_1093, %gather3A_1097 : vector<16xf32>
      %add3A_1099 = arith.constant 9 : i32
      %add3A_1100 = vector.broadcast %add3A_1099 : i32 to vector<16xi32>
      %add3A_1101 = arith.addi %mul3A_30, %add3A_1100 : vector<16xi32>
      %gather3A_1102 = tpu.vector_load_idx %arg9[%add3A_1101] : memref<272xf32, #tpu.memory_space<vmem>>[vector<16xi32>], vector<16xf32>,
      %add3A_1103 = arith.addf %add3A_1098, %gather3A_1102 : vector<16xf32>
      %add3A_1104 = arith.constant 10 : i32
      %add3A_1105 = vector.broadcast %add3A_1104 : i32 to vector<16xi32>
      %add3A_1106 = arith.addi %mul3A_30, %add3A_1105 : vector<16xi32>
      %gather3A_1107 = tpu.vector_load_idx %arg9[%add3A_1106] : memref<272xf32, #tpu.memory_space<vmem>>[vector<16xi32>], vector<16xf32>,
      %add3A_1108 = arith.addf %add3A_1103, %gather3A_1107 : vector<16xf32>
      %add3A_1109 = arith.constant 11 : i32
      %add3A_1110 = vector.broadcast %add3A_1109 : i32 to vector<16xi32>
      %add3A_1111 = arith.addi %mul3A_30, %add3A_1110 : vector<16xi32>
      %gather3A_1112 = tpu.vector_load_idx %arg9[%add3A_1111] : memref<272xf32, #tpu.memory_space<vmem>>[vector<16xi32>], vector<16xf32>,
      %add3A_1113 = arith.addf %add3A_1108, %gather3A_1112 : vector<16xf32>
      %add3A_1114 = arith.constant 12 : i32
      %add3A_1115 = vector.broadcast %add3A_1114 : i32 to vector<16xi32>
      %add3A_1116 = arith.addi %mul3A_30, %add3A_1115 : vector<16xi32>
      %gather3A_1117 = tpu.vector_load_idx %arg9[%add3A_1116] : memref<272xf32, #tpu.memory_space<vmem>>[vector<16xi32>], vector<16xf32>,
      %add3A_1118 = arith.addf %add3A_1113, %gather3A_1117 : vector<16xf32>
      %add3A_1119 = arith.constant 13 : i32
      %add3A_1120 = vector.broadcast %add3A_1119 : i32 to vector<16xi32>
      %add3A_1121 = arith.addi %mul3A_30, %add3A_1120 : vector<16xi32>
      %gather3A_1122 = tpu.vector_load_idx %arg9[%add3A_1121] : memref<272xf32, #tpu.memory_space<vmem>>[vector<16xi32>], vector<16xf32>,
      %add3A_1123 = arith.addf %add3A_1118, %gather3A_1122 : vector<16xf32>
      %add3A_1124 = arith.constant 14 : i32
      %add3A_1125 = vector.broadcast %add3A_1124 : i32 to vector<16xi32>
      %add3A_1126 = arith.addi %mul3A_30, %add3A_1125 : vector<16xi32>
      %gather3A_1127 = tpu.vector_load_idx %arg9[%add3A_1126] : memref<272xf32, #tpu.memory_space<vmem>>[vector<16xi32>], vector<16xf32>,
      %add3A_1128 = arith.addf %add3A_1123, %gather3A_1127 : vector<16xf32>
      %add3A_1129 = arith.constant 15 : i32
      %add3A_1130 = vector.broadcast %add3A_1129 : i32 to vector<16xi32>
      %add3A_1131 = arith.addi %mul3A_30, %add3A_1130 : vector<16xi32>
      %gather3A_1132 = tpu.vector_load_idx %arg9[%add3A_1131] : memref<272xf32, #tpu.memory_space<vmem>>[vector<16xi32>], vector<16xf32>,
      %add3A_1133 = arith.addf %add3A_1128, %gather3A_1132 : vector<16xf32>
      %mul3A_1134 = arith.constant 16 : i32
      %mul3A_1135 = arith.muli %scan3A_212, %mul3A_1134 : i32
      %add3A_1136 = arith.constant 0 : i32
      %add3A_1137 = arith.addi %add3A_1136, %mul3A_1135 : i32
      %swap3A_1138 = arith.index_cast %add3A_1137 : i32 to index
      %swap3A_1139 = tpu.vector_load %arg10[%swap3A_1138] {strides = array<i32>} : memref<512xf32, #tpu.memory_space<vmem>>, vector<16xf32>,
      tpu.vector_store %arg10[%swap3A_1138], %add3A_1133 {strides = array<i32>} : memref<512xf32, #tpu.memory_space<vmem>>, vector<16xf32>,
    }
    %scan3A_93 = arith.constant 8 : i32
    %dma_start3A_94 = arith.constant 0 : i32
    %dma_start3A_95 = arith.constant 0 : i32
    %dma_start3A_96 = arith.constant 0 : i32
    %dma_start3A_97 = tpu.memref_slice %arg7[%dma_start3A_94, %dma_start3A_95, %dma_start3A_96] : memref<2x128x128xf32, #tpu.memory_space<vmem>> -> memref<1x128x128xf32, #tpu.memory_space<vmem>>
    %dma_start3A_98 = tpu.memref_squeeze %dma_start3A_97 : memref<1x128x128xf32, #tpu.memory_space<vmem>> -> memref<128x128xf32, #tpu.memory_space<vmem>>
    %dma_start3A_99 = arith.constant 256 : i32
    %dma_start3A_100 = tpu.memref_slice %arg5[%dma_start3A_99] : memref<512xi32, #tpu.memory_space<vmem>> -> memref<128xi32, #tpu.memory_space<vmem>>
    %dma_start3A_101 = arith.constant 0 : i32
    %dma_start3A_102 = arith.constant 0 : i32
    %dma_start3A_103 = tpu.memref_slice %arg3[%dma_start3A_101, %dma_start3A_102] : memref<100000x128xf32, #tpu.memory_space<hbm>> -> memref<100000x128xf32, #tpu.memory_space<hbm>>
    tpu.enqueue_indirect_dma source(%dma_start3A_103 : memref<100000x128xf32, #tpu.memory_space<hbm>>) target(%dma_start3A_98 : memref<128x128xf32, #tpu.memory_space<vmem>>) offsets(%dma_start3A_100 : memref<128xi32, #tpu.memory_space<vmem>>) semaphore(%arg11 : memref<!tpu.dma_semaphore, #tpu.memory_space<semaphore_mem>>)
    %dma_start3A_104 = arith.constant 0 : i32
    %dma_start3A_105 = arith.constant 0 : i32
    %dma_start3A_106 = arith.constant 0 : i32
    %dma_start3A_107 = tpu.memref_slice %arg8[%dma_start3A_104, %dma_start3A_105, %dma_start3A_106] : memref<2x128x128xf32, #tpu.memory_space<vmem>> -> memref<1x128x128xf32, #tpu.memory_space<vmem>>
    %dma_start3A_108 = tpu.memref_squeeze %dma_start3A_107 : memref<1x128x128xf32, #tpu.memory_space<vmem>> -> memref<128x128xf32, #tpu.memory_space<vmem>>
    %dma_start3A_109 = arith.constant 256 : i32
    %dma_start3A_110 = tpu.memref_slice %arg6[%dma_start3A_109] : memref<512xi32, #tpu.memory_space<vmem>> -> memref<128xi32, #tpu.memory_space<vmem>>
    %dma_start3A_111 = arith.constant 0 : i32
    %dma_start3A_112 = arith.constant 0 : i32
    %dma_start3A_113 = tpu.memref_slice %arg3[%dma_start3A_111, %dma_start3A_112] : memref<100000x128xf32, #tpu.memory_space<hbm>> -> memref<100000x128xf32, #tpu.memory_space<hbm>>
    tpu.enqueue_indirect_dma source(%dma_start3A_113 : memref<100000x128xf32, #tpu.memory_space<hbm>>) target(%dma_start3A_108 : memref<128x128xf32, #tpu.memory_space<vmem>>) offsets(%dma_start3A_110 : memref<128xi32, #tpu.memory_space<vmem>>) semaphore(%arg11 : memref<!tpu.dma_semaphore, #tpu.memory_space<semaphore_mem>>)
    %dma_wait3A_114 = arith.constant 1 : i32
    %dma_wait3A_115 = arith.constant 0 : i32
    %dma_wait3A_116 = arith.constant 0 : i32
    %dma_wait3A_117 = tpu.memref_slice %arg7[%dma_wait3A_114, %dma_wait3A_115, %dma_wait3A_116] : memref<2x128x128xf32, #tpu.memory_space<vmem>> -> memref<1x128x128xf32, #tpu.memory_space<vmem>>
    %dma_wait3A_118 = tpu.memref_squeeze %dma_wait3A_117 : memref<1x128x128xf32, #tpu.memory_space<vmem>> -> memref<128x128xf32, #tpu.memory_space<vmem>>
    %dma_wait3A_119 = arith.constant 128 : i32
    %dma_wait3A_120 = tpu.memref_slice %arg5[%dma_wait3A_119] : memref<512xi32, #tpu.memory_space<vmem>> -> memref<128xi32, #tpu.memory_space<vmem>>
    %dma_wait3A_121 = arith.constant 0 : i32
    %dma_wait3A_122 = arith.constant 0 : i32
    %dma_wait3A_123 = tpu.memref_slice %arg3[%dma_wait3A_121, %dma_wait3A_122] : memref<100000x128xf32, #tpu.memory_space<hbm>> -> memref<100000x128xf32, #tpu.memory_space<hbm>>
    tpu.wait_indirect_dma semaphore(%arg11 : memref<!tpu.dma_semaphore, #tpu.memory_space<semaphore_mem>>) src(%dma_wait3A_123 : memref<100000x128xf32, #tpu.memory_space<hbm>>) dst(%dma_wait3A_118 : memref<128x128xf32, #tpu.memory_space<vmem>>)
    %dma_wait3A_124 = arith.constant 1 : i32
    %dma_wait3A_125 = arith.constant 0 : i32
    %dma_wait3A_126 = arith.constant 0 : i32
    %dma_wait3A_127 = tpu.memref_slice %arg8[%dma_wait3A_124, %dma_wait3A_125, %dma_wait3A_126] : memref<2x128x128xf32, #tpu.memory_space<vmem>> -> memref<1x128x128xf32, #tpu.memory_space<vmem>>
    %dma_wait3A_128 = tpu.memref_squeeze %dma_wait3A_127 : memref<1x128x128xf32, #tpu.memory_space<vmem>> -> memref<128x128xf32, #tpu.memory_space<vmem>>
    %dma_wait3A_129 = arith.constant 128 : i32
    %dma_wait3A_130 = tpu.memref_slice %arg6[%dma_wait3A_129] : memref<512xi32, #tpu.memory_space<vmem>> -> memref<128xi32, #tpu.memory_space<vmem>>
    %dma_wait3A_131 = arith.constant 0 : i32
    %dma_wait3A_132 = arith.constant 0 : i32
    %dma_wait3A_133 = tpu.memref_slice %arg3[%dma_wait3A_131, %dma_wait3A_132] : memref<100000x128xf32, #tpu.memory_space<hbm>> -> memref<100000x128xf32, #tpu.memory_space<hbm>>
    tpu.wait_indirect_dma semaphore(%arg11 : memref<!tpu.dma_semaphore, #tpu.memory_space<semaphore_mem>>) src(%dma_wait3A_133 : memref<100000x128xf32, #tpu.memory_space<hbm>>) dst(%dma_wait3A_128 : memref<128x128xf32, #tpu.memory_space<vmem>>)
    %scan3A_134 = arith.constant 0 : i32
    %scan3A_135 = arith.constant 0 : i32
    %scan3A_136 = arith.constant 8 : i32
    %scan3A_137 = arith.addi %scan3A_135, %scan3A_136 : i32
    %scan3A_138 = arith.constant 1 : i32
    scf.for %scan3A_212 = %scan3A_135 to %scan3A_137 step %scan3A_138  : i32 {
      %mul3A_213 = arith.constant 16 : i32
      %mul3A_214 = arith.muli %scan3A_212, %mul3A_213 : i32
      %add3A_215 = arith.constant 0 : i32
      %add3A_216 = arith.addi %mul3A_214, %add3A_215 : i32
      %get3A = arith.constant 1 : i32
      %get3A_217 = arith.index_cast %get3A : i32 to index
      %get3A_218 = arith.index_cast %add3A_216 : i32 to index
      %get3A_219 = arith.constant 0 : index
      %get3A_220 = tpu.vector_load %arg7[%get3A_217, %get3A_218, %get3A_219] {strides = array<i32>} : memref<2x128x128xf32, #tpu.memory_space<vmem>>, vector<16xf32>,
      %get3A_221 = arith.constant 1 : i32
      %get3A_222 = arith.index_cast %get3A_221 : i32 to index
      %get3A_223 = arith.index_cast %add3A_216 : i32 to index
      %get3A_224 = arith.constant 64 : index
      %get3A_225 = tpu.vector_load %arg8[%get3A_222, %get3A_223, %get3A_224] {strides = array<i32>} : memref<2x128x128xf32, #tpu.memory_space<vmem>>, vector<16xf32>,
      %mul3A_226 = arith.mulf %get3A_220, %get3A_225 : vector<16xf32>
      %get3A_227 = arith.constant 1 : i32
      %get3A_228 = arith.index_cast %get3A_227 : i32 to index
      %get3A_229 = arith.index_cast %add3A_216 : i32 to index
      %get3A_230 = arith.constant 16 : index
      %get3A_231 = tpu.vector_load %arg7[%get3A_228, %get3A_229, %get3A_230] {strides = array<i32>} : memref<2x128x128xf32, #tpu.memory_space<vmem>>, vector<16xf32>,
      %get3A_232 = arith.constant 1 : i32
      %get3A_233 = arith.index_cast %get3A_232 : i32 to index
      %get3A_234 = arith.index_cast %add3A_216 : i32 to index
      %get3A_235 = arith.constant 80 : index
      %get3A_236 = tpu.vector_load %arg8[%get3A_233, %get3A_234, %get3A_235] {strides = array<i32>} : memref<2x128x128xf32, #tpu.memory_space<vmem>>, vector<16xf32>,
      %mul3A_237 = arith.mulf %get3A_231, %get3A_236 : vector<16xf32>
      %add3A_238 = arith.addf %mul3A_226, %mul3A_237 : vector<16xf32>
      %get3A_239 = arith.constant 1 : i32
      %get3A_240 = arith.index_cast %get3A_239 : i32 to index
      %get3A_241 = arith.index_cast %add3A_216 : i32 to index
      %get3A_242 = arith.constant 32 : index
      %get3A_243 = tpu.vector_load %arg7[%get3A_240, %get3A_241, %get3A_242] {strides = array<i32>} : memref<2x128x128xf32, #tpu.memory_space<vmem>>, vector<16xf32>,
      %get3A_244 = arith.constant 1 : i32
      %get3A_245 = arith.index_cast %get3A_244 : i32 to index
      %get3A_246 = arith.index_cast %add3A_216 : i32 to index
      %get3A_247 = arith.constant 96 : index
      %get3A_248 = tpu.vector_load %arg8[%get3A_245, %get3A_246, %get3A_247] {strides = array<i32>} : memref<2x128x128xf32, #tpu.memory_space<vmem>>, vector<16xf32>,
      %mul3A_249 = arith.mulf %get3A_243, %get3A_248 : vector<16xf32>
      %add3A_250 = arith.addf %add3A_238, %mul3A_249 : vector<16xf32>
      %get3A_251 = arith.constant 1 : i32
      %get3A_252 = arith.index_cast %get3A_251 : i32 to index
      %get3A_253 = arith.index_cast %add3A_216 : i32 to index
      %get3A_254 = arith.constant 48 : index
      %get3A_255 = tpu.vector_load %arg7[%get3A_252, %get3A_253, %get3A_254] {strides = array<i32>} : memref<2x128x128xf32, #tpu.memory_space<vmem>>, vector<16xf32>,
      %get3A_256 = arith.constant 1 : i32
      %get3A_257 = arith.index_cast %get3A_256 : i32 to index
      %get3A_258 = arith.index_cast %add3A_216 : i32 to index
      %get3A_259 = arith.constant 112 : index
      %get3A_260 = tpu.vector_load %arg8[%get3A_257, %get3A_258, %get3A_259] {strides = array<i32>} : memref<2x128x128xf32, #tpu.memory_space<vmem>>, vector<16xf32>,
      %mul3A_261 = arith.mulf %get3A_255, %get3A_260 : vector<16xf32>
      %add3A_262 = arith.addf %add3A_250, %mul3A_261 : vector<16xf32>
      %swap3A = arith.constant 0 : index
      %swap3A_263 = tpu.vector_load %arg9[%swap3A] {strides = array<i32>} : memref<272xf32, #tpu.memory_space<vmem>>, vector<16xf32>,
      tpu.vector_store %arg9[%swap3A], %add3A_262 {strides = array<i32>} : memref<272xf32, #tpu.memory_space<vmem>>, vector<16xf32>,
      %mul3A_264 = arith.constant 16 : i32
      %mul3A_265 = arith.muli %scan3A_212, %mul3A_264 : i32
      %add3A_266 = arith.constant 1 : i32
      %add3A_267 = arith.addi %mul3A_265, %add3A_266 : i32
      %get3A_268 = arith.constant 1 : i32
      %get3A_269 = arith.index_cast %get3A_268 : i32 to index
      %get3A_270 = arith.index_cast %add3A_267 : i32 to index
      %get3A_271 = arith.constant 0 : index
      %get3A_272 = tpu.vector_load %arg7[%get3A_269, %get3A_270, %get3A_271] {strides = array<i32>} : memref<2x128x128xf32, #tpu.memory_space<vmem>>, vector<16xf32>,
      %get3A_273 = arith.constant 1 : i32
      %get3A_274 = arith.index_cast %get3A_273 : i32 to index
      %get3A_275 = arith.index_cast %add3A_267 : i32 to index
      %get3A_276 = arith.constant 64 : index
      %get3A_277 = tpu.vector_load %arg8[%get3A_274, %get3A_275, %get3A_276] {strides = array<i32>} : memref<2x128x128xf32, #tpu.memory_space<vmem>>, vector<16xf32>,
      %mul3A_278 = arith.mulf %get3A_272, %get3A_277 : vector<16xf32>
      %get3A_279 = arith.constant 1 : i32
      %get3A_280 = arith.index_cast %get3A_279 : i32 to index
      %get3A_281 = arith.index_cast %add3A_267 : i32 to index
      %get3A_282 = arith.constant 16 : index
      %get3A_283 = tpu.vector_load %arg7[%get3A_280, %get3A_281, %get3A_282] {strides = array<i32>} : memref<2x128x128xf32, #tpu.memory_space<vmem>>, vector<16xf32>,
      %get3A_284 = arith.constant 1 : i32
      %get3A_285 = arith.index_cast %get3A_284 : i32 to index
      %get3A_286 = arith.index_cast %add3A_267 : i32 to index
      %get3A_287 = arith.constant 80 : index
      %get3A_288 = tpu.vector_load %arg8[%get3A_285, %get3A_286, %get3A_287] {strides = array<i32>} : memref<2x128x128xf32, #tpu.memory_space<vmem>>, vector<16xf32>,
      %mul3A_289 = arith.mulf %get3A_283, %get3A_288 : vector<16xf32>
      %add3A_290 = arith.addf %mul3A_278, %mul3A_289 : vector<16xf32>
      %get3A_291 = arith.constant 1 : i32
      %get3A_292 = arith.index_cast %get3A_291 : i32 to index
      %get3A_293 = arith.index_cast %add3A_267 : i32 to index
      %get3A_294 = arith.constant 32 : index
      %get3A_295 = tpu.vector_load %arg7[%get3A_292, %get3A_293, %get3A_294] {strides = array<i32>} : memref<2x128x128xf32, #tpu.memory_space<vmem>>, vector<16xf32>,
      %get3A_296 = arith.constant 1 : i32
      %get3A_297 = arith.index_cast %get3A_296 : i32 to index
      %get3A_298 = arith.index_cast %add3A_267 : i32 to index
      %get3A_299 = arith.constant 96 : index
      %get3A_300 = tpu.vector_load %arg8[%get3A_297, %get3A_298, %get3A_299] {strides = array<i32>} : memref<2x128x128xf32, #tpu.memory_space<vmem>>, vector<16xf32>,
      %mul3A_301 = arith.mulf %get3A_295, %get3A_300 : vector<16xf32>
      %add3A_302 = arith.addf %add3A_290, %mul3A_301 : vector<16xf32>
      %get3A_303 = arith.constant 1 : i32
      %get3A_304 = arith.index_cast %get3A_303 : i32 to index
      %get3A_305 = arith.index_cast %add3A_267 : i32 to index
      %get3A_306 = arith.constant 48 : index
      %get3A_307 = tpu.vector_load %arg7[%get3A_304, %get3A_305, %get3A_306] {strides = array<i32>} : memref<2x128x128xf32, #tpu.memory_space<vmem>>, vector<16xf32>,
      %get3A_308 = arith.constant 1 : i32
      %get3A_309 = arith.index_cast %get3A_308 : i32 to index
      %get3A_310 = arith.index_cast %add3A_267 : i32 to index
      %get3A_311 = arith.constant 112 : index
      %get3A_312 = tpu.vector_load %arg8[%get3A_309, %get3A_310, %get3A_311] {strides = array<i32>} : memref<2x128x128xf32, #tpu.memory_space<vmem>>, vector<16xf32>,
      %mul3A_313 = arith.mulf %get3A_307, %get3A_312 : vector<16xf32>
      %add3A_314 = arith.addf %add3A_302, %mul3A_313 : vector<16xf32>
      %swap3A_315 = arith.constant 17 : index
      %swap3A_316 = tpu.vector_load %arg9[%swap3A_315] {strides = array<i32>} : memref<272xf32, #tpu.memory_space<vmem>>, vector<16xf32>,
      tpu.vector_store %arg9[%swap3A_315], %add3A_314 {strides = array<i32>} : memref<272xf32, #tpu.memory_space<vmem>>, vector<16xf32>,
      %mul3A_317 = arith.constant 16 : i32
      %mul3A_318 = arith.muli %scan3A_212, %mul3A_317 : i32
      %add3A_319 = arith.constant 2 : i32
      %add3A_320 = arith.addi %mul3A_318, %add3A_319 : i32
      %get3A_321 = arith.constant 1 : i32
      %get3A_322 = arith.index_cast %get3A_321 : i32 to index
      %get3A_323 = arith.index_cast %add3A_320 : i32 to index
      %get3A_324 = arith.constant 0 : index
      %get3A_325 = tpu.vector_load %arg7[%get3A_322, %get3A_323, %get3A_324] {strides = array<i32>} : memref<2x128x128xf32, #tpu.memory_space<vmem>>, vector<16xf32>,
      %get3A_326 = arith.constant 1 : i32
      %get3A_327 = arith.index_cast %get3A_326 : i32 to index
      %get3A_328 = arith.index_cast %add3A_320 : i32 to index
      %get3A_329 = arith.constant 64 : index
      %get3A_330 = tpu.vector_load %arg8[%get3A_327, %get3A_328, %get3A_329] {strides = array<i32>} : memref<2x128x128xf32, #tpu.memory_space<vmem>>, vector<16xf32>,
      %mul3A_331 = arith.mulf %get3A_325, %get3A_330 : vector<16xf32>
      %get3A_332 = arith.constant 1 : i32
      %get3A_333 = arith.index_cast %get3A_332 : i32 to index
      %get3A_334 = arith.index_cast %add3A_320 : i32 to index
      %get3A_335 = arith.constant 16 : index
      %get3A_336 = tpu.vector_load %arg7[%get3A_333, %get3A_334, %get3A_335] {strides = array<i32>} : memref<2x128x128xf32, #tpu.memory_space<vmem>>, vector<16xf32>,
      %get3A_337 = arith.constant 1 : i32
      %get3A_338 = arith.index_cast %get3A_337 : i32 to index
      %get3A_339 = arith.index_cast %add3A_320 : i32 to index
      %get3A_340 = arith.constant 80 : index
      %get3A_341 = tpu.vector_load %arg8[%get3A_338, %get3A_339, %get3A_340] {strides = array<i32>} : memref<2x128x128xf32, #tpu.memory_space<vmem>>, vector<16xf32>,
      %mul3A_342 = arith.mulf %get3A_336, %get3A_341 : vector<16xf32>
      %add3A_343 = arith.addf %mul3A_331, %mul3A_342 : vector<16xf32>
      %get3A_344 = arith.constant 1 : i32
      %get3A_345 = arith.index_cast %get3A_344 : i32 to index
      %get3A_346 = arith.index_cast %add3A_320 : i32 to index
      %get3A_347 = arith.constant 32 : index
      %get3A_348 = tpu.vector_load %arg7[%get3A_345, %get3A_346, %get3A_347] {strides = array<i32>} : memref<2x128x128xf32, #tpu.memory_space<vmem>>, vector<16xf32>,
      %get3A_349 = arith.constant 1 : i32
      %get3A_350 = arith.index_cast %get3A_349 : i32 to index
      %get3A_351 = arith.index_cast %add3A_320 : i32 to index
      %get3A_352 = arith.constant 96 : index
      %get3A_353 = tpu.vector_load %arg8[%get3A_350, %get3A_351, %get3A_352] {strides = array<i32>} : memref<2x128x128xf32, #tpu.memory_space<vmem>>, vector<16xf32>,
      %mul3A_354 = arith.mulf %get3A_348, %get3A_353 : vector<16xf32>
      %add3A_355 = arith.addf %add3A_343, %mul3A_354 : vector<16xf32>
      %get3A_356 = arith.constant 1 : i32
      %get3A_357 = arith.index_cast %get3A_356 : i32 to index
      %get3A_358 = arith.index_cast %add3A_320 : i32 to index
      %get3A_359 = arith.constant 48 : index
      %get3A_360 = tpu.vector_load %arg7[%get3A_357, %get3A_358, %get3A_359] {strides = array<i32>} : memref<2x128x128xf32, #tpu.memory_space<vmem>>, vector<16xf32>,
      %get3A_361 = arith.constant 1 : i32
      %get3A_362 = arith.index_cast %get3A_361 : i32 to index
      %get3A_363 = arith.index_cast %add3A_320 : i32 to index
      %get3A_364 = arith.constant 112 : index
      %get3A_365 = tpu.vector_load %arg8[%get3A_362, %get3A_363, %get3A_364] {strides = array<i32>} : memref<2x128x128xf32, #tpu.memory_space<vmem>>, vector<16xf32>,
      %mul3A_366 = arith.mulf %get3A_360, %get3A_365 : vector<16xf32>
      %add3A_367 = arith.addf %add3A_355, %mul3A_366 : vector<16xf32>
      %swap3A_368 = arith.constant 34 : index
      %swap3A_369 = tpu.vector_load %arg9[%swap3A_368] {strides = array<i32>} : memref<272xf32, #tpu.memory_space<vmem>>, vector<16xf32>,
      tpu.vector_store %arg9[%swap3A_368], %add3A_367 {strides = array<i32>} : memref<272xf32, #tpu.memory_space<vmem>>, vector<16xf32>,
      %mul3A_370 = arith.constant 16 : i32
      %mul3A_371 = arith.muli %scan3A_212, %mul3A_370 : i32
      %add3A_372 = arith.constant 3 : i32
      %add3A_373 = arith.addi %mul3A_371, %add3A_372 : i32
      %get3A_374 = arith.constant 1 : i32
      %get3A_375 = arith.index_cast %get3A_374 : i32 to index
      %get3A_376 = arith.index_cast %add3A_373 : i32 to index
      %get3A_377 = arith.constant 0 : index
      %get3A_378 = tpu.vector_load %arg7[%get3A_375, %get3A_376, %get3A_377] {strides = array<i32>} : memref<2x128x128xf32, #tpu.memory_space<vmem>>, vector<16xf32>,
      %get3A_379 = arith.constant 1 : i32
      %get3A_380 = arith.index_cast %get3A_379 : i32 to index
      %get3A_381 = arith.index_cast %add3A_373 : i32 to index
      %get3A_382 = arith.constant 64 : index
      %get3A_383 = tpu.vector_load %arg8[%get3A_380, %get3A_381, %get3A_382] {strides = array<i32>} : memref<2x128x128xf32, #tpu.memory_space<vmem>>, vector<16xf32>,
      %mul3A_384 = arith.mulf %get3A_378, %get3A_383 : vector<16xf32>
      %get3A_385 = arith.constant 1 : i32
      %get3A_386 = arith.index_cast %get3A_385 : i32 to index
      %get3A_387 = arith.index_cast %add3A_373 : i32 to index
      %get3A_388 = arith.constant 16 : index
      %get3A_389 = tpu.vector_load %arg7[%get3A_386, %get3A_387, %get3A_388] {strides = array<i32>} : memref<2x128x128xf32, #tpu.memory_space<vmem>>, vector<16xf32>,
      %get3A_390 = arith.constant 1 : i32
      %get3A_391 = arith.index_cast %get3A_390 : i32 to index
      %get3A_392 = arith.index_cast %add3A_373 : i32 to index
      %get3A_393 = arith.constant 80 : index
      %get3A_394 = tpu.vector_load %arg8[%get3A_391, %get3A_392, %get3A_393] {strides = array<i32>} : memref<2x128x128xf32, #tpu.memory_space<vmem>>, vector<16xf32>,
      %mul3A_395 = arith.mulf %get3A_389, %get3A_394 : vector<16xf32>
      %add3A_396 = arith.addf %mul3A_384, %mul3A_395 : vector<16xf32>
      %get3A_397 = arith.constant 1 : i32
      %get3A_398 = arith.index_cast %get3A_397 : i32 to index
      %get3A_399 = arith.index_cast %add3A_373 : i32 to index
      %get3A_400 = arith.constant 32 : index
      %get3A_401 = tpu.vector_load %arg7[%get3A_398, %get3A_399, %get3A_400] {strides = array<i32>} : memref<2x128x128xf32, #tpu.memory_space<vmem>>, vector<16xf32>,
      %get3A_402 = arith.constant 1 : i32
      %get3A_403 = arith.index_cast %get3A_402 : i32 to index
      %get3A_404 = arith.index_cast %add3A_373 : i32 to index
      %get3A_405 = arith.constant 96 : index
      %get3A_406 = tpu.vector_load %arg8[%get3A_403, %get3A_404, %get3A_405] {strides = array<i32>} : memref<2x128x128xf32, #tpu.memory_space<vmem>>, vector<16xf32>,
      %mul3A_407 = arith.mulf %get3A_401, %get3A_406 : vector<16xf32>
      %add3A_408 = arith.addf %add3A_396, %mul3A_407 : vector<16xf32>
      %get3A_409 = arith.constant 1 : i32
      %get3A_410 = arith.index_cast %get3A_409 : i32 to index
      %get3A_411 = arith.index_cast %add3A_373 : i32 to index
      %get3A_412 = arith.constant 48 : index
      %get3A_413 = tpu.vector_load %arg7[%get3A_410, %get3A_411, %get3A_412] {strides = array<i32>} : memref<2x128x128xf32, #tpu.memory_space<vmem>>, vector<16xf32>,
      %get3A_414 = arith.constant 1 : i32
      %get3A_415 = arith.index_cast %get3A_414 : i32 to index
      %get3A_416 = arith.index_cast %add3A_373 : i32 to index
      %get3A_417 = arith.constant 112 : index
      %get3A_418 = tpu.vector_load %arg8[%get3A_415, %get3A_416, %get3A_417] {strides = array<i32>} : memref<2x128x128xf32, #tpu.memory_space<vmem>>, vector<16xf32>,
      %mul3A_419 = arith.mulf %get3A_413, %get3A_418 : vector<16xf32>
      %add3A_420 = arith.addf %add3A_408, %mul3A_419 : vector<16xf32>
      %swap3A_421 = arith.constant 51 : index
      %swap3A_422 = tpu.vector_load %arg9[%swap3A_421] {strides = array<i32>} : memref<272xf32, #tpu.memory_space<vmem>>, vector<16xf32>,
      tpu.vector_store %arg9[%swap3A_421], %add3A_420 {strides = array<i32>} : memref<272xf32, #tpu.memory_space<vmem>>, vector<16xf32>,
      %mul3A_423 = arith.constant 16 : i32
      %mul3A_424 = arith.muli %scan3A_212, %mul3A_423 : i32
      %add3A_425 = arith.constant 4 : i32
      %add3A_426 = arith.addi %mul3A_424, %add3A_425 : i32
      %get3A_427 = arith.constant 1 : i32
      %get3A_428 = arith.index_cast %get3A_427 : i32 to index
      %get3A_429 = arith.index_cast %add3A_426 : i32 to index
      %get3A_430 = arith.constant 0 : index
      %get3A_431 = tpu.vector_load %arg7[%get3A_428, %get3A_429, %get3A_430] {strides = array<i32>} : memref<2x128x128xf32, #tpu.memory_space<vmem>>, vector<16xf32>,
      %get3A_432 = arith.constant 1 : i32
      %get3A_433 = arith.index_cast %get3A_432 : i32 to index
      %get3A_434 = arith.index_cast %add3A_426 : i32 to index
      %get3A_435 = arith.constant 64 : index
      %get3A_436 = tpu.vector_load %arg8[%get3A_433, %get3A_434, %get3A_435] {strides = array<i32>} : memref<2x128x128xf32, #tpu.memory_space<vmem>>, vector<16xf32>,
      %mul3A_437 = arith.mulf %get3A_431, %get3A_436 : vector<16xf32>
      %get3A_438 = arith.constant 1 : i32
      %get3A_439 = arith.index_cast %get3A_438 : i32 to index
      %get3A_440 = arith.index_cast %add3A_426 : i32 to index
      %get3A_441 = arith.constant 16 : index
      %get3A_442 = tpu.vector_load %arg7[%get3A_439, %get3A_440, %get3A_441] {strides = array<i32>} : memref<2x128x128xf32, #tpu.memory_space<vmem>>, vector<16xf32>,
      %get3A_443 = arith.constant 1 : i32
      %get3A_444 = arith.index_cast %get3A_443 : i32 to index
      %get3A_445 = arith.index_cast %add3A_426 : i32 to index
      %get3A_446 = arith.constant 80 : index
      %get3A_447 = tpu.vector_load %arg8[%get3A_444, %get3A_445, %get3A_446] {strides = array<i32>} : memref<2x128x128xf32, #tpu.memory_space<vmem>>, vector<16xf32>,
      %mul3A_448 = arith.mulf %get3A_442, %get3A_447 : vector<16xf32>
      %add3A_449 = arith.addf %mul3A_437, %mul3A_448 : vector<16xf32>
      %get3A_450 = arith.constant 1 : i32
      %get3A_451 = arith.index_cast %get3A_450 : i32 to index
      %get3A_452 = arith.index_cast %add3A_426 : i32 to index
      %get3A_453 = arith.constant 32 : index
      %get3A_454 = tpu.vector_load %arg7[%get3A_451, %get3A_452, %get3A_453] {strides = array<i32>} : memref<2x128x128xf32, #tpu.memory_space<vmem>>, vector<16xf32>,
      %get3A_455 = arith.constant 1 : i32
      %get3A_456 = arith.index_cast %get3A_455 : i32 to index
      %get3A_457 = arith.index_cast %add3A_426 : i32 to index
      %get3A_458 = arith.constant 96 : index
      %get3A_459 = tpu.vector_load %arg8[%get3A_456, %get3A_457, %get3A_458] {strides = array<i32>} : memref<2x128x128xf32, #tpu.memory_space<vmem>>, vector<16xf32>,
      %mul3A_460 = arith.mulf %get3A_454, %get3A_459 : vector<16xf32>
      %add3A_461 = arith.addf %add3A_449, %mul3A_460 : vector<16xf32>
      %get3A_462 = arith.constant 1 : i32
      %get3A_463 = arith.index_cast %get3A_462 : i32 to index
      %get3A_464 = arith.index_cast %add3A_426 : i32 to index
      %get3A_465 = arith.constant 48 : index
      %get3A_466 = tpu.vector_load %arg7[%get3A_463, %get3A_464, %get3A_465] {strides = array<i32>} : memref<2x128x128xf32, #tpu.memory_space<vmem>>, vector<16xf32>,
      %get3A_467 = arith.constant 1 : i32
      %get3A_468 = arith.index_cast %get3A_467 : i32 to index
      %get3A_469 = arith.index_cast %add3A_426 : i32 to index
      %get3A_470 = arith.constant 112 : index
      %get3A_471 = tpu.vector_load %arg8[%get3A_468, %get3A_469, %get3A_470] {strides = array<i32>} : memref<2x128x128xf32, #tpu.memory_space<vmem>>, vector<16xf32>,
      %mul3A_472 = arith.mulf %get3A_466, %get3A_471 : vector<16xf32>
      %add3A_473 = arith.addf %add3A_461, %mul3A_472 : vector<16xf32>
      %swap3A_474 = arith.constant 68 : index
      %swap3A_475 = tpu.vector_load %arg9[%swap3A_474] {strides = array<i32>} : memref<272xf32, #tpu.memory_space<vmem>>, vector<16xf32>,
      tpu.vector_store %arg9[%swap3A_474], %add3A_473 {strides = array<i32>} : memref<272xf32, #tpu.memory_space<vmem>>, vector<16xf32>,
      %mul3A_476 = arith.constant 16 : i32
      %mul3A_477 = arith.muli %scan3A_212, %mul3A_476 : i32
      %add3A_478 = arith.constant 5 : i32
      %add3A_479 = arith.addi %mul3A_477, %add3A_478 : i32
      %get3A_480 = arith.constant 1 : i32
      %get3A_481 = arith.index_cast %get3A_480 : i32 to index
      %get3A_482 = arith.index_cast %add3A_479 : i32 to index
      %get3A_483 = arith.constant 0 : index
      %get3A_484 = tpu.vector_load %arg7[%get3A_481, %get3A_482, %get3A_483] {strides = array<i32>} : memref<2x128x128xf32, #tpu.memory_space<vmem>>, vector<16xf32>,
      %get3A_485 = arith.constant 1 : i32
      %get3A_486 = arith.index_cast %get3A_485 : i32 to index
      %get3A_487 = arith.index_cast %add3A_479 : i32 to index
      %get3A_488 = arith.constant 64 : index
      %get3A_489 = tpu.vector_load %arg8[%get3A_486, %get3A_487, %get3A_488] {strides = array<i32>} : memref<2x128x128xf32, #tpu.memory_space<vmem>>, vector<16xf32>,
      %mul3A_490 = arith.mulf %get3A_484, %get3A_489 : vector<16xf32>
      %get3A_491 = arith.constant 1 : i32
      %get3A_492 = arith.index_cast %get3A_491 : i32 to index
      %get3A_493 = arith.index_cast %add3A_479 : i32 to index
      %get3A_494 = arith.constant 16 : index
      %get3A_495 = tpu.vector_load %arg7[%get3A_492, %get3A_493, %get3A_494] {strides = array<i32>} : memref<2x128x128xf32, #tpu.memory_space<vmem>>, vector<16xf32>,
      %get3A_496 = arith.constant 1 : i32
      %get3A_497 = arith.index_cast %get3A_496 : i32 to index
      %get3A_498 = arith.index_cast %add3A_479 : i32 to index
      %get3A_499 = arith.constant 80 : index
      %get3A_500 = tpu.vector_load %arg8[%get3A_497, %get3A_498, %get3A_499] {strides = array<i32>} : memref<2x128x128xf32, #tpu.memory_space<vmem>>, vector<16xf32>,
      %mul3A_501 = arith.mulf %get3A_495, %get3A_500 : vector<16xf32>
      %add3A_502 = arith.addf %mul3A_490, %mul3A_501 : vector<16xf32>
      %get3A_503 = arith.constant 1 : i32
      %get3A_504 = arith.index_cast %get3A_503 : i32 to index
      %get3A_505 = arith.index_cast %add3A_479 : i32 to index
      %get3A_506 = arith.constant 32 : index
      %get3A_507 = tpu.vector_load %arg7[%get3A_504, %get3A_505, %get3A_506] {strides = array<i32>} : memref<2x128x128xf32, #tpu.memory_space<vmem>>, vector<16xf32>,
      %get3A_508 = arith.constant 1 : i32
      %get3A_509 = arith.index_cast %get3A_508 : i32 to index
      %get3A_510 = arith.index_cast %add3A_479 : i32 to index
      %get3A_511 = arith.constant 96 : index
      %get3A_512 = tpu.vector_load %arg8[%get3A_509, %get3A_510, %get3A_511] {strides = array<i32>} : memref<2x128x128xf32, #tpu.memory_space<vmem>>, vector<16xf32>,
      %mul3A_513 = arith.mulf %get3A_507, %get3A_512 : vector<16xf32>
      %add3A_514 = arith.addf %add3A_502, %mul3A_513 : vector<16xf32>
      %get3A_515 = arith.constant 1 : i32
      %get3A_516 = arith.index_cast %get3A_515 : i32 to index
      %get3A_517 = arith.index_cast %add3A_479 : i32 to index
      %get3A_518 = arith.constant 48 : index
      %get3A_519 = tpu.vector_load %arg7[%get3A_516, %get3A_517, %get3A_518] {strides = array<i32>} : memref<2x128x128xf32, #tpu.memory_space<vmem>>, vector<16xf32>,
      %get3A_520 = arith.constant 1 : i32
      %get3A_521 = arith.index_cast %get3A_520 : i32 to index
      %get3A_522 = arith.index_cast %add3A_479 : i32 to index
      %get3A_523 = arith.constant 112 : index
      %get3A_524 = tpu.vector_load %arg8[%get3A_521, %get3A_522, %get3A_523] {strides = array<i32>} : memref<2x128x128xf32, #tpu.memory_space<vmem>>, vector<16xf32>,
      %mul3A_525 = arith.mulf %get3A_519, %get3A_524 : vector<16xf32>
      %add3A_526 = arith.addf %add3A_514, %mul3A_525 : vector<16xf32>
      %swap3A_527 = arith.constant 85 : index
      %swap3A_528 = tpu.vector_load %arg9[%swap3A_527] {strides = array<i32>} : memref<272xf32, #tpu.memory_space<vmem>>, vector<16xf32>,
      tpu.vector_store %arg9[%swap3A_527], %add3A_526 {strides = array<i32>} : memref<272xf32, #tpu.memory_space<vmem>>, vector<16xf32>,
      %mul3A_529 = arith.constant 16 : i32
      %mul3A_530 = arith.muli %scan3A_212, %mul3A_529 : i32
      %add3A_531 = arith.constant 6 : i32
      %add3A_532 = arith.addi %mul3A_530, %add3A_531 : i32
      %get3A_533 = arith.constant 1 : i32
      %get3A_534 = arith.index_cast %get3A_533 : i32 to index
      %get3A_535 = arith.index_cast %add3A_532 : i32 to index
      %get3A_536 = arith.constant 0 : index
      %get3A_537 = tpu.vector_load %arg7[%get3A_534, %get3A_535, %get3A_536] {strides = array<i32>} : memref<2x128x128xf32, #tpu.memory_space<vmem>>, vector<16xf32>,
      %get3A_538 = arith.constant 1 : i32
      %get3A_539 = arith.index_cast %get3A_538 : i32 to index
      %get3A_540 = arith.index_cast %add3A_532 : i32 to index
      %get3A_541 = arith.constant 64 : index
      %get3A_542 = tpu.vector_load %arg8[%get3A_539, %get3A_540, %get3A_541] {strides = array<i32>} : memref<2x128x128xf32, #tpu.memory_space<vmem>>, vector<16xf32>,
      %mul3A_543 = arith.mulf %get3A_537, %get3A_542 : vector<16xf32>
      %get3A_544 = arith.constant 1 : i32
      %get3A_545 = arith.index_cast %get3A_544 : i32 to index
      %get3A_546 = arith.index_cast %add3A_532 : i32 to index
      %get3A_547 = arith.constant 16 : index
      %get3A_548 = tpu.vector_load %arg7[%get3A_545, %get3A_546, %get3A_547] {strides = array<i32>} : memref<2x128x128xf32, #tpu.memory_space<vmem>>, vector<16xf32>,
      %get3A_549 = arith.constant 1 : i32
      %get3A_550 = arith.index_cast %get3A_549 : i32 to index
      %get3A_551 = arith.index_cast %add3A_532 : i32 to index
      %get3A_552 = arith.constant 80 : index
      %get3A_553 = tpu.vector_load %arg8[%get3A_550, %get3A_551, %get3A_552] {strides = array<i32>} : memref<2x128x128xf32, #tpu.memory_space<vmem>>, vector<16xf32>,
      %mul3A_554 = arith.mulf %get3A_548, %get3A_553 : vector<16xf32>
      %add3A_555 = arith.addf %mul3A_543, %mul3A_554 : vector<16xf32>
      %get3A_556 = arith.constant 1 : i32
      %get3A_557 = arith.index_cast %get3A_556 : i32 to index
      %get3A_558 = arith.index_cast %add3A_532 : i32 to index
      %get3A_559 = arith.constant 32 : index
      %get3A_560 = tpu.vector_load %arg7[%get3A_557, %get3A_558, %get3A_559] {strides = array<i32>} : memref<2x128x128xf32, #tpu.memory_space<vmem>>, vector<16xf32>,
      %get3A_561 = arith.constant 1 : i32
      %get3A_562 = arith.index_cast %get3A_561 : i32 to index
      %get3A_563 = arith.index_cast %add3A_532 : i32 to index
      %get3A_564 = arith.constant 96 : index
      %get3A_565 = tpu.vector_load %arg8[%get3A_562, %get3A_563, %get3A_564] {strides = array<i32>} : memref<2x128x128xf32, #tpu.memory_space<vmem>>, vector<16xf32>,
      %mul3A_566 = arith.mulf %get3A_560, %get3A_565 : vector<16xf32>
      %add3A_567 = arith.addf %add3A_555, %mul3A_566 : vector<16xf32>
      %get3A_568 = arith.constant 1 : i32
      %get3A_569 = arith.index_cast %get3A_568 : i32 to index
      %get3A_570 = arith.index_cast %add3A_532 : i32 to index
      %get3A_571 = arith.constant 48 : index
      %get3A_572 = tpu.vector_load %arg7[%get3A_569, %get3A_570, %get3A_571] {strides = array<i32>} : memref<2x128x128xf32, #tpu.memory_space<vmem>>, vector<16xf32>,
      %get3A_573 = arith.constant 1 : i32
      %get3A_574 = arith.index_cast %get3A_573 : i32 to index
      %get3A_575 = arith.index_cast %add3A_532 : i32 to index
      %get3A_576 = arith.constant 112 : index
      %get3A_577 = tpu.vector_load %arg8[%get3A_574, %get3A_575, %get3A_576] {strides = array<i32>} : memref<2x128x128xf32, #tpu.memory_space<vmem>>, vector<16xf32>,
      %mul3A_578 = arith.mulf %get3A_572, %get3A_577 : vector<16xf32>
      %add3A_579 = arith.addf %add3A_567, %mul3A_578 : vector<16xf32>
      %swap3A_580 = arith.constant 102 : index
      %swap3A_581 = tpu.vector_load %arg9[%swap3A_580] {strides = array<i32>} : memref<272xf32, #tpu.memory_space<vmem>>, vector<16xf32>,
      tpu.vector_store %arg9[%swap3A_580], %add3A_579 {strides = array<i32>} : memref<272xf32, #tpu.memory_space<vmem>>, vector<16xf32>,
      %mul3A_582 = arith.constant 16 : i32
      %mul3A_583 = arith.muli %scan3A_212, %mul3A_582 : i32
      %add3A_584 = arith.constant 7 : i32
      %add3A_585 = arith.addi %mul3A_583, %add3A_584 : i32
      %get3A_586 = arith.constant 1 : i32
      %get3A_587 = arith.index_cast %get3A_586 : i32 to index
      %get3A_588 = arith.index_cast %add3A_585 : i32 to index
      %get3A_589 = arith.constant 0 : index
      %get3A_590 = tpu.vector_load %arg7[%get3A_587, %get3A_588, %get3A_589] {strides = array<i32>} : memref<2x128x128xf32, #tpu.memory_space<vmem>>, vector<16xf32>,
      %get3A_591 = arith.constant 1 : i32
      %get3A_592 = arith.index_cast %get3A_591 : i32 to index
      %get3A_593 = arith.index_cast %add3A_585 : i32 to index
      %get3A_594 = arith.constant 64 : index
      %get3A_595 = tpu.vector_load %arg8[%get3A_592, %get3A_593, %get3A_594] {strides = array<i32>} : memref<2x128x128xf32, #tpu.memory_space<vmem>>, vector<16xf32>,
      %mul3A_596 = arith.mulf %get3A_590, %get3A_595 : vector<16xf32>
      %get3A_597 = arith.constant 1 : i32
      %get3A_598 = arith.index_cast %get3A_597 : i32 to index
      %get3A_599 = arith.index_cast %add3A_585 : i32 to index
      %get3A_600 = arith.constant 16 : index
      %get3A_601 = tpu.vector_load %arg7[%get3A_598, %get3A_599, %get3A_600] {strides = array<i32>} : memref<2x128x128xf32, #tpu.memory_space<vmem>>, vector<16xf32>,
      %get3A_602 = arith.constant 1 : i32
      %get3A_603 = arith.index_cast %get3A_602 : i32 to index
      %get3A_604 = arith.index_cast %add3A_585 : i32 to index
      %get3A_605 = arith.constant 80 : index
      %get3A_606 = tpu.vector_load %arg8[%get3A_603, %get3A_604, %get3A_605] {strides = array<i32>} : memref<2x128x128xf32, #tpu.memory_space<vmem>>, vector<16xf32>,
      %mul3A_607 = arith.mulf %get3A_601, %get3A_606 : vector<16xf32>
      %add3A_608 = arith.addf %mul3A_596, %mul3A_607 : vector<16xf32>
      %get3A_609 = arith.constant 1 : i32
      %get3A_610 = arith.index_cast %get3A_609 : i32 to index
      %get3A_611 = arith.index_cast %add3A_585 : i32 to index
      %get3A_612 = arith.constant 32 : index
      %get3A_613 = tpu.vector_load %arg7[%get3A_610, %get3A_611, %get3A_612] {strides = array<i32>} : memref<2x128x128xf32, #tpu.memory_space<vmem>>, vector<16xf32>,
      %get3A_614 = arith.constant 1 : i32
      %get3A_615 = arith.index_cast %get3A_614 : i32 to index
      %get3A_616 = arith.index_cast %add3A_585 : i32 to index
      %get3A_617 = arith.constant 96 : index
      %get3A_618 = tpu.vector_load %arg8[%get3A_615, %get3A_616, %get3A_617] {strides = array<i32>} : memref<2x128x128xf32, #tpu.memory_space<vmem>>, vector<16xf32>,
      %mul3A_619 = arith.mulf %get3A_613, %get3A_618 : vector<16xf32>
      %add3A_620 = arith.addf %add3A_608, %mul3A_619 : vector<16xf32>
      %get3A_621 = arith.constant 1 : i32
      %get3A_622 = arith.index_cast %get3A_621 : i32 to index
      %get3A_623 = arith.index_cast %add3A_585 : i32 to index
      %get3A_624 = arith.constant 48 : index
      %get3A_625 = tpu.vector_load %arg7[%get3A_622, %get3A_623, %get3A_624] {strides = array<i32>} : memref<2x128x128xf32, #tpu.memory_space<vmem>>, vector<16xf32>,
      %get3A_626 = arith.constant 1 : i32
      %get3A_627 = arith.index_cast %get3A_626 : i32 to index
      %get3A_628 = arith.index_cast %add3A_585 : i32 to index
      %get3A_629 = arith.constant 112 : index
      %get3A_630 = tpu.vector_load %arg8[%get3A_627, %get3A_628, %get3A_629] {strides = array<i32>} : memref<2x128x128xf32, #tpu.memory_space<vmem>>, vector<16xf32>,
      %mul3A_631 = arith.mulf %get3A_625, %get3A_630 : vector<16xf32>
      %add3A_632 = arith.addf %add3A_620, %mul3A_631 : vector<16xf32>
      %swap3A_633 = arith.constant 119 : index
      %swap3A_634 = tpu.vector_load %arg9[%swap3A_633] {strides = array<i32>} : memref<272xf32, #tpu.memory_space<vmem>>, vector<16xf32>,
      tpu.vector_store %arg9[%swap3A_633], %add3A_632 {strides = array<i32>} : memref<272xf32, #tpu.memory_space<vmem>>, vector<16xf32>,
      %mul3A_635 = arith.constant 16 : i32
      %mul3A_636 = arith.muli %scan3A_212, %mul3A_635 : i32
      %add3A_637 = arith.constant 8 : i32
      %add3A_638 = arith.addi %mul3A_636, %add3A_637 : i32
      %get3A_639 = arith.constant 1 : i32
      %get3A_640 = arith.index_cast %get3A_639 : i32 to index
      %get3A_641 = arith.index_cast %add3A_638 : i32 to index
      %get3A_642 = arith.constant 0 : index
      %get3A_643 = tpu.vector_load %arg7[%get3A_640, %get3A_641, %get3A_642] {strides = array<i32>} : memref<2x128x128xf32, #tpu.memory_space<vmem>>, vector<16xf32>,
      %get3A_644 = arith.constant 1 : i32
      %get3A_645 = arith.index_cast %get3A_644 : i32 to index
      %get3A_646 = arith.index_cast %add3A_638 : i32 to index
      %get3A_647 = arith.constant 64 : index
      %get3A_648 = tpu.vector_load %arg8[%get3A_645, %get3A_646, %get3A_647] {strides = array<i32>} : memref<2x128x128xf32, #tpu.memory_space<vmem>>, vector<16xf32>,
      %mul3A_649 = arith.mulf %get3A_643, %get3A_648 : vector<16xf32>
      %get3A_650 = arith.constant 1 : i32
      %get3A_651 = arith.index_cast %get3A_650 : i32 to index
      %get3A_652 = arith.index_cast %add3A_638 : i32 to index
      %get3A_653 = arith.constant 16 : index
      %get3A_654 = tpu.vector_load %arg7[%get3A_651, %get3A_652, %get3A_653] {strides = array<i32>} : memref<2x128x128xf32, #tpu.memory_space<vmem>>, vector<16xf32>,
      %get3A_655 = arith.constant 1 : i32
      %get3A_656 = arith.index_cast %get3A_655 : i32 to index
      %get3A_657 = arith.index_cast %add3A_638 : i32 to index
      %get3A_658 = arith.constant 80 : index
      %get3A_659 = tpu.vector_load %arg8[%get3A_656, %get3A_657, %get3A_658] {strides = array<i32>} : memref<2x128x128xf32, #tpu.memory_space<vmem>>, vector<16xf32>,
      %mul3A_660 = arith.mulf %get3A_654, %get3A_659 : vector<16xf32>
      %add3A_661 = arith.addf %mul3A_649, %mul3A_660 : vector<16xf32>
      %get3A_662 = arith.constant 1 : i32
      %get3A_663 = arith.index_cast %get3A_662 : i32 to index
      %get3A_664 = arith.index_cast %add3A_638 : i32 to index
      %get3A_665 = arith.constant 32 : index
      %get3A_666 = tpu.vector_load %arg7[%get3A_663, %get3A_664, %get3A_665] {strides = array<i32>} : memref<2x128x128xf32, #tpu.memory_space<vmem>>, vector<16xf32>,
      %get3A_667 = arith.constant 1 : i32
      %get3A_668 = arith.index_cast %get3A_667 : i32 to index
      %get3A_669 = arith.index_cast %add3A_638 : i32 to index
      %get3A_670 = arith.constant 96 : index
      %get3A_671 = tpu.vector_load %arg8[%get3A_668, %get3A_669, %get3A_670] {strides = array<i32>} : memref<2x128x128xf32, #tpu.memory_space<vmem>>, vector<16xf32>,
      %mul3A_672 = arith.mulf %get3A_666, %get3A_671 : vector<16xf32>
      %add3A_673 = arith.addf %add3A_661, %mul3A_672 : vector<16xf32>
      %get3A_674 = arith.constant 1 : i32
      %get3A_675 = arith.index_cast %get3A_674 : i32 to index
      %get3A_676 = arith.index_cast %add3A_638 : i32 to index
      %get3A_677 = arith.constant 48 : index
      %get3A_678 = tpu.vector_load %arg7[%get3A_675, %get3A_676, %get3A_677] {strides = array<i32>} : memref<2x128x128xf32, #tpu.memory_space<vmem>>, vector<16xf32>,
      %get3A_679 = arith.constant 1 : i32
      %get3A_680 = arith.index_cast %get3A_679 : i32 to index
      %get3A_681 = arith.index_cast %add3A_638 : i32 to index
      %get3A_682 = arith.constant 112 : index
      %get3A_683 = tpu.vector_load %arg8[%get3A_680, %get3A_681, %get3A_682] {strides = array<i32>} : memref<2x128x128xf32, #tpu.memory_space<vmem>>, vector<16xf32>,
      %mul3A_684 = arith.mulf %get3A_678, %get3A_683 : vector<16xf32>
      %add3A_685 = arith.addf %add3A_673, %mul3A_684 : vector<16xf32>
      %swap3A_686 = arith.constant 136 : index
      %swap3A_687 = tpu.vector_load %arg9[%swap3A_686] {strides = array<i32>} : memref<272xf32, #tpu.memory_space<vmem>>, vector<16xf32>,
      tpu.vector_store %arg9[%swap3A_686], %add3A_685 {strides = array<i32>} : memref<272xf32, #tpu.memory_space<vmem>>, vector<16xf32>,
      %mul3A_688 = arith.constant 16 : i32
      %mul3A_689 = arith.muli %scan3A_212, %mul3A_688 : i32
      %add3A_690 = arith.constant 9 : i32
      %add3A_691 = arith.addi %mul3A_689, %add3A_690 : i32
      %get3A_692 = arith.constant 1 : i32
      %get3A_693 = arith.index_cast %get3A_692 : i32 to index
      %get3A_694 = arith.index_cast %add3A_691 : i32 to index
      %get3A_695 = arith.constant 0 : index
      %get3A_696 = tpu.vector_load %arg7[%get3A_693, %get3A_694, %get3A_695] {strides = array<i32>} : memref<2x128x128xf32, #tpu.memory_space<vmem>>, vector<16xf32>,
      %get3A_697 = arith.constant 1 : i32
      %get3A_698 = arith.index_cast %get3A_697 : i32 to index
      %get3A_699 = arith.index_cast %add3A_691 : i32 to index
      %get3A_700 = arith.constant 64 : index
      %get3A_701 = tpu.vector_load %arg8[%get3A_698, %get3A_699, %get3A_700] {strides = array<i32>} : memref<2x128x128xf32, #tpu.memory_space<vmem>>, vector<16xf32>,
      %mul3A_702 = arith.mulf %get3A_696, %get3A_701 : vector<16xf32>
      %get3A_703 = arith.constant 1 : i32
      %get3A_704 = arith.index_cast %get3A_703 : i32 to index
      %get3A_705 = arith.index_cast %add3A_691 : i32 to index
      %get3A_706 = arith.constant 16 : index
      %get3A_707 = tpu.vector_load %arg7[%get3A_704, %get3A_705, %get3A_706] {strides = array<i32>} : memref<2x128x128xf32, #tpu.memory_space<vmem>>, vector<16xf32>,
      %get3A_708 = arith.constant 1 : i32
      %get3A_709 = arith.index_cast %get3A_708 : i32 to index
      %get3A_710 = arith.index_cast %add3A_691 : i32 to index
      %get3A_711 = arith.constant 80 : index
      %get3A_712 = tpu.vector_load %arg8[%get3A_709, %get3A_710, %get3A_711] {strides = array<i32>} : memref<2x128x128xf32, #tpu.memory_space<vmem>>, vector<16xf32>,
      %mul3A_713 = arith.mulf %get3A_707, %get3A_712 : vector<16xf32>
      %add3A_714 = arith.addf %mul3A_702, %mul3A_713 : vector<16xf32>
      %get3A_715 = arith.constant 1 : i32
      %get3A_716 = arith.index_cast %get3A_715 : i32 to index
      %get3A_717 = arith.index_cast %add3A_691 : i32 to index
      %get3A_718 = arith.constant 32 : index
      %get3A_719 = tpu.vector_load %arg7[%get3A_716, %get3A_717, %get3A_718] {strides = array<i32>} : memref<2x128x128xf32, #tpu.memory_space<vmem>>, vector<16xf32>,
      %get3A_720 = arith.constant 1 : i32
      %get3A_721 = arith.index_cast %get3A_720 : i32 to index
      %get3A_722 = arith.index_cast %add3A_691 : i32 to index
      %get3A_723 = arith.constant 96 : index
      %get3A_724 = tpu.vector_load %arg8[%get3A_721, %get3A_722, %get3A_723] {strides = array<i32>} : memref<2x128x128xf32, #tpu.memory_space<vmem>>, vector<16xf32>,
      %mul3A_725 = arith.mulf %get3A_719, %get3A_724 : vector<16xf32>
      %add3A_726 = arith.addf %add3A_714, %mul3A_725 : vector<16xf32>
      %get3A_727 = arith.constant 1 : i32
      %get3A_728 = arith.index_cast %get3A_727 : i32 to index
      %get3A_729 = arith.index_cast %add3A_691 : i32 to index
      %get3A_730 = arith.constant 48 : index
      %get3A_731 = tpu.vector_load %arg7[%get3A_728, %get3A_729, %get3A_730] {strides = array<i32>} : memref<2x128x128xf32, #tpu.memory_space<vmem>>, vector<16xf32>,
      %get3A_732 = arith.constant 1 : i32
      %get3A_733 = arith.index_cast %get3A_732 : i32 to index
      %get3A_734 = arith.index_cast %add3A_691 : i32 to index
      %get3A_735 = arith.constant 112 : index
      %get3A_736 = tpu.vector_load %arg8[%get3A_733, %get3A_734, %get3A_735] {strides = array<i32>} : memref<2x128x128xf32, #tpu.memory_space<vmem>>, vector<16xf32>,
      %mul3A_737 = arith.mulf %get3A_731, %get3A_736 : vector<16xf32>
      %add3A_738 = arith.addf %add3A_726, %mul3A_737 : vector<16xf32>
      %swap3A_739 = arith.constant 153 : index
      %swap3A_740 = tpu.vector_load %arg9[%swap3A_739] {strides = array<i32>} : memref<272xf32, #tpu.memory_space<vmem>>, vector<16xf32>,
      tpu.vector_store %arg9[%swap3A_739], %add3A_738 {strides = array<i32>} : memref<272xf32, #tpu.memory_space<vmem>>, vector<16xf32>,
      %mul3A_741 = arith.constant 16 : i32
      %mul3A_742 = arith.muli %scan3A_212, %mul3A_741 : i32
      %add3A_743 = arith.constant 10 : i32
      %add3A_744 = arith.addi %mul3A_742, %add3A_743 : i32
      %get3A_745 = arith.constant 1 : i32
      %get3A_746 = arith.index_cast %get3A_745 : i32 to index
      %get3A_747 = arith.index_cast %add3A_744 : i32 to index
      %get3A_748 = arith.constant 0 : index
      %get3A_749 = tpu.vector_load %arg7[%get3A_746, %get3A_747, %get3A_748] {strides = array<i32>} : memref<2x128x128xf32, #tpu.memory_space<vmem>>, vector<16xf32>,
      %get3A_750 = arith.constant 1 : i32
      %get3A_751 = arith.index_cast %get3A_750 : i32 to index
      %get3A_752 = arith.index_cast %add3A_744 : i32 to index
      %get3A_753 = arith.constant 64 : index
      %get3A_754 = tpu.vector_load %arg8[%get3A_751, %get3A_752, %get3A_753] {strides = array<i32>} : memref<2x128x128xf32, #tpu.memory_space<vmem>>, vector<16xf32>,
      %mul3A_755 = arith.mulf %get3A_749, %get3A_754 : vector<16xf32>
      %get3A_756 = arith.constant 1 : i32
      %get3A_757 = arith.index_cast %get3A_756 : i32 to index
      %get3A_758 = arith.index_cast %add3A_744 : i32 to index
      %get3A_759 = arith.constant 16 : index
      %get3A_760 = tpu.vector_load %arg7[%get3A_757, %get3A_758, %get3A_759] {strides = array<i32>} : memref<2x128x128xf32, #tpu.memory_space<vmem>>, vector<16xf32>,
      %get3A_761 = arith.constant 1 : i32
      %get3A_762 = arith.index_cast %get3A_761 : i32 to index
      %get3A_763 = arith.index_cast %add3A_744 : i32 to index
      %get3A_764 = arith.constant 80 : index
      %get3A_765 = tpu.vector_load %arg8[%get3A_762, %get3A_763, %get3A_764] {strides = array<i32>} : memref<2x128x128xf32, #tpu.memory_space<vmem>>, vector<16xf32>,
      %mul3A_766 = arith.mulf %get3A_760, %get3A_765 : vector<16xf32>
      %add3A_767 = arith.addf %mul3A_755, %mul3A_766 : vector<16xf32>
      %get3A_768 = arith.constant 1 : i32
      %get3A_769 = arith.index_cast %get3A_768 : i32 to index
      %get3A_770 = arith.index_cast %add3A_744 : i32 to index
      %get3A_771 = arith.constant 32 : index
      %get3A_772 = tpu.vector_load %arg7[%get3A_769, %get3A_770, %get3A_771] {strides = array<i32>} : memref<2x128x128xf32, #tpu.memory_space<vmem>>, vector<16xf32>,
      %get3A_773 = arith.constant 1 : i32
      %get3A_774 = arith.index_cast %get3A_773 : i32 to index
      %get3A_775 = arith.index_cast %add3A_744 : i32 to index
      %get3A_776 = arith.constant 96 : index
      %get3A_777 = tpu.vector_load %arg8[%get3A_774, %get3A_775, %get3A_776] {strides = array<i32>} : memref<2x128x128xf32, #tpu.memory_space<vmem>>, vector<16xf32>,
      %mul3A_778 = arith.mulf %get3A_772, %get3A_777 : vector<16xf32>
      %add3A_779 = arith.addf %add3A_767, %mul3A_778 : vector<16xf32>
      %get3A_780 = arith.constant 1 : i32
      %get3A_781 = arith.index_cast %get3A_780 : i32 to index
      %get3A_782 = arith.index_cast %add3A_744 : i32 to index
      %get3A_783 = arith.constant 48 : index
      %get3A_784 = tpu.vector_load %arg7[%get3A_781, %get3A_782, %get3A_783] {strides = array<i32>} : memref<2x128x128xf32, #tpu.memory_space<vmem>>, vector<16xf32>,
      %get3A_785 = arith.constant 1 : i32
      %get3A_786 = arith.index_cast %get3A_785 : i32 to index
      %get3A_787 = arith.index_cast %add3A_744 : i32 to index
      %get3A_788 = arith.constant 112 : index
      %get3A_789 = tpu.vector_load %arg8[%get3A_786, %get3A_787, %get3A_788] {strides = array<i32>} : memref<2x128x128xf32, #tpu.memory_space<vmem>>, vector<16xf32>,
      %mul3A_790 = arith.mulf %get3A_784, %get3A_789 : vector<16xf32>
      %add3A_791 = arith.addf %add3A_779, %mul3A_790 : vector<16xf32>
      %swap3A_792 = arith.constant 170 : index
      %swap3A_793 = tpu.vector_load %arg9[%swap3A_792] {strides = array<i32>} : memref<272xf32, #tpu.memory_space<vmem>>, vector<16xf32>,
      tpu.vector_store %arg9[%swap3A_792], %add3A_791 {strides = array<i32>} : memref<272xf32, #tpu.memory_space<vmem>>, vector<16xf32>,
      %mul3A_794 = arith.constant 16 : i32
      %mul3A_795 = arith.muli %scan3A_212, %mul3A_794 : i32
      %add3A_796 = arith.constant 11 : i32
      %add3A_797 = arith.addi %mul3A_795, %add3A_796 : i32
      %get3A_798 = arith.constant 1 : i32
      %get3A_799 = arith.index_cast %get3A_798 : i32 to index
      %get3A_800 = arith.index_cast %add3A_797 : i32 to index
      %get3A_801 = arith.constant 0 : index
      %get3A_802 = tpu.vector_load %arg7[%get3A_799, %get3A_800, %get3A_801] {strides = array<i32>} : memref<2x128x128xf32, #tpu.memory_space<vmem>>, vector<16xf32>,
      %get3A_803 = arith.constant 1 : i32
      %get3A_804 = arith.index_cast %get3A_803 : i32 to index
      %get3A_805 = arith.index_cast %add3A_797 : i32 to index
      %get3A_806 = arith.constant 64 : index
      %get3A_807 = tpu.vector_load %arg8[%get3A_804, %get3A_805, %get3A_806] {strides = array<i32>} : memref<2x128x128xf32, #tpu.memory_space<vmem>>, vector<16xf32>,
      %mul3A_808 = arith.mulf %get3A_802, %get3A_807 : vector<16xf32>
      %get3A_809 = arith.constant 1 : i32
      %get3A_810 = arith.index_cast %get3A_809 : i32 to index
      %get3A_811 = arith.index_cast %add3A_797 : i32 to index
      %get3A_812 = arith.constant 16 : index
      %get3A_813 = tpu.vector_load %arg7[%get3A_810, %get3A_811, %get3A_812] {strides = array<i32>} : memref<2x128x128xf32, #tpu.memory_space<vmem>>, vector<16xf32>,
      %get3A_814 = arith.constant 1 : i32
      %get3A_815 = arith.index_cast %get3A_814 : i32 to index
      %get3A_816 = arith.index_cast %add3A_797 : i32 to index
      %get3A_817 = arith.constant 80 : index
      %get3A_818 = tpu.vector_load %arg8[%get3A_815, %get3A_816, %get3A_817] {strides = array<i32>} : memref<2x128x128xf32, #tpu.memory_space<vmem>>, vector<16xf32>,
      %mul3A_819 = arith.mulf %get3A_813, %get3A_818 : vector<16xf32>
      %add3A_820 = arith.addf %mul3A_808, %mul3A_819 : vector<16xf32>
      %get3A_821 = arith.constant 1 : i32
      %get3A_822 = arith.index_cast %get3A_821 : i32 to index
      %get3A_823 = arith.index_cast %add3A_797 : i32 to index
      %get3A_824 = arith.constant 32 : index
      %get3A_825 = tpu.vector_load %arg7[%get3A_822, %get3A_823, %get3A_824] {strides = array<i32>} : memref<2x128x128xf32, #tpu.memory_space<vmem>>, vector<16xf32>,
      %get3A_826 = arith.constant 1 : i32
      %get3A_827 = arith.index_cast %get3A_826 : i32 to index
      %get3A_828 = arith.index_cast %add3A_797 : i32 to index
      %get3A_829 = arith.constant 96 : index
      %get3A_830 = tpu.vector_load %arg8[%get3A_827, %get3A_828, %get3A_829] {strides = array<i32>} : memref<2x128x128xf32, #tpu.memory_space<vmem>>, vector<16xf32>,
      %mul3A_831 = arith.mulf %get3A_825, %get3A_830 : vector<16xf32>
      %add3A_832 = arith.addf %add3A_820, %mul3A_831 : vector<16xf32>
      %get3A_833 = arith.constant 1 : i32
      %get3A_834 = arith.index_cast %get3A_833 : i32 to index
      %get3A_835 = arith.index_cast %add3A_797 : i32 to index
      %get3A_836 = arith.constant 48 : index
      %get3A_837 = tpu.vector_load %arg7[%get3A_834, %get3A_835, %get3A_836] {strides = array<i32>} : memref<2x128x128xf32, #tpu.memory_space<vmem>>, vector<16xf32>,
      %get3A_838 = arith.constant 1 : i32
      %get3A_839 = arith.index_cast %get3A_838 : i32 to index
      %get3A_840 = arith.index_cast %add3A_797 : i32 to index
      %get3A_841 = arith.constant 112 : index
      %get3A_842 = tpu.vector_load %arg8[%get3A_839, %get3A_840, %get3A_841] {strides = array<i32>} : memref<2x128x128xf32, #tpu.memory_space<vmem>>, vector<16xf32>,
      %mul3A_843 = arith.mulf %get3A_837, %get3A_842 : vector<16xf32>
      %add3A_844 = arith.addf %add3A_832, %mul3A_843 : vector<16xf32>
      %swap3A_845 = arith.constant 187 : index
      %swap3A_846 = tpu.vector_load %arg9[%swap3A_845] {strides = array<i32>} : memref<272xf32, #tpu.memory_space<vmem>>, vector<16xf32>,
      tpu.vector_store %arg9[%swap3A_845], %add3A_844 {strides = array<i32>} : memref<272xf32, #tpu.memory_space<vmem>>, vector<16xf32>,
      %mul3A_847 = arith.constant 16 : i32
      %mul3A_848 = arith.muli %scan3A_212, %mul3A_847 : i32
      %add3A_849 = arith.constant 12 : i32
      %add3A_850 = arith.addi %mul3A_848, %add3A_849 : i32
      %get3A_851 = arith.constant 1 : i32
      %get3A_852 = arith.index_cast %get3A_851 : i32 to index
      %get3A_853 = arith.index_cast %add3A_850 : i32 to index
      %get3A_854 = arith.constant 0 : index
      %get3A_855 = tpu.vector_load %arg7[%get3A_852, %get3A_853, %get3A_854] {strides = array<i32>} : memref<2x128x128xf32, #tpu.memory_space<vmem>>, vector<16xf32>,
      %get3A_856 = arith.constant 1 : i32
      %get3A_857 = arith.index_cast %get3A_856 : i32 to index
      %get3A_858 = arith.index_cast %add3A_850 : i32 to index
      %get3A_859 = arith.constant 64 : index
      %get3A_860 = tpu.vector_load %arg8[%get3A_857, %get3A_858, %get3A_859] {strides = array<i32>} : memref<2x128x128xf32, #tpu.memory_space<vmem>>, vector<16xf32>,
      %mul3A_861 = arith.mulf %get3A_855, %get3A_860 : vector<16xf32>
      %get3A_862 = arith.constant 1 : i32
      %get3A_863 = arith.index_cast %get3A_862 : i32 to index
      %get3A_864 = arith.index_cast %add3A_850 : i32 to index
      %get3A_865 = arith.constant 16 : index
      %get3A_866 = tpu.vector_load %arg7[%get3A_863, %get3A_864, %get3A_865] {strides = array<i32>} : memref<2x128x128xf32, #tpu.memory_space<vmem>>, vector<16xf32>,
      %get3A_867 = arith.constant 1 : i32
      %get3A_868 = arith.index_cast %get3A_867 : i32 to index
      %get3A_869 = arith.index_cast %add3A_850 : i32 to index
      %get3A_870 = arith.constant 80 : index
      %get3A_871 = tpu.vector_load %arg8[%get3A_868, %get3A_869, %get3A_870] {strides = array<i32>} : memref<2x128x128xf32, #tpu.memory_space<vmem>>, vector<16xf32>,
      %mul3A_872 = arith.mulf %get3A_866, %get3A_871 : vector<16xf32>
      %add3A_873 = arith.addf %mul3A_861, %mul3A_872 : vector<16xf32>
      %get3A_874 = arith.constant 1 : i32
      %get3A_875 = arith.index_cast %get3A_874 : i32 to index
      %get3A_876 = arith.index_cast %add3A_850 : i32 to index
      %get3A_877 = arith.constant 32 : index
      %get3A_878 = tpu.vector_load %arg7[%get3A_875, %get3A_876, %get3A_877] {strides = array<i32>} : memref<2x128x128xf32, #tpu.memory_space<vmem>>, vector<16xf32>,
      %get3A_879 = arith.constant 1 : i32
      %get3A_880 = arith.index_cast %get3A_879 : i32 to index
      %get3A_881 = arith.index_cast %add3A_850 : i32 to index
      %get3A_882 = arith.constant 96 : index
      %get3A_883 = tpu.vector_load %arg8[%get3A_880, %get3A_881, %get3A_882] {strides = array<i32>} : memref<2x128x128xf32, #tpu.memory_space<vmem>>, vector<16xf32>,
      %mul3A_884 = arith.mulf %get3A_878, %get3A_883 : vector<16xf32>
      %add3A_885 = arith.addf %add3A_873, %mul3A_884 : vector<16xf32>
      %get3A_886 = arith.constant 1 : i32
      %get3A_887 = arith.index_cast %get3A_886 : i32 to index
      %get3A_888 = arith.index_cast %add3A_850 : i32 to index
      %get3A_889 = arith.constant 48 : index
      %get3A_890 = tpu.vector_load %arg7[%get3A_887, %get3A_888, %get3A_889] {strides = array<i32>} : memref<2x128x128xf32, #tpu.memory_space<vmem>>, vector<16xf32>,
      %get3A_891 = arith.constant 1 : i32
      %get3A_892 = arith.index_cast %get3A_891 : i32 to index
      %get3A_893 = arith.index_cast %add3A_850 : i32 to index
      %get3A_894 = arith.constant 112 : index
      %get3A_895 = tpu.vector_load %arg8[%get3A_892, %get3A_893, %get3A_894] {strides = array<i32>} : memref<2x128x128xf32, #tpu.memory_space<vmem>>, vector<16xf32>,
      %mul3A_896 = arith.mulf %get3A_890, %get3A_895 : vector<16xf32>
      %add3A_897 = arith.addf %add3A_885, %mul3A_896 : vector<16xf32>
      %swap3A_898 = arith.constant 204 : index
      %swap3A_899 = tpu.vector_load %arg9[%swap3A_898] {strides = array<i32>} : memref<272xf32, #tpu.memory_space<vmem>>, vector<16xf32>,
      tpu.vector_store %arg9[%swap3A_898], %add3A_897 {strides = array<i32>} : memref<272xf32, #tpu.memory_space<vmem>>, vector<16xf32>,
      %mul3A_900 = arith.constant 16 : i32
      %mul3A_901 = arith.muli %scan3A_212, %mul3A_900 : i32
      %add3A_902 = arith.constant 13 : i32
      %add3A_903 = arith.addi %mul3A_901, %add3A_902 : i32
      %get3A_904 = arith.constant 1 : i32
      %get3A_905 = arith.index_cast %get3A_904 : i32 to index
      %get3A_906 = arith.index_cast %add3A_903 : i32 to index
      %get3A_907 = arith.constant 0 : index
      %get3A_908 = tpu.vector_load %arg7[%get3A_905, %get3A_906, %get3A_907] {strides = array<i32>} : memref<2x128x128xf32, #tpu.memory_space<vmem>>, vector<16xf32>,
      %get3A_909 = arith.constant 1 : i32
      %get3A_910 = arith.index_cast %get3A_909 : i32 to index
      %get3A_911 = arith.index_cast %add3A_903 : i32 to index
      %get3A_912 = arith.constant 64 : index
      %get3A_913 = tpu.vector_load %arg8[%get3A_910, %get3A_911, %get3A_912] {strides = array<i32>} : memref<2x128x128xf32, #tpu.memory_space<vmem>>, vector<16xf32>,
      %mul3A_914 = arith.mulf %get3A_908, %get3A_913 : vector<16xf32>
      %get3A_915 = arith.constant 1 : i32
      %get3A_916 = arith.index_cast %get3A_915 : i32 to index
      %get3A_917 = arith.index_cast %add3A_903 : i32 to index
      %get3A_918 = arith.constant 16 : index
      %get3A_919 = tpu.vector_load %arg7[%get3A_916, %get3A_917, %get3A_918] {strides = array<i32>} : memref<2x128x128xf32, #tpu.memory_space<vmem>>, vector<16xf32>,
      %get3A_920 = arith.constant 1 : i32
      %get3A_921 = arith.index_cast %get3A_920 : i32 to index
      %get3A_922 = arith.index_cast %add3A_903 : i32 to index
      %get3A_923 = arith.constant 80 : index
      %get3A_924 = tpu.vector_load %arg8[%get3A_921, %get3A_922, %get3A_923] {strides = array<i32>} : memref<2x128x128xf32, #tpu.memory_space<vmem>>, vector<16xf32>,
      %mul3A_925 = arith.mulf %get3A_919, %get3A_924 : vector<16xf32>
      %add3A_926 = arith.addf %mul3A_914, %mul3A_925 : vector<16xf32>
      %get3A_927 = arith.constant 1 : i32
      %get3A_928 = arith.index_cast %get3A_927 : i32 to index
      %get3A_929 = arith.index_cast %add3A_903 : i32 to index
      %get3A_930 = arith.constant 32 : index
      %get3A_931 = tpu.vector_load %arg7[%get3A_928, %get3A_929, %get3A_930] {strides = array<i32>} : memref<2x128x128xf32, #tpu.memory_space<vmem>>, vector<16xf32>,
      %get3A_932 = arith.constant 1 : i32
      %get3A_933 = arith.index_cast %get3A_932 : i32 to index
      %get3A_934 = arith.index_cast %add3A_903 : i32 to index
      %get3A_935 = arith.constant 96 : index
      %get3A_936 = tpu.vector_load %arg8[%get3A_933, %get3A_934, %get3A_935] {strides = array<i32>} : memref<2x128x128xf32, #tpu.memory_space<vmem>>, vector<16xf32>,
      %mul3A_937 = arith.mulf %get3A_931, %get3A_936 : vector<16xf32>
      %add3A_938 = arith.addf %add3A_926, %mul3A_937 : vector<16xf32>
      %get3A_939 = arith.constant 1 : i32
      %get3A_940 = arith.index_cast %get3A_939 : i32 to index
      %get3A_941 = arith.index_cast %add3A_903 : i32 to index
      %get3A_942 = arith.constant 48 : index
      %get3A_943 = tpu.vector_load %arg7[%get3A_940, %get3A_941, %get3A_942] {strides = array<i32>} : memref<2x128x128xf32, #tpu.memory_space<vmem>>, vector<16xf32>,
      %get3A_944 = arith.constant 1 : i32
      %get3A_945 = arith.index_cast %get3A_944 : i32 to index
      %get3A_946 = arith.index_cast %add3A_903 : i32 to index
      %get3A_947 = arith.constant 112 : index
      %get3A_948 = tpu.vector_load %arg8[%get3A_945, %get3A_946, %get3A_947] {strides = array<i32>} : memref<2x128x128xf32, #tpu.memory_space<vmem>>, vector<16xf32>,
      %mul3A_949 = arith.mulf %get3A_943, %get3A_948 : vector<16xf32>
      %add3A_950 = arith.addf %add3A_938, %mul3A_949 : vector<16xf32>
      %swap3A_951 = arith.constant 221 : index
      %swap3A_952 = tpu.vector_load %arg9[%swap3A_951] {strides = array<i32>} : memref<272xf32, #tpu.memory_space<vmem>>, vector<16xf32>,
      tpu.vector_store %arg9[%swap3A_951], %add3A_950 {strides = array<i32>} : memref<272xf32, #tpu.memory_space<vmem>>, vector<16xf32>,
      %mul3A_953 = arith.constant 16 : i32
      %mul3A_954 = arith.muli %scan3A_212, %mul3A_953 : i32
      %add3A_955 = arith.constant 14 : i32
      %add3A_956 = arith.addi %mul3A_954, %add3A_955 : i32
      %get3A_957 = arith.constant 1 : i32
      %get3A_958 = arith.index_cast %get3A_957 : i32 to index
      %get3A_959 = arith.index_cast %add3A_956 : i32 to index
      %get3A_960 = arith.constant 0 : index
      %get3A_961 = tpu.vector_load %arg7[%get3A_958, %get3A_959, %get3A_960] {strides = array<i32>} : memref<2x128x128xf32, #tpu.memory_space<vmem>>, vector<16xf32>,
      %get3A_962 = arith.constant 1 : i32
      %get3A_963 = arith.index_cast %get3A_962 : i32 to index
      %get3A_964 = arith.index_cast %add3A_956 : i32 to index
      %get3A_965 = arith.constant 64 : index
      %get3A_966 = tpu.vector_load %arg8[%get3A_963, %get3A_964, %get3A_965] {strides = array<i32>} : memref<2x128x128xf32, #tpu.memory_space<vmem>>, vector<16xf32>,
      %mul3A_967 = arith.mulf %get3A_961, %get3A_966 : vector<16xf32>
      %get3A_968 = arith.constant 1 : i32
      %get3A_969 = arith.index_cast %get3A_968 : i32 to index
      %get3A_970 = arith.index_cast %add3A_956 : i32 to index
      %get3A_971 = arith.constant 16 : index
      %get3A_972 = tpu.vector_load %arg7[%get3A_969, %get3A_970, %get3A_971] {strides = array<i32>} : memref<2x128x128xf32, #tpu.memory_space<vmem>>, vector<16xf32>,
      %get3A_973 = arith.constant 1 : i32
      %get3A_974 = arith.index_cast %get3A_973 : i32 to index
      %get3A_975 = arith.index_cast %add3A_956 : i32 to index
      %get3A_976 = arith.constant 80 : index
      %get3A_977 = tpu.vector_load %arg8[%get3A_974, %get3A_975, %get3A_976] {strides = array<i32>} : memref<2x128x128xf32, #tpu.memory_space<vmem>>, vector<16xf32>,
      %mul3A_978 = arith.mulf %get3A_972, %get3A_977 : vector<16xf32>
      %add3A_979 = arith.addf %mul3A_967, %mul3A_978 : vector<16xf32>
      %get3A_980 = arith.constant 1 : i32
      %get3A_981 = arith.index_cast %get3A_980 : i32 to index
      %get3A_982 = arith.index_cast %add3A_956 : i32 to index
      %get3A_983 = arith.constant 32 : index
      %get3A_984 = tpu.vector_load %arg7[%get3A_981, %get3A_982, %get3A_983] {strides = array<i32>} : memref<2x128x128xf32, #tpu.memory_space<vmem>>, vector<16xf32>,
      %get3A_985 = arith.constant 1 : i32
      %get3A_986 = arith.index_cast %get3A_985 : i32 to index
      %get3A_987 = arith.index_cast %add3A_956 : i32 to index
      %get3A_988 = arith.constant 96 : index
      %get3A_989 = tpu.vector_load %arg8[%get3A_986, %get3A_987, %get3A_988] {strides = array<i32>} : memref<2x128x128xf32, #tpu.memory_space<vmem>>, vector<16xf32>,
      %mul3A_990 = arith.mulf %get3A_984, %get3A_989 : vector<16xf32>
      %add3A_991 = arith.addf %add3A_979, %mul3A_990 : vector<16xf32>
      %get3A_992 = arith.constant 1 : i32
      %get3A_993 = arith.index_cast %get3A_992 : i32 to index
      %get3A_994 = arith.index_cast %add3A_956 : i32 to index
      %get3A_995 = arith.constant 48 : index
      %get3A_996 = tpu.vector_load %arg7[%get3A_993, %get3A_994, %get3A_995] {strides = array<i32>} : memref<2x128x128xf32, #tpu.memory_space<vmem>>, vector<16xf32>,
      %get3A_997 = arith.constant 1 : i32
      %get3A_998 = arith.index_cast %get3A_997 : i32 to index
      %get3A_999 = arith.index_cast %add3A_956 : i32 to index
      %get3A_1000 = arith.constant 112 : index
      %get3A_1001 = tpu.vector_load %arg8[%get3A_998, %get3A_999, %get3A_1000] {strides = array<i32>} : memref<2x128x128xf32, #tpu.memory_space<vmem>>, vector<16xf32>,
      %mul3A_1002 = arith.mulf %get3A_996, %get3A_1001 : vector<16xf32>
      %add3A_1003 = arith.addf %add3A_991, %mul3A_1002 : vector<16xf32>
      %swap3A_1004 = arith.constant 238 : index
      %swap3A_1005 = tpu.vector_load %arg9[%swap3A_1004] {strides = array<i32>} : memref<272xf32, #tpu.memory_space<vmem>>, vector<16xf32>,
      tpu.vector_store %arg9[%swap3A_1004], %add3A_1003 {strides = array<i32>} : memref<272xf32, #tpu.memory_space<vmem>>, vector<16xf32>,
      %mul3A_1006 = arith.constant 16 : i32
      %mul3A_1007 = arith.muli %scan3A_212, %mul3A_1006 : i32
      %add3A_1008 = arith.constant 15 : i32
      %add3A_1009 = arith.addi %mul3A_1007, %add3A_1008 : i32
      %get3A_1010 = arith.constant 1 : i32
      %get3A_1011 = arith.index_cast %get3A_1010 : i32 to index
      %get3A_1012 = arith.index_cast %add3A_1009 : i32 to index
      %get3A_1013 = arith.constant 0 : index
      %get3A_1014 = tpu.vector_load %arg7[%get3A_1011, %get3A_1012, %get3A_1013] {strides = array<i32>} : memref<2x128x128xf32, #tpu.memory_space<vmem>>, vector<16xf32>,
      %get3A_1015 = arith.constant 1 : i32
      %get3A_1016 = arith.index_cast %get3A_1015 : i32 to index
      %get3A_1017 = arith.index_cast %add3A_1009 : i32 to index
      %get3A_1018 = arith.constant 64 : index
      %get3A_1019 = tpu.vector_load %arg8[%get3A_1016, %get3A_1017, %get3A_1018] {strides = array<i32>} : memref<2x128x128xf32, #tpu.memory_space<vmem>>, vector<16xf32>,
      %mul3A_1020 = arith.mulf %get3A_1014, %get3A_1019 : vector<16xf32>
      %get3A_1021 = arith.constant 1 : i32
      %get3A_1022 = arith.index_cast %get3A_1021 : i32 to index
      %get3A_1023 = arith.index_cast %add3A_1009 : i32 to index
      %get3A_1024 = arith.constant 16 : index
      %get3A_1025 = tpu.vector_load %arg7[%get3A_1022, %get3A_1023, %get3A_1024] {strides = array<i32>} : memref<2x128x128xf32, #tpu.memory_space<vmem>>, vector<16xf32>,
      %get3A_1026 = arith.constant 1 : i32
      %get3A_1027 = arith.index_cast %get3A_1026 : i32 to index
      %get3A_1028 = arith.index_cast %add3A_1009 : i32 to index
      %get3A_1029 = arith.constant 80 : index
      %get3A_1030 = tpu.vector_load %arg8[%get3A_1027, %get3A_1028, %get3A_1029] {strides = array<i32>} : memref<2x128x128xf32, #tpu.memory_space<vmem>>, vector<16xf32>,
      %mul3A_1031 = arith.mulf %get3A_1025, %get3A_1030 : vector<16xf32>
      %add3A_1032 = arith.addf %mul3A_1020, %mul3A_1031 : vector<16xf32>
      %get3A_1033 = arith.constant 1 : i32
      %get3A_1034 = arith.index_cast %get3A_1033 : i32 to index
      %get3A_1035 = arith.index_cast %add3A_1009 : i32 to index
      %get3A_1036 = arith.constant 32 : index
      %get3A_1037 = tpu.vector_load %arg7[%get3A_1034, %get3A_1035, %get3A_1036] {strides = array<i32>} : memref<2x128x128xf32, #tpu.memory_space<vmem>>, vector<16xf32>,
      %get3A_1038 = arith.constant 1 : i32
      %get3A_1039 = arith.index_cast %get3A_1038 : i32 to index
      %get3A_1040 = arith.index_cast %add3A_1009 : i32 to index
      %get3A_1041 = arith.constant 96 : index
      %get3A_1042 = tpu.vector_load %arg8[%get3A_1039, %get3A_1040, %get3A_1041] {strides = array<i32>} : memref<2x128x128xf32, #tpu.memory_space<vmem>>, vector<16xf32>,
      %mul3A_1043 = arith.mulf %get3A_1037, %get3A_1042 : vector<16xf32>
      %add3A_1044 = arith.addf %add3A_1032, %mul3A_1043 : vector<16xf32>
      %get3A_1045 = arith.constant 1 : i32
      %get3A_1046 = arith.index_cast %get3A_1045 : i32 to index
      %get3A_1047 = arith.index_cast %add3A_1009 : i32 to index
      %get3A_1048 = arith.constant 48 : index
      %get3A_1049 = tpu.vector_load %arg7[%get3A_1046, %get3A_1047, %get3A_1048] {strides = array<i32>} : memref<2x128x128xf32, #tpu.memory_space<vmem>>, vector<16xf32>,
      %get3A_1050 = arith.constant 1 : i32
      %get3A_1051 = arith.index_cast %get3A_1050 : i32 to index
      %get3A_1052 = arith.index_cast %add3A_1009 : i32 to index
      %get3A_1053 = arith.constant 112 : index
      %get3A_1054 = tpu.vector_load %arg8[%get3A_1051, %get3A_1052, %get3A_1053] {strides = array<i32>} : memref<2x128x128xf32, #tpu.memory_space<vmem>>, vector<16xf32>,
      %mul3A_1055 = arith.mulf %get3A_1049, %get3A_1054 : vector<16xf32>
      %add3A_1056 = arith.addf %add3A_1044, %mul3A_1055 : vector<16xf32>
      %swap3A_1057 = arith.constant 255 : index
      %swap3A_1058 = tpu.vector_load %arg9[%swap3A_1057] {strides = array<i32>} : memref<272xf32, #tpu.memory_space<vmem>>, vector<16xf32>,
      tpu.vector_store %arg9[%swap3A_1057], %add3A_1056 {strides = array<i32>} : memref<272xf32, #tpu.memory_space<vmem>>, vector<16xf32>,
      %gather3A = tpu.vector_load_idx %arg9[%mul3A_30] : memref<272xf32, #tpu.memory_space<vmem>>[vector<16xi32>], vector<16xf32>,
      %add3A_1059 = arith.constant 1 : i32
      %add3A_1060 = vector.broadcast %add3A_1059 : i32 to vector<16xi32>
      %add3A_1061 = arith.addi %mul3A_30, %add3A_1060 : vector<16xi32>
      %gather3A_1062 = tpu.vector_load_idx %arg9[%add3A_1061] : memref<272xf32, #tpu.memory_space<vmem>>[vector<16xi32>], vector<16xf32>,
      %add3A_1063 = arith.addf %gather3A, %gather3A_1062 : vector<16xf32>
      %add3A_1064 = arith.constant 2 : i32
      %add3A_1065 = vector.broadcast %add3A_1064 : i32 to vector<16xi32>
      %add3A_1066 = arith.addi %mul3A_30, %add3A_1065 : vector<16xi32>
      %gather3A_1067 = tpu.vector_load_idx %arg9[%add3A_1066] : memref<272xf32, #tpu.memory_space<vmem>>[vector<16xi32>], vector<16xf32>,
      %add3A_1068 = arith.addf %add3A_1063, %gather3A_1067 : vector<16xf32>
      %add3A_1069 = arith.constant 3 : i32
      %add3A_1070 = vector.broadcast %add3A_1069 : i32 to vector<16xi32>
      %add3A_1071 = arith.addi %mul3A_30, %add3A_1070 : vector<16xi32>
      %gather3A_1072 = tpu.vector_load_idx %arg9[%add3A_1071] : memref<272xf32, #tpu.memory_space<vmem>>[vector<16xi32>], vector<16xf32>,
      %add3A_1073 = arith.addf %add3A_1068, %gather3A_1072 : vector<16xf32>
      %add3A_1074 = arith.constant 4 : i32
      %add3A_1075 = vector.broadcast %add3A_1074 : i32 to vector<16xi32>
      %add3A_1076 = arith.addi %mul3A_30, %add3A_1075 : vector<16xi32>
      %gather3A_1077 = tpu.vector_load_idx %arg9[%add3A_1076] : memref<272xf32, #tpu.memory_space<vmem>>[vector<16xi32>], vector<16xf32>,
      %add3A_1078 = arith.addf %add3A_1073, %gather3A_1077 : vector<16xf32>
      %add3A_1079 = arith.constant 5 : i32
      %add3A_1080 = vector.broadcast %add3A_1079 : i32 to vector<16xi32>
      %add3A_1081 = arith.addi %mul3A_30, %add3A_1080 : vector<16xi32>
      %gather3A_1082 = tpu.vector_load_idx %arg9[%add3A_1081] : memref<272xf32, #tpu.memory_space<vmem>>[vector<16xi32>], vector<16xf32>,
      %add3A_1083 = arith.addf %add3A_1078, %gather3A_1082 : vector<16xf32>
      %add3A_1084 = arith.constant 6 : i32
      %add3A_1085 = vector.broadcast %add3A_1084 : i32 to vector<16xi32>
      %add3A_1086 = arith.addi %mul3A_30, %add3A_1085 : vector<16xi32>
      %gather3A_1087 = tpu.vector_load_idx %arg9[%add3A_1086] : memref<272xf32, #tpu.memory_space<vmem>>[vector<16xi32>], vector<16xf32>,
      %add3A_1088 = arith.addf %add3A_1083, %gather3A_1087 : vector<16xf32>
      %add3A_1089 = arith.constant 7 : i32
      %add3A_1090 = vector.broadcast %add3A_1089 : i32 to vector<16xi32>
      %add3A_1091 = arith.addi %mul3A_30, %add3A_1090 : vector<16xi32>
      %gather3A_1092 = tpu.vector_load_idx %arg9[%add3A_1091] : memref<272xf32, #tpu.memory_space<vmem>>[vector<16xi32>], vector<16xf32>,
      %add3A_1093 = arith.addf %add3A_1088, %gather3A_1092 : vector<16xf32>
      %add3A_1094 = arith.constant 8 : i32
      %add3A_1095 = vector.broadcast %add3A_1094 : i32 to vector<16xi32>
      %add3A_1096 = arith.addi %mul3A_30, %add3A_1095 : vector<16xi32>
      %gather3A_1097 = tpu.vector_load_idx %arg9[%add3A_1096] : memref<272xf32, #tpu.memory_space<vmem>>[vector<16xi32>], vector<16xf32>,
      %add3A_1098 = arith.addf %add3A_1093, %gather3A_1097 : vector<16xf32>
      %add3A_1099 = arith.constant 9 : i32
      %add3A_1100 = vector.broadcast %add3A_1099 : i32 to vector<16xi32>
      %add3A_1101 = arith.addi %mul3A_30, %add3A_1100 : vector<16xi32>
      %gather3A_1102 = tpu.vector_load_idx %arg9[%add3A_1101] : memref<272xf32, #tpu.memory_space<vmem>>[vector<16xi32>], vector<16xf32>,
      %add3A_1103 = arith.addf %add3A_1098, %gather3A_1102 : vector<16xf32>
      %add3A_1104 = arith.constant 10 : i32
      %add3A_1105 = vector.broadcast %add3A_1104 : i32 to vector<16xi32>
      %add3A_1106 = arith.addi %mul3A_30, %add3A_1105 : vector<16xi32>
      %gather3A_1107 = tpu.vector_load_idx %arg9[%add3A_1106] : memref<272xf32, #tpu.memory_space<vmem>>[vector<16xi32>], vector<16xf32>,
      %add3A_1108 = arith.addf %add3A_1103, %gather3A_1107 : vector<16xf32>
      %add3A_1109 = arith.constant 11 : i32
      %add3A_1110 = vector.broadcast %add3A_1109 : i32 to vector<16xi32>
      %add3A_1111 = arith.addi %mul3A_30, %add3A_1110 : vector<16xi32>
      %gather3A_1112 = tpu.vector_load_idx %arg9[%add3A_1111] : memref<272xf32, #tpu.memory_space<vmem>>[vector<16xi32>], vector<16xf32>,
      %add3A_1113 = arith.addf %add3A_1108, %gather3A_1112 : vector<16xf32>
      %add3A_1114 = arith.constant 12 : i32
      %add3A_1115 = vector.broadcast %add3A_1114 : i32 to vector<16xi32>
      %add3A_1116 = arith.addi %mul3A_30, %add3A_1115 : vector<16xi32>
      %gather3A_1117 = tpu.vector_load_idx %arg9[%add3A_1116] : memref<272xf32, #tpu.memory_space<vmem>>[vector<16xi32>], vector<16xf32>,
      %add3A_1118 = arith.addf %add3A_1113, %gather3A_1117 : vector<16xf32>
      %add3A_1119 = arith.constant 13 : i32
      %add3A_1120 = vector.broadcast %add3A_1119 : i32 to vector<16xi32>
      %add3A_1121 = arith.addi %mul3A_30, %add3A_1120 : vector<16xi32>
      %gather3A_1122 = tpu.vector_load_idx %arg9[%add3A_1121] : memref<272xf32, #tpu.memory_space<vmem>>[vector<16xi32>], vector<16xf32>,
      %add3A_1123 = arith.addf %add3A_1118, %gather3A_1122 : vector<16xf32>
      %add3A_1124 = arith.constant 14 : i32
      %add3A_1125 = vector.broadcast %add3A_1124 : i32 to vector<16xi32>
      %add3A_1126 = arith.addi %mul3A_30, %add3A_1125 : vector<16xi32>
      %gather3A_1127 = tpu.vector_load_idx %arg9[%add3A_1126] : memref<272xf32, #tpu.memory_space<vmem>>[vector<16xi32>], vector<16xf32>,
      %add3A_1128 = arith.addf %add3A_1123, %gather3A_1127 : vector<16xf32>
      %add3A_1129 = arith.constant 15 : i32
      %add3A_1130 = vector.broadcast %add3A_1129 : i32 to vector<16xi32>
      %add3A_1131 = arith.addi %mul3A_30, %add3A_1130 : vector<16xi32>
      %gather3A_1132 = tpu.vector_load_idx %arg9[%add3A_1131] : memref<272xf32, #tpu.memory_space<vmem>>[vector<16xi32>], vector<16xf32>,
      %add3A_1133 = arith.addf %add3A_1128, %gather3A_1132 : vector<16xf32>
      %mul3A_1134 = arith.constant 16 : i32
      %mul3A_1135 = arith.muli %scan3A_212, %mul3A_1134 : i32
      %add3A_1136 = arith.constant 128 : i32
      %add3A_1137 = arith.addi %add3A_1136, %mul3A_1135 : i32
      %swap3A_1138 = arith.index_cast %add3A_1137 : i32 to index
      %swap3A_1139 = tpu.vector_load %arg10[%swap3A_1138] {strides = array<i32>} : memref<512xf32, #tpu.memory_space<vmem>>, vector<16xf32>,
      tpu.vector_store %arg10[%swap3A_1138], %add3A_1133 {strides = array<i32>} : memref<512xf32, #tpu.memory_space<vmem>>, vector<16xf32>,
    }
    %scan3A_139 = arith.constant 8 : i32
    %dma_start3A_140 = arith.constant 1 : i32
    %dma_start3A_141 = arith.constant 0 : i32
    %dma_start3A_142 = arith.constant 0 : i32
    %dma_start3A_143 = tpu.memref_slice %arg7[%dma_start3A_140, %dma_start3A_141, %dma_start3A_142] : memref<2x128x128xf32, #tpu.memory_space<vmem>> -> memref<1x128x128xf32, #tpu.memory_space<vmem>>
    %dma_start3A_144 = tpu.memref_squeeze %dma_start3A_143 : memref<1x128x128xf32, #tpu.memory_space<vmem>> -> memref<128x128xf32, #tpu.memory_space<vmem>>
    %dma_start3A_145 = arith.constant 384 : i32
    %dma_start3A_146 = tpu.memref_slice %arg5[%dma_start3A_145] : memref<512xi32, #tpu.memory_space<vmem>> -> memref<128xi32, #tpu.memory_space<vmem>>
    %dma_start3A_147 = arith.constant 0 : i32
    %dma_start3A_148 = arith.constant 0 : i32
    %dma_start3A_149 = tpu.memref_slice %arg3[%dma_start3A_147, %dma_start3A_148] : memref<100000x128xf32, #tpu.memory_space<hbm>> -> memref<100000x128xf32, #tpu.memory_space<hbm>>
    tpu.enqueue_indirect_dma source(%dma_start3A_149 : memref<100000x128xf32, #tpu.memory_space<hbm>>) target(%dma_start3A_144 : memref<128x128xf32, #tpu.memory_space<vmem>>) offsets(%dma_start3A_146 : memref<128xi32, #tpu.memory_space<vmem>>) semaphore(%arg11 : memref<!tpu.dma_semaphore, #tpu.memory_space<semaphore_mem>>)
    %dma_start3A_150 = arith.constant 1 : i32
    %dma_start3A_151 = arith.constant 0 : i32
    %dma_start3A_152 = arith.constant 0 : i32
    %dma_start3A_153 = tpu.memref_slice %arg8[%dma_start3A_150, %dma_start3A_151, %dma_start3A_152] : memref<2x128x128xf32, #tpu.memory_space<vmem>> -> memref<1x128x128xf32, #tpu.memory_space<vmem>>
    %dma_start3A_154 = tpu.memref_squeeze %dma_start3A_153 : memref<1x128x128xf32, #tpu.memory_space<vmem>> -> memref<128x128xf32, #tpu.memory_space<vmem>>
    %dma_start3A_155 = arith.constant 384 : i32
    %dma_start3A_156 = tpu.memref_slice %arg6[%dma_start3A_155] : memref<512xi32, #tpu.memory_space<vmem>> -> memref<128xi32, #tpu.memory_space<vmem>>
    %dma_start3A_157 = arith.constant 0 : i32
    %dma_start3A_158 = arith.constant 0 : i32
    %dma_start3A_159 = tpu.memref_slice %arg3[%dma_start3A_157, %dma_start3A_158] : memref<100000x128xf32, #tpu.memory_space<hbm>> -> memref<100000x128xf32, #tpu.memory_space<hbm>>
    tpu.enqueue_indirect_dma source(%dma_start3A_159 : memref<100000x128xf32, #tpu.memory_space<hbm>>) target(%dma_start3A_154 : memref<128x128xf32, #tpu.memory_space<vmem>>) offsets(%dma_start3A_156 : memref<128xi32, #tpu.memory_space<vmem>>) semaphore(%arg11 : memref<!tpu.dma_semaphore, #tpu.memory_space<semaphore_mem>>)
    %dma_wait3A_160 = arith.constant 0 : i32
    %dma_wait3A_161 = arith.constant 0 : i32
    %dma_wait3A_162 = arith.constant 0 : i32
    %dma_wait3A_163 = tpu.memref_slice %arg7[%dma_wait3A_160, %dma_wait3A_161, %dma_wait3A_162] : memref<2x128x128xf32, #tpu.memory_space<vmem>> -> memref<1x128x128xf32, #tpu.memory_space<vmem>>
    %dma_wait3A_164 = tpu.memref_squeeze %dma_wait3A_163 : memref<1x128x128xf32, #tpu.memory_space<vmem>> -> memref<128x128xf32, #tpu.memory_space<vmem>>
    %dma_wait3A_165 = arith.constant 256 : i32
    %dma_wait3A_166 = tpu.memref_slice %arg5[%dma_wait3A_165] : memref<512xi32, #tpu.memory_space<vmem>> -> memref<128xi32, #tpu.memory_space<vmem>>
    %dma_wait3A_167 = arith.constant 0 : i32
    %dma_wait3A_168 = arith.constant 0 : i32
    %dma_wait3A_169 = tpu.memref_slice %arg3[%dma_wait3A_167, %dma_wait3A_168] : memref<100000x128xf32, #tpu.memory_space<hbm>> -> memref<100000x128xf32, #tpu.memory_space<hbm>>
    tpu.wait_indirect_dma semaphore(%arg11 : memref<!tpu.dma_semaphore, #tpu.memory_space<semaphore_mem>>) src(%dma_wait3A_169 : memref<100000x128xf32, #tpu.memory_space<hbm>>) dst(%dma_wait3A_164 : memref<128x128xf32, #tpu.memory_space<vmem>>)
    %dma_wait3A_170 = arith.constant 0 : i32
    %dma_wait3A_171 = arith.constant 0 : i32
    %dma_wait3A_172 = arith.constant 0 : i32
    %dma_wait3A_173 = tpu.memref_slice %arg8[%dma_wait3A_170, %dma_wait3A_171, %dma_wait3A_172] : memref<2x128x128xf32, #tpu.memory_space<vmem>> -> memref<1x128x128xf32, #tpu.memory_space<vmem>>
    %dma_wait3A_174 = tpu.memref_squeeze %dma_wait3A_173 : memref<1x128x128xf32, #tpu.memory_space<vmem>> -> memref<128x128xf32, #tpu.memory_space<vmem>>
    %dma_wait3A_175 = arith.constant 256 : i32
    %dma_wait3A_176 = tpu.memref_slice %arg6[%dma_wait3A_175] : memref<512xi32, #tpu.memory_space<vmem>> -> memref<128xi32, #tpu.memory_space<vmem>>
    %dma_wait3A_177 = arith.constant 0 : i32
    %dma_wait3A_178 = arith.constant 0 : i32
    %dma_wait3A_179 = tpu.memref_slice %arg3[%dma_wait3A_177, %dma_wait3A_178] : memref<100000x128xf32, #tpu.memory_space<hbm>> -> memref<100000x128xf32, #tpu.memory_space<hbm>>
    tpu.wait_indirect_dma semaphore(%arg11 : memref<!tpu.dma_semaphore, #tpu.memory_space<semaphore_mem>>) src(%dma_wait3A_179 : memref<100000x128xf32, #tpu.memory_space<hbm>>) dst(%dma_wait3A_174 : memref<128x128xf32, #tpu.memory_space<vmem>>)
    %scan3A_180 = arith.constant 0 : i32
    %scan3A_181 = arith.constant 0 : i32
    %scan3A_182 = arith.constant 8 : i32
    %scan3A_183 = arith.addi %scan3A_181, %scan3A_182 : i32
    %scan3A_184 = arith.constant 1 : i32
    scf.for %scan3A_212 = %scan3A_181 to %scan3A_183 step %scan3A_184  : i32 {
      %mul3A_213 = arith.constant 16 : i32
      %mul3A_214 = arith.muli %scan3A_212, %mul3A_213 : i32
      %add3A_215 = arith.constant 0 : i32
      %add3A_216 = arith.addi %mul3A_214, %add3A_215 : i32
      %get3A = arith.constant 0 : i32
      %get3A_217 = arith.index_cast %get3A : i32 to index
      %get3A_218 = arith.index_cast %add3A_216 : i32 to index
      %get3A_219 = arith.constant 0 : index
      %get3A_220 = tpu.vector_load %arg7[%get3A_217, %get3A_218, %get3A_219] {strides = array<i32>} : memref<2x128x128xf32, #tpu.memory_space<vmem>>, vector<16xf32>,
      %get3A_221 = arith.constant 0 : i32
      %get3A_222 = arith.index_cast %get3A_221 : i32 to index
      %get3A_223 = arith.index_cast %add3A_216 : i32 to index
      %get3A_224 = arith.constant 64 : index
      %get3A_225 = tpu.vector_load %arg8[%get3A_222, %get3A_223, %get3A_224] {strides = array<i32>} : memref<2x128x128xf32, #tpu.memory_space<vmem>>, vector<16xf32>,
      %mul3A_226 = arith.mulf %get3A_220, %get3A_225 : vector<16xf32>
      %get3A_227 = arith.constant 0 : i32
      %get3A_228 = arith.index_cast %get3A_227 : i32 to index
      %get3A_229 = arith.index_cast %add3A_216 : i32 to index
      %get3A_230 = arith.constant 16 : index
      %get3A_231 = tpu.vector_load %arg7[%get3A_228, %get3A_229, %get3A_230] {strides = array<i32>} : memref<2x128x128xf32, #tpu.memory_space<vmem>>, vector<16xf32>,
      %get3A_232 = arith.constant 0 : i32
      %get3A_233 = arith.index_cast %get3A_232 : i32 to index
      %get3A_234 = arith.index_cast %add3A_216 : i32 to index
      %get3A_235 = arith.constant 80 : index
      %get3A_236 = tpu.vector_load %arg8[%get3A_233, %get3A_234, %get3A_235] {strides = array<i32>} : memref<2x128x128xf32, #tpu.memory_space<vmem>>, vector<16xf32>,
      %mul3A_237 = arith.mulf %get3A_231, %get3A_236 : vector<16xf32>
      %add3A_238 = arith.addf %mul3A_226, %mul3A_237 : vector<16xf32>
      %get3A_239 = arith.constant 0 : i32
      %get3A_240 = arith.index_cast %get3A_239 : i32 to index
      %get3A_241 = arith.index_cast %add3A_216 : i32 to index
      %get3A_242 = arith.constant 32 : index
      %get3A_243 = tpu.vector_load %arg7[%get3A_240, %get3A_241, %get3A_242] {strides = array<i32>} : memref<2x128x128xf32, #tpu.memory_space<vmem>>, vector<16xf32>,
      %get3A_244 = arith.constant 0 : i32
      %get3A_245 = arith.index_cast %get3A_244 : i32 to index
      %get3A_246 = arith.index_cast %add3A_216 : i32 to index
      %get3A_247 = arith.constant 96 : index
      %get3A_248 = tpu.vector_load %arg8[%get3A_245, %get3A_246, %get3A_247] {strides = array<i32>} : memref<2x128x128xf32, #tpu.memory_space<vmem>>, vector<16xf32>,
      %mul3A_249 = arith.mulf %get3A_243, %get3A_248 : vector<16xf32>
      %add3A_250 = arith.addf %add3A_238, %mul3A_249 : vector<16xf32>
      %get3A_251 = arith.constant 0 : i32
      %get3A_252 = arith.index_cast %get3A_251 : i32 to index
      %get3A_253 = arith.index_cast %add3A_216 : i32 to index
      %get3A_254 = arith.constant 48 : index
      %get3A_255 = tpu.vector_load %arg7[%get3A_252, %get3A_253, %get3A_254] {strides = array<i32>} : memref<2x128x128xf32, #tpu.memory_space<vmem>>, vector<16xf32>,
      %get3A_256 = arith.constant 0 : i32
      %get3A_257 = arith.index_cast %get3A_256 : i32 to index
      %get3A_258 = arith.index_cast %add3A_216 : i32 to index
      %get3A_259 = arith.constant 112 : index
      %get3A_260 = tpu.vector_load %arg8[%get3A_257, %get3A_258, %get3A_259] {strides = array<i32>} : memref<2x128x128xf32, #tpu.memory_space<vmem>>, vector<16xf32>,
      %mul3A_261 = arith.mulf %get3A_255, %get3A_260 : vector<16xf32>
      %add3A_262 = arith.addf %add3A_250, %mul3A_261 : vector<16xf32>
      %swap3A = arith.constant 0 : index
      %swap3A_263 = tpu.vector_load %arg9[%swap3A] {strides = array<i32>} : memref<272xf32, #tpu.memory_space<vmem>>, vector<16xf32>,
      tpu.vector_store %arg9[%swap3A], %add3A_262 {strides = array<i32>} : memref<272xf32, #tpu.memory_space<vmem>>, vector<16xf32>,
      %mul3A_264 = arith.constant 16 : i32
      %mul3A_265 = arith.muli %scan3A_212, %mul3A_264 : i32
      %add3A_266 = arith.constant 1 : i32
      %add3A_267 = arith.addi %mul3A_265, %add3A_266 : i32
      %get3A_268 = arith.constant 0 : i32
      %get3A_269 = arith.index_cast %get3A_268 : i32 to index
      %get3A_270 = arith.index_cast %add3A_267 : i32 to index
      %get3A_271 = arith.constant 0 : index
      %get3A_272 = tpu.vector_load %arg7[%get3A_269, %get3A_270, %get3A_271] {strides = array<i32>} : memref<2x128x128xf32, #tpu.memory_space<vmem>>, vector<16xf32>,
      %get3A_273 = arith.constant 0 : i32
      %get3A_274 = arith.index_cast %get3A_273 : i32 to index
      %get3A_275 = arith.index_cast %add3A_267 : i32 to index
      %get3A_276 = arith.constant 64 : index
      %get3A_277 = tpu.vector_load %arg8[%get3A_274, %get3A_275, %get3A_276] {strides = array<i32>} : memref<2x128x128xf32, #tpu.memory_space<vmem>>, vector<16xf32>,
      %mul3A_278 = arith.mulf %get3A_272, %get3A_277 : vector<16xf32>
      %get3A_279 = arith.constant 0 : i32
      %get3A_280 = arith.index_cast %get3A_279 : i32 to index
      %get3A_281 = arith.index_cast %add3A_267 : i32 to index
      %get3A_282 = arith.constant 16 : index
      %get3A_283 = tpu.vector_load %arg7[%get3A_280, %get3A_281, %get3A_282] {strides = array<i32>} : memref<2x128x128xf32, #tpu.memory_space<vmem>>, vector<16xf32>,
      %get3A_284 = arith.constant 0 : i32
      %get3A_285 = arith.index_cast %get3A_284 : i32 to index
      %get3A_286 = arith.index_cast %add3A_267 : i32 to index
      %get3A_287 = arith.constant 80 : index
      %get3A_288 = tpu.vector_load %arg8[%get3A_285, %get3A_286, %get3A_287] {strides = array<i32>} : memref<2x128x128xf32, #tpu.memory_space<vmem>>, vector<16xf32>,
      %mul3A_289 = arith.mulf %get3A_283, %get3A_288 : vector<16xf32>
      %add3A_290 = arith.addf %mul3A_278, %mul3A_289 : vector<16xf32>
      %get3A_291 = arith.constant 0 : i32
      %get3A_292 = arith.index_cast %get3A_291 : i32 to index
      %get3A_293 = arith.index_cast %add3A_267 : i32 to index
      %get3A_294 = arith.constant 32 : index
      %get3A_295 = tpu.vector_load %arg7[%get3A_292, %get3A_293, %get3A_294] {strides = array<i32>} : memref<2x128x128xf32, #tpu.memory_space<vmem>>, vector<16xf32>,
      %get3A_296 = arith.constant 0 : i32
      %get3A_297 = arith.index_cast %get3A_296 : i32 to index
      %get3A_298 = arith.index_cast %add3A_267 : i32 to index
      %get3A_299 = arith.constant 96 : index
      %get3A_300 = tpu.vector_load %arg8[%get3A_297, %get3A_298, %get3A_299] {strides = array<i32>} : memref<2x128x128xf32, #tpu.memory_space<vmem>>, vector<16xf32>,
      %mul3A_301 = arith.mulf %get3A_295, %get3A_300 : vector<16xf32>
      %add3A_302 = arith.addf %add3A_290, %mul3A_301 : vector<16xf32>
      %get3A_303 = arith.constant 0 : i32
      %get3A_304 = arith.index_cast %get3A_303 : i32 to index
      %get3A_305 = arith.index_cast %add3A_267 : i32 to index
      %get3A_306 = arith.constant 48 : index
      %get3A_307 = tpu.vector_load %arg7[%get3A_304, %get3A_305, %get3A_306] {strides = array<i32>} : memref<2x128x128xf32, #tpu.memory_space<vmem>>, vector<16xf32>,
      %get3A_308 = arith.constant 0 : i32
      %get3A_309 = arith.index_cast %get3A_308 : i32 to index
      %get3A_310 = arith.index_cast %add3A_267 : i32 to index
      %get3A_311 = arith.constant 112 : index
      %get3A_312 = tpu.vector_load %arg8[%get3A_309, %get3A_310, %get3A_311] {strides = array<i32>} : memref<2x128x128xf32, #tpu.memory_space<vmem>>, vector<16xf32>,
      %mul3A_313 = arith.mulf %get3A_307, %get3A_312 : vector<16xf32>
      %add3A_314 = arith.addf %add3A_302, %mul3A_313 : vector<16xf32>
      %swap3A_315 = arith.constant 17 : index
      %swap3A_316 = tpu.vector_load %arg9[%swap3A_315] {strides = array<i32>} : memref<272xf32, #tpu.memory_space<vmem>>, vector<16xf32>,
      tpu.vector_store %arg9[%swap3A_315], %add3A_314 {strides = array<i32>} : memref<272xf32, #tpu.memory_space<vmem>>, vector<16xf32>,
      %mul3A_317 = arith.constant 16 : i32
      %mul3A_318 = arith.muli %scan3A_212, %mul3A_317 : i32
      %add3A_319 = arith.constant 2 : i32
      %add3A_320 = arith.addi %mul3A_318, %add3A_319 : i32
      %get3A_321 = arith.constant 0 : i32
      %get3A_322 = arith.index_cast %get3A_321 : i32 to index
      %get3A_323 = arith.index_cast %add3A_320 : i32 to index
      %get3A_324 = arith.constant 0 : index
      %get3A_325 = tpu.vector_load %arg7[%get3A_322, %get3A_323, %get3A_324] {strides = array<i32>} : memref<2x128x128xf32, #tpu.memory_space<vmem>>, vector<16xf32>,
      %get3A_326 = arith.constant 0 : i32
      %get3A_327 = arith.index_cast %get3A_326 : i32 to index
      %get3A_328 = arith.index_cast %add3A_320 : i32 to index
      %get3A_329 = arith.constant 64 : index
      %get3A_330 = tpu.vector_load %arg8[%get3A_327, %get3A_328, %get3A_329] {strides = array<i32>} : memref<2x128x128xf32, #tpu.memory_space<vmem>>, vector<16xf32>,
      %mul3A_331 = arith.mulf %get3A_325, %get3A_330 : vector<16xf32>
      %get3A_332 = arith.constant 0 : i32
      %get3A_333 = arith.index_cast %get3A_332 : i32 to index
      %get3A_334 = arith.index_cast %add3A_320 : i32 to index
      %get3A_335 = arith.constant 16 : index
      %get3A_336 = tpu.vector_load %arg7[%get3A_333, %get3A_334, %get3A_335] {strides = array<i32>} : memref<2x128x128xf32, #tpu.memory_space<vmem>>, vector<16xf32>,
      %get3A_337 = arith.constant 0 : i32
      %get3A_338 = arith.index_cast %get3A_337 : i32 to index
      %get3A_339 = arith.index_cast %add3A_320 : i32 to index
      %get3A_340 = arith.constant 80 : index
      %get3A_341 = tpu.vector_load %arg8[%get3A_338, %get3A_339, %get3A_340] {strides = array<i32>} : memref<2x128x128xf32, #tpu.memory_space<vmem>>, vector<16xf32>,
      %mul3A_342 = arith.mulf %get3A_336, %get3A_341 : vector<16xf32>
      %add3A_343 = arith.addf %mul3A_331, %mul3A_342 : vector<16xf32>
      %get3A_344 = arith.constant 0 : i32
      %get3A_345 = arith.index_cast %get3A_344 : i32 to index
      %get3A_346 = arith.index_cast %add3A_320 : i32 to index
      %get3A_347 = arith.constant 32 : index
      %get3A_348 = tpu.vector_load %arg7[%get3A_345, %get3A_346, %get3A_347] {strides = array<i32>} : memref<2x128x128xf32, #tpu.memory_space<vmem>>, vector<16xf32>,
      %get3A_349 = arith.constant 0 : i32
      %get3A_350 = arith.index_cast %get3A_349 : i32 to index
      %get3A_351 = arith.index_cast %add3A_320 : i32 to index
      %get3A_352 = arith.constant 96 : index
      %get3A_353 = tpu.vector_load %arg8[%get3A_350, %get3A_351, %get3A_352] {strides = array<i32>} : memref<2x128x128xf32, #tpu.memory_space<vmem>>, vector<16xf32>,
      %mul3A_354 = arith.mulf %get3A_348, %get3A_353 : vector<16xf32>
      %add3A_355 = arith.addf %add3A_343, %mul3A_354 : vector<16xf32>
      %get3A_356 = arith.constant 0 : i32
      %get3A_357 = arith.index_cast %get3A_356 : i32 to index
      %get3A_358 = arith.index_cast %add3A_320 : i32 to index
      %get3A_359 = arith.constant 48 : index
      %get3A_360 = tpu.vector_load %arg7[%get3A_357, %get3A_358, %get3A_359] {strides = array<i32>} : memref<2x128x128xf32, #tpu.memory_space<vmem>>, vector<16xf32>,
      %get3A_361 = arith.constant 0 : i32
      %get3A_362 = arith.index_cast %get3A_361 : i32 to index
      %get3A_363 = arith.index_cast %add3A_320 : i32 to index
      %get3A_364 = arith.constant 112 : index
      %get3A_365 = tpu.vector_load %arg8[%get3A_362, %get3A_363, %get3A_364] {strides = array<i32>} : memref<2x128x128xf32, #tpu.memory_space<vmem>>, vector<16xf32>,
      %mul3A_366 = arith.mulf %get3A_360, %get3A_365 : vector<16xf32>
      %add3A_367 = arith.addf %add3A_355, %mul3A_366 : vector<16xf32>
      %swap3A_368 = arith.constant 34 : index
      %swap3A_369 = tpu.vector_load %arg9[%swap3A_368] {strides = array<i32>} : memref<272xf32, #tpu.memory_space<vmem>>, vector<16xf32>,
      tpu.vector_store %arg9[%swap3A_368], %add3A_367 {strides = array<i32>} : memref<272xf32, #tpu.memory_space<vmem>>, vector<16xf32>,
      %mul3A_370 = arith.constant 16 : i32
      %mul3A_371 = arith.muli %scan3A_212, %mul3A_370 : i32
      %add3A_372 = arith.constant 3 : i32
      %add3A_373 = arith.addi %mul3A_371, %add3A_372 : i32
      %get3A_374 = arith.constant 0 : i32
      %get3A_375 = arith.index_cast %get3A_374 : i32 to index
      %get3A_376 = arith.index_cast %add3A_373 : i32 to index
      %get3A_377 = arith.constant 0 : index
      %get3A_378 = tpu.vector_load %arg7[%get3A_375, %get3A_376, %get3A_377] {strides = array<i32>} : memref<2x128x128xf32, #tpu.memory_space<vmem>>, vector<16xf32>,
      %get3A_379 = arith.constant 0 : i32
      %get3A_380 = arith.index_cast %get3A_379 : i32 to index
      %get3A_381 = arith.index_cast %add3A_373 : i32 to index
      %get3A_382 = arith.constant 64 : index
      %get3A_383 = tpu.vector_load %arg8[%get3A_380, %get3A_381, %get3A_382] {strides = array<i32>} : memref<2x128x128xf32, #tpu.memory_space<vmem>>, vector<16xf32>,
      %mul3A_384 = arith.mulf %get3A_378, %get3A_383 : vector<16xf32>
      %get3A_385 = arith.constant 0 : i32
      %get3A_386 = arith.index_cast %get3A_385 : i32 to index
      %get3A_387 = arith.index_cast %add3A_373 : i32 to index
      %get3A_388 = arith.constant 16 : index
      %get3A_389 = tpu.vector_load %arg7[%get3A_386, %get3A_387, %get3A_388] {strides = array<i32>} : memref<2x128x128xf32, #tpu.memory_space<vmem>>, vector<16xf32>,
      %get3A_390 = arith.constant 0 : i32
      %get3A_391 = arith.index_cast %get3A_390 : i32 to index
      %get3A_392 = arith.index_cast %add3A_373 : i32 to index
      %get3A_393 = arith.constant 80 : index
      %get3A_394 = tpu.vector_load %arg8[%get3A_391, %get3A_392, %get3A_393] {strides = array<i32>} : memref<2x128x128xf32, #tpu.memory_space<vmem>>, vector<16xf32>,
      %mul3A_395 = arith.mulf %get3A_389, %get3A_394 : vector<16xf32>
      %add3A_396 = arith.addf %mul3A_384, %mul3A_395 : vector<16xf32>
      %get3A_397 = arith.constant 0 : i32
      %get3A_398 = arith.index_cast %get3A_397 : i32 to index
      %get3A_399 = arith.index_cast %add3A_373 : i32 to index
      %get3A_400 = arith.constant 32 : index
      %get3A_401 = tpu.vector_load %arg7[%get3A_398, %get3A_399, %get3A_400] {strides = array<i32>} : memref<2x128x128xf32, #tpu.memory_space<vmem>>, vector<16xf32>,
      %get3A_402 = arith.constant 0 : i32
      %get3A_403 = arith.index_cast %get3A_402 : i32 to index
      %get3A_404 = arith.index_cast %add3A_373 : i32 to index
      %get3A_405 = arith.constant 96 : index
      %get3A_406 = tpu.vector_load %arg8[%get3A_403, %get3A_404, %get3A_405] {strides = array<i32>} : memref<2x128x128xf32, #tpu.memory_space<vmem>>, vector<16xf32>,
      %mul3A_407 = arith.mulf %get3A_401, %get3A_406 : vector<16xf32>
      %add3A_408 = arith.addf %add3A_396, %mul3A_407 : vector<16xf32>
      %get3A_409 = arith.constant 0 : i32
      %get3A_410 = arith.index_cast %get3A_409 : i32 to index
      %get3A_411 = arith.index_cast %add3A_373 : i32 to index
      %get3A_412 = arith.constant 48 : index
      %get3A_413 = tpu.vector_load %arg7[%get3A_410, %get3A_411, %get3A_412] {strides = array<i32>} : memref<2x128x128xf32, #tpu.memory_space<vmem>>, vector<16xf32>,
      %get3A_414 = arith.constant 0 : i32
      %get3A_415 = arith.index_cast %get3A_414 : i32 to index
      %get3A_416 = arith.index_cast %add3A_373 : i32 to index
      %get3A_417 = arith.constant 112 : index
      %get3A_418 = tpu.vector_load %arg8[%get3A_415, %get3A_416, %get3A_417] {strides = array<i32>} : memref<2x128x128xf32, #tpu.memory_space<vmem>>, vector<16xf32>,
      %mul3A_419 = arith.mulf %get3A_413, %get3A_418 : vector<16xf32>
      %add3A_420 = arith.addf %add3A_408, %mul3A_419 : vector<16xf32>
      %swap3A_421 = arith.constant 51 : index
      %swap3A_422 = tpu.vector_load %arg9[%swap3A_421] {strides = array<i32>} : memref<272xf32, #tpu.memory_space<vmem>>, vector<16xf32>,
      tpu.vector_store %arg9[%swap3A_421], %add3A_420 {strides = array<i32>} : memref<272xf32, #tpu.memory_space<vmem>>, vector<16xf32>,
      %mul3A_423 = arith.constant 16 : i32
      %mul3A_424 = arith.muli %scan3A_212, %mul3A_423 : i32
      %add3A_425 = arith.constant 4 : i32
      %add3A_426 = arith.addi %mul3A_424, %add3A_425 : i32
      %get3A_427 = arith.constant 0 : i32
      %get3A_428 = arith.index_cast %get3A_427 : i32 to index
      %get3A_429 = arith.index_cast %add3A_426 : i32 to index
      %get3A_430 = arith.constant 0 : index
      %get3A_431 = tpu.vector_load %arg7[%get3A_428, %get3A_429, %get3A_430] {strides = array<i32>} : memref<2x128x128xf32, #tpu.memory_space<vmem>>, vector<16xf32>,
      %get3A_432 = arith.constant 0 : i32
      %get3A_433 = arith.index_cast %get3A_432 : i32 to index
      %get3A_434 = arith.index_cast %add3A_426 : i32 to index
      %get3A_435 = arith.constant 64 : index
      %get3A_436 = tpu.vector_load %arg8[%get3A_433, %get3A_434, %get3A_435] {strides = array<i32>} : memref<2x128x128xf32, #tpu.memory_space<vmem>>, vector<16xf32>,
      %mul3A_437 = arith.mulf %get3A_431, %get3A_436 : vector<16xf32>
      %get3A_438 = arith.constant 0 : i32
      %get3A_439 = arith.index_cast %get3A_438 : i32 to index
      %get3A_440 = arith.index_cast %add3A_426 : i32 to index
      %get3A_441 = arith.constant 16 : index
      %get3A_442 = tpu.vector_load %arg7[%get3A_439, %get3A_440, %get3A_441] {strides = array<i32>} : memref<2x128x128xf32, #tpu.memory_space<vmem>>, vector<16xf32>,
      %get3A_443 = arith.constant 0 : i32
      %get3A_444 = arith.index_cast %get3A_443 : i32 to index
      %get3A_445 = arith.index_cast %add3A_426 : i32 to index
      %get3A_446 = arith.constant 80 : index
      %get3A_447 = tpu.vector_load %arg8[%get3A_444, %get3A_445, %get3A_446] {strides = array<i32>} : memref<2x128x128xf32, #tpu.memory_space<vmem>>, vector<16xf32>,
      %mul3A_448 = arith.mulf %get3A_442, %get3A_447 : vector<16xf32>
      %add3A_449 = arith.addf %mul3A_437, %mul3A_448 : vector<16xf32>
      %get3A_450 = arith.constant 0 : i32
      %get3A_451 = arith.index_cast %get3A_450 : i32 to index
      %get3A_452 = arith.index_cast %add3A_426 : i32 to index
      %get3A_453 = arith.constant 32 : index
      %get3A_454 = tpu.vector_load %arg7[%get3A_451, %get3A_452, %get3A_453] {strides = array<i32>} : memref<2x128x128xf32, #tpu.memory_space<vmem>>, vector<16xf32>,
      %get3A_455 = arith.constant 0 : i32
      %get3A_456 = arith.index_cast %get3A_455 : i32 to index
      %get3A_457 = arith.index_cast %add3A_426 : i32 to index
      %get3A_458 = arith.constant 96 : index
      %get3A_459 = tpu.vector_load %arg8[%get3A_456, %get3A_457, %get3A_458] {strides = array<i32>} : memref<2x128x128xf32, #tpu.memory_space<vmem>>, vector<16xf32>,
      %mul3A_460 = arith.mulf %get3A_454, %get3A_459 : vector<16xf32>
      %add3A_461 = arith.addf %add3A_449, %mul3A_460 : vector<16xf32>
      %get3A_462 = arith.constant 0 : i32
      %get3A_463 = arith.index_cast %get3A_462 : i32 to index
      %get3A_464 = arith.index_cast %add3A_426 : i32 to index
      %get3A_465 = arith.constant 48 : index
      %get3A_466 = tpu.vector_load %arg7[%get3A_463, %get3A_464, %get3A_465] {strides = array<i32>} : memref<2x128x128xf32, #tpu.memory_space<vmem>>, vector<16xf32>,
      %get3A_467 = arith.constant 0 : i32
      %get3A_468 = arith.index_cast %get3A_467 : i32 to index
      %get3A_469 = arith.index_cast %add3A_426 : i32 to index
      %get3A_470 = arith.constant 112 : index
      %get3A_471 = tpu.vector_load %arg8[%get3A_468, %get3A_469, %get3A_470] {strides = array<i32>} : memref<2x128x128xf32, #tpu.memory_space<vmem>>, vector<16xf32>,
      %mul3A_472 = arith.mulf %get3A_466, %get3A_471 : vector<16xf32>
      %add3A_473 = arith.addf %add3A_461, %mul3A_472 : vector<16xf32>
      %swap3A_474 = arith.constant 68 : index
      %swap3A_475 = tpu.vector_load %arg9[%swap3A_474] {strides = array<i32>} : memref<272xf32, #tpu.memory_space<vmem>>, vector<16xf32>,
      tpu.vector_store %arg9[%swap3A_474], %add3A_473 {strides = array<i32>} : memref<272xf32, #tpu.memory_space<vmem>>, vector<16xf32>,
      %mul3A_476 = arith.constant 16 : i32
      %mul3A_477 = arith.muli %scan3A_212, %mul3A_476 : i32
      %add3A_478 = arith.constant 5 : i32
      %add3A_479 = arith.addi %mul3A_477, %add3A_478 : i32
      %get3A_480 = arith.constant 0 : i32
      %get3A_481 = arith.index_cast %get3A_480 : i32 to index
      %get3A_482 = arith.index_cast %add3A_479 : i32 to index
      %get3A_483 = arith.constant 0 : index
      %get3A_484 = tpu.vector_load %arg7[%get3A_481, %get3A_482, %get3A_483] {strides = array<i32>} : memref<2x128x128xf32, #tpu.memory_space<vmem>>, vector<16xf32>,
      %get3A_485 = arith.constant 0 : i32
      %get3A_486 = arith.index_cast %get3A_485 : i32 to index
      %get3A_487 = arith.index_cast %add3A_479 : i32 to index
      %get3A_488 = arith.constant 64 : index
      %get3A_489 = tpu.vector_load %arg8[%get3A_486, %get3A_487, %get3A_488] {strides = array<i32>} : memref<2x128x128xf32, #tpu.memory_space<vmem>>, vector<16xf32>,
      %mul3A_490 = arith.mulf %get3A_484, %get3A_489 : vector<16xf32>
      %get3A_491 = arith.constant 0 : i32
      %get3A_492 = arith.index_cast %get3A_491 : i32 to index
      %get3A_493 = arith.index_cast %add3A_479 : i32 to index
      %get3A_494 = arith.constant 16 : index
      %get3A_495 = tpu.vector_load %arg7[%get3A_492, %get3A_493, %get3A_494] {strides = array<i32>} : memref<2x128x128xf32, #tpu.memory_space<vmem>>, vector<16xf32>,
      %get3A_496 = arith.constant 0 : i32
      %get3A_497 = arith.index_cast %get3A_496 : i32 to index
      %get3A_498 = arith.index_cast %add3A_479 : i32 to index
      %get3A_499 = arith.constant 80 : index
      %get3A_500 = tpu.vector_load %arg8[%get3A_497, %get3A_498, %get3A_499] {strides = array<i32>} : memref<2x128x128xf32, #tpu.memory_space<vmem>>, vector<16xf32>,
      %mul3A_501 = arith.mulf %get3A_495, %get3A_500 : vector<16xf32>
      %add3A_502 = arith.addf %mul3A_490, %mul3A_501 : vector<16xf32>
      %get3A_503 = arith.constant 0 : i32
      %get3A_504 = arith.index_cast %get3A_503 : i32 to index
      %get3A_505 = arith.index_cast %add3A_479 : i32 to index
      %get3A_506 = arith.constant 32 : index
      %get3A_507 = tpu.vector_load %arg7[%get3A_504, %get3A_505, %get3A_506] {strides = array<i32>} : memref<2x128x128xf32, #tpu.memory_space<vmem>>, vector<16xf32>,
      %get3A_508 = arith.constant 0 : i32
      %get3A_509 = arith.index_cast %get3A_508 : i32 to index
      %get3A_510 = arith.index_cast %add3A_479 : i32 to index
      %get3A_511 = arith.constant 96 : index
      %get3A_512 = tpu.vector_load %arg8[%get3A_509, %get3A_510, %get3A_511] {strides = array<i32>} : memref<2x128x128xf32, #tpu.memory_space<vmem>>, vector<16xf32>,
      %mul3A_513 = arith.mulf %get3A_507, %get3A_512 : vector<16xf32>
      %add3A_514 = arith.addf %add3A_502, %mul3A_513 : vector<16xf32>
      %get3A_515 = arith.constant 0 : i32
      %get3A_516 = arith.index_cast %get3A_515 : i32 to index
      %get3A_517 = arith.index_cast %add3A_479 : i32 to index
      %get3A_518 = arith.constant 48 : index
      %get3A_519 = tpu.vector_load %arg7[%get3A_516, %get3A_517, %get3A_518] {strides = array<i32>} : memref<2x128x128xf32, #tpu.memory_space<vmem>>, vector<16xf32>,
      %get3A_520 = arith.constant 0 : i32
      %get3A_521 = arith.index_cast %get3A_520 : i32 to index
      %get3A_522 = arith.index_cast %add3A_479 : i32 to index
      %get3A_523 = arith.constant 112 : index
      %get3A_524 = tpu.vector_load %arg8[%get3A_521, %get3A_522, %get3A_523] {strides = array<i32>} : memref<2x128x128xf32, #tpu.memory_space<vmem>>, vector<16xf32>,
      %mul3A_525 = arith.mulf %get3A_519, %get3A_524 : vector<16xf32>
      %add3A_526 = arith.addf %add3A_514, %mul3A_525 : vector<16xf32>
      %swap3A_527 = arith.constant 85 : index
      %swap3A_528 = tpu.vector_load %arg9[%swap3A_527] {strides = array<i32>} : memref<272xf32, #tpu.memory_space<vmem>>, vector<16xf32>,
      tpu.vector_store %arg9[%swap3A_527], %add3A_526 {strides = array<i32>} : memref<272xf32, #tpu.memory_space<vmem>>, vector<16xf32>,
      %mul3A_529 = arith.constant 16 : i32
      %mul3A_530 = arith.muli %scan3A_212, %mul3A_529 : i32
      %add3A_531 = arith.constant 6 : i32
      %add3A_532 = arith.addi %mul3A_530, %add3A_531 : i32
      %get3A_533 = arith.constant 0 : i32
      %get3A_534 = arith.index_cast %get3A_533 : i32 to index
      %get3A_535 = arith.index_cast %add3A_532 : i32 to index
      %get3A_536 = arith.constant 0 : index
      %get3A_537 = tpu.vector_load %arg7[%get3A_534, %get3A_535, %get3A_536] {strides = array<i32>} : memref<2x128x128xf32, #tpu.memory_space<vmem>>, vector<16xf32>,
      %get3A_538 = arith.constant 0 : i32
      %get3A_539 = arith.index_cast %get3A_538 : i32 to index
      %get3A_540 = arith.index_cast %add3A_532 : i32 to index
      %get3A_541 = arith.constant 64 : index
      %get3A_542 = tpu.vector_load %arg8[%get3A_539, %get3A_540, %get3A_541] {strides = array<i32>} : memref<2x128x128xf32, #tpu.memory_space<vmem>>, vector<16xf32>,
      %mul3A_543 = arith.mulf %get3A_537, %get3A_542 : vector<16xf32>
      %get3A_544 = arith.constant 0 : i32
      %get3A_545 = arith.index_cast %get3A_544 : i32 to index
      %get3A_546 = arith.index_cast %add3A_532 : i32 to index
      %get3A_547 = arith.constant 16 : index
      %get3A_548 = tpu.vector_load %arg7[%get3A_545, %get3A_546, %get3A_547] {strides = array<i32>} : memref<2x128x128xf32, #tpu.memory_space<vmem>>, vector<16xf32>,
      %get3A_549 = arith.constant 0 : i32
      %get3A_550 = arith.index_cast %get3A_549 : i32 to index
      %get3A_551 = arith.index_cast %add3A_532 : i32 to index
      %get3A_552 = arith.constant 80 : index
      %get3A_553 = tpu.vector_load %arg8[%get3A_550, %get3A_551, %get3A_552] {strides = array<i32>} : memref<2x128x128xf32, #tpu.memory_space<vmem>>, vector<16xf32>,
      %mul3A_554 = arith.mulf %get3A_548, %get3A_553 : vector<16xf32>
      %add3A_555 = arith.addf %mul3A_543, %mul3A_554 : vector<16xf32>
      %get3A_556 = arith.constant 0 : i32
      %get3A_557 = arith.index_cast %get3A_556 : i32 to index
      %get3A_558 = arith.index_cast %add3A_532 : i32 to index
      %get3A_559 = arith.constant 32 : index
      %get3A_560 = tpu.vector_load %arg7[%get3A_557, %get3A_558, %get3A_559] {strides = array<i32>} : memref<2x128x128xf32, #tpu.memory_space<vmem>>, vector<16xf32>,
      %get3A_561 = arith.constant 0 : i32
      %get3A_562 = arith.index_cast %get3A_561 : i32 to index
      %get3A_563 = arith.index_cast %add3A_532 : i32 to index
      %get3A_564 = arith.constant 96 : index
      %get3A_565 = tpu.vector_load %arg8[%get3A_562, %get3A_563, %get3A_564] {strides = array<i32>} : memref<2x128x128xf32, #tpu.memory_space<vmem>>, vector<16xf32>,
      %mul3A_566 = arith.mulf %get3A_560, %get3A_565 : vector<16xf32>
      %add3A_567 = arith.addf %add3A_555, %mul3A_566 : vector<16xf32>
      %get3A_568 = arith.constant 0 : i32
      %get3A_569 = arith.index_cast %get3A_568 : i32 to index
      %get3A_570 = arith.index_cast %add3A_532 : i32 to index
      %get3A_571 = arith.constant 48 : index
      %get3A_572 = tpu.vector_load %arg7[%get3A_569, %get3A_570, %get3A_571] {strides = array<i32>} : memref<2x128x128xf32, #tpu.memory_space<vmem>>, vector<16xf32>,
      %get3A_573 = arith.constant 0 : i32
      %get3A_574 = arith.index_cast %get3A_573 : i32 to index
      %get3A_575 = arith.index_cast %add3A_532 : i32 to index
      %get3A_576 = arith.constant 112 : index
      %get3A_577 = tpu.vector_load %arg8[%get3A_574, %get3A_575, %get3A_576] {strides = array<i32>} : memref<2x128x128xf32, #tpu.memory_space<vmem>>, vector<16xf32>,
      %mul3A_578 = arith.mulf %get3A_572, %get3A_577 : vector<16xf32>
      %add3A_579 = arith.addf %add3A_567, %mul3A_578 : vector<16xf32>
      %swap3A_580 = arith.constant 102 : index
      %swap3A_581 = tpu.vector_load %arg9[%swap3A_580] {strides = array<i32>} : memref<272xf32, #tpu.memory_space<vmem>>, vector<16xf32>,
      tpu.vector_store %arg9[%swap3A_580], %add3A_579 {strides = array<i32>} : memref<272xf32, #tpu.memory_space<vmem>>, vector<16xf32>,
      %mul3A_582 = arith.constant 16 : i32
      %mul3A_583 = arith.muli %scan3A_212, %mul3A_582 : i32
      %add3A_584 = arith.constant 7 : i32
      %add3A_585 = arith.addi %mul3A_583, %add3A_584 : i32
      %get3A_586 = arith.constant 0 : i32
      %get3A_587 = arith.index_cast %get3A_586 : i32 to index
      %get3A_588 = arith.index_cast %add3A_585 : i32 to index
      %get3A_589 = arith.constant 0 : index
      %get3A_590 = tpu.vector_load %arg7[%get3A_587, %get3A_588, %get3A_589] {strides = array<i32>} : memref<2x128x128xf32, #tpu.memory_space<vmem>>, vector<16xf32>,
      %get3A_591 = arith.constant 0 : i32
      %get3A_592 = arith.index_cast %get3A_591 : i32 to index
      %get3A_593 = arith.index_cast %add3A_585 : i32 to index
      %get3A_594 = arith.constant 64 : index
      %get3A_595 = tpu.vector_load %arg8[%get3A_592, %get3A_593, %get3A_594] {strides = array<i32>} : memref<2x128x128xf32, #tpu.memory_space<vmem>>, vector<16xf32>,
      %mul3A_596 = arith.mulf %get3A_590, %get3A_595 : vector<16xf32>
      %get3A_597 = arith.constant 0 : i32
      %get3A_598 = arith.index_cast %get3A_597 : i32 to index
      %get3A_599 = arith.index_cast %add3A_585 : i32 to index
      %get3A_600 = arith.constant 16 : index
      %get3A_601 = tpu.vector_load %arg7[%get3A_598, %get3A_599, %get3A_600] {strides = array<i32>} : memref<2x128x128xf32, #tpu.memory_space<vmem>>, vector<16xf32>,
      %get3A_602 = arith.constant 0 : i32
      %get3A_603 = arith.index_cast %get3A_602 : i32 to index
      %get3A_604 = arith.index_cast %add3A_585 : i32 to index
      %get3A_605 = arith.constant 80 : index
      %get3A_606 = tpu.vector_load %arg8[%get3A_603, %get3A_604, %get3A_605] {strides = array<i32>} : memref<2x128x128xf32, #tpu.memory_space<vmem>>, vector<16xf32>,
      %mul3A_607 = arith.mulf %get3A_601, %get3A_606 : vector<16xf32>
      %add3A_608 = arith.addf %mul3A_596, %mul3A_607 : vector<16xf32>
      %get3A_609 = arith.constant 0 : i32
      %get3A_610 = arith.index_cast %get3A_609 : i32 to index
      %get3A_611 = arith.index_cast %add3A_585 : i32 to index
      %get3A_612 = arith.constant 32 : index
      %get3A_613 = tpu.vector_load %arg7[%get3A_610, %get3A_611, %get3A_612] {strides = array<i32>} : memref<2x128x128xf32, #tpu.memory_space<vmem>>, vector<16xf32>,
      %get3A_614 = arith.constant 0 : i32
      %get3A_615 = arith.index_cast %get3A_614 : i32 to index
      %get3A_616 = arith.index_cast %add3A_585 : i32 to index
      %get3A_617 = arith.constant 96 : index
      %get3A_618 = tpu.vector_load %arg8[%get3A_615, %get3A_616, %get3A_617] {strides = array<i32>} : memref<2x128x128xf32, #tpu.memory_space<vmem>>, vector<16xf32>,
      %mul3A_619 = arith.mulf %get3A_613, %get3A_618 : vector<16xf32>
      %add3A_620 = arith.addf %add3A_608, %mul3A_619 : vector<16xf32>
      %get3A_621 = arith.constant 0 : i32
      %get3A_622 = arith.index_cast %get3A_621 : i32 to index
      %get3A_623 = arith.index_cast %add3A_585 : i32 to index
      %get3A_624 = arith.constant 48 : index
      %get3A_625 = tpu.vector_load %arg7[%get3A_622, %get3A_623, %get3A_624] {strides = array<i32>} : memref<2x128x128xf32, #tpu.memory_space<vmem>>, vector<16xf32>,
      %get3A_626 = arith.constant 0 : i32
      %get3A_627 = arith.index_cast %get3A_626 : i32 to index
      %get3A_628 = arith.index_cast %add3A_585 : i32 to index
      %get3A_629 = arith.constant 112 : index
      %get3A_630 = tpu.vector_load %arg8[%get3A_627, %get3A_628, %get3A_629] {strides = array<i32>} : memref<2x128x128xf32, #tpu.memory_space<vmem>>, vector<16xf32>,
      %mul3A_631 = arith.mulf %get3A_625, %get3A_630 : vector<16xf32>
      %add3A_632 = arith.addf %add3A_620, %mul3A_631 : vector<16xf32>
      %swap3A_633 = arith.constant 119 : index
      %swap3A_634 = tpu.vector_load %arg9[%swap3A_633] {strides = array<i32>} : memref<272xf32, #tpu.memory_space<vmem>>, vector<16xf32>,
      tpu.vector_store %arg9[%swap3A_633], %add3A_632 {strides = array<i32>} : memref<272xf32, #tpu.memory_space<vmem>>, vector<16xf32>,
      %mul3A_635 = arith.constant 16 : i32
      %mul3A_636 = arith.muli %scan3A_212, %mul3A_635 : i32
      %add3A_637 = arith.constant 8 : i32
      %add3A_638 = arith.addi %mul3A_636, %add3A_637 : i32
      %get3A_639 = arith.constant 0 : i32
      %get3A_640 = arith.index_cast %get3A_639 : i32 to index
      %get3A_641 = arith.index_cast %add3A_638 : i32 to index
      %get3A_642 = arith.constant 0 : index
      %get3A_643 = tpu.vector_load %arg7[%get3A_640, %get3A_641, %get3A_642] {strides = array<i32>} : memref<2x128x128xf32, #tpu.memory_space<vmem>>, vector<16xf32>,
      %get3A_644 = arith.constant 0 : i32
      %get3A_645 = arith.index_cast %get3A_644 : i32 to index
      %get3A_646 = arith.index_cast %add3A_638 : i32 to index
      %get3A_647 = arith.constant 64 : index
      %get3A_648 = tpu.vector_load %arg8[%get3A_645, %get3A_646, %get3A_647] {strides = array<i32>} : memref<2x128x128xf32, #tpu.memory_space<vmem>>, vector<16xf32>,
      %mul3A_649 = arith.mulf %get3A_643, %get3A_648 : vector<16xf32>
      %get3A_650 = arith.constant 0 : i32
      %get3A_651 = arith.index_cast %get3A_650 : i32 to index
      %get3A_652 = arith.index_cast %add3A_638 : i32 to index
      %get3A_653 = arith.constant 16 : index
      %get3A_654 = tpu.vector_load %arg7[%get3A_651, %get3A_652, %get3A_653] {strides = array<i32>} : memref<2x128x128xf32, #tpu.memory_space<vmem>>, vector<16xf32>,
      %get3A_655 = arith.constant 0 : i32
      %get3A_656 = arith.index_cast %get3A_655 : i32 to index
      %get3A_657 = arith.index_cast %add3A_638 : i32 to index
      %get3A_658 = arith.constant 80 : index
      %get3A_659 = tpu.vector_load %arg8[%get3A_656, %get3A_657, %get3A_658] {strides = array<i32>} : memref<2x128x128xf32, #tpu.memory_space<vmem>>, vector<16xf32>,
      %mul3A_660 = arith.mulf %get3A_654, %get3A_659 : vector<16xf32>
      %add3A_661 = arith.addf %mul3A_649, %mul3A_660 : vector<16xf32>
      %get3A_662 = arith.constant 0 : i32
      %get3A_663 = arith.index_cast %get3A_662 : i32 to index
      %get3A_664 = arith.index_cast %add3A_638 : i32 to index
      %get3A_665 = arith.constant 32 : index
      %get3A_666 = tpu.vector_load %arg7[%get3A_663, %get3A_664, %get3A_665] {strides = array<i32>} : memref<2x128x128xf32, #tpu.memory_space<vmem>>, vector<16xf32>,
      %get3A_667 = arith.constant 0 : i32
      %get3A_668 = arith.index_cast %get3A_667 : i32 to index
      %get3A_669 = arith.index_cast %add3A_638 : i32 to index
      %get3A_670 = arith.constant 96 : index
      %get3A_671 = tpu.vector_load %arg8[%get3A_668, %get3A_669, %get3A_670] {strides = array<i32>} : memref<2x128x128xf32, #tpu.memory_space<vmem>>, vector<16xf32>,
      %mul3A_672 = arith.mulf %get3A_666, %get3A_671 : vector<16xf32>
      %add3A_673 = arith.addf %add3A_661, %mul3A_672 : vector<16xf32>
      %get3A_674 = arith.constant 0 : i32
      %get3A_675 = arith.index_cast %get3A_674 : i32 to index
      %get3A_676 = arith.index_cast %add3A_638 : i32 to index
      %get3A_677 = arith.constant 48 : index
      %get3A_678 = tpu.vector_load %arg7[%get3A_675, %get3A_676, %get3A_677] {strides = array<i32>} : memref<2x128x128xf32, #tpu.memory_space<vmem>>, vector<16xf32>,
      %get3A_679 = arith.constant 0 : i32
      %get3A_680 = arith.index_cast %get3A_679 : i32 to index
      %get3A_681 = arith.index_cast %add3A_638 : i32 to index
      %get3A_682 = arith.constant 112 : index
      %get3A_683 = tpu.vector_load %arg8[%get3A_680, %get3A_681, %get3A_682] {strides = array<i32>} : memref<2x128x128xf32, #tpu.memory_space<vmem>>, vector<16xf32>,
      %mul3A_684 = arith.mulf %get3A_678, %get3A_683 : vector<16xf32>
      %add3A_685 = arith.addf %add3A_673, %mul3A_684 : vector<16xf32>
      %swap3A_686 = arith.constant 136 : index
      %swap3A_687 = tpu.vector_load %arg9[%swap3A_686] {strides = array<i32>} : memref<272xf32, #tpu.memory_space<vmem>>, vector<16xf32>,
      tpu.vector_store %arg9[%swap3A_686], %add3A_685 {strides = array<i32>} : memref<272xf32, #tpu.memory_space<vmem>>, vector<16xf32>,
      %mul3A_688 = arith.constant 16 : i32
      %mul3A_689 = arith.muli %scan3A_212, %mul3A_688 : i32
      %add3A_690 = arith.constant 9 : i32
      %add3A_691 = arith.addi %mul3A_689, %add3A_690 : i32
      %get3A_692 = arith.constant 0 : i32
      %get3A_693 = arith.index_cast %get3A_692 : i32 to index
      %get3A_694 = arith.index_cast %add3A_691 : i32 to index
      %get3A_695 = arith.constant 0 : index
      %get3A_696 = tpu.vector_load %arg7[%get3A_693, %get3A_694, %get3A_695] {strides = array<i32>} : memref<2x128x128xf32, #tpu.memory_space<vmem>>, vector<16xf32>,
      %get3A_697 = arith.constant 0 : i32
      %get3A_698 = arith.index_cast %get3A_697 : i32 to index
      %get3A_699 = arith.index_cast %add3A_691 : i32 to index
      %get3A_700 = arith.constant 64 : index
      %get3A_701 = tpu.vector_load %arg8[%get3A_698, %get3A_699, %get3A_700] {strides = array<i32>} : memref<2x128x128xf32, #tpu.memory_space<vmem>>, vector<16xf32>,
      %mul3A_702 = arith.mulf %get3A_696, %get3A_701 : vector<16xf32>
      %get3A_703 = arith.constant 0 : i32
      %get3A_704 = arith.index_cast %get3A_703 : i32 to index
      %get3A_705 = arith.index_cast %add3A_691 : i32 to index
      %get3A_706 = arith.constant 16 : index
      %get3A_707 = tpu.vector_load %arg7[%get3A_704, %get3A_705, %get3A_706] {strides = array<i32>} : memref<2x128x128xf32, #tpu.memory_space<vmem>>, vector<16xf32>,
      %get3A_708 = arith.constant 0 : i32
      %get3A_709 = arith.index_cast %get3A_708 : i32 to index
      %get3A_710 = arith.index_cast %add3A_691 : i32 to index
      %get3A_711 = arith.constant 80 : index
      %get3A_712 = tpu.vector_load %arg8[%get3A_709, %get3A_710, %get3A_711] {strides = array<i32>} : memref<2x128x128xf32, #tpu.memory_space<vmem>>, vector<16xf32>,
      %mul3A_713 = arith.mulf %get3A_707, %get3A_712 : vector<16xf32>
      %add3A_714 = arith.addf %mul3A_702, %mul3A_713 : vector<16xf32>
      %get3A_715 = arith.constant 0 : i32
      %get3A_716 = arith.index_cast %get3A_715 : i32 to index
      %get3A_717 = arith.index_cast %add3A_691 : i32 to index
      %get3A_718 = arith.constant 32 : index
      %get3A_719 = tpu.vector_load %arg7[%get3A_716, %get3A_717, %get3A_718] {strides = array<i32>} : memref<2x128x128xf32, #tpu.memory_space<vmem>>, vector<16xf32>,
      %get3A_720 = arith.constant 0 : i32
      %get3A_721 = arith.index_cast %get3A_720 : i32 to index
      %get3A_722 = arith.index_cast %add3A_691 : i32 to index
      %get3A_723 = arith.constant 96 : index
      %get3A_724 = tpu.vector_load %arg8[%get3A_721, %get3A_722, %get3A_723] {strides = array<i32>} : memref<2x128x128xf32, #tpu.memory_space<vmem>>, vector<16xf32>,
      %mul3A_725 = arith.mulf %get3A_719, %get3A_724 : vector<16xf32>
      %add3A_726 = arith.addf %add3A_714, %mul3A_725 : vector<16xf32>
      %get3A_727 = arith.constant 0 : i32
      %get3A_728 = arith.index_cast %get3A_727 : i32 to index
      %get3A_729 = arith.index_cast %add3A_691 : i32 to index
      %get3A_730 = arith.constant 48 : index
      %get3A_731 = tpu.vector_load %arg7[%get3A_728, %get3A_729, %get3A_730] {strides = array<i32>} : memref<2x128x128xf32, #tpu.memory_space<vmem>>, vector<16xf32>,
      %get3A_732 = arith.constant 0 : i32
      %get3A_733 = arith.index_cast %get3A_732 : i32 to index
      %get3A_734 = arith.index_cast %add3A_691 : i32 to index
      %get3A_735 = arith.constant 112 : index
      %get3A_736 = tpu.vector_load %arg8[%get3A_733, %get3A_734, %get3A_735] {strides = array<i32>} : memref<2x128x128xf32, #tpu.memory_space<vmem>>, vector<16xf32>,
      %mul3A_737 = arith.mulf %get3A_731, %get3A_736 : vector<16xf32>
      %add3A_738 = arith.addf %add3A_726, %mul3A_737 : vector<16xf32>
      %swap3A_739 = arith.constant 153 : index
      %swap3A_740 = tpu.vector_load %arg9[%swap3A_739] {strides = array<i32>} : memref<272xf32, #tpu.memory_space<vmem>>, vector<16xf32>,
      tpu.vector_store %arg9[%swap3A_739], %add3A_738 {strides = array<i32>} : memref<272xf32, #tpu.memory_space<vmem>>, vector<16xf32>,
      %mul3A_741 = arith.constant 16 : i32
      %mul3A_742 = arith.muli %scan3A_212, %mul3A_741 : i32
      %add3A_743 = arith.constant 10 : i32
      %add3A_744 = arith.addi %mul3A_742, %add3A_743 : i32
      %get3A_745 = arith.constant 0 : i32
      %get3A_746 = arith.index_cast %get3A_745 : i32 to index
      %get3A_747 = arith.index_cast %add3A_744 : i32 to index
      %get3A_748 = arith.constant 0 : index
      %get3A_749 = tpu.vector_load %arg7[%get3A_746, %get3A_747, %get3A_748] {strides = array<i32>} : memref<2x128x128xf32, #tpu.memory_space<vmem>>, vector<16xf32>,
      %get3A_750 = arith.constant 0 : i32
      %get3A_751 = arith.index_cast %get3A_750 : i32 to index
      %get3A_752 = arith.index_cast %add3A_744 : i32 to index
      %get3A_753 = arith.constant 64 : index
      %get3A_754 = tpu.vector_load %arg8[%get3A_751, %get3A_752, %get3A_753] {strides = array<i32>} : memref<2x128x128xf32, #tpu.memory_space<vmem>>, vector<16xf32>,
      %mul3A_755 = arith.mulf %get3A_749, %get3A_754 : vector<16xf32>
      %get3A_756 = arith.constant 0 : i32
      %get3A_757 = arith.index_cast %get3A_756 : i32 to index
      %get3A_758 = arith.index_cast %add3A_744 : i32 to index
      %get3A_759 = arith.constant 16 : index
      %get3A_760 = tpu.vector_load %arg7[%get3A_757, %get3A_758, %get3A_759] {strides = array<i32>} : memref<2x128x128xf32, #tpu.memory_space<vmem>>, vector<16xf32>,
      %get3A_761 = arith.constant 0 : i32
      %get3A_762 = arith.index_cast %get3A_761 : i32 to index
      %get3A_763 = arith.index_cast %add3A_744 : i32 to index
      %get3A_764 = arith.constant 80 : index
      %get3A_765 = tpu.vector_load %arg8[%get3A_762, %get3A_763, %get3A_764] {strides = array<i32>} : memref<2x128x128xf32, #tpu.memory_space<vmem>>, vector<16xf32>,
      %mul3A_766 = arith.mulf %get3A_760, %get3A_765 : vector<16xf32>
      %add3A_767 = arith.addf %mul3A_755, %mul3A_766 : vector<16xf32>
      %get3A_768 = arith.constant 0 : i32
      %get3A_769 = arith.index_cast %get3A_768 : i32 to index
      %get3A_770 = arith.index_cast %add3A_744 : i32 to index
      %get3A_771 = arith.constant 32 : index
      %get3A_772 = tpu.vector_load %arg7[%get3A_769, %get3A_770, %get3A_771] {strides = array<i32>} : memref<2x128x128xf32, #tpu.memory_space<vmem>>, vector<16xf32>,
      %get3A_773 = arith.constant 0 : i32
      %get3A_774 = arith.index_cast %get3A_773 : i32 to index
      %get3A_775 = arith.index_cast %add3A_744 : i32 to index
      %get3A_776 = arith.constant 96 : index
      %get3A_777 = tpu.vector_load %arg8[%get3A_774, %get3A_775, %get3A_776] {strides = array<i32>} : memref<2x128x128xf32, #tpu.memory_space<vmem>>, vector<16xf32>,
      %mul3A_778 = arith.mulf %get3A_772, %get3A_777 : vector<16xf32>
      %add3A_779 = arith.addf %add3A_767, %mul3A_778 : vector<16xf32>
      %get3A_780 = arith.constant 0 : i32
      %get3A_781 = arith.index_cast %get3A_780 : i32 to index
      %get3A_782 = arith.index_cast %add3A_744 : i32 to index
      %get3A_783 = arith.constant 48 : index
      %get3A_784 = tpu.vector_load %arg7[%get3A_781, %get3A_782, %get3A_783] {strides = array<i32>} : memref<2x128x128xf32, #tpu.memory_space<vmem>>, vector<16xf32>,
      %get3A_785 = arith.constant 0 : i32
      %get3A_786 = arith.index_cast %get3A_785 : i32 to index
      %get3A_787 = arith.index_cast %add3A_744 : i32 to index
      %get3A_788 = arith.constant 112 : index
      %get3A_789 = tpu.vector_load %arg8[%get3A_786, %get3A_787, %get3A_788] {strides = array<i32>} : memref<2x128x128xf32, #tpu.memory_space<vmem>>, vector<16xf32>,
      %mul3A_790 = arith.mulf %get3A_784, %get3A_789 : vector<16xf32>
      %add3A_791 = arith.addf %add3A_779, %mul3A_790 : vector<16xf32>
      %swap3A_792 = arith.constant 170 : index
      %swap3A_793 = tpu.vector_load %arg9[%swap3A_792] {strides = array<i32>} : memref<272xf32, #tpu.memory_space<vmem>>, vector<16xf32>,
      tpu.vector_store %arg9[%swap3A_792], %add3A_791 {strides = array<i32>} : memref<272xf32, #tpu.memory_space<vmem>>, vector<16xf32>,
      %mul3A_794 = arith.constant 16 : i32
      %mul3A_795 = arith.muli %scan3A_212, %mul3A_794 : i32
      %add3A_796 = arith.constant 11 : i32
      %add3A_797 = arith.addi %mul3A_795, %add3A_796 : i32
      %get3A_798 = arith.constant 0 : i32
      %get3A_799 = arith.index_cast %get3A_798 : i32 to index
      %get3A_800 = arith.index_cast %add3A_797 : i32 to index
      %get3A_801 = arith.constant 0 : index
      %get3A_802 = tpu.vector_load %arg7[%get3A_799, %get3A_800, %get3A_801] {strides = array<i32>} : memref<2x128x128xf32, #tpu.memory_space<vmem>>, vector<16xf32>,
      %get3A_803 = arith.constant 0 : i32
      %get3A_804 = arith.index_cast %get3A_803 : i32 to index
      %get3A_805 = arith.index_cast %add3A_797 : i32 to index
      %get3A_806 = arith.constant 64 : index
      %get3A_807 = tpu.vector_load %arg8[%get3A_804, %get3A_805, %get3A_806] {strides = array<i32>} : memref<2x128x128xf32, #tpu.memory_space<vmem>>, vector<16xf32>,
      %mul3A_808 = arith.mulf %get3A_802, %get3A_807 : vector<16xf32>
      %get3A_809 = arith.constant 0 : i32
      %get3A_810 = arith.index_cast %get3A_809 : i32 to index
      %get3A_811 = arith.index_cast %add3A_797 : i32 to index
      %get3A_812 = arith.constant 16 : index
      %get3A_813 = tpu.vector_load %arg7[%get3A_810, %get3A_811, %get3A_812] {strides = array<i32>} : memref<2x128x128xf32, #tpu.memory_space<vmem>>, vector<16xf32>,
      %get3A_814 = arith.constant 0 : i32
      %get3A_815 = arith.index_cast %get3A_814 : i32 to index
      %get3A_816 = arith.index_cast %add3A_797 : i32 to index
      %get3A_817 = arith.constant 80 : index
      %get3A_818 = tpu.vector_load %arg8[%get3A_815, %get3A_816, %get3A_817] {strides = array<i32>} : memref<2x128x128xf32, #tpu.memory_space<vmem>>, vector<16xf32>,
      %mul3A_819 = arith.mulf %get3A_813, %get3A_818 : vector<16xf32>
      %add3A_820 = arith.addf %mul3A_808, %mul3A_819 : vector<16xf32>
      %get3A_821 = arith.constant 0 : i32
      %get3A_822 = arith.index_cast %get3A_821 : i32 to index
      %get3A_823 = arith.index_cast %add3A_797 : i32 to index
      %get3A_824 = arith.constant 32 : index
      %get3A_825 = tpu.vector_load %arg7[%get3A_822, %get3A_823, %get3A_824] {strides = array<i32>} : memref<2x128x128xf32, #tpu.memory_space<vmem>>, vector<16xf32>,
      %get3A_826 = arith.constant 0 : i32
      %get3A_827 = arith.index_cast %get3A_826 : i32 to index
      %get3A_828 = arith.index_cast %add3A_797 : i32 to index
      %get3A_829 = arith.constant 96 : index
      %get3A_830 = tpu.vector_load %arg8[%get3A_827, %get3A_828, %get3A_829] {strides = array<i32>} : memref<2x128x128xf32, #tpu.memory_space<vmem>>, vector<16xf32>,
      %mul3A_831 = arith.mulf %get3A_825, %get3A_830 : vector<16xf32>
      %add3A_832 = arith.addf %add3A_820, %mul3A_831 : vector<16xf32>
      %get3A_833 = arith.constant 0 : i32
      %get3A_834 = arith.index_cast %get3A_833 : i32 to index
      %get3A_835 = arith.index_cast %add3A_797 : i32 to index
      %get3A_836 = arith.constant 48 : index
      %get3A_837 = tpu.vector_load %arg7[%get3A_834, %get3A_835, %get3A_836] {strides = array<i32>} : memref<2x128x128xf32, #tpu.memory_space<vmem>>, vector<16xf32>,
      %get3A_838 = arith.constant 0 : i32
      %get3A_839 = arith.index_cast %get3A_838 : i32 to index
      %get3A_840 = arith.index_cast %add3A_797 : i32 to index
      %get3A_841 = arith.constant 112 : index
      %get3A_842 = tpu.vector_load %arg8[%get3A_839, %get3A_840, %get3A_841] {strides = array<i32>} : memref<2x128x128xf32, #tpu.memory_space<vmem>>, vector<16xf32>,
      %mul3A_843 = arith.mulf %get3A_837, %get3A_842 : vector<16xf32>
      %add3A_844 = arith.addf %add3A_832, %mul3A_843 : vector<16xf32>
      %swap3A_845 = arith.constant 187 : index
      %swap3A_846 = tpu.vector_load %arg9[%swap3A_845] {strides = array<i32>} : memref<272xf32, #tpu.memory_space<vmem>>, vector<16xf32>,
      tpu.vector_store %arg9[%swap3A_845], %add3A_844 {strides = array<i32>} : memref<272xf32, #tpu.memory_space<vmem>>, vector<16xf32>,
      %mul3A_847 = arith.constant 16 : i32
      %mul3A_848 = arith.muli %scan3A_212, %mul3A_847 : i32
      %add3A_849 = arith.constant 12 : i32
      %add3A_850 = arith.addi %mul3A_848, %add3A_849 : i32
      %get3A_851 = arith.constant 0 : i32
      %get3A_852 = arith.index_cast %get3A_851 : i32 to index
      %get3A_853 = arith.index_cast %add3A_850 : i32 to index
      %get3A_854 = arith.constant 0 : index
      %get3A_855 = tpu.vector_load %arg7[%get3A_852, %get3A_853, %get3A_854] {strides = array<i32>} : memref<2x128x128xf32, #tpu.memory_space<vmem>>, vector<16xf32>,
      %get3A_856 = arith.constant 0 : i32
      %get3A_857 = arith.index_cast %get3A_856 : i32 to index
      %get3A_858 = arith.index_cast %add3A_850 : i32 to index
      %get3A_859 = arith.constant 64 : index
      %get3A_860 = tpu.vector_load %arg8[%get3A_857, %get3A_858, %get3A_859] {strides = array<i32>} : memref<2x128x128xf32, #tpu.memory_space<vmem>>, vector<16xf32>,
      %mul3A_861 = arith.mulf %get3A_855, %get3A_860 : vector<16xf32>
      %get3A_862 = arith.constant 0 : i32
      %get3A_863 = arith.index_cast %get3A_862 : i32 to index
      %get3A_864 = arith.index_cast %add3A_850 : i32 to index
      %get3A_865 = arith.constant 16 : index
      %get3A_866 = tpu.vector_load %arg7[%get3A_863, %get3A_864, %get3A_865] {strides = array<i32>} : memref<2x128x128xf32, #tpu.memory_space<vmem>>, vector<16xf32>,
      %get3A_867 = arith.constant 0 : i32
      %get3A_868 = arith.index_cast %get3A_867 : i32 to index
      %get3A_869 = arith.index_cast %add3A_850 : i32 to index
      %get3A_870 = arith.constant 80 : index
      %get3A_871 = tpu.vector_load %arg8[%get3A_868, %get3A_869, %get3A_870] {strides = array<i32>} : memref<2x128x128xf32, #tpu.memory_space<vmem>>, vector<16xf32>,
      %mul3A_872 = arith.mulf %get3A_866, %get3A_871 : vector<16xf32>
      %add3A_873 = arith.addf %mul3A_861, %mul3A_872 : vector<16xf32>
      %get3A_874 = arith.constant 0 : i32
      %get3A_875 = arith.index_cast %get3A_874 : i32 to index
      %get3A_876 = arith.index_cast %add3A_850 : i32 to index
      %get3A_877 = arith.constant 32 : index
      %get3A_878 = tpu.vector_load %arg7[%get3A_875, %get3A_876, %get3A_877] {strides = array<i32>} : memref<2x128x128xf32, #tpu.memory_space<vmem>>, vector<16xf32>,
      %get3A_879 = arith.constant 0 : i32
      %get3A_880 = arith.index_cast %get3A_879 : i32 to index
      %get3A_881 = arith.index_cast %add3A_850 : i32 to index
      %get3A_882 = arith.constant 96 : index
      %get3A_883 = tpu.vector_load %arg8[%get3A_880, %get3A_881, %get3A_882] {strides = array<i32>} : memref<2x128x128xf32, #tpu.memory_space<vmem>>, vector<16xf32>,
      %mul3A_884 = arith.mulf %get3A_878, %get3A_883 : vector<16xf32>
      %add3A_885 = arith.addf %add3A_873, %mul3A_884 : vector<16xf32>
      %get3A_886 = arith.constant 0 : i32
      %get3A_887 = arith.index_cast %get3A_886 : i32 to index
      %get3A_888 = arith.index_cast %add3A_850 : i32 to index
      %get3A_889 = arith.constant 48 : index
      %get3A_890 = tpu.vector_load %arg7[%get3A_887, %get3A_888, %get3A_889] {strides = array<i32>} : memref<2x128x128xf32, #tpu.memory_space<vmem>>, vector<16xf32>,
      %get3A_891 = arith.constant 0 : i32
      %get3A_892 = arith.index_cast %get3A_891 : i32 to index
      %get3A_893 = arith.index_cast %add3A_850 : i32 to index
      %get3A_894 = arith.constant 112 : index
      %get3A_895 = tpu.vector_load %arg8[%get3A_892, %get3A_893, %get3A_894] {strides = array<i32>} : memref<2x128x128xf32, #tpu.memory_space<vmem>>, vector<16xf32>,
      %mul3A_896 = arith.mulf %get3A_890, %get3A_895 : vector<16xf32>
      %add3A_897 = arith.addf %add3A_885, %mul3A_896 : vector<16xf32>
      %swap3A_898 = arith.constant 204 : index
      %swap3A_899 = tpu.vector_load %arg9[%swap3A_898] {strides = array<i32>} : memref<272xf32, #tpu.memory_space<vmem>>, vector<16xf32>,
      tpu.vector_store %arg9[%swap3A_898], %add3A_897 {strides = array<i32>} : memref<272xf32, #tpu.memory_space<vmem>>, vector<16xf32>,
      %mul3A_900 = arith.constant 16 : i32
      %mul3A_901 = arith.muli %scan3A_212, %mul3A_900 : i32
      %add3A_902 = arith.constant 13 : i32
      %add3A_903 = arith.addi %mul3A_901, %add3A_902 : i32
      %get3A_904 = arith.constant 0 : i32
      %get3A_905 = arith.index_cast %get3A_904 : i32 to index
      %get3A_906 = arith.index_cast %add3A_903 : i32 to index
      %get3A_907 = arith.constant 0 : index
      %get3A_908 = tpu.vector_load %arg7[%get3A_905, %get3A_906, %get3A_907] {strides = array<i32>} : memref<2x128x128xf32, #tpu.memory_space<vmem>>, vector<16xf32>,
      %get3A_909 = arith.constant 0 : i32
      %get3A_910 = arith.index_cast %get3A_909 : i32 to index
      %get3A_911 = arith.index_cast %add3A_903 : i32 to index
      %get3A_912 = arith.constant 64 : index
      %get3A_913 = tpu.vector_load %arg8[%get3A_910, %get3A_911, %get3A_912] {strides = array<i32>} : memref<2x128x128xf32, #tpu.memory_space<vmem>>, vector<16xf32>,
      %mul3A_914 = arith.mulf %get3A_908, %get3A_913 : vector<16xf32>
      %get3A_915 = arith.constant 0 : i32
      %get3A_916 = arith.index_cast %get3A_915 : i32 to index
      %get3A_917 = arith.index_cast %add3A_903 : i32 to index
      %get3A_918 = arith.constant 16 : index
      %get3A_919 = tpu.vector_load %arg7[%get3A_916, %get3A_917, %get3A_918] {strides = array<i32>} : memref<2x128x128xf32, #tpu.memory_space<vmem>>, vector<16xf32>,
      %get3A_920 = arith.constant 0 : i32
      %get3A_921 = arith.index_cast %get3A_920 : i32 to index
      %get3A_922 = arith.index_cast %add3A_903 : i32 to index
      %get3A_923 = arith.constant 80 : index
      %get3A_924 = tpu.vector_load %arg8[%get3A_921, %get3A_922, %get3A_923] {strides = array<i32>} : memref<2x128x128xf32, #tpu.memory_space<vmem>>, vector<16xf32>,
      %mul3A_925 = arith.mulf %get3A_919, %get3A_924 : vector<16xf32>
      %add3A_926 = arith.addf %mul3A_914, %mul3A_925 : vector<16xf32>
      %get3A_927 = arith.constant 0 : i32
      %get3A_928 = arith.index_cast %get3A_927 : i32 to index
      %get3A_929 = arith.index_cast %add3A_903 : i32 to index
      %get3A_930 = arith.constant 32 : index
      %get3A_931 = tpu.vector_load %arg7[%get3A_928, %get3A_929, %get3A_930] {strides = array<i32>} : memref<2x128x128xf32, #tpu.memory_space<vmem>>, vector<16xf32>,
      %get3A_932 = arith.constant 0 : i32
      %get3A_933 = arith.index_cast %get3A_932 : i32 to index
      %get3A_934 = arith.index_cast %add3A_903 : i32 to index
      %get3A_935 = arith.constant 96 : index
      %get3A_936 = tpu.vector_load %arg8[%get3A_933, %get3A_934, %get3A_935] {strides = array<i32>} : memref<2x128x128xf32, #tpu.memory_space<vmem>>, vector<16xf32>,
      %mul3A_937 = arith.mulf %get3A_931, %get3A_936 : vector<16xf32>
      %add3A_938 = arith.addf %add3A_926, %mul3A_937 : vector<16xf32>
      %get3A_939 = arith.constant 0 : i32
      %get3A_940 = arith.index_cast %get3A_939 : i32 to index
      %get3A_941 = arith.index_cast %add3A_903 : i32 to index
      %get3A_942 = arith.constant 48 : index
      %get3A_943 = tpu.vector_load %arg7[%get3A_940, %get3A_941, %get3A_942] {strides = array<i32>} : memref<2x128x128xf32, #tpu.memory_space<vmem>>, vector<16xf32>,
      %get3A_944 = arith.constant 0 : i32
      %get3A_945 = arith.index_cast %get3A_944 : i32 to index
      %get3A_946 = arith.index_cast %add3A_903 : i32 to index
      %get3A_947 = arith.constant 112 : index
      %get3A_948 = tpu.vector_load %arg8[%get3A_945, %get3A_946, %get3A_947] {strides = array<i32>} : memref<2x128x128xf32, #tpu.memory_space<vmem>>, vector<16xf32>,
      %mul3A_949 = arith.mulf %get3A_943, %get3A_948 : vector<16xf32>
      %add3A_950 = arith.addf %add3A_938, %mul3A_949 : vector<16xf32>
      %swap3A_951 = arith.constant 221 : index
      %swap3A_952 = tpu.vector_load %arg9[%swap3A_951] {strides = array<i32>} : memref<272xf32, #tpu.memory_space<vmem>>, vector<16xf32>,
      tpu.vector_store %arg9[%swap3A_951], %add3A_950 {strides = array<i32>} : memref<272xf32, #tpu.memory_space<vmem>>, vector<16xf32>,
      %mul3A_953 = arith.constant 16 : i32
      %mul3A_954 = arith.muli %scan3A_212, %mul3A_953 : i32
      %add3A_955 = arith.constant 14 : i32
      %add3A_956 = arith.addi %mul3A_954, %add3A_955 : i32
      %get3A_957 = arith.constant 0 : i32
      %get3A_958 = arith.index_cast %get3A_957 : i32 to index
      %get3A_959 = arith.index_cast %add3A_956 : i32 to index
      %get3A_960 = arith.constant 0 : index
      %get3A_961 = tpu.vector_load %arg7[%get3A_958, %get3A_959, %get3A_960] {strides = array<i32>} : memref<2x128x128xf32, #tpu.memory_space<vmem>>, vector<16xf32>,
      %get3A_962 = arith.constant 0 : i32
      %get3A_963 = arith.index_cast %get3A_962 : i32 to index
      %get3A_964 = arith.index_cast %add3A_956 : i32 to index
      %get3A_965 = arith.constant 64 : index
      %get3A_966 = tpu.vector_load %arg8[%get3A_963, %get3A_964, %get3A_965] {strides = array<i32>} : memref<2x128x128xf32, #tpu.memory_space<vmem>>, vector<16xf32>,
      %mul3A_967 = arith.mulf %get3A_961, %get3A_966 : vector<16xf32>
      %get3A_968 = arith.constant 0 : i32
      %get3A_969 = arith.index_cast %get3A_968 : i32 to index
      %get3A_970 = arith.index_cast %add3A_956 : i32 to index
      %get3A_971 = arith.constant 16 : index
      %get3A_972 = tpu.vector_load %arg7[%get3A_969, %get3A_970, %get3A_971] {strides = array<i32>} : memref<2x128x128xf32, #tpu.memory_space<vmem>>, vector<16xf32>,
      %get3A_973 = arith.constant 0 : i32
      %get3A_974 = arith.index_cast %get3A_973 : i32 to index
      %get3A_975 = arith.index_cast %add3A_956 : i32 to index
      %get3A_976 = arith.constant 80 : index
      %get3A_977 = tpu.vector_load %arg8[%get3A_974, %get3A_975, %get3A_976] {strides = array<i32>} : memref<2x128x128xf32, #tpu.memory_space<vmem>>, vector<16xf32>,
      %mul3A_978 = arith.mulf %get3A_972, %get3A_977 : vector<16xf32>
      %add3A_979 = arith.addf %mul3A_967, %mul3A_978 : vector<16xf32>
      %get3A_980 = arith.constant 0 : i32
      %get3A_981 = arith.index_cast %get3A_980 : i32 to index
      %get3A_982 = arith.index_cast %add3A_956 : i32 to index
      %get3A_983 = arith.constant 32 : index
      %get3A_984 = tpu.vector_load %arg7[%get3A_981, %get3A_982, %get3A_983] {strides = array<i32>} : memref<2x128x128xf32, #tpu.memory_space<vmem>>, vector<16xf32>,
      %get3A_985 = arith.constant 0 : i32
      %get3A_986 = arith.index_cast %get3A_985 : i32 to index
      %get3A_987 = arith.index_cast %add3A_956 : i32 to index
      %get3A_988 = arith.constant 96 : index
      %get3A_989 = tpu.vector_load %arg8[%get3A_986, %get3A_987, %get3A_988] {strides = array<i32>} : memref<2x128x128xf32, #tpu.memory_space<vmem>>, vector<16xf32>,
      %mul3A_990 = arith.mulf %get3A_984, %get3A_989 : vector<16xf32>
      %add3A_991 = arith.addf %add3A_979, %mul3A_990 : vector<16xf32>
      %get3A_992 = arith.constant 0 : i32
      %get3A_993 = arith.index_cast %get3A_992 : i32 to index
      %get3A_994 = arith.index_cast %add3A_956 : i32 to index
      %get3A_995 = arith.constant 48 : index
      %get3A_996 = tpu.vector_load %arg7[%get3A_993, %get3A_994, %get3A_995] {strides = array<i32>} : memref<2x128x128xf32, #tpu.memory_space<vmem>>, vector<16xf32>,
      %get3A_997 = arith.constant 0 : i32
      %get3A_998 = arith.index_cast %get3A_997 : i32 to index
      %get3A_999 = arith.index_cast %add3A_956 : i32 to index
      %get3A_1000 = arith.constant 112 : index
      %get3A_1001 = tpu.vector_load %arg8[%get3A_998, %get3A_999, %get3A_1000] {strides = array<i32>} : memref<2x128x128xf32, #tpu.memory_space<vmem>>, vector<16xf32>,
      %mul3A_1002 = arith.mulf %get3A_996, %get3A_1001 : vector<16xf32>
      %add3A_1003 = arith.addf %add3A_991, %mul3A_1002 : vector<16xf32>
      %swap3A_1004 = arith.constant 238 : index
      %swap3A_1005 = tpu.vector_load %arg9[%swap3A_1004] {strides = array<i32>} : memref<272xf32, #tpu.memory_space<vmem>>, vector<16xf32>,
      tpu.vector_store %arg9[%swap3A_1004], %add3A_1003 {strides = array<i32>} : memref<272xf32, #tpu.memory_space<vmem>>, vector<16xf32>,
      %mul3A_1006 = arith.constant 16 : i32
      %mul3A_1007 = arith.muli %scan3A_212, %mul3A_1006 : i32
      %add3A_1008 = arith.constant 15 : i32
      %add3A_1009 = arith.addi %mul3A_1007, %add3A_1008 : i32
      %get3A_1010 = arith.constant 0 : i32
      %get3A_1011 = arith.index_cast %get3A_1010 : i32 to index
      %get3A_1012 = arith.index_cast %add3A_1009 : i32 to index
      %get3A_1013 = arith.constant 0 : index
      %get3A_1014 = tpu.vector_load %arg7[%get3A_1011, %get3A_1012, %get3A_1013] {strides = array<i32>} : memref<2x128x128xf32, #tpu.memory_space<vmem>>, vector<16xf32>,
      %get3A_1015 = arith.constant 0 : i32
      %get3A_1016 = arith.index_cast %get3A_1015 : i32 to index
      %get3A_1017 = arith.index_cast %add3A_1009 : i32 to index
      %get3A_1018 = arith.constant 64 : index
      %get3A_1019 = tpu.vector_load %arg8[%get3A_1016, %get3A_1017, %get3A_1018] {strides = array<i32>} : memref<2x128x128xf32, #tpu.memory_space<vmem>>, vector<16xf32>,
      %mul3A_1020 = arith.mulf %get3A_1014, %get3A_1019 : vector<16xf32>
      %get3A_1021 = arith.constant 0 : i32
      %get3A_1022 = arith.index_cast %get3A_1021 : i32 to index
      %get3A_1023 = arith.index_cast %add3A_1009 : i32 to index
      %get3A_1024 = arith.constant 16 : index
      %get3A_1025 = tpu.vector_load %arg7[%get3A_1022, %get3A_1023, %get3A_1024] {strides = array<i32>} : memref<2x128x128xf32, #tpu.memory_space<vmem>>, vector<16xf32>,
      %get3A_1026 = arith.constant 0 : i32
      %get3A_1027 = arith.index_cast %get3A_1026 : i32 to index
      %get3A_1028 = arith.index_cast %add3A_1009 : i32 to index
      %get3A_1029 = arith.constant 80 : index
      %get3A_1030 = tpu.vector_load %arg8[%get3A_1027, %get3A_1028, %get3A_1029] {strides = array<i32>} : memref<2x128x128xf32, #tpu.memory_space<vmem>>, vector<16xf32>,
      %mul3A_1031 = arith.mulf %get3A_1025, %get3A_1030 : vector<16xf32>
      %add3A_1032 = arith.addf %mul3A_1020, %mul3A_1031 : vector<16xf32>
      %get3A_1033 = arith.constant 0 : i32
      %get3A_1034 = arith.index_cast %get3A_1033 : i32 to index
      %get3A_1035 = arith.index_cast %add3A_1009 : i32 to index
      %get3A_1036 = arith.constant 32 : index
      %get3A_1037 = tpu.vector_load %arg7[%get3A_1034, %get3A_1035, %get3A_1036] {strides = array<i32>} : memref<2x128x128xf32, #tpu.memory_space<vmem>>, vector<16xf32>,
      %get3A_1038 = arith.constant 0 : i32
      %get3A_1039 = arith.index_cast %get3A_1038 : i32 to index
      %get3A_1040 = arith.index_cast %add3A_1009 : i32 to index
      %get3A_1041 = arith.constant 96 : index
      %get3A_1042 = tpu.vector_load %arg8[%get3A_1039, %get3A_1040, %get3A_1041] {strides = array<i32>} : memref<2x128x128xf32, #tpu.memory_space<vmem>>, vector<16xf32>,
      %mul3A_1043 = arith.mulf %get3A_1037, %get3A_1042 : vector<16xf32>
      %add3A_1044 = arith.addf %add3A_1032, %mul3A_1043 : vector<16xf32>
      %get3A_1045 = arith.constant 0 : i32
      %get3A_1046 = arith.index_cast %get3A_1045 : i32 to index
      %get3A_1047 = arith.index_cast %add3A_1009 : i32 to index
      %get3A_1048 = arith.constant 48 : index
      %get3A_1049 = tpu.vector_load %arg7[%get3A_1046, %get3A_1047, %get3A_1048] {strides = array<i32>} : memref<2x128x128xf32, #tpu.memory_space<vmem>>, vector<16xf32>,
      %get3A_1050 = arith.constant 0 : i32
      %get3A_1051 = arith.index_cast %get3A_1050 : i32 to index
      %get3A_1052 = arith.index_cast %add3A_1009 : i32 to index
      %get3A_1053 = arith.constant 112 : index
      %get3A_1054 = tpu.vector_load %arg8[%get3A_1051, %get3A_1052, %get3A_1053] {strides = array<i32>} : memref<2x128x128xf32, #tpu.memory_space<vmem>>, vector<16xf32>,
      %mul3A_1055 = arith.mulf %get3A_1049, %get3A_1054 : vector<16xf32>
      %add3A_1056 = arith.addf %add3A_1044, %mul3A_1055 : vector<16xf32>
      %swap3A_1057 = arith.constant 255 : index
      %swap3A_1058 = tpu.vector_load %arg9[%swap3A_1057] {strides = array<i32>} : memref<272xf32, #tpu.memory_space<vmem>>, vector<16xf32>,
      tpu.vector_store %arg9[%swap3A_1057], %add3A_1056 {strides = array<i32>} : memref<272xf32, #tpu.memory_space<vmem>>, vector<16xf32>,
      %gather3A = tpu.vector_load_idx %arg9[%mul3A_30] : memref<272xf32, #tpu.memory_space<vmem>>[vector<16xi32>], vector<16xf32>,
      %add3A_1059 = arith.constant 1 : i32
      %add3A_1060 = vector.broadcast %add3A_1059 : i32 to vector<16xi32>
      %add3A_1061 = arith.addi %mul3A_30, %add3A_1060 : vector<16xi32>
      %gather3A_1062 = tpu.vector_load_idx %arg9[%add3A_1061] : memref<272xf32, #tpu.memory_space<vmem>>[vector<16xi32>], vector<16xf32>,
      %add3A_1063 = arith.addf %gather3A, %gather3A_1062 : vector<16xf32>
      %add3A_1064 = arith.constant 2 : i32
      %add3A_1065 = vector.broadcast %add3A_1064 : i32 to vector<16xi32>
      %add3A_1066 = arith.addi %mul3A_30, %add3A_1065 : vector<16xi32>
      %gather3A_1067 = tpu.vector_load_idx %arg9[%add3A_1066] : memref<272xf32, #tpu.memory_space<vmem>>[vector<16xi32>], vector<16xf32>,
      %add3A_1068 = arith.addf %add3A_1063, %gather3A_1067 : vector<16xf32>
      %add3A_1069 = arith.constant 3 : i32
      %add3A_1070 = vector.broadcast %add3A_1069 : i32 to vector<16xi32>
      %add3A_1071 = arith.addi %mul3A_30, %add3A_1070 : vector<16xi32>
      %gather3A_1072 = tpu.vector_load_idx %arg9[%add3A_1071] : memref<272xf32, #tpu.memory_space<vmem>>[vector<16xi32>], vector<16xf32>,
      %add3A_1073 = arith.addf %add3A_1068, %gather3A_1072 : vector<16xf32>
      %add3A_1074 = arith.constant 4 : i32
      %add3A_1075 = vector.broadcast %add3A_1074 : i32 to vector<16xi32>
      %add3A_1076 = arith.addi %mul3A_30, %add3A_1075 : vector<16xi32>
      %gather3A_1077 = tpu.vector_load_idx %arg9[%add3A_1076] : memref<272xf32, #tpu.memory_space<vmem>>[vector<16xi32>], vector<16xf32>,
      %add3A_1078 = arith.addf %add3A_1073, %gather3A_1077 : vector<16xf32>
      %add3A_1079 = arith.constant 5 : i32
      %add3A_1080 = vector.broadcast %add3A_1079 : i32 to vector<16xi32>
      %add3A_1081 = arith.addi %mul3A_30, %add3A_1080 : vector<16xi32>
      %gather3A_1082 = tpu.vector_load_idx %arg9[%add3A_1081] : memref<272xf32, #tpu.memory_space<vmem>>[vector<16xi32>], vector<16xf32>,
      %add3A_1083 = arith.addf %add3A_1078, %gather3A_1082 : vector<16xf32>
      %add3A_1084 = arith.constant 6 : i32
      %add3A_1085 = vector.broadcast %add3A_1084 : i32 to vector<16xi32>
      %add3A_1086 = arith.addi %mul3A_30, %add3A_1085 : vector<16xi32>
      %gather3A_1087 = tpu.vector_load_idx %arg9[%add3A_1086] : memref<272xf32, #tpu.memory_space<vmem>>[vector<16xi32>], vector<16xf32>,
      %add3A_1088 = arith.addf %add3A_1083, %gather3A_1087 : vector<16xf32>
      %add3A_1089 = arith.constant 7 : i32
      %add3A_1090 = vector.broadcast %add3A_1089 : i32 to vector<16xi32>
      %add3A_1091 = arith.addi %mul3A_30, %add3A_1090 : vector<16xi32>
      %gather3A_1092 = tpu.vector_load_idx %arg9[%add3A_1091] : memref<272xf32, #tpu.memory_space<vmem>>[vector<16xi32>], vector<16xf32>,
      %add3A_1093 = arith.addf %add3A_1088, %gather3A_1092 : vector<16xf32>
      %add3A_1094 = arith.constant 8 : i32
      %add3A_1095 = vector.broadcast %add3A_1094 : i32 to vector<16xi32>
      %add3A_1096 = arith.addi %mul3A_30, %add3A_1095 : vector<16xi32>
      %gather3A_1097 = tpu.vector_load_idx %arg9[%add3A_1096] : memref<272xf32, #tpu.memory_space<vmem>>[vector<16xi32>], vector<16xf32>,
      %add3A_1098 = arith.addf %add3A_1093, %gather3A_1097 : vector<16xf32>
      %add3A_1099 = arith.constant 9 : i32
      %add3A_1100 = vector.broadcast %add3A_1099 : i32 to vector<16xi32>
      %add3A_1101 = arith.addi %mul3A_30, %add3A_1100 : vector<16xi32>
      %gather3A_1102 = tpu.vector_load_idx %arg9[%add3A_1101] : memref<272xf32, #tpu.memory_space<vmem>>[vector<16xi32>], vector<16xf32>,
      %add3A_1103 = arith.addf %add3A_1098, %gather3A_1102 : vector<16xf32>
      %add3A_1104 = arith.constant 10 : i32
      %add3A_1105 = vector.broadcast %add3A_1104 : i32 to vector<16xi32>
      %add3A_1106 = arith.addi %mul3A_30, %add3A_1105 : vector<16xi32>
      %gather3A_1107 = tpu.vector_load_idx %arg9[%add3A_1106] : memref<272xf32, #tpu.memory_space<vmem>>[vector<16xi32>], vector<16xf32>,
      %add3A_1108 = arith.addf %add3A_1103, %gather3A_1107 : vector<16xf32>
      %add3A_1109 = arith.constant 11 : i32
      %add3A_1110 = vector.broadcast %add3A_1109 : i32 to vector<16xi32>
      %add3A_1111 = arith.addi %mul3A_30, %add3A_1110 : vector<16xi32>
      %gather3A_1112 = tpu.vector_load_idx %arg9[%add3A_1111] : memref<272xf32, #tpu.memory_space<vmem>>[vector<16xi32>], vector<16xf32>,
      %add3A_1113 = arith.addf %add3A_1108, %gather3A_1112 : vector<16xf32>
      %add3A_1114 = arith.constant 12 : i32
      %add3A_1115 = vector.broadcast %add3A_1114 : i32 to vector<16xi32>
      %add3A_1116 = arith.addi %mul3A_30, %add3A_1115 : vector<16xi32>
      %gather3A_1117 = tpu.vector_load_idx %arg9[%add3A_1116] : memref<272xf32, #tpu.memory_space<vmem>>[vector<16xi32>], vector<16xf32>,
      %add3A_1118 = arith.addf %add3A_1113, %gather3A_1117 : vector<16xf32>
      %add3A_1119 = arith.constant 13 : i32
      %add3A_1120 = vector.broadcast %add3A_1119 : i32 to vector<16xi32>
      %add3A_1121 = arith.addi %mul3A_30, %add3A_1120 : vector<16xi32>
      %gather3A_1122 = tpu.vector_load_idx %arg9[%add3A_1121] : memref<272xf32, #tpu.memory_space<vmem>>[vector<16xi32>], vector<16xf32>,
      %add3A_1123 = arith.addf %add3A_1118, %gather3A_1122 : vector<16xf32>
      %add3A_1124 = arith.constant 14 : i32
      %add3A_1125 = vector.broadcast %add3A_1124 : i32 to vector<16xi32>
      %add3A_1126 = arith.addi %mul3A_30, %add3A_1125 : vector<16xi32>
      %gather3A_1127 = tpu.vector_load_idx %arg9[%add3A_1126] : memref<272xf32, #tpu.memory_space<vmem>>[vector<16xi32>], vector<16xf32>,
      %add3A_1128 = arith.addf %add3A_1123, %gather3A_1127 : vector<16xf32>
      %add3A_1129 = arith.constant 15 : i32
      %add3A_1130 = vector.broadcast %add3A_1129 : i32 to vector<16xi32>
      %add3A_1131 = arith.addi %mul3A_30, %add3A_1130 : vector<16xi32>
      %gather3A_1132 = tpu.vector_load_idx %arg9[%add3A_1131] : memref<272xf32, #tpu.memory_space<vmem>>[vector<16xi32>], vector<16xf32>,
      %add3A_1133 = arith.addf %add3A_1128, %gather3A_1132 : vector<16xf32>
      %mul3A_1134 = arith.constant 16 : i32
      %mul3A_1135 = arith.muli %scan3A_212, %mul3A_1134 : i32
      %add3A_1136 = arith.constant 256 : i32
      %add3A_1137 = arith.addi %add3A_1136, %mul3A_1135 : i32
      %swap3A_1138 = arith.index_cast %add3A_1137 : i32 to index
      %swap3A_1139 = tpu.vector_load %arg10[%swap3A_1138] {strides = array<i32>} : memref<512xf32, #tpu.memory_space<vmem>>, vector<16xf32>,
      tpu.vector_store %arg10[%swap3A_1138], %add3A_1133 {strides = array<i32>} : memref<512xf32, #tpu.memory_space<vmem>>, vector<16xf32>,
    }
    %scan3A_185 = arith.constant 8 : i32
    %dma_wait3A_186 = arith.constant 1 : i32
    %dma_wait3A_187 = arith.constant 0 : i32
    %dma_wait3A_188 = arith.constant 0 : i32
    %dma_wait3A_189 = tpu.memref_slice %arg7[%dma_wait3A_186, %dma_wait3A_187, %dma_wait3A_188] : memref<2x128x128xf32, #tpu.memory_space<vmem>> -> memref<1x128x128xf32, #tpu.memory_space<vmem>>
    %dma_wait3A_190 = tpu.memref_squeeze %dma_wait3A_189 : memref<1x128x128xf32, #tpu.memory_space<vmem>> -> memref<128x128xf32, #tpu.memory_space<vmem>>
    %dma_wait3A_191 = arith.constant 384 : i32
    %dma_wait3A_192 = tpu.memref_slice %arg5[%dma_wait3A_191] : memref<512xi32, #tpu.memory_space<vmem>> -> memref<128xi32, #tpu.memory_space<vmem>>
    %dma_wait3A_193 = arith.constant 0 : i32
    %dma_wait3A_194 = arith.constant 0 : i32
    %dma_wait3A_195 = tpu.memref_slice %arg3[%dma_wait3A_193, %dma_wait3A_194] : memref<100000x128xf32, #tpu.memory_space<hbm>> -> memref<100000x128xf32, #tpu.memory_space<hbm>>
    tpu.wait_indirect_dma semaphore(%arg11 : memref<!tpu.dma_semaphore, #tpu.memory_space<semaphore_mem>>) src(%dma_wait3A_195 : memref<100000x128xf32, #tpu.memory_space<hbm>>) dst(%dma_wait3A_190 : memref<128x128xf32, #tpu.memory_space<vmem>>)
    %dma_wait3A_196 = arith.constant 1 : i32
    %dma_wait3A_197 = arith.constant 0 : i32
    %dma_wait3A_198 = arith.constant 0 : i32
    %dma_wait3A_199 = tpu.memref_slice %arg8[%dma_wait3A_196, %dma_wait3A_197, %dma_wait3A_198] : memref<2x128x128xf32, #tpu.memory_space<vmem>> -> memref<1x128x128xf32, #tpu.memory_space<vmem>>
    %dma_wait3A_200 = tpu.memref_squeeze %dma_wait3A_199 : memref<1x128x128xf32, #tpu.memory_space<vmem>> -> memref<128x128xf32, #tpu.memory_space<vmem>>
    %dma_wait3A_201 = arith.constant 384 : i32
    %dma_wait3A_202 = tpu.memref_slice %arg6[%dma_wait3A_201] : memref<512xi32, #tpu.memory_space<vmem>> -> memref<128xi32, #tpu.memory_space<vmem>>
    %dma_wait3A_203 = arith.constant 0 : i32
    %dma_wait3A_204 = arith.constant 0 : i32
    %dma_wait3A_205 = tpu.memref_slice %arg3[%dma_wait3A_203, %dma_wait3A_204] : memref<100000x128xf32, #tpu.memory_space<hbm>> -> memref<100000x128xf32, #tpu.memory_space<hbm>>
    tpu.wait_indirect_dma semaphore(%arg11 : memref<!tpu.dma_semaphore, #tpu.memory_space<semaphore_mem>>) src(%dma_wait3A_205 : memref<100000x128xf32, #tpu.memory_space<hbm>>) dst(%dma_wait3A_200 : memref<128x128xf32, #tpu.memory_space<vmem>>)
    %scan3A_206 = arith.constant 0 : i32
    %scan3A_207 = arith.constant 0 : i32
    %scan3A_208 = arith.constant 8 : i32
    %scan3A_209 = arith.addi %scan3A_207, %scan3A_208 : i32
    %scan3A_210 = arith.constant 1 : i32
    scf.for %scan3A_212 = %scan3A_207 to %scan3A_209 step %scan3A_210  : i32 {
      %mul3A_213 = arith.constant 16 : i32
      %mul3A_214 = arith.muli %scan3A_212, %mul3A_213 : i32
      %add3A_215 = arith.constant 0 : i32
      %add3A_216 = arith.addi %mul3A_214, %add3A_215 : i32
      %get3A = arith.constant 1 : i32
      %get3A_217 = arith.index_cast %get3A : i32 to index
      %get3A_218 = arith.index_cast %add3A_216 : i32 to index
      %get3A_219 = arith.constant 0 : index
      %get3A_220 = tpu.vector_load %arg7[%get3A_217, %get3A_218, %get3A_219] {strides = array<i32>} : memref<2x128x128xf32, #tpu.memory_space<vmem>>, vector<16xf32>,
      %get3A_221 = arith.constant 1 : i32
      %get3A_222 = arith.index_cast %get3A_221 : i32 to index
      %get3A_223 = arith.index_cast %add3A_216 : i32 to index
      %get3A_224 = arith.constant 64 : index
      %get3A_225 = tpu.vector_load %arg8[%get3A_222, %get3A_223, %get3A_224] {strides = array<i32>} : memref<2x128x128xf32, #tpu.memory_space<vmem>>, vector<16xf32>,
      %mul3A_226 = arith.mulf %get3A_220, %get3A_225 : vector<16xf32>
      %get3A_227 = arith.constant 1 : i32
      %get3A_228 = arith.index_cast %get3A_227 : i32 to index
      %get3A_229 = arith.index_cast %add3A_216 : i32 to index
      %get3A_230 = arith.constant 16 : index
      %get3A_231 = tpu.vector_load %arg7[%get3A_228, %get3A_229, %get3A_230] {strides = array<i32>} : memref<2x128x128xf32, #tpu.memory_space<vmem>>, vector<16xf32>,
      %get3A_232 = arith.constant 1 : i32
      %get3A_233 = arith.index_cast %get3A_232 : i32 to index
      %get3A_234 = arith.index_cast %add3A_216 : i32 to index
      %get3A_235 = arith.constant 80 : index
      %get3A_236 = tpu.vector_load %arg8[%get3A_233, %get3A_234, %get3A_235] {strides = array<i32>} : memref<2x128x128xf32, #tpu.memory_space<vmem>>, vector<16xf32>,
      %mul3A_237 = arith.mulf %get3A_231, %get3A_236 : vector<16xf32>
      %add3A_238 = arith.addf %mul3A_226, %mul3A_237 : vector<16xf32>
      %get3A_239 = arith.constant 1 : i32
      %get3A_240 = arith.index_cast %get3A_239 : i32 to index
      %get3A_241 = arith.index_cast %add3A_216 : i32 to index
      %get3A_242 = arith.constant 32 : index
      %get3A_243 = tpu.vector_load %arg7[%get3A_240, %get3A_241, %get3A_242] {strides = array<i32>} : memref<2x128x128xf32, #tpu.memory_space<vmem>>, vector<16xf32>,
      %get3A_244 = arith.constant 1 : i32
      %get3A_245 = arith.index_cast %get3A_244 : i32 to index
      %get3A_246 = arith.index_cast %add3A_216 : i32 to index
      %get3A_247 = arith.constant 96 : index
      %get3A_248 = tpu.vector_load %arg8[%get3A_245, %get3A_246, %get3A_247] {strides = array<i32>} : memref<2x128x128xf32, #tpu.memory_space<vmem>>, vector<16xf32>,
      %mul3A_249 = arith.mulf %get3A_243, %get3A_248 : vector<16xf32>
      %add3A_250 = arith.addf %add3A_238, %mul3A_249 : vector<16xf32>
      %get3A_251 = arith.constant 1 : i32
      %get3A_252 = arith.index_cast %get3A_251 : i32 to index
      %get3A_253 = arith.index_cast %add3A_216 : i32 to index
      %get3A_254 = arith.constant 48 : index
      %get3A_255 = tpu.vector_load %arg7[%get3A_252, %get3A_253, %get3A_254] {strides = array<i32>} : memref<2x128x128xf32, #tpu.memory_space<vmem>>, vector<16xf32>,
      %get3A_256 = arith.constant 1 : i32
      %get3A_257 = arith.index_cast %get3A_256 : i32 to index
      %get3A_258 = arith.index_cast %add3A_216 : i32 to index
      %get3A_259 = arith.constant 112 : index
      %get3A_260 = tpu.vector_load %arg8[%get3A_257, %get3A_258, %get3A_259] {strides = array<i32>} : memref<2x128x128xf32, #tpu.memory_space<vmem>>, vector<16xf32>,
      %mul3A_261 = arith.mulf %get3A_255, %get3A_260 : vector<16xf32>
      %add3A_262 = arith.addf %add3A_250, %mul3A_261 : vector<16xf32>
      %swap3A = arith.constant 0 : index
      %swap3A_263 = tpu.vector_load %arg9[%swap3A] {strides = array<i32>} : memref<272xf32, #tpu.memory_space<vmem>>, vector<16xf32>,
      tpu.vector_store %arg9[%swap3A], %add3A_262 {strides = array<i32>} : memref<272xf32, #tpu.memory_space<vmem>>, vector<16xf32>,
      %mul3A_264 = arith.constant 16 : i32
      %mul3A_265 = arith.muli %scan3A_212, %mul3A_264 : i32
      %add3A_266 = arith.constant 1 : i32
      %add3A_267 = arith.addi %mul3A_265, %add3A_266 : i32
      %get3A_268 = arith.constant 1 : i32
      %get3A_269 = arith.index_cast %get3A_268 : i32 to index
      %get3A_270 = arith.index_cast %add3A_267 : i32 to index
      %get3A_271 = arith.constant 0 : index
      %get3A_272 = tpu.vector_load %arg7[%get3A_269, %get3A_270, %get3A_271] {strides = array<i32>} : memref<2x128x128xf32, #tpu.memory_space<vmem>>, vector<16xf32>,
      %get3A_273 = arith.constant 1 : i32
      %get3A_274 = arith.index_cast %get3A_273 : i32 to index
      %get3A_275 = arith.index_cast %add3A_267 : i32 to index
      %get3A_276 = arith.constant 64 : index
      %get3A_277 = tpu.vector_load %arg8[%get3A_274, %get3A_275, %get3A_276] {strides = array<i32>} : memref<2x128x128xf32, #tpu.memory_space<vmem>>, vector<16xf32>,
      %mul3A_278 = arith.mulf %get3A_272, %get3A_277 : vector<16xf32>
      %get3A_279 = arith.constant 1 : i32
      %get3A_280 = arith.index_cast %get3A_279 : i32 to index
      %get3A_281 = arith.index_cast %add3A_267 : i32 to index
      %get3A_282 = arith.constant 16 : index
      %get3A_283 = tpu.vector_load %arg7[%get3A_280, %get3A_281, %get3A_282] {strides = array<i32>} : memref<2x128x128xf32, #tpu.memory_space<vmem>>, vector<16xf32>,
      %get3A_284 = arith.constant 1 : i32
      %get3A_285 = arith.index_cast %get3A_284 : i32 to index
      %get3A_286 = arith.index_cast %add3A_267 : i32 to index
      %get3A_287 = arith.constant 80 : index
      %get3A_288 = tpu.vector_load %arg8[%get3A_285, %get3A_286, %get3A_287] {strides = array<i32>} : memref<2x128x128xf32, #tpu.memory_space<vmem>>, vector<16xf32>,
      %mul3A_289 = arith.mulf %get3A_283, %get3A_288 : vector<16xf32>
      %add3A_290 = arith.addf %mul3A_278, %mul3A_289 : vector<16xf32>
      %get3A_291 = arith.constant 1 : i32
      %get3A_292 = arith.index_cast %get3A_291 : i32 to index
      %get3A_293 = arith.index_cast %add3A_267 : i32 to index
      %get3A_294 = arith.constant 32 : index
      %get3A_295 = tpu.vector_load %arg7[%get3A_292, %get3A_293, %get3A_294] {strides = array<i32>} : memref<2x128x128xf32, #tpu.memory_space<vmem>>, vector<16xf32>,
      %get3A_296 = arith.constant 1 : i32
      %get3A_297 = arith.index_cast %get3A_296 : i32 to index
      %get3A_298 = arith.index_cast %add3A_267 : i32 to index
      %get3A_299 = arith.constant 96 : index
      %get3A_300 = tpu.vector_load %arg8[%get3A_297, %get3A_298, %get3A_299] {strides = array<i32>} : memref<2x128x128xf32, #tpu.memory_space<vmem>>, vector<16xf32>,
      %mul3A_301 = arith.mulf %get3A_295, %get3A_300 : vector<16xf32>
      %add3A_302 = arith.addf %add3A_290, %mul3A_301 : vector<16xf32>
      %get3A_303 = arith.constant 1 : i32
      %get3A_304 = arith.index_cast %get3A_303 : i32 to index
      %get3A_305 = arith.index_cast %add3A_267 : i32 to index
      %get3A_306 = arith.constant 48 : index
      %get3A_307 = tpu.vector_load %arg7[%get3A_304, %get3A_305, %get3A_306] {strides = array<i32>} : memref<2x128x128xf32, #tpu.memory_space<vmem>>, vector<16xf32>,
      %get3A_308 = arith.constant 1 : i32
      %get3A_309 = arith.index_cast %get3A_308 : i32 to index
      %get3A_310 = arith.index_cast %add3A_267 : i32 to index
      %get3A_311 = arith.constant 112 : index
      %get3A_312 = tpu.vector_load %arg8[%get3A_309, %get3A_310, %get3A_311] {strides = array<i32>} : memref<2x128x128xf32, #tpu.memory_space<vmem>>, vector<16xf32>,
      %mul3A_313 = arith.mulf %get3A_307, %get3A_312 : vector<16xf32>
      %add3A_314 = arith.addf %add3A_302, %mul3A_313 : vector<16xf32>
      %swap3A_315 = arith.constant 17 : index
      %swap3A_316 = tpu.vector_load %arg9[%swap3A_315] {strides = array<i32>} : memref<272xf32, #tpu.memory_space<vmem>>, vector<16xf32>,
      tpu.vector_store %arg9[%swap3A_315], %add3A_314 {strides = array<i32>} : memref<272xf32, #tpu.memory_space<vmem>>, vector<16xf32>,
      %mul3A_317 = arith.constant 16 : i32
      %mul3A_318 = arith.muli %scan3A_212, %mul3A_317 : i32
      %add3A_319 = arith.constant 2 : i32
      %add3A_320 = arith.addi %mul3A_318, %add3A_319 : i32
      %get3A_321 = arith.constant 1 : i32
      %get3A_322 = arith.index_cast %get3A_321 : i32 to index
      %get3A_323 = arith.index_cast %add3A_320 : i32 to index
      %get3A_324 = arith.constant 0 : index
      %get3A_325 = tpu.vector_load %arg7[%get3A_322, %get3A_323, %get3A_324] {strides = array<i32>} : memref<2x128x128xf32, #tpu.memory_space<vmem>>, vector<16xf32>,
      %get3A_326 = arith.constant 1 : i32
      %get3A_327 = arith.index_cast %get3A_326 : i32 to index
      %get3A_328 = arith.index_cast %add3A_320 : i32 to index
      %get3A_329 = arith.constant 64 : index
      %get3A_330 = tpu.vector_load %arg8[%get3A_327, %get3A_328, %get3A_329] {strides = array<i32>} : memref<2x128x128xf32, #tpu.memory_space<vmem>>, vector<16xf32>,
      %mul3A_331 = arith.mulf %get3A_325, %get3A_330 : vector<16xf32>
      %get3A_332 = arith.constant 1 : i32
      %get3A_333 = arith.index_cast %get3A_332 : i32 to index
      %get3A_334 = arith.index_cast %add3A_320 : i32 to index
      %get3A_335 = arith.constant 16 : index
      %get3A_336 = tpu.vector_load %arg7[%get3A_333, %get3A_334, %get3A_335] {strides = array<i32>} : memref<2x128x128xf32, #tpu.memory_space<vmem>>, vector<16xf32>,
      %get3A_337 = arith.constant 1 : i32
      %get3A_338 = arith.index_cast %get3A_337 : i32 to index
      %get3A_339 = arith.index_cast %add3A_320 : i32 to index
      %get3A_340 = arith.constant 80 : index
      %get3A_341 = tpu.vector_load %arg8[%get3A_338, %get3A_339, %get3A_340] {strides = array<i32>} : memref<2x128x128xf32, #tpu.memory_space<vmem>>, vector<16xf32>,
      %mul3A_342 = arith.mulf %get3A_336, %get3A_341 : vector<16xf32>
      %add3A_343 = arith.addf %mul3A_331, %mul3A_342 : vector<16xf32>
      %get3A_344 = arith.constant 1 : i32
      %get3A_345 = arith.index_cast %get3A_344 : i32 to index
      %get3A_346 = arith.index_cast %add3A_320 : i32 to index
      %get3A_347 = arith.constant 32 : index
      %get3A_348 = tpu.vector_load %arg7[%get3A_345, %get3A_346, %get3A_347] {strides = array<i32>} : memref<2x128x128xf32, #tpu.memory_space<vmem>>, vector<16xf32>,
      %get3A_349 = arith.constant 1 : i32
      %get3A_350 = arith.index_cast %get3A_349 : i32 to index
      %get3A_351 = arith.index_cast %add3A_320 : i32 to index
      %get3A_352 = arith.constant 96 : index
      %get3A_353 = tpu.vector_load %arg8[%get3A_350, %get3A_351, %get3A_352] {strides = array<i32>} : memref<2x128x128xf32, #tpu.memory_space<vmem>>, vector<16xf32>,
      %mul3A_354 = arith.mulf %get3A_348, %get3A_353 : vector<16xf32>
      %add3A_355 = arith.addf %add3A_343, %mul3A_354 : vector<16xf32>
      %get3A_356 = arith.constant 1 : i32
      %get3A_357 = arith.index_cast %get3A_356 : i32 to index
      %get3A_358 = arith.index_cast %add3A_320 : i32 to index
      %get3A_359 = arith.constant 48 : index
      %get3A_360 = tpu.vector_load %arg7[%get3A_357, %get3A_358, %get3A_359] {strides = array<i32>} : memref<2x128x128xf32, #tpu.memory_space<vmem>>, vector<16xf32>,
      %get3A_361 = arith.constant 1 : i32
      %get3A_362 = arith.index_cast %get3A_361 : i32 to index
      %get3A_363 = arith.index_cast %add3A_320 : i32 to index
      %get3A_364 = arith.constant 112 : index
      %get3A_365 = tpu.vector_load %arg8[%get3A_362, %get3A_363, %get3A_364] {strides = array<i32>} : memref<2x128x128xf32, #tpu.memory_space<vmem>>, vector<16xf32>,
      %mul3A_366 = arith.mulf %get3A_360, %get3A_365 : vector<16xf32>
      %add3A_367 = arith.addf %add3A_355, %mul3A_366 : vector<16xf32>
      %swap3A_368 = arith.constant 34 : index
      %swap3A_369 = tpu.vector_load %arg9[%swap3A_368] {strides = array<i32>} : memref<272xf32, #tpu.memory_space<vmem>>, vector<16xf32>,
      tpu.vector_store %arg9[%swap3A_368], %add3A_367 {strides = array<i32>} : memref<272xf32, #tpu.memory_space<vmem>>, vector<16xf32>,
      %mul3A_370 = arith.constant 16 : i32
      %mul3A_371 = arith.muli %scan3A_212, %mul3A_370 : i32
      %add3A_372 = arith.constant 3 : i32
      %add3A_373 = arith.addi %mul3A_371, %add3A_372 : i32
      %get3A_374 = arith.constant 1 : i32
      %get3A_375 = arith.index_cast %get3A_374 : i32 to index
      %get3A_376 = arith.index_cast %add3A_373 : i32 to index
      %get3A_377 = arith.constant 0 : index
      %get3A_378 = tpu.vector_load %arg7[%get3A_375, %get3A_376, %get3A_377] {strides = array<i32>} : memref<2x128x128xf32, #tpu.memory_space<vmem>>, vector<16xf32>,
      %get3A_379 = arith.constant 1 : i32
      %get3A_380 = arith.index_cast %get3A_379 : i32 to index
      %get3A_381 = arith.index_cast %add3A_373 : i32 to index
      %get3A_382 = arith.constant 64 : index
      %get3A_383 = tpu.vector_load %arg8[%get3A_380, %get3A_381, %get3A_382] {strides = array<i32>} : memref<2x128x128xf32, #tpu.memory_space<vmem>>, vector<16xf32>,
      %mul3A_384 = arith.mulf %get3A_378, %get3A_383 : vector<16xf32>
      %get3A_385 = arith.constant 1 : i32
      %get3A_386 = arith.index_cast %get3A_385 : i32 to index
      %get3A_387 = arith.index_cast %add3A_373 : i32 to index
      %get3A_388 = arith.constant 16 : index
      %get3A_389 = tpu.vector_load %arg7[%get3A_386, %get3A_387, %get3A_388] {strides = array<i32>} : memref<2x128x128xf32, #tpu.memory_space<vmem>>, vector<16xf32>,
      %get3A_390 = arith.constant 1 : i32
      %get3A_391 = arith.index_cast %get3A_390 : i32 to index
      %get3A_392 = arith.index_cast %add3A_373 : i32 to index
      %get3A_393 = arith.constant 80 : index
      %get3A_394 = tpu.vector_load %arg8[%get3A_391, %get3A_392, %get3A_393] {strides = array<i32>} : memref<2x128x128xf32, #tpu.memory_space<vmem>>, vector<16xf32>,
      %mul3A_395 = arith.mulf %get3A_389, %get3A_394 : vector<16xf32>
      %add3A_396 = arith.addf %mul3A_384, %mul3A_395 : vector<16xf32>
      %get3A_397 = arith.constant 1 : i32
      %get3A_398 = arith.index_cast %get3A_397 : i32 to index
      %get3A_399 = arith.index_cast %add3A_373 : i32 to index
      %get3A_400 = arith.constant 32 : index
      %get3A_401 = tpu.vector_load %arg7[%get3A_398, %get3A_399, %get3A_400] {strides = array<i32>} : memref<2x128x128xf32, #tpu.memory_space<vmem>>, vector<16xf32>,
      %get3A_402 = arith.constant 1 : i32
      %get3A_403 = arith.index_cast %get3A_402 : i32 to index
      %get3A_404 = arith.index_cast %add3A_373 : i32 to index
      %get3A_405 = arith.constant 96 : index
      %get3A_406 = tpu.vector_load %arg8[%get3A_403, %get3A_404, %get3A_405] {strides = array<i32>} : memref<2x128x128xf32, #tpu.memory_space<vmem>>, vector<16xf32>,
      %mul3A_407 = arith.mulf %get3A_401, %get3A_406 : vector<16xf32>
      %add3A_408 = arith.addf %add3A_396, %mul3A_407 : vector<16xf32>
      %get3A_409 = arith.constant 1 : i32
      %get3A_410 = arith.index_cast %get3A_409 : i32 to index
      %get3A_411 = arith.index_cast %add3A_373 : i32 to index
      %get3A_412 = arith.constant 48 : index
      %get3A_413 = tpu.vector_load %arg7[%get3A_410, %get3A_411, %get3A_412] {strides = array<i32>} : memref<2x128x128xf32, #tpu.memory_space<vmem>>, vector<16xf32>,
      %get3A_414 = arith.constant 1 : i32
      %get3A_415 = arith.index_cast %get3A_414 : i32 to index
      %get3A_416 = arith.index_cast %add3A_373 : i32 to index
      %get3A_417 = arith.constant 112 : index
      %get3A_418 = tpu.vector_load %arg8[%get3A_415, %get3A_416, %get3A_417] {strides = array<i32>} : memref<2x128x128xf32, #tpu.memory_space<vmem>>, vector<16xf32>,
      %mul3A_419 = arith.mulf %get3A_413, %get3A_418 : vector<16xf32>
      %add3A_420 = arith.addf %add3A_408, %mul3A_419 : vector<16xf32>
      %swap3A_421 = arith.constant 51 : index
      %swap3A_422 = tpu.vector_load %arg9[%swap3A_421] {strides = array<i32>} : memref<272xf32, #tpu.memory_space<vmem>>, vector<16xf32>,
      tpu.vector_store %arg9[%swap3A_421], %add3A_420 {strides = array<i32>} : memref<272xf32, #tpu.memory_space<vmem>>, vector<16xf32>,
      %mul3A_423 = arith.constant 16 : i32
      %mul3A_424 = arith.muli %scan3A_212, %mul3A_423 : i32
      %add3A_425 = arith.constant 4 : i32
      %add3A_426 = arith.addi %mul3A_424, %add3A_425 : i32
      %get3A_427 = arith.constant 1 : i32
      %get3A_428 = arith.index_cast %get3A_427 : i32 to index
      %get3A_429 = arith.index_cast %add3A_426 : i32 to index
      %get3A_430 = arith.constant 0 : index
      %get3A_431 = tpu.vector_load %arg7[%get3A_428, %get3A_429, %get3A_430] {strides = array<i32>} : memref<2x128x128xf32, #tpu.memory_space<vmem>>, vector<16xf32>,
      %get3A_432 = arith.constant 1 : i32
      %get3A_433 = arith.index_cast %get3A_432 : i32 to index
      %get3A_434 = arith.index_cast %add3A_426 : i32 to index
      %get3A_435 = arith.constant 64 : index
      %get3A_436 = tpu.vector_load %arg8[%get3A_433, %get3A_434, %get3A_435] {strides = array<i32>} : memref<2x128x128xf32, #tpu.memory_space<vmem>>, vector<16xf32>,
      %mul3A_437 = arith.mulf %get3A_431, %get3A_436 : vector<16xf32>
      %get3A_438 = arith.constant 1 : i32
      %get3A_439 = arith.index_cast %get3A_438 : i32 to index
      %get3A_440 = arith.index_cast %add3A_426 : i32 to index
      %get3A_441 = arith.constant 16 : index
      %get3A_442 = tpu.vector_load %arg7[%get3A_439, %get3A_440, %get3A_441] {strides = array<i32>} : memref<2x128x128xf32, #tpu.memory_space<vmem>>, vector<16xf32>,
      %get3A_443 = arith.constant 1 : i32
      %get3A_444 = arith.index_cast %get3A_443 : i32 to index
      %get3A_445 = arith.index_cast %add3A_426 : i32 to index
      %get3A_446 = arith.constant 80 : index
      %get3A_447 = tpu.vector_load %arg8[%get3A_444, %get3A_445, %get3A_446] {strides = array<i32>} : memref<2x128x128xf32, #tpu.memory_space<vmem>>, vector<16xf32>,
      %mul3A_448 = arith.mulf %get3A_442, %get3A_447 : vector<16xf32>
      %add3A_449 = arith.addf %mul3A_437, %mul3A_448 : vector<16xf32>
      %get3A_450 = arith.constant 1 : i32
      %get3A_451 = arith.index_cast %get3A_450 : i32 to index
      %get3A_452 = arith.index_cast %add3A_426 : i32 to index
      %get3A_453 = arith.constant 32 : index
      %get3A_454 = tpu.vector_load %arg7[%get3A_451, %get3A_452, %get3A_453] {strides = array<i32>} : memref<2x128x128xf32, #tpu.memory_space<vmem>>, vector<16xf32>,
      %get3A_455 = arith.constant 1 : i32
      %get3A_456 = arith.index_cast %get3A_455 : i32 to index
      %get3A_457 = arith.index_cast %add3A_426 : i32 to index
      %get3A_458 = arith.constant 96 : index
      %get3A_459 = tpu.vector_load %arg8[%get3A_456, %get3A_457, %get3A_458] {strides = array<i32>} : memref<2x128x128xf32, #tpu.memory_space<vmem>>, vector<16xf32>,
      %mul3A_460 = arith.mulf %get3A_454, %get3A_459 : vector<16xf32>
      %add3A_461 = arith.addf %add3A_449, %mul3A_460 : vector<16xf32>
      %get3A_462 = arith.constant 1 : i32
      %get3A_463 = arith.index_cast %get3A_462 : i32 to index
      %get3A_464 = arith.index_cast %add3A_426 : i32 to index
      %get3A_465 = arith.constant 48 : index
      %get3A_466 = tpu.vector_load %arg7[%get3A_463, %get3A_464, %get3A_465] {strides = array<i32>} : memref<2x128x128xf32, #tpu.memory_space<vmem>>, vector<16xf32>,
      %get3A_467 = arith.constant 1 : i32
      %get3A_468 = arith.index_cast %get3A_467 : i32 to index
      %get3A_469 = arith.index_cast %add3A_426 : i32 to index
      %get3A_470 = arith.constant 112 : index
      %get3A_471 = tpu.vector_load %arg8[%get3A_468, %get3A_469, %get3A_470] {strides = array<i32>} : memref<2x128x128xf32, #tpu.memory_space<vmem>>, vector<16xf32>,
      %mul3A_472 = arith.mulf %get3A_466, %get3A_471 : vector<16xf32>
      %add3A_473 = arith.addf %add3A_461, %mul3A_472 : vector<16xf32>
      %swap3A_474 = arith.constant 68 : index
      %swap3A_475 = tpu.vector_load %arg9[%swap3A_474] {strides = array<i32>} : memref<272xf32, #tpu.memory_space<vmem>>, vector<16xf32>,
      tpu.vector_store %arg9[%swap3A_474], %add3A_473 {strides = array<i32>} : memref<272xf32, #tpu.memory_space<vmem>>, vector<16xf32>,
      %mul3A_476 = arith.constant 16 : i32
      %mul3A_477 = arith.muli %scan3A_212, %mul3A_476 : i32
      %add3A_478 = arith.constant 5 : i32
      %add3A_479 = arith.addi %mul3A_477, %add3A_478 : i32
      %get3A_480 = arith.constant 1 : i32
      %get3A_481 = arith.index_cast %get3A_480 : i32 to index
      %get3A_482 = arith.index_cast %add3A_479 : i32 to index
      %get3A_483 = arith.constant 0 : index
      %get3A_484 = tpu.vector_load %arg7[%get3A_481, %get3A_482, %get3A_483] {strides = array<i32>} : memref<2x128x128xf32, #tpu.memory_space<vmem>>, vector<16xf32>,
      %get3A_485 = arith.constant 1 : i32
      %get3A_486 = arith.index_cast %get3A_485 : i32 to index
      %get3A_487 = arith.index_cast %add3A_479 : i32 to index
      %get3A_488 = arith.constant 64 : index
      %get3A_489 = tpu.vector_load %arg8[%get3A_486, %get3A_487, %get3A_488] {strides = array<i32>} : memref<2x128x128xf32, #tpu.memory_space<vmem>>, vector<16xf32>,
      %mul3A_490 = arith.mulf %get3A_484, %get3A_489 : vector<16xf32>
      %get3A_491 = arith.constant 1 : i32
      %get3A_492 = arith.index_cast %get3A_491 : i32 to index
      %get3A_493 = arith.index_cast %add3A_479 : i32 to index
      %get3A_494 = arith.constant 16 : index
      %get3A_495 = tpu.vector_load %arg7[%get3A_492, %get3A_493, %get3A_494] {strides = array<i32>} : memref<2x128x128xf32, #tpu.memory_space<vmem>>, vector<16xf32>,
      %get3A_496 = arith.constant 1 : i32
      %get3A_497 = arith.index_cast %get3A_496 : i32 to index
      %get3A_498 = arith.index_cast %add3A_479 : i32 to index
      %get3A_499 = arith.constant 80 : index
      %get3A_500 = tpu.vector_load %arg8[%get3A_497, %get3A_498, %get3A_499] {strides = array<i32>} : memref<2x128x128xf32, #tpu.memory_space<vmem>>, vector<16xf32>,
      %mul3A_501 = arith.mulf %get3A_495, %get3A_500 : vector<16xf32>
      %add3A_502 = arith.addf %mul3A_490, %mul3A_501 : vector<16xf32>
      %get3A_503 = arith.constant 1 : i32
      %get3A_504 = arith.index_cast %get3A_503 : i32 to index
      %get3A_505 = arith.index_cast %add3A_479 : i32 to index
      %get3A_506 = arith.constant 32 : index
      %get3A_507 = tpu.vector_load %arg7[%get3A_504, %get3A_505, %get3A_506] {strides = array<i32>} : memref<2x128x128xf32, #tpu.memory_space<vmem>>, vector<16xf32>,
      %get3A_508 = arith.constant 1 : i32
      %get3A_509 = arith.index_cast %get3A_508 : i32 to index
      %get3A_510 = arith.index_cast %add3A_479 : i32 to index
      %get3A_511 = arith.constant 96 : index
      %get3A_512 = tpu.vector_load %arg8[%get3A_509, %get3A_510, %get3A_511] {strides = array<i32>} : memref<2x128x128xf32, #tpu.memory_space<vmem>>, vector<16xf32>,
      %mul3A_513 = arith.mulf %get3A_507, %get3A_512 : vector<16xf32>
      %add3A_514 = arith.addf %add3A_502, %mul3A_513 : vector<16xf32>
      %get3A_515 = arith.constant 1 : i32
      %get3A_516 = arith.index_cast %get3A_515 : i32 to index
      %get3A_517 = arith.index_cast %add3A_479 : i32 to index
      %get3A_518 = arith.constant 48 : index
      %get3A_519 = tpu.vector_load %arg7[%get3A_516, %get3A_517, %get3A_518] {strides = array<i32>} : memref<2x128x128xf32, #tpu.memory_space<vmem>>, vector<16xf32>,
      %get3A_520 = arith.constant 1 : i32
      %get3A_521 = arith.index_cast %get3A_520 : i32 to index
      %get3A_522 = arith.index_cast %add3A_479 : i32 to index
      %get3A_523 = arith.constant 112 : index
      %get3A_524 = tpu.vector_load %arg8[%get3A_521, %get3A_522, %get3A_523] {strides = array<i32>} : memref<2x128x128xf32, #tpu.memory_space<vmem>>, vector<16xf32>,
      %mul3A_525 = arith.mulf %get3A_519, %get3A_524 : vector<16xf32>
      %add3A_526 = arith.addf %add3A_514, %mul3A_525 : vector<16xf32>
      %swap3A_527 = arith.constant 85 : index
      %swap3A_528 = tpu.vector_load %arg9[%swap3A_527] {strides = array<i32>} : memref<272xf32, #tpu.memory_space<vmem>>, vector<16xf32>,
      tpu.vector_store %arg9[%swap3A_527], %add3A_526 {strides = array<i32>} : memref<272xf32, #tpu.memory_space<vmem>>, vector<16xf32>,
      %mul3A_529 = arith.constant 16 : i32
      %mul3A_530 = arith.muli %scan3A_212, %mul3A_529 : i32
      %add3A_531 = arith.constant 6 : i32
      %add3A_532 = arith.addi %mul3A_530, %add3A_531 : i32
      %get3A_533 = arith.constant 1 : i32
      %get3A_534 = arith.index_cast %get3A_533 : i32 to index
      %get3A_535 = arith.index_cast %add3A_532 : i32 to index
      %get3A_536 = arith.constant 0 : index
      %get3A_537 = tpu.vector_load %arg7[%get3A_534, %get3A_535, %get3A_536] {strides = array<i32>} : memref<2x128x128xf32, #tpu.memory_space<vmem>>, vector<16xf32>,
      %get3A_538 = arith.constant 1 : i32
      %get3A_539 = arith.index_cast %get3A_538 : i32 to index
      %get3A_540 = arith.index_cast %add3A_532 : i32 to index
      %get3A_541 = arith.constant 64 : index
      %get3A_542 = tpu.vector_load %arg8[%get3A_539, %get3A_540, %get3A_541] {strides = array<i32>} : memref<2x128x128xf32, #tpu.memory_space<vmem>>, vector<16xf32>,
      %mul3A_543 = arith.mulf %get3A_537, %get3A_542 : vector<16xf32>
      %get3A_544 = arith.constant 1 : i32
      %get3A_545 = arith.index_cast %get3A_544 : i32 to index
      %get3A_546 = arith.index_cast %add3A_532 : i32 to index
      %get3A_547 = arith.constant 16 : index
      %get3A_548 = tpu.vector_load %arg7[%get3A_545, %get3A_546, %get3A_547] {strides = array<i32>} : memref<2x128x128xf32, #tpu.memory_space<vmem>>, vector<16xf32>,
      %get3A_549 = arith.constant 1 : i32
      %get3A_550 = arith.index_cast %get3A_549 : i32 to index
      %get3A_551 = arith.index_cast %add3A_532 : i32 to index
      %get3A_552 = arith.constant 80 : index
      %get3A_553 = tpu.vector_load %arg8[%get3A_550, %get3A_551, %get3A_552] {strides = array<i32>} : memref<2x128x128xf32, #tpu.memory_space<vmem>>, vector<16xf32>,
      %mul3A_554 = arith.mulf %get3A_548, %get3A_553 : vector<16xf32>
      %add3A_555 = arith.addf %mul3A_543, %mul3A_554 : vector<16xf32>
      %get3A_556 = arith.constant 1 : i32
      %get3A_557 = arith.index_cast %get3A_556 : i32 to index
      %get3A_558 = arith.index_cast %add3A_532 : i32 to index
      %get3A_559 = arith.constant 32 : index
      %get3A_560 = tpu.vector_load %arg7[%get3A_557, %get3A_558, %get3A_559] {strides = array<i32>} : memref<2x128x128xf32, #tpu.memory_space<vmem>>, vector<16xf32>,
      %get3A_561 = arith.constant 1 : i32
      %get3A_562 = arith.index_cast %get3A_561 : i32 to index
      %get3A_563 = arith.index_cast %add3A_532 : i32 to index
      %get3A_564 = arith.constant 96 : index
      %get3A_565 = tpu.vector_load %arg8[%get3A_562, %get3A_563, %get3A_564] {strides = array<i32>} : memref<2x128x128xf32, #tpu.memory_space<vmem>>, vector<16xf32>,
      %mul3A_566 = arith.mulf %get3A_560, %get3A_565 : vector<16xf32>
      %add3A_567 = arith.addf %add3A_555, %mul3A_566 : vector<16xf32>
      %get3A_568 = arith.constant 1 : i32
      %get3A_569 = arith.index_cast %get3A_568 : i32 to index
      %get3A_570 = arith.index_cast %add3A_532 : i32 to index
      %get3A_571 = arith.constant 48 : index
      %get3A_572 = tpu.vector_load %arg7[%get3A_569, %get3A_570, %get3A_571] {strides = array<i32>} : memref<2x128x128xf32, #tpu.memory_space<vmem>>, vector<16xf32>,
      %get3A_573 = arith.constant 1 : i32
      %get3A_574 = arith.index_cast %get3A_573 : i32 to index
      %get3A_575 = arith.index_cast %add3A_532 : i32 to index
      %get3A_576 = arith.constant 112 : index
      %get3A_577 = tpu.vector_load %arg8[%get3A_574, %get3A_575, %get3A_576] {strides = array<i32>} : memref<2x128x128xf32, #tpu.memory_space<vmem>>, vector<16xf32>,
      %mul3A_578 = arith.mulf %get3A_572, %get3A_577 : vector<16xf32>
      %add3A_579 = arith.addf %add3A_567, %mul3A_578 : vector<16xf32>
      %swap3A_580 = arith.constant 102 : index
      %swap3A_581 = tpu.vector_load %arg9[%swap3A_580] {strides = array<i32>} : memref<272xf32, #tpu.memory_space<vmem>>, vector<16xf32>,
      tpu.vector_store %arg9[%swap3A_580], %add3A_579 {strides = array<i32>} : memref<272xf32, #tpu.memory_space<vmem>>, vector<16xf32>,
      %mul3A_582 = arith.constant 16 : i32
      %mul3A_583 = arith.muli %scan3A_212, %mul3A_582 : i32
      %add3A_584 = arith.constant 7 : i32
      %add3A_585 = arith.addi %mul3A_583, %add3A_584 : i32
      %get3A_586 = arith.constant 1 : i32
      %get3A_587 = arith.index_cast %get3A_586 : i32 to index
      %get3A_588 = arith.index_cast %add3A_585 : i32 to index
      %get3A_589 = arith.constant 0 : index
      %get3A_590 = tpu.vector_load %arg7[%get3A_587, %get3A_588, %get3A_589] {strides = array<i32>} : memref<2x128x128xf32, #tpu.memory_space<vmem>>, vector<16xf32>,
      %get3A_591 = arith.constant 1 : i32
      %get3A_592 = arith.index_cast %get3A_591 : i32 to index
      %get3A_593 = arith.index_cast %add3A_585 : i32 to index
      %get3A_594 = arith.constant 64 : index
      %get3A_595 = tpu.vector_load %arg8[%get3A_592, %get3A_593, %get3A_594] {strides = array<i32>} : memref<2x128x128xf32, #tpu.memory_space<vmem>>, vector<16xf32>,
      %mul3A_596 = arith.mulf %get3A_590, %get3A_595 : vector<16xf32>
      %get3A_597 = arith.constant 1 : i32
      %get3A_598 = arith.index_cast %get3A_597 : i32 to index
      %get3A_599 = arith.index_cast %add3A_585 : i32 to index
      %get3A_600 = arith.constant 16 : index
      %get3A_601 = tpu.vector_load %arg7[%get3A_598, %get3A_599, %get3A_600] {strides = array<i32>} : memref<2x128x128xf32, #tpu.memory_space<vmem>>, vector<16xf32>,
      %get3A_602 = arith.constant 1 : i32
      %get3A_603 = arith.index_cast %get3A_602 : i32 to index
      %get3A_604 = arith.index_cast %add3A_585 : i32 to index
      %get3A_605 = arith.constant 80 : index
      %get3A_606 = tpu.vector_load %arg8[%get3A_603, %get3A_604, %get3A_605] {strides = array<i32>} : memref<2x128x128xf32, #tpu.memory_space<vmem>>, vector<16xf32>,
      %mul3A_607 = arith.mulf %get3A_601, %get3A_606 : vector<16xf32>
      %add3A_608 = arith.addf %mul3A_596, %mul3A_607 : vector<16xf32>
      %get3A_609 = arith.constant 1 : i32
      %get3A_610 = arith.index_cast %get3A_609 : i32 to index
      %get3A_611 = arith.index_cast %add3A_585 : i32 to index
      %get3A_612 = arith.constant 32 : index
      %get3A_613 = tpu.vector_load %arg7[%get3A_610, %get3A_611, %get3A_612] {strides = array<i32>} : memref<2x128x128xf32, #tpu.memory_space<vmem>>, vector<16xf32>,
      %get3A_614 = arith.constant 1 : i32
      %get3A_615 = arith.index_cast %get3A_614 : i32 to index
      %get3A_616 = arith.index_cast %add3A_585 : i32 to index
      %get3A_617 = arith.constant 96 : index
      %get3A_618 = tpu.vector_load %arg8[%get3A_615, %get3A_616, %get3A_617] {strides = array<i32>} : memref<2x128x128xf32, #tpu.memory_space<vmem>>, vector<16xf32>,
      %mul3A_619 = arith.mulf %get3A_613, %get3A_618 : vector<16xf32>
      %add3A_620 = arith.addf %add3A_608, %mul3A_619 : vector<16xf32>
      %get3A_621 = arith.constant 1 : i32
      %get3A_622 = arith.index_cast %get3A_621 : i32 to index
      %get3A_623 = arith.index_cast %add3A_585 : i32 to index
      %get3A_624 = arith.constant 48 : index
      %get3A_625 = tpu.vector_load %arg7[%get3A_622, %get3A_623, %get3A_624] {strides = array<i32>} : memref<2x128x128xf32, #tpu.memory_space<vmem>>, vector<16xf32>,
      %get3A_626 = arith.constant 1 : i32
      %get3A_627 = arith.index_cast %get3A_626 : i32 to index
      %get3A_628 = arith.index_cast %add3A_585 : i32 to index
      %get3A_629 = arith.constant 112 : index
      %get3A_630 = tpu.vector_load %arg8[%get3A_627, %get3A_628, %get3A_629] {strides = array<i32>} : memref<2x128x128xf32, #tpu.memory_space<vmem>>, vector<16xf32>,
      %mul3A_631 = arith.mulf %get3A_625, %get3A_630 : vector<16xf32>
      %add3A_632 = arith.addf %add3A_620, %mul3A_631 : vector<16xf32>
      %swap3A_633 = arith.constant 119 : index
      %swap3A_634 = tpu.vector_load %arg9[%swap3A_633] {strides = array<i32>} : memref<272xf32, #tpu.memory_space<vmem>>, vector<16xf32>,
      tpu.vector_store %arg9[%swap3A_633], %add3A_632 {strides = array<i32>} : memref<272xf32, #tpu.memory_space<vmem>>, vector<16xf32>,
      %mul3A_635 = arith.constant 16 : i32
      %mul3A_636 = arith.muli %scan3A_212, %mul3A_635 : i32
      %add3A_637 = arith.constant 8 : i32
      %add3A_638 = arith.addi %mul3A_636, %add3A_637 : i32
      %get3A_639 = arith.constant 1 : i32
      %get3A_640 = arith.index_cast %get3A_639 : i32 to index
      %get3A_641 = arith.index_cast %add3A_638 : i32 to index
      %get3A_642 = arith.constant 0 : index
      %get3A_643 = tpu.vector_load %arg7[%get3A_640, %get3A_641, %get3A_642] {strides = array<i32>} : memref<2x128x128xf32, #tpu.memory_space<vmem>>, vector<16xf32>,
      %get3A_644 = arith.constant 1 : i32
      %get3A_645 = arith.index_cast %get3A_644 : i32 to index
      %get3A_646 = arith.index_cast %add3A_638 : i32 to index
      %get3A_647 = arith.constant 64 : index
      %get3A_648 = tpu.vector_load %arg8[%get3A_645, %get3A_646, %get3A_647] {strides = array<i32>} : memref<2x128x128xf32, #tpu.memory_space<vmem>>, vector<16xf32>,
      %mul3A_649 = arith.mulf %get3A_643, %get3A_648 : vector<16xf32>
      %get3A_650 = arith.constant 1 : i32
      %get3A_651 = arith.index_cast %get3A_650 : i32 to index
      %get3A_652 = arith.index_cast %add3A_638 : i32 to index
      %get3A_653 = arith.constant 16 : index
      %get3A_654 = tpu.vector_load %arg7[%get3A_651, %get3A_652, %get3A_653] {strides = array<i32>} : memref<2x128x128xf32, #tpu.memory_space<vmem>>, vector<16xf32>,
      %get3A_655 = arith.constant 1 : i32
      %get3A_656 = arith.index_cast %get3A_655 : i32 to index
      %get3A_657 = arith.index_cast %add3A_638 : i32 to index
      %get3A_658 = arith.constant 80 : index
      %get3A_659 = tpu.vector_load %arg8[%get3A_656, %get3A_657, %get3A_658] {strides = array<i32>} : memref<2x128x128xf32, #tpu.memory_space<vmem>>, vector<16xf32>,
      %mul3A_660 = arith.mulf %get3A_654, %get3A_659 : vector<16xf32>
      %add3A_661 = arith.addf %mul3A_649, %mul3A_660 : vector<16xf32>
      %get3A_662 = arith.constant 1 : i32
      %get3A_663 = arith.index_cast %get3A_662 : i32 to index
      %get3A_664 = arith.index_cast %add3A_638 : i32 to index
      %get3A_665 = arith.constant 32 : index
      %get3A_666 = tpu.vector_load %arg7[%get3A_663, %get3A_664, %get3A_665] {strides = array<i32>} : memref<2x128x128xf32, #tpu.memory_space<vmem>>, vector<16xf32>,
      %get3A_667 = arith.constant 1 : i32
      %get3A_668 = arith.index_cast %get3A_667 : i32 to index
      %get3A_669 = arith.index_cast %add3A_638 : i32 to index
      %get3A_670 = arith.constant 96 : index
      %get3A_671 = tpu.vector_load %arg8[%get3A_668, %get3A_669, %get3A_670] {strides = array<i32>} : memref<2x128x128xf32, #tpu.memory_space<vmem>>, vector<16xf32>,
      %mul3A_672 = arith.mulf %get3A_666, %get3A_671 : vector<16xf32>
      %add3A_673 = arith.addf %add3A_661, %mul3A_672 : vector<16xf32>
      %get3A_674 = arith.constant 1 : i32
      %get3A_675 = arith.index_cast %get3A_674 : i32 to index
      %get3A_676 = arith.index_cast %add3A_638 : i32 to index
      %get3A_677 = arith.constant 48 : index
      %get3A_678 = tpu.vector_load %arg7[%get3A_675, %get3A_676, %get3A_677] {strides = array<i32>} : memref<2x128x128xf32, #tpu.memory_space<vmem>>, vector<16xf32>,
      %get3A_679 = arith.constant 1 : i32
      %get3A_680 = arith.index_cast %get3A_679 : i32 to index
      %get3A_681 = arith.index_cast %add3A_638 : i32 to index
      %get3A_682 = arith.constant 112 : index
      %get3A_683 = tpu.vector_load %arg8[%get3A_680, %get3A_681, %get3A_682] {strides = array<i32>} : memref<2x128x128xf32, #tpu.memory_space<vmem>>, vector<16xf32>,
      %mul3A_684 = arith.mulf %get3A_678, %get3A_683 : vector<16xf32>
      %add3A_685 = arith.addf %add3A_673, %mul3A_684 : vector<16xf32>
      %swap3A_686 = arith.constant 136 : index
      %swap3A_687 = tpu.vector_load %arg9[%swap3A_686] {strides = array<i32>} : memref<272xf32, #tpu.memory_space<vmem>>, vector<16xf32>,
      tpu.vector_store %arg9[%swap3A_686], %add3A_685 {strides = array<i32>} : memref<272xf32, #tpu.memory_space<vmem>>, vector<16xf32>,
      %mul3A_688 = arith.constant 16 : i32
      %mul3A_689 = arith.muli %scan3A_212, %mul3A_688 : i32
      %add3A_690 = arith.constant 9 : i32
      %add3A_691 = arith.addi %mul3A_689, %add3A_690 : i32
      %get3A_692 = arith.constant 1 : i32
      %get3A_693 = arith.index_cast %get3A_692 : i32 to index
      %get3A_694 = arith.index_cast %add3A_691 : i32 to index
      %get3A_695 = arith.constant 0 : index
      %get3A_696 = tpu.vector_load %arg7[%get3A_693, %get3A_694, %get3A_695] {strides = array<i32>} : memref<2x128x128xf32, #tpu.memory_space<vmem>>, vector<16xf32>,
      %get3A_697 = arith.constant 1 : i32
      %get3A_698 = arith.index_cast %get3A_697 : i32 to index
      %get3A_699 = arith.index_cast %add3A_691 : i32 to index
      %get3A_700 = arith.constant 64 : index
      %get3A_701 = tpu.vector_load %arg8[%get3A_698, %get3A_699, %get3A_700] {strides = array<i32>} : memref<2x128x128xf32, #tpu.memory_space<vmem>>, vector<16xf32>,
      %mul3A_702 = arith.mulf %get3A_696, %get3A_701 : vector<16xf32>
      %get3A_703 = arith.constant 1 : i32
      %get3A_704 = arith.index_cast %get3A_703 : i32 to index
      %get3A_705 = arith.index_cast %add3A_691 : i32 to index
      %get3A_706 = arith.constant 16 : index
      %get3A_707 = tpu.vector_load %arg7[%get3A_704, %get3A_705, %get3A_706] {strides = array<i32>} : memref<2x128x128xf32, #tpu.memory_space<vmem>>, vector<16xf32>,
      %get3A_708 = arith.constant 1 : i32
      %get3A_709 = arith.index_cast %get3A_708 : i32 to index
      %get3A_710 = arith.index_cast %add3A_691 : i32 to index
      %get3A_711 = arith.constant 80 : index
      %get3A_712 = tpu.vector_load %arg8[%get3A_709, %get3A_710, %get3A_711] {strides = array<i32>} : memref<2x128x128xf32, #tpu.memory_space<vmem>>, vector<16xf32>,
      %mul3A_713 = arith.mulf %get3A_707, %get3A_712 : vector<16xf32>
      %add3A_714 = arith.addf %mul3A_702, %mul3A_713 : vector<16xf32>
      %get3A_715 = arith.constant 1 : i32
      %get3A_716 = arith.index_cast %get3A_715 : i32 to index
      %get3A_717 = arith.index_cast %add3A_691 : i32 to index
      %get3A_718 = arith.constant 32 : index
      %get3A_719 = tpu.vector_load %arg7[%get3A_716, %get3A_717, %get3A_718] {strides = array<i32>} : memref<2x128x128xf32, #tpu.memory_space<vmem>>, vector<16xf32>,
      %get3A_720 = arith.constant 1 : i32
      %get3A_721 = arith.index_cast %get3A_720 : i32 to index
      %get3A_722 = arith.index_cast %add3A_691 : i32 to index
      %get3A_723 = arith.constant 96 : index
      %get3A_724 = tpu.vector_load %arg8[%get3A_721, %get3A_722, %get3A_723] {strides = array<i32>} : memref<2x128x128xf32, #tpu.memory_space<vmem>>, vector<16xf32>,
      %mul3A_725 = arith.mulf %get3A_719, %get3A_724 : vector<16xf32>
      %add3A_726 = arith.addf %add3A_714, %mul3A_725 : vector<16xf32>
      %get3A_727 = arith.constant 1 : i32
      %get3A_728 = arith.index_cast %get3A_727 : i32 to index
      %get3A_729 = arith.index_cast %add3A_691 : i32 to index
      %get3A_730 = arith.constant 48 : index
      %get3A_731 = tpu.vector_load %arg7[%get3A_728, %get3A_729, %get3A_730] {strides = array<i32>} : memref<2x128x128xf32, #tpu.memory_space<vmem>>, vector<16xf32>,
      %get3A_732 = arith.constant 1 : i32
      %get3A_733 = arith.index_cast %get3A_732 : i32 to index
      %get3A_734 = arith.index_cast %add3A_691 : i32 to index
      %get3A_735 = arith.constant 112 : index
      %get3A_736 = tpu.vector_load %arg8[%get3A_733, %get3A_734, %get3A_735] {strides = array<i32>} : memref<2x128x128xf32, #tpu.memory_space<vmem>>, vector<16xf32>,
      %mul3A_737 = arith.mulf %get3A_731, %get3A_736 : vector<16xf32>
      %add3A_738 = arith.addf %add3A_726, %mul3A_737 : vector<16xf32>
      %swap3A_739 = arith.constant 153 : index
      %swap3A_740 = tpu.vector_load %arg9[%swap3A_739] {strides = array<i32>} : memref<272xf32, #tpu.memory_space<vmem>>, vector<16xf32>,
      tpu.vector_store %arg9[%swap3A_739], %add3A_738 {strides = array<i32>} : memref<272xf32, #tpu.memory_space<vmem>>, vector<16xf32>,
      %mul3A_741 = arith.constant 16 : i32
      %mul3A_742 = arith.muli %scan3A_212, %mul3A_741 : i32
      %add3A_743 = arith.constant 10 : i32
      %add3A_744 = arith.addi %mul3A_742, %add3A_743 : i32
      %get3A_745 = arith.constant 1 : i32
      %get3A_746 = arith.index_cast %get3A_745 : i32 to index
      %get3A_747 = arith.index_cast %add3A_744 : i32 to index
      %get3A_748 = arith.constant 0 : index
      %get3A_749 = tpu.vector_load %arg7[%get3A_746, %get3A_747, %get3A_748] {strides = array<i32>} : memref<2x128x128xf32, #tpu.memory_space<vmem>>, vector<16xf32>,
      %get3A_750 = arith.constant 1 : i32
      %get3A_751 = arith.index_cast %get3A_750 : i32 to index
      %get3A_752 = arith.index_cast %add3A_744 : i32 to index
      %get3A_753 = arith.constant 64 : index
      %get3A_754 = tpu.vector_load %arg8[%get3A_751, %get3A_752, %get3A_753] {strides = array<i32>} : memref<2x128x128xf32, #tpu.memory_space<vmem>>, vector<16xf32>,
      %mul3A_755 = arith.mulf %get3A_749, %get3A_754 : vector<16xf32>
      %get3A_756 = arith.constant 1 : i32
      %get3A_757 = arith.index_cast %get3A_756 : i32 to index
      %get3A_758 = arith.index_cast %add3A_744 : i32 to index
      %get3A_759 = arith.constant 16 : index
      %get3A_760 = tpu.vector_load %arg7[%get3A_757, %get3A_758, %get3A_759] {strides = array<i32>} : memref<2x128x128xf32, #tpu.memory_space<vmem>>, vector<16xf32>,
      %get3A_761 = arith.constant 1 : i32
      %get3A_762 = arith.index_cast %get3A_761 : i32 to index
      %get3A_763 = arith.index_cast %add3A_744 : i32 to index
      %get3A_764 = arith.constant 80 : index
      %get3A_765 = tpu.vector_load %arg8[%get3A_762, %get3A_763, %get3A_764] {strides = array<i32>} : memref<2x128x128xf32, #tpu.memory_space<vmem>>, vector<16xf32>,
      %mul3A_766 = arith.mulf %get3A_760, %get3A_765 : vector<16xf32>
      %add3A_767 = arith.addf %mul3A_755, %mul3A_766 : vector<16xf32>
      %get3A_768 = arith.constant 1 : i32
      %get3A_769 = arith.index_cast %get3A_768 : i32 to index
      %get3A_770 = arith.index_cast %add3A_744 : i32 to index
      %get3A_771 = arith.constant 32 : index
      %get3A_772 = tpu.vector_load %arg7[%get3A_769, %get3A_770, %get3A_771] {strides = array<i32>} : memref<2x128x128xf32, #tpu.memory_space<vmem>>, vector<16xf32>,
      %get3A_773 = arith.constant 1 : i32
      %get3A_774 = arith.index_cast %get3A_773 : i32 to index
      %get3A_775 = arith.index_cast %add3A_744 : i32 to index
      %get3A_776 = arith.constant 96 : index
      %get3A_777 = tpu.vector_load %arg8[%get3A_774, %get3A_775, %get3A_776] {strides = array<i32>} : memref<2x128x128xf32, #tpu.memory_space<vmem>>, vector<16xf32>,
      %mul3A_778 = arith.mulf %get3A_772, %get3A_777 : vector<16xf32>
      %add3A_779 = arith.addf %add3A_767, %mul3A_778 : vector<16xf32>
      %get3A_780 = arith.constant 1 : i32
      %get3A_781 = arith.index_cast %get3A_780 : i32 to index
      %get3A_782 = arith.index_cast %add3A_744 : i32 to index
      %get3A_783 = arith.constant 48 : index
      %get3A_784 = tpu.vector_load %arg7[%get3A_781, %get3A_782, %get3A_783] {strides = array<i32>} : memref<2x128x128xf32, #tpu.memory_space<vmem>>, vector<16xf32>,
      %get3A_785 = arith.constant 1 : i32
      %get3A_786 = arith.index_cast %get3A_785 : i32 to index
      %get3A_787 = arith.index_cast %add3A_744 : i32 to index
      %get3A_788 = arith.constant 112 : index
      %get3A_789 = tpu.vector_load %arg8[%get3A_786, %get3A_787, %get3A_788] {strides = array<i32>} : memref<2x128x128xf32, #tpu.memory_space<vmem>>, vector<16xf32>,
      %mul3A_790 = arith.mulf %get3A_784, %get3A_789 : vector<16xf32>
      %add3A_791 = arith.addf %add3A_779, %mul3A_790 : vector<16xf32>
      %swap3A_792 = arith.constant 170 : index
      %swap3A_793 = tpu.vector_load %arg9[%swap3A_792] {strides = array<i32>} : memref<272xf32, #tpu.memory_space<vmem>>, vector<16xf32>,
      tpu.vector_store %arg9[%swap3A_792], %add3A_791 {strides = array<i32>} : memref<272xf32, #tpu.memory_space<vmem>>, vector<16xf32>,
      %mul3A_794 = arith.constant 16 : i32
      %mul3A_795 = arith.muli %scan3A_212, %mul3A_794 : i32
      %add3A_796 = arith.constant 11 : i32
      %add3A_797 = arith.addi %mul3A_795, %add3A_796 : i32
      %get3A_798 = arith.constant 1 : i32
      %get3A_799 = arith.index_cast %get3A_798 : i32 to index
      %get3A_800 = arith.index_cast %add3A_797 : i32 to index
      %get3A_801 = arith.constant 0 : index
      %get3A_802 = tpu.vector_load %arg7[%get3A_799, %get3A_800, %get3A_801] {strides = array<i32>} : memref<2x128x128xf32, #tpu.memory_space<vmem>>, vector<16xf32>,
      %get3A_803 = arith.constant 1 : i32
      %get3A_804 = arith.index_cast %get3A_803 : i32 to index
      %get3A_805 = arith.index_cast %add3A_797 : i32 to index
      %get3A_806 = arith.constant 64 : index
      %get3A_807 = tpu.vector_load %arg8[%get3A_804, %get3A_805, %get3A_806] {strides = array<i32>} : memref<2x128x128xf32, #tpu.memory_space<vmem>>, vector<16xf32>,
      %mul3A_808 = arith.mulf %get3A_802, %get3A_807 : vector<16xf32>
      %get3A_809 = arith.constant 1 : i32
      %get3A_810 = arith.index_cast %get3A_809 : i32 to index
      %get3A_811 = arith.index_cast %add3A_797 : i32 to index
      %get3A_812 = arith.constant 16 : index
      %get3A_813 = tpu.vector_load %arg7[%get3A_810, %get3A_811, %get3A_812] {strides = array<i32>} : memref<2x128x128xf32, #tpu.memory_space<vmem>>, vector<16xf32>,
      %get3A_814 = arith.constant 1 : i32
      %get3A_815 = arith.index_cast %get3A_814 : i32 to index
      %get3A_816 = arith.index_cast %add3A_797 : i32 to index
      %get3A_817 = arith.constant 80 : index
      %get3A_818 = tpu.vector_load %arg8[%get3A_815, %get3A_816, %get3A_817] {strides = array<i32>} : memref<2x128x128xf32, #tpu.memory_space<vmem>>, vector<16xf32>,
      %mul3A_819 = arith.mulf %get3A_813, %get3A_818 : vector<16xf32>
      %add3A_820 = arith.addf %mul3A_808, %mul3A_819 : vector<16xf32>
      %get3A_821 = arith.constant 1 : i32
      %get3A_822 = arith.index_cast %get3A_821 : i32 to index
      %get3A_823 = arith.index_cast %add3A_797 : i32 to index
      %get3A_824 = arith.constant 32 : index
      %get3A_825 = tpu.vector_load %arg7[%get3A_822, %get3A_823, %get3A_824] {strides = array<i32>} : memref<2x128x128xf32, #tpu.memory_space<vmem>>, vector<16xf32>,
      %get3A_826 = arith.constant 1 : i32
      %get3A_827 = arith.index_cast %get3A_826 : i32 to index
      %get3A_828 = arith.index_cast %add3A_797 : i32 to index
      %get3A_829 = arith.constant 96 : index
      %get3A_830 = tpu.vector_load %arg8[%get3A_827, %get3A_828, %get3A_829] {strides = array<i32>} : memref<2x128x128xf32, #tpu.memory_space<vmem>>, vector<16xf32>,
      %mul3A_831 = arith.mulf %get3A_825, %get3A_830 : vector<16xf32>
      %add3A_832 = arith.addf %add3A_820, %mul3A_831 : vector<16xf32>
      %get3A_833 = arith.constant 1 : i32
      %get3A_834 = arith.index_cast %get3A_833 : i32 to index
      %get3A_835 = arith.index_cast %add3A_797 : i32 to index
      %get3A_836 = arith.constant 48 : index
      %get3A_837 = tpu.vector_load %arg7[%get3A_834, %get3A_835, %get3A_836] {strides = array<i32>} : memref<2x128x128xf32, #tpu.memory_space<vmem>>, vector<16xf32>,
      %get3A_838 = arith.constant 1 : i32
      %get3A_839 = arith.index_cast %get3A_838 : i32 to index
      %get3A_840 = arith.index_cast %add3A_797 : i32 to index
      %get3A_841 = arith.constant 112 : index
      %get3A_842 = tpu.vector_load %arg8[%get3A_839, %get3A_840, %get3A_841] {strides = array<i32>} : memref<2x128x128xf32, #tpu.memory_space<vmem>>, vector<16xf32>,
      %mul3A_843 = arith.mulf %get3A_837, %get3A_842 : vector<16xf32>
      %add3A_844 = arith.addf %add3A_832, %mul3A_843 : vector<16xf32>
      %swap3A_845 = arith.constant 187 : index
      %swap3A_846 = tpu.vector_load %arg9[%swap3A_845] {strides = array<i32>} : memref<272xf32, #tpu.memory_space<vmem>>, vector<16xf32>,
      tpu.vector_store %arg9[%swap3A_845], %add3A_844 {strides = array<i32>} : memref<272xf32, #tpu.memory_space<vmem>>, vector<16xf32>,
      %mul3A_847 = arith.constant 16 : i32
      %mul3A_848 = arith.muli %scan3A_212, %mul3A_847 : i32
      %add3A_849 = arith.constant 12 : i32
      %add3A_850 = arith.addi %mul3A_848, %add3A_849 : i32
      %get3A_851 = arith.constant 1 : i32
      %get3A_852 = arith.index_cast %get3A_851 : i32 to index
      %get3A_853 = arith.index_cast %add3A_850 : i32 to index
      %get3A_854 = arith.constant 0 : index
      %get3A_855 = tpu.vector_load %arg7[%get3A_852, %get3A_853, %get3A_854] {strides = array<i32>} : memref<2x128x128xf32, #tpu.memory_space<vmem>>, vector<16xf32>,
      %get3A_856 = arith.constant 1 : i32
      %get3A_857 = arith.index_cast %get3A_856 : i32 to index
      %get3A_858 = arith.index_cast %add3A_850 : i32 to index
      %get3A_859 = arith.constant 64 : index
      %get3A_860 = tpu.vector_load %arg8[%get3A_857, %get3A_858, %get3A_859] {strides = array<i32>} : memref<2x128x128xf32, #tpu.memory_space<vmem>>, vector<16xf32>,
      %mul3A_861 = arith.mulf %get3A_855, %get3A_860 : vector<16xf32>
      %get3A_862 = arith.constant 1 : i32
      %get3A_863 = arith.index_cast %get3A_862 : i32 to index
      %get3A_864 = arith.index_cast %add3A_850 : i32 to index
      %get3A_865 = arith.constant 16 : index
      %get3A_866 = tpu.vector_load %arg7[%get3A_863, %get3A_864, %get3A_865] {strides = array<i32>} : memref<2x128x128xf32, #tpu.memory_space<vmem>>, vector<16xf32>,
      %get3A_867 = arith.constant 1 : i32
      %get3A_868 = arith.index_cast %get3A_867 : i32 to index
      %get3A_869 = arith.index_cast %add3A_850 : i32 to index
      %get3A_870 = arith.constant 80 : index
      %get3A_871 = tpu.vector_load %arg8[%get3A_868, %get3A_869, %get3A_870] {strides = array<i32>} : memref<2x128x128xf32, #tpu.memory_space<vmem>>, vector<16xf32>,
      %mul3A_872 = arith.mulf %get3A_866, %get3A_871 : vector<16xf32>
      %add3A_873 = arith.addf %mul3A_861, %mul3A_872 : vector<16xf32>
      %get3A_874 = arith.constant 1 : i32
      %get3A_875 = arith.index_cast %get3A_874 : i32 to index
      %get3A_876 = arith.index_cast %add3A_850 : i32 to index
      %get3A_877 = arith.constant 32 : index
      %get3A_878 = tpu.vector_load %arg7[%get3A_875, %get3A_876, %get3A_877] {strides = array<i32>} : memref<2x128x128xf32, #tpu.memory_space<vmem>>, vector<16xf32>,
      %get3A_879 = arith.constant 1 : i32
      %get3A_880 = arith.index_cast %get3A_879 : i32 to index
      %get3A_881 = arith.index_cast %add3A_850 : i32 to index
      %get3A_882 = arith.constant 96 : index
      %get3A_883 = tpu.vector_load %arg8[%get3A_880, %get3A_881, %get3A_882] {strides = array<i32>} : memref<2x128x128xf32, #tpu.memory_space<vmem>>, vector<16xf32>,
      %mul3A_884 = arith.mulf %get3A_878, %get3A_883 : vector<16xf32>
      %add3A_885 = arith.addf %add3A_873, %mul3A_884 : vector<16xf32>
      %get3A_886 = arith.constant 1 : i32
      %get3A_887 = arith.index_cast %get3A_886 : i32 to index
      %get3A_888 = arith.index_cast %add3A_850 : i32 to index
      %get3A_889 = arith.constant 48 : index
      %get3A_890 = tpu.vector_load %arg7[%get3A_887, %get3A_888, %get3A_889] {strides = array<i32>} : memref<2x128x128xf32, #tpu.memory_space<vmem>>, vector<16xf32>,
      %get3A_891 = arith.constant 1 : i32
      %get3A_892 = arith.index_cast %get3A_891 : i32 to index
      %get3A_893 = arith.index_cast %add3A_850 : i32 to index
      %get3A_894 = arith.constant 112 : index
      %get3A_895 = tpu.vector_load %arg8[%get3A_892, %get3A_893, %get3A_894] {strides = array<i32>} : memref<2x128x128xf32, #tpu.memory_space<vmem>>, vector<16xf32>,
      %mul3A_896 = arith.mulf %get3A_890, %get3A_895 : vector<16xf32>
      %add3A_897 = arith.addf %add3A_885, %mul3A_896 : vector<16xf32>
      %swap3A_898 = arith.constant 204 : index
      %swap3A_899 = tpu.vector_load %arg9[%swap3A_898] {strides = array<i32>} : memref<272xf32, #tpu.memory_space<vmem>>, vector<16xf32>,
      tpu.vector_store %arg9[%swap3A_898], %add3A_897 {strides = array<i32>} : memref<272xf32, #tpu.memory_space<vmem>>, vector<16xf32>,
      %mul3A_900 = arith.constant 16 : i32
      %mul3A_901 = arith.muli %scan3A_212, %mul3A_900 : i32
      %add3A_902 = arith.constant 13 : i32
      %add3A_903 = arith.addi %mul3A_901, %add3A_902 : i32
      %get3A_904 = arith.constant 1 : i32
      %get3A_905 = arith.index_cast %get3A_904 : i32 to index
      %get3A_906 = arith.index_cast %add3A_903 : i32 to index
      %get3A_907 = arith.constant 0 : index
      %get3A_908 = tpu.vector_load %arg7[%get3A_905, %get3A_906, %get3A_907] {strides = array<i32>} : memref<2x128x128xf32, #tpu.memory_space<vmem>>, vector<16xf32>,
      %get3A_909 = arith.constant 1 : i32
      %get3A_910 = arith.index_cast %get3A_909 : i32 to index
      %get3A_911 = arith.index_cast %add3A_903 : i32 to index
      %get3A_912 = arith.constant 64 : index
      %get3A_913 = tpu.vector_load %arg8[%get3A_910, %get3A_911, %get3A_912] {strides = array<i32>} : memref<2x128x128xf32, #tpu.memory_space<vmem>>, vector<16xf32>,
      %mul3A_914 = arith.mulf %get3A_908, %get3A_913 : vector<16xf32>
      %get3A_915 = arith.constant 1 : i32
      %get3A_916 = arith.index_cast %get3A_915 : i32 to index
      %get3A_917 = arith.index_cast %add3A_903 : i32 to index
      %get3A_918 = arith.constant 16 : index
      %get3A_919 = tpu.vector_load %arg7[%get3A_916, %get3A_917, %get3A_918] {strides = array<i32>} : memref<2x128x128xf32, #tpu.memory_space<vmem>>, vector<16xf32>,
      %get3A_920 = arith.constant 1 : i32
      %get3A_921 = arith.index_cast %get3A_920 : i32 to index
      %get3A_922 = arith.index_cast %add3A_903 : i32 to index
      %get3A_923 = arith.constant 80 : index
      %get3A_924 = tpu.vector_load %arg8[%get3A_921, %get3A_922, %get3A_923] {strides = array<i32>} : memref<2x128x128xf32, #tpu.memory_space<vmem>>, vector<16xf32>,
      %mul3A_925 = arith.mulf %get3A_919, %get3A_924 : vector<16xf32>
      %add3A_926 = arith.addf %mul3A_914, %mul3A_925 : vector<16xf32>
      %get3A_927 = arith.constant 1 : i32
      %get3A_928 = arith.index_cast %get3A_927 : i32 to index
      %get3A_929 = arith.index_cast %add3A_903 : i32 to index
      %get3A_930 = arith.constant 32 : index
      %get3A_931 = tpu.vector_load %arg7[%get3A_928, %get3A_929, %get3A_930] {strides = array<i32>} : memref<2x128x128xf32, #tpu.memory_space<vmem>>, vector<16xf32>,
      %get3A_932 = arith.constant 1 : i32
      %get3A_933 = arith.index_cast %get3A_932 : i32 to index
      %get3A_934 = arith.index_cast %add3A_903 : i32 to index
      %get3A_935 = arith.constant 96 : index
      %get3A_936 = tpu.vector_load %arg8[%get3A_933, %get3A_934, %get3A_935] {strides = array<i32>} : memref<2x128x128xf32, #tpu.memory_space<vmem>>, vector<16xf32>,
      %mul3A_937 = arith.mulf %get3A_931, %get3A_936 : vector<16xf32>
      %add3A_938 = arith.addf %add3A_926, %mul3A_937 : vector<16xf32>
      %get3A_939 = arith.constant 1 : i32
      %get3A_940 = arith.index_cast %get3A_939 : i32 to index
      %get3A_941 = arith.index_cast %add3A_903 : i32 to index
      %get3A_942 = arith.constant 48 : index
      %get3A_943 = tpu.vector_load %arg7[%get3A_940, %get3A_941, %get3A_942] {strides = array<i32>} : memref<2x128x128xf32, #tpu.memory_space<vmem>>, vector<16xf32>,
      %get3A_944 = arith.constant 1 : i32
      %get3A_945 = arith.index_cast %get3A_944 : i32 to index
      %get3A_946 = arith.index_cast %add3A_903 : i32 to index
      %get3A_947 = arith.constant 112 : index
      %get3A_948 = tpu.vector_load %arg8[%get3A_945, %get3A_946, %get3A_947] {strides = array<i32>} : memref<2x128x128xf32, #tpu.memory_space<vmem>>, vector<16xf32>,
      %mul3A_949 = arith.mulf %get3A_943, %get3A_948 : vector<16xf32>
      %add3A_950 = arith.addf %add3A_938, %mul3A_949 : vector<16xf32>
      %swap3A_951 = arith.constant 221 : index
      %swap3A_952 = tpu.vector_load %arg9[%swap3A_951] {strides = array<i32>} : memref<272xf32, #tpu.memory_space<vmem>>, vector<16xf32>,
      tpu.vector_store %arg9[%swap3A_951], %add3A_950 {strides = array<i32>} : memref<272xf32, #tpu.memory_space<vmem>>, vector<16xf32>,
      %mul3A_953 = arith.constant 16 : i32
      %mul3A_954 = arith.muli %scan3A_212, %mul3A_953 : i32
      %add3A_955 = arith.constant 14 : i32
      %add3A_956 = arith.addi %mul3A_954, %add3A_955 : i32
      %get3A_957 = arith.constant 1 : i32
      %get3A_958 = arith.index_cast %get3A_957 : i32 to index
      %get3A_959 = arith.index_cast %add3A_956 : i32 to index
      %get3A_960 = arith.constant 0 : index
      %get3A_961 = tpu.vector_load %arg7[%get3A_958, %get3A_959, %get3A_960] {strides = array<i32>} : memref<2x128x128xf32, #tpu.memory_space<vmem>>, vector<16xf32>,
      %get3A_962 = arith.constant 1 : i32
      %get3A_963 = arith.index_cast %get3A_962 : i32 to index
      %get3A_964 = arith.index_cast %add3A_956 : i32 to index
      %get3A_965 = arith.constant 64 : index
      %get3A_966 = tpu.vector_load %arg8[%get3A_963, %get3A_964, %get3A_965] {strides = array<i32>} : memref<2x128x128xf32, #tpu.memory_space<vmem>>, vector<16xf32>,
      %mul3A_967 = arith.mulf %get3A_961, %get3A_966 : vector<16xf32>
      %get3A_968 = arith.constant 1 : i32
      %get3A_969 = arith.index_cast %get3A_968 : i32 to index
      %get3A_970 = arith.index_cast %add3A_956 : i32 to index
      %get3A_971 = arith.constant 16 : index
      %get3A_972 = tpu.vector_load %arg7[%get3A_969, %get3A_970, %get3A_971] {strides = array<i32>} : memref<2x128x128xf32, #tpu.memory_space<vmem>>, vector<16xf32>,
      %get3A_973 = arith.constant 1 : i32
      %get3A_974 = arith.index_cast %get3A_973 : i32 to index
      %get3A_975 = arith.index_cast %add3A_956 : i32 to index
      %get3A_976 = arith.constant 80 : index
      %get3A_977 = tpu.vector_load %arg8[%get3A_974, %get3A_975, %get3A_976] {strides = array<i32>} : memref<2x128x128xf32, #tpu.memory_space<vmem>>, vector<16xf32>,
      %mul3A_978 = arith.mulf %get3A_972, %get3A_977 : vector<16xf32>
      %add3A_979 = arith.addf %mul3A_967, %mul3A_978 : vector<16xf32>
      %get3A_980 = arith.constant 1 : i32
      %get3A_981 = arith.index_cast %get3A_980 : i32 to index
      %get3A_982 = arith.index_cast %add3A_956 : i32 to index
      %get3A_983 = arith.constant 32 : index
      %get3A_984 = tpu.vector_load %arg7[%get3A_981, %get3A_982, %get3A_983] {strides = array<i32>} : memref<2x128x128xf32, #tpu.memory_space<vmem>>, vector<16xf32>,
      %get3A_985 = arith.constant 1 : i32
      %get3A_986 = arith.index_cast %get3A_985 : i32 to index
      %get3A_987 = arith.index_cast %add3A_956 : i32 to index
      %get3A_988 = arith.constant 96 : index
      %get3A_989 = tpu.vector_load %arg8[%get3A_986, %get3A_987, %get3A_988] {strides = array<i32>} : memref<2x128x128xf32, #tpu.memory_space<vmem>>, vector<16xf32>,
      %mul3A_990 = arith.mulf %get3A_984, %get3A_989 : vector<16xf32>
      %add3A_991 = arith.addf %add3A_979, %mul3A_990 : vector<16xf32>
      %get3A_992 = arith.constant 1 : i32
      %get3A_993 = arith.index_cast %get3A_992 : i32 to index
      %get3A_994 = arith.index_cast %add3A_956 : i32 to index
      %get3A_995 = arith.constant 48 : index
      %get3A_996 = tpu.vector_load %arg7[%get3A_993, %get3A_994, %get3A_995] {strides = array<i32>} : memref<2x128x128xf32, #tpu.memory_space<vmem>>, vector<16xf32>,
      %get3A_997 = arith.constant 1 : i32
      %get3A_998 = arith.index_cast %get3A_997 : i32 to index
      %get3A_999 = arith.index_cast %add3A_956 : i32 to index
      %get3A_1000 = arith.constant 112 : index
      %get3A_1001 = tpu.vector_load %arg8[%get3A_998, %get3A_999, %get3A_1000] {strides = array<i32>} : memref<2x128x128xf32, #tpu.memory_space<vmem>>, vector<16xf32>,
      %mul3A_1002 = arith.mulf %get3A_996, %get3A_1001 : vector<16xf32>
      %add3A_1003 = arith.addf %add3A_991, %mul3A_1002 : vector<16xf32>
      %swap3A_1004 = arith.constant 238 : index
      %swap3A_1005 = tpu.vector_load %arg9[%swap3A_1004] {strides = array<i32>} : memref<272xf32, #tpu.memory_space<vmem>>, vector<16xf32>,
      tpu.vector_store %arg9[%swap3A_1004], %add3A_1003 {strides = array<i32>} : memref<272xf32, #tpu.memory_space<vmem>>, vector<16xf32>,
      %mul3A_1006 = arith.constant 16 : i32
      %mul3A_1007 = arith.muli %scan3A_212, %mul3A_1006 : i32
      %add3A_1008 = arith.constant 15 : i32
      %add3A_1009 = arith.addi %mul3A_1007, %add3A_1008 : i32
      %get3A_1010 = arith.constant 1 : i32
      %get3A_1011 = arith.index_cast %get3A_1010 : i32 to index
      %get3A_1012 = arith.index_cast %add3A_1009 : i32 to index
      %get3A_1013 = arith.constant 0 : index
      %get3A_1014 = tpu.vector_load %arg7[%get3A_1011, %get3A_1012, %get3A_1013] {strides = array<i32>} : memref<2x128x128xf32, #tpu.memory_space<vmem>>, vector<16xf32>,
      %get3A_1015 = arith.constant 1 : i32
      %get3A_1016 = arith.index_cast %get3A_1015 : i32 to index
      %get3A_1017 = arith.index_cast %add3A_1009 : i32 to index
      %get3A_1018 = arith.constant 64 : index
      %get3A_1019 = tpu.vector_load %arg8[%get3A_1016, %get3A_1017, %get3A_1018] {strides = array<i32>} : memref<2x128x128xf32, #tpu.memory_space<vmem>>, vector<16xf32>,
      %mul3A_1020 = arith.mulf %get3A_1014, %get3A_1019 : vector<16xf32>
      %get3A_1021 = arith.constant 1 : i32
      %get3A_1022 = arith.index_cast %get3A_1021 : i32 to index
      %get3A_1023 = arith.index_cast %add3A_1009 : i32 to index
      %get3A_1024 = arith.constant 16 : index
      %get3A_1025 = tpu.vector_load %arg7[%get3A_1022, %get3A_1023, %get3A_1024] {strides = array<i32>} : memref<2x128x128xf32, #tpu.memory_space<vmem>>, vector<16xf32>,
      %get3A_1026 = arith.constant 1 : i32
      %get3A_1027 = arith.index_cast %get3A_1026 : i32 to index
      %get3A_1028 = arith.index_cast %add3A_1009 : i32 to index
      %get3A_1029 = arith.constant 80 : index
      %get3A_1030 = tpu.vector_load %arg8[%get3A_1027, %get3A_1028, %get3A_1029] {strides = array<i32>} : memref<2x128x128xf32, #tpu.memory_space<vmem>>, vector<16xf32>,
      %mul3A_1031 = arith.mulf %get3A_1025, %get3A_1030 : vector<16xf32>
      %add3A_1032 = arith.addf %mul3A_1020, %mul3A_1031 : vector<16xf32>
      %get3A_1033 = arith.constant 1 : i32
      %get3A_1034 = arith.index_cast %get3A_1033 : i32 to index
      %get3A_1035 = arith.index_cast %add3A_1009 : i32 to index
      %get3A_1036 = arith.constant 32 : index
      %get3A_1037 = tpu.vector_load %arg7[%get3A_1034, %get3A_1035, %get3A_1036] {strides = array<i32>} : memref<2x128x128xf32, #tpu.memory_space<vmem>>, vector<16xf32>,
      %get3A_1038 = arith.constant 1 : i32
      %get3A_1039 = arith.index_cast %get3A_1038 : i32 to index
      %get3A_1040 = arith.index_cast %add3A_1009 : i32 to index
      %get3A_1041 = arith.constant 96 : index
      %get3A_1042 = tpu.vector_load %arg8[%get3A_1039, %get3A_1040, %get3A_1041] {strides = array<i32>} : memref<2x128x128xf32, #tpu.memory_space<vmem>>, vector<16xf32>,
      %mul3A_1043 = arith.mulf %get3A_1037, %get3A_1042 : vector<16xf32>
      %add3A_1044 = arith.addf %add3A_1032, %mul3A_1043 : vector<16xf32>
      %get3A_1045 = arith.constant 1 : i32
      %get3A_1046 = arith.index_cast %get3A_1045 : i32 to index
      %get3A_1047 = arith.index_cast %add3A_1009 : i32 to index
      %get3A_1048 = arith.constant 48 : index
      %get3A_1049 = tpu.vector_load %arg7[%get3A_1046, %get3A_1047, %get3A_1048] {strides = array<i32>} : memref<2x128x128xf32, #tpu.memory_space<vmem>>, vector<16xf32>,
      %get3A_1050 = arith.constant 1 : i32
      %get3A_1051 = arith.index_cast %get3A_1050 : i32 to index
      %get3A_1052 = arith.index_cast %add3A_1009 : i32 to index
      %get3A_1053 = arith.constant 112 : index
      %get3A_1054 = tpu.vector_load %arg8[%get3A_1051, %get3A_1052, %get3A_1053] {strides = array<i32>} : memref<2x128x128xf32, #tpu.memory_space<vmem>>, vector<16xf32>,
      %mul3A_1055 = arith.mulf %get3A_1049, %get3A_1054 : vector<16xf32>
      %add3A_1056 = arith.addf %add3A_1044, %mul3A_1055 : vector<16xf32>
      %swap3A_1057 = arith.constant 255 : index
      %swap3A_1058 = tpu.vector_load %arg9[%swap3A_1057] {strides = array<i32>} : memref<272xf32, #tpu.memory_space<vmem>>, vector<16xf32>,
      tpu.vector_store %arg9[%swap3A_1057], %add3A_1056 {strides = array<i32>} : memref<272xf32, #tpu.memory_space<vmem>>, vector<16xf32>,
      %gather3A = tpu.vector_load_idx %arg9[%mul3A_30] : memref<272xf32, #tpu.memory_space<vmem>>[vector<16xi32>], vector<16xf32>,
      %add3A_1059 = arith.constant 1 : i32
      %add3A_1060 = vector.broadcast %add3A_1059 : i32 to vector<16xi32>
      %add3A_1061 = arith.addi %mul3A_30, %add3A_1060 : vector<16xi32>
      %gather3A_1062 = tpu.vector_load_idx %arg9[%add3A_1061] : memref<272xf32, #tpu.memory_space<vmem>>[vector<16xi32>], vector<16xf32>,
      %add3A_1063 = arith.addf %gather3A, %gather3A_1062 : vector<16xf32>
      %add3A_1064 = arith.constant 2 : i32
      %add3A_1065 = vector.broadcast %add3A_1064 : i32 to vector<16xi32>
      %add3A_1066 = arith.addi %mul3A_30, %add3A_1065 : vector<16xi32>
      %gather3A_1067 = tpu.vector_load_idx %arg9[%add3A_1066] : memref<272xf32, #tpu.memory_space<vmem>>[vector<16xi32>], vector<16xf32>,
      %add3A_1068 = arith.addf %add3A_1063, %gather3A_1067 : vector<16xf32>
      %add3A_1069 = arith.constant 3 : i32
      %add3A_1070 = vector.broadcast %add3A_1069 : i32 to vector<16xi32>
      %add3A_1071 = arith.addi %mul3A_30, %add3A_1070 : vector<16xi32>
      %gather3A_1072 = tpu.vector_load_idx %arg9[%add3A_1071] : memref<272xf32, #tpu.memory_space<vmem>>[vector<16xi32>], vector<16xf32>,
      %add3A_1073 = arith.addf %add3A_1068, %gather3A_1072 : vector<16xf32>
      %add3A_1074 = arith.constant 4 : i32
      %add3A_1075 = vector.broadcast %add3A_1074 : i32 to vector<16xi32>
      %add3A_1076 = arith.addi %mul3A_30, %add3A_1075 : vector<16xi32>
      %gather3A_1077 = tpu.vector_load_idx %arg9[%add3A_1076] : memref<272xf32, #tpu.memory_space<vmem>>[vector<16xi32>], vector<16xf32>,
      %add3A_1078 = arith.addf %add3A_1073, %gather3A_1077 : vector<16xf32>
      %add3A_1079 = arith.constant 5 : i32
      %add3A_1080 = vector.broadcast %add3A_1079 : i32 to vector<16xi32>
      %add3A_1081 = arith.addi %mul3A_30, %add3A_1080 : vector<16xi32>
      %gather3A_1082 = tpu.vector_load_idx %arg9[%add3A_1081] : memref<272xf32, #tpu.memory_space<vmem>>[vector<16xi32>], vector<16xf32>,
      %add3A_1083 = arith.addf %add3A_1078, %gather3A_1082 : vector<16xf32>
      %add3A_1084 = arith.constant 6 : i32
      %add3A_1085 = vector.broadcast %add3A_1084 : i32 to vector<16xi32>
      %add3A_1086 = arith.addi %mul3A_30, %add3A_1085 : vector<16xi32>
      %gather3A_1087 = tpu.vector_load_idx %arg9[%add3A_1086] : memref<272xf32, #tpu.memory_space<vmem>>[vector<16xi32>], vector<16xf32>,
      %add3A_1088 = arith.addf %add3A_1083, %gather3A_1087 : vector<16xf32>
      %add3A_1089 = arith.constant 7 : i32
      %add3A_1090 = vector.broadcast %add3A_1089 : i32 to vector<16xi32>
      %add3A_1091 = arith.addi %mul3A_30, %add3A_1090 : vector<16xi32>
      %gather3A_1092 = tpu.vector_load_idx %arg9[%add3A_1091] : memref<272xf32, #tpu.memory_space<vmem>>[vector<16xi32>], vector<16xf32>,
      %add3A_1093 = arith.addf %add3A_1088, %gather3A_1092 : vector<16xf32>
      %add3A_1094 = arith.constant 8 : i32
      %add3A_1095 = vector.broadcast %add3A_1094 : i32 to vector<16xi32>
      %add3A_1096 = arith.addi %mul3A_30, %add3A_1095 : vector<16xi32>
      %gather3A_1097 = tpu.vector_load_idx %arg9[%add3A_1096] : memref<272xf32, #tpu.memory_space<vmem>>[vector<16xi32>], vector<16xf32>,
      %add3A_1098 = arith.addf %add3A_1093, %gather3A_1097 : vector<16xf32>
      %add3A_1099 = arith.constant 9 : i32
      %add3A_1100 = vector.broadcast %add3A_1099 : i32 to vector<16xi32>
      %add3A_1101 = arith.addi %mul3A_30, %add3A_1100 : vector<16xi32>
      %gather3A_1102 = tpu.vector_load_idx %arg9[%add3A_1101] : memref<272xf32, #tpu.memory_space<vmem>>[vector<16xi32>], vector<16xf32>,
      %add3A_1103 = arith.addf %add3A_1098, %gather3A_1102 : vector<16xf32>
      %add3A_1104 = arith.constant 10 : i32
      %add3A_1105 = vector.broadcast %add3A_1104 : i32 to vector<16xi32>
      %add3A_1106 = arith.addi %mul3A_30, %add3A_1105 : vector<16xi32>
      %gather3A_1107 = tpu.vector_load_idx %arg9[%add3A_1106] : memref<272xf32, #tpu.memory_space<vmem>>[vector<16xi32>], vector<16xf32>,
      %add3A_1108 = arith.addf %add3A_1103, %gather3A_1107 : vector<16xf32>
      %add3A_1109 = arith.constant 11 : i32
      %add3A_1110 = vector.broadcast %add3A_1109 : i32 to vector<16xi32>
      %add3A_1111 = arith.addi %mul3A_30, %add3A_1110 : vector<16xi32>
      %gather3A_1112 = tpu.vector_load_idx %arg9[%add3A_1111] : memref<272xf32, #tpu.memory_space<vmem>>[vector<16xi32>], vector<16xf32>,
      %add3A_1113 = arith.addf %add3A_1108, %gather3A_1112 : vector<16xf32>
      %add3A_1114 = arith.constant 12 : i32
      %add3A_1115 = vector.broadcast %add3A_1114 : i32 to vector<16xi32>
      %add3A_1116 = arith.addi %mul3A_30, %add3A_1115 : vector<16xi32>
      %gather3A_1117 = tpu.vector_load_idx %arg9[%add3A_1116] : memref<272xf32, #tpu.memory_space<vmem>>[vector<16xi32>], vector<16xf32>,
      %add3A_1118 = arith.addf %add3A_1113, %gather3A_1117 : vector<16xf32>
      %add3A_1119 = arith.constant 13 : i32
      %add3A_1120 = vector.broadcast %add3A_1119 : i32 to vector<16xi32>
      %add3A_1121 = arith.addi %mul3A_30, %add3A_1120 : vector<16xi32>
      %gather3A_1122 = tpu.vector_load_idx %arg9[%add3A_1121] : memref<272xf32, #tpu.memory_space<vmem>>[vector<16xi32>], vector<16xf32>,
      %add3A_1123 = arith.addf %add3A_1118, %gather3A_1122 : vector<16xf32>
      %add3A_1124 = arith.constant 14 : i32
      %add3A_1125 = vector.broadcast %add3A_1124 : i32 to vector<16xi32>
      %add3A_1126 = arith.addi %mul3A_30, %add3A_1125 : vector<16xi32>
      %gather3A_1127 = tpu.vector_load_idx %arg9[%add3A_1126] : memref<272xf32, #tpu.memory_space<vmem>>[vector<16xi32>], vector<16xf32>,
      %add3A_1128 = arith.addf %add3A_1123, %gather3A_1127 : vector<16xf32>
      %add3A_1129 = arith.constant 15 : i32
      %add3A_1130 = vector.broadcast %add3A_1129 : i32 to vector<16xi32>
      %add3A_1131 = arith.addi %mul3A_30, %add3A_1130 : vector<16xi32>
      %gather3A_1132 = tpu.vector_load_idx %arg9[%add3A_1131] : memref<272xf32, #tpu.memory_space<vmem>>[vector<16xi32>], vector<16xf32>,
      %add3A_1133 = arith.addf %add3A_1128, %gather3A_1132 : vector<16xf32>
      %mul3A_1134 = arith.constant 16 : i32
      %mul3A_1135 = arith.muli %scan3A_212, %mul3A_1134 : i32
      %add3A_1136 = arith.constant 384 : i32
      %add3A_1137 = arith.addi %add3A_1136, %mul3A_1135 : i32
      %swap3A_1138 = arith.index_cast %add3A_1137 : i32 to index
      %swap3A_1139 = tpu.vector_load %arg10[%swap3A_1138] {strides = array<i32>} : memref<512xf32, #tpu.memory_space<vmem>>, vector<16xf32>,
      tpu.vector_store %arg10[%swap3A_1138], %add3A_1133 {strides = array<i32>} : memref<512xf32, #tpu.memory_space<vmem>>, vector<16xf32>,
    }
    %scan3A_211 = arith.constant 8 : i32
    "tpu.region"() ({
      %run_scoped3A_212 = tpu.sem_alloc : memref<!tpu.dma_semaphore, #tpu.memory_space<semaphore_mem>>
      %dma_start3A_213 = tpu.memref_slice %arg4[%mul3A_2] : memref<16384xf32, #tpu.memory_space<hbm>> -> memref<512xf32, #tpu.memory_space<hbm>>
      %dma_start3A_214 = tpu.memref_slice %arg4[%mul3A_2] : memref<16384xf32, #tpu.memory_space<hbm>> -> memref<512xf32, #tpu.memory_space<hbm>>
      tpu.enqueue_dma source(%arg10 : memref<512xf32, #tpu.memory_space<vmem>>) target(%dma_start3A_214 : memref<512xf32, #tpu.memory_space<hbm>>) target_semaphore(%run_scoped3A_212 : memref<!tpu.dma_semaphore, #tpu.memory_space<semaphore_mem>>)
      %dma_wait3A_215 = tpu.memref_slice %arg4[%mul3A_2] : memref<16384xf32, #tpu.memory_space<hbm>> -> memref<512xf32, #tpu.memory_space<hbm>>
      %dma_wait3A_216 = tpu.memref_slice %arg4[%mul3A_2] : memref<16384xf32, #tpu.memory_space<hbm>> -> memref<512xf32, #tpu.memory_space<hbm>>
      tpu.wait_dma2 semaphore(%run_scoped3A_212 : memref<!tpu.dma_semaphore, #tpu.memory_space<semaphore_mem>>) src(%arg10 : memref<512xf32, #tpu.memory_space<vmem>>) dst(%dma_wait3A_216 : memref<512xf32, #tpu.memory_space<hbm>>)
      tpu.yield
    }) : () -> ()
    return
  }
}

</mosaic_0001>

<sc_bundles>
// kernel: kernel.3.cloned.1.call-start
scs
__scs_entry_jumppad:
0x0: {  	(pc) =	sbr.rel $0x88, $3  }
0x1: {  	(tag) =	ssettag $0x0;
	lr =	simm.s32 $0x1  }
0x2: {  	[smem:$0x3F9E] =	sst lr;
	_ =	strace $0xD0000000  }
0x3: {  	_ = 	snop  }
0x4: {  	_ = 	snop  }
0x5: {  	_ = 	snop  }
0x6: {  	_ = 	snop  }
0x7: {  	_ = 	snop  }
__scs_overlays_trampoline_lowered:
0x8: {  	[smem:$0x3FAD] =	sst s0  }
0x9: {  	[smem:$0x3FAE] =	sst s1  }
0xa: {  	[smem:$0x3FAF] =	sst s2  }
0xb: {  	[smem:$0x3FB0] =	sst s3  }
0xc: {  	[smem:$0x3FB1] =	sst s4  }
0xd: {  	[smem:$0x3FB2] =	sst s5  }
0xe: {  	[smem:$0x3FB3] =	sst s6  }
0xf: {  	[smem:$0x3FB4] =	sst s7  }
0x10: {  	[smem:$0x3FB5] =	sst s8  }
0x11: {  	[smem:$0x3FB6] =	sst s9;
	s0 =	simm.s32 @!p0 $0x0  }
0x12: {  	s1 =	sld [smem:$0x3F9C];
	s0 =	simm.s32 @p0 $0x1  }
0x13: {  	[smem:$0x3FB7] =	sst s0;
	s0 =	simm.s32 @!p1 $0x0  }
0x14: {  	s2 =	sld [smem:$0x3F9B];
	s0 =	simm.s32 @p1 $0x1  }
0x15: {  	[smem:$0x3FB8] =	sst s0;
	s0 =	simm.s32 @!p2 $0x0  }
0x16: {  	s3 =	sld [smem:$0x3FDB];
	s0 =	simm.s32 @p2 $0x1  }
0x17: {  	s4 =	simm.s32 $0x1BF5;
	[smem:$0x3FBA] =	sst s0  }
0x18: {  	s0 =	sld [smem:$0x3F9D];
	_ =	swait.ge [sflag:s4], $0x0  }
0x19: {  	s7 =	sld [smem:$0x3F9E]  }
0x1a: {  	s8 =	sadd.s32 $0xFFFFE003, lr  }
0x1b: {  	s9 =	sadd.s32 $0xFFFFFEF7, lr;
	s5 =	simm.s32 $0xFFFFFFFF;
	p2 =	slt.u32 s8, $0xFFFFF086  }
0x1c: {  	p1 =	slt.u32 s9, $0xF7A;
	s5 =	simm.s32 @!p2 $0x0  }
0x1d: {  	s5 =	simm.s32 @p1 $0x1;
	p0 =	seq.s32 s7, s2  }
0x1e: {  	s7 =	smul.u32 @!p0 $0xF7A, s2;
	p2 =	seq.s32 @!p0 s5, $0x0  }
0x1f: {  	s9 =	smul.u32 $0xF7A, s1;
	s8 =	simm.s32 @!p0 $0x1BF5;
	p2 =	por !p2, p0  }
0x20: {  	[sflag:s8] =	ssyncset.s32 @!p0 $0xFFFFF086;
	s6 =	sadd.s32 @!p0 s3, s7;
	s7 =	simm.s32 @!p0 $0x108  }
0x21: {  	s3 =	sadd.s32 s3, s9;
	s6 =	sadd.s32 @!p0 $0x88, s6;
	s7 =	simm.s32 @p2 $0x1082  }
0x22: {  	[simem:s7], [sflag:s8] =	dma.local @!p0 [hbm:s6], $0xF7A  }
0x23: {  	s9 =	sor.u32 $0xD0000000, s2;
	s6 =	simm.s32 $0x108;
	_ =	swait.ge @!p0 [sflag:s8], $0x0  }
0x24: {  	s3 =	sadd.s32 $0x88, s3;
	s6 =	simm.s32 @!p1 $0x1082;
	[sflag:s4] =	ssyncset.s32 $0xFFFFF086  }
0x25: {  	[simem:s6], [sflag:s4] =	dma.local [hbm:s3], $0xF7A  }
0x26: {  	[smem:$0x3F9E] =	sst s1;
	(tag) =	ssettag s2;
	_ =	strace s9  }
0x27: {  	s1 =	sld [smem:$0x3FAE]  }
0x28: {  	s2 =	sld [smem:$0x3FAF]  }
0x29: {  	s4 =	sld [smem:$0x3FB1]  }
0x2a: {  	p0 =	seq.s32 s5, $0x0;
	s5 =	sld [smem:$0x3FB2]  }
0x2b: {  	s6 =	sld [smem:$0x3FB3]  }
0x2c: {  	s7 =	sld [smem:$0x3FB4]  }
0x2d: {  	s3 =	simm.s32 $0x108;
	s8 =	sld [smem:$0x3FB5]  }
0x2e: {  	s3 =	simm.s32 @!p0 $0x1082;
	s9 =	sld [smem:$0x3FB6]  }
0x2f: {  	lr =	sadd.s32 s0, s3;
	s0 =	sld [smem:$0x3FAD]  }
0x30: {  	s3 =	sld [smem:$0x3FB0]  }
0x31: {  	[smem:$0x3FB9] =	sst s10  }
0x32: {  	s10 =	sld [smem:$0x3FB7];
	_ =	sdelay $0x3  }
0x33: {  	p0 =	seq.s32 s10, $0x1;
	s10 =	sld [smem:$0x3FB9];
	_ =	sdelay $0x3  }
0x34: {  	[smem:$0x3FB9] =	sst s10  }
0x35: {  	s10 =	sld [smem:$0x3FB8];
	_ =	sdelay $0x3  }
0x36: {  	p1 =	seq.s32 s10, $0x1;
	s10 =	sld [smem:$0x3FB9];
	_ =	sdelay $0x3  }
0x37: {  	[smem:$0x3FB9] =	sst s10  }
0x38: {  	s10 =	sld [smem:$0x3FBA]  }
0x39: {  	_ = 	snop;
	(pc) =	sbr.ind lr, $3  }
0x3a: {  	_ = 	snop  }
0x3b: {  	_ = 	snop  }
0x3c: {  	p2 =	seq.s32 s10, $0x1;
	s10 =	sld [smem:$0x3FB9]  }
0x3d: {  	_ =	shalt  }
0x3e: {  	_ =	shalt  }
0x3f: {  	_ =	shalt  }
0x40: {  	_ =	shalt  }
0x41: {  	_ =	shalt  }
0x42: {  	_ =	shalt  }
0x43: {  	_ =	shalt  }
0x44: {  	_ =	shalt  }
0x45: {  	_ =	shalt  }
0x46: {  	_ =	shalt  }
0x47: {  	_ =	shalt  }
0x48: {  	_ =	shalt  }
0x49: {  	_ =	shalt  }
0x4a: {  	_ =	shalt  }
0x4b: {  	_ =	shalt  }
0x4c: {  	_ =	shalt  }
0x4d: {  	_ =	shalt  }
0x4e: {  	_ =	shalt  }
0x4f: {  	_ =	shalt  }
0x50: {  	_ =	shalt  }
0x51: {  	_ =	shalt  }
0x52: {  	_ =	shalt  }
0x53: {  	_ =	shalt  }
0x54: {  	_ =	shalt  }
0x55: {  	_ =	shalt  }
0x56: {  	_ =	shalt  }
0x57: {  	_ =	shalt  }
0x58: {  	_ =	shalt  }
0x59: {  	_ =	shalt  }
0x5a: {  	_ =	shalt  }
0x5b: {  	_ =	shalt  }
0x5c: {  	_ =	shalt  }
0x5d: {  	_ =	shalt  }
0x5e: {  	_ =	shalt  }
0x5f: {  	_ =	shalt  }
0x60: {  	_ =	shalt  }
0x61: {  	_ =	shalt  }
0x62: {  	_ =	shalt  }
0x63: {  	_ =	shalt  }
0x64: {  	_ =	shalt  }
0x65: {  	_ =	shalt  }
0x66: {  	_ =	shalt  }
0x67: {  	_ =	shalt  }
0x68: {  	_ =	shalt  }
0x69: {  	_ =	shalt  }
0x6a: {  	_ =	shalt  }
0x6b: {  	_ =	shalt  }
0x6c: {  	_ =	shalt  }
0x6d: {  	_ =	shalt  }
0x6e: {  	_ =	shalt  }
0x6f: {  	_ =	shalt  }
0x70: {  	_ =	shalt  }
0x71: {  	_ =	shalt  }
0x72: {  	_ =	shalt  }
0x73: {  	_ =	shalt  }
0x74: {  	_ =	shalt  }
0x75: {  	_ =	shalt  }
0x76: {  	_ =	shalt  }
0x77: {  	_ =	shalt  }
0x78: {  	_ =	shalt  }
0x79: {  	_ =	shalt  }
0x7a: {  	_ =	shalt  }
0x7b: {  	_ =	shalt  }
0x7c: {  	_ =	shalt  }
0x7d: {  	_ =	shalt  }
0x7e: {  	_ =	shalt  }
0x7f: {  	_ =	shalt  }
0x80: {  	_ =	shalt  }
0x81: {  	_ =	shalt  }
0x82: {  	_ =	shalt  }
0x83: {  	_ =	shalt  }
0x84: {  	_ =	shalt  }
0x85: {  	_ =	shalt  }
0x86: {  	_ =	shalt  }
0x87: {  	_ =	shalt  }
.Lfunc_end0:
.L_simem_size_0:
called_computation_lowered:
.L_overlay_start_0:
0x88: {  	s2 =	sld [smem:$0x3FD9]  }
0x89: {  	s3 =	sld [smem:$0x3FFE];
	_ =	sdelay $0x1  }
0x8a: {  	s1 =	srdreg.scid  }
0x8b: {  	s0 =	sand.u32 $0x1, s1  }
0x8c: {  	s17 =	sshll.u32 s0, $0xA;
	s2 =	sadd.s32 s3, s2  }
0x8d: {  	s2 =	sadd.s32 s2, s17  }
0x8e: {  	[smem:$0x3FC5] =	sst s2  }
0x8f: {  	_ = 	snop  }
0x90: {  	s2 =	sld [smem:$0x3FC9]  }
0x91: {  	s18 =	sld [smem:$0x3FD0];
	(tm) =	ssettm $0x1  }
0x92: {  	s4 =	sld [smem:$0x3FFB];
	_ =	sdelay $0x3  }
0x93: {  	_ =	strace s4  }
0x94: {  	s4 =	sld [smem:$0x3FFC];
	_ =	sdelay $0x3  }
0x95: {  	_ =	strace s4  }
0x96: {  	s4 =	sld [smem:$0x3FFD];
	_ =	sdelay $0x3  }
0x97: {  	_ =	strace s4  }
0x98: {  	_ =	strace $0x8FFFFFFF  }
0x99: {  	s19 =	sld [smem:$0x3FDB];
	_ =	sdelay $0x1  }
0x9a: {  	s5 =	simm.s32 $_scs_section_size  }
0x9b: {  	s6 =	simm.s32 $_size__tile_overlayer_lowered;
	s7 =	simm.s32 $_tile_overlayer_lowered  }
0x9c: {  	s22 =	simm.s32 $0x1BFF;
	s21 =	sshll.u32 s7, $0x1;
	s4 =	sadd.s32 s5, s19  }
0x9d: {  	s8 =	simm.s32 $0x0;
	s20 =	sshll.u32 s6, $0x1;
	s6 =	sadd.s32 s21, s4  }
0x9e: {  	[timem:s8], [sflag:s22] =	dma.local [hbm:s6], s20  }
0x9f: {  	_ =	swait.ge [sflag:s22], s20  }
0xa0: {  	s5 =	ssub.s32 $0x0, s20;
	[sflag:s22] =	ssyncset.done $0x0  }
0xa1: {  	[sflag:s22] =	ssyncadd.s32 s5;
	_ =	sdelay $0x1  }
0xa2: {  	s23 =	simm.s32 $0x1B8B  }
0xa3: {  	_ =	swait.ge [sflag:s23], $0x1  }
0xa4: {  	[sflag:s23] =	ssyncset.done $0x0  }
0xa5: {  	s25 =	simm.s32 $0x1B8E;
	s24 =	sld [smem:$0x3FFE];
	[sflag:s23] =	ssyncadd.s32 $0xFFFFFFFF  }
0xa6: {  	s26 =	simm.s32 $execute0_lowered;
	[smem:$0x3FD2] =	sst s25  }
0xa7: {  	s6 =	sshll.u32 s26, $0x1;
	_ =	strace $0x80000046;
	[dreg:$0x1] =	wrdreg $0xFFFFFFFF  }
0xa8: {  	s28 =	simm.s32 $_size_execute0_lowered;
	s4 =	sadd.s32 s4, s6;
	[dreg:$0x0] =	wrdreg $0x0  }
0xa9: {  	s6 =	sshll.u32 s28, $0x1;
	[dreg:$0x2] =	wrdreg s4  }
0xaa: {  	[dreg:$0x3] =	wrdreg s6  }
0xab: {  	[dreg:$0x4] =	wrdreg $0xC0  }
0xac: {  	_ =	task [dreg:s8], $0x5FFFF  }
0xad: {  	[dreg:$0x1] =	wrdreg $0xFFFFFFFF  }
0xae: {  	[dreg:$0x0] =	wrdreg $0x60  }
0xaf: {  	[dreg:$0x2] =	wrdreg s2  }
0xb0: {  	[dreg:$0x3] =	wrdreg s24  }
0xb1: {  	[dreg:$0x4] =	wrdreg s18  }
0xb2: {  	[dreg:$0x5] =	wrdreg $0x9  }
0xb3: {  	_ =	task.clear_ibuf [dreg:s8], $0x6FFFF;
	_ =	strace $0x90000046  }
0xb4: {  	s29 =	simm.s32 $0x9;
	_ =	strace $0x80000048  }
0xb5: {  	_ =	swait.ge [sflag:s29], $0x1  }
0xb6: {  	[sflag:s29] =	ssyncadd.s32 $0xFFFFFFFF  }
0xb7: {  	_ =	strace $0x90000048  }
0xb8: {  	_ =	sfence  }
0xb9: {  	s30 =	sld [smem:$0x0];
	_ =	sdelay $0x2  }
0xba: {  	s31 =	sshll.u32 s1, $0xD;
	s1 =	sshrl.u32 s1, $0x2  }
0xbb: {  	s3 =	sand.u32 $0x4000, s31;
	s1 =	sadd.s32 s1, s30  }
0xbc: {  	s0 =	sor.u32 s3, s0;
	s1 =	sshll.u32 s1, $0x11  }
0xbd: {  	s0 =	sor.u32 s1, s0  }
0xbe: {  	s0 =	sadd.s32 $0x8F2B, s0  }
0xbf: {  	[sflag:s0] =	ssyncadd.remote.s32 $0x1  }
0xc0: {  	_ =	sfence.sel $0xFFFF  }
0xc1: {  	[dreg:$0x0] =	wrdreg $0xFFFFFFFF;
	(pc) =	sbr.abs _section_cstart, $3  }
0xc2: {  	[dreg:$0x1] =	wrdreg $0xFFFFFFFF  }
0xc3: {  	_ =	task.clear_ibuf [dreg:s8], $0x2FFFF;
	_ =	strace $0x9FFFFFFF  }
0xc4: {  	(tm) =	ssettm $0x7FFFFFFF  }
0xc5: {  	_ =	shalt  }
tec
execute0_lowered:
.L_overlay_start_1:
0x0: {  	(tag) =	ssettag $0x1  }
0x1: {  	s0 =	rddreg [dreg:$0x0]  }
0x2: {  	s1 =	rddreg [dreg:$0x1]  }
0x3: {  	s12 =	rddreg [dreg:$0x2]  }
0x4: {  	s3 =	srdreg.scid;
	s4 =	stileid.u32  }
0x5: {  	s2 =	simm.s32 $0x0;
	s14 =	simm.s32 $0x2;
	s16 =	simm.s32 $0x80  }
0x6: {  	s17 =	simm.s32 $0x280;
	s18 =	simm.s32 $0x100;
	s19 =	simm.s32 $0x300  }
0x7: {  	s20 =	simm.s32 $0x180;
	s21 =	simm.s32 $0x380;
	s22 =	simm.s32 $0x400  }
0x8: {  	s23 =	simm.s32 $0x8400;
	s24 =	simm.s32 $0x4400;
	s25 =	simm.s32 $0xC400  }
0x9: {  	v0 =	vlaneseq.u32;
	s28 =	simm.s32 $0x10400;
	s3 =	sand.u32 $0x1, s3;
	s4 =	sshll.u32 s4, $0x1  }
0xa: {  	s30 =	simm.s32 $0x0;
	[smem:$0x7FF] =	sst s2;
	v0 =	vmul.u32 $0x11, v0;
	s13 =	sor.u32 s3, s4  }
0xb: {  	_ =	strace $0x80000047;
	s5 =	ssub.s32 $0x2, s3;
	s3 =	sadd.s32 $0x30F400, s1  }
0xc: {  	s4 =	sshll.u32 s13, $0x7;
	s26 =	sshrl.u32 s5, $0x1;
	s31 =	sshll.u32 s13, $0x6;
	v1 =	vadd.s32 $0x1, v0;
	v2 =	vadd.s32 $0x2, v0;
	v3 =	vadd.s32 $0x3, v0  }
0xd: {  	v4 =	vadd.s32 $0x4, v0;
	v5 =	vadd.s32 $0x5, v0;
	v6 =	vadd.s32 $0x6, v0;
	s4 =	sadd.s32 s0, s4;
	s29 =	ssub.s32 s5, s26;
	s12 =	sadd.s32 s12, s31  }
0xe: {  	v7 =	vadd.s32 $0x7, v0;
	v8 =	vadd.s32 $0x8, v0;
	v9 =	vadd.s32 $0x9, v0;
	s26 =	simm.s32 $0x1;
	s5 =	sadd.s32 $0x10, s4;
	s6 =	sadd.s32 $0x20, s4  }
0xf: {  	v10 =	vadd.s32 $0xA, v0;
	v11 =	vadd.s32 $0xB, v0;
	v12 =	vadd.s32 $0xC, v0;
	s7 =	sadd.s32 $0x30, s4;
	s8 =	sadd.s32 $0x40, s4;
	s9 =	sadd.s32 $0x50, s4  }
0x10: {  	v13 =	vadd.s32 $0xD, v0;
	v14 =	vadd.s32 $0xE, v0;
	v15 =	vadd.s32 $0xF, v0;
	s10 =	sadd.s32 $0x60, s4;
	s11 =	sadd.s32 $0x70, s4;
	s13 =	smax.u32 s29, $0x1  }
.LBB2_1:
0x11: {  	[tilespmem:s2], [sflag:$0x2] =	stream.linear.gather [hbm4b:s4+s2], $0x80, $0x38;
	[tilespmem:$0x10710] =	vst v63  }
0x12: {  	_ =	swait.ge [sflag:s14], $0x80  }
0x13: {  	[sflag:s14] =	ssyncset.done $0x0  }
0x14: {  	s0 =	simm.s32 $0x200;
	[sflag:s14] =	ssyncadd.s32 $0xFFFFFF80  }
0x15: {  	[tilespmem:s0], [sflag:$0x2] =	stream.linear.gather [hbm4b:s5+s2], $0x80, $0x38;
	[tilespmem:$0x10710] =	vst v63  }
0x16: {  	_ =	swait.ge [sflag:s14], $0x80  }
0x17: {  	[sflag:s14] =	ssyncset.done $0x0  }
0x18: {  	[sflag:s14] =	ssyncadd.s32 $0xFFFFFF80  }
0x19: {  	[tilespmem:s16], [sflag:$0x2] =	stream.linear.gather [hbm4b:s6+s2], $0x80, $0x38;
	[tilespmem:$0x10710] =	vst v63  }
0x1a: {  	_ =	swait.ge [sflag:s14], $0x80  }
0x1b: {  	[sflag:s14] =	ssyncset.done $0x0  }
0x1c: {  	[sflag:s14] =	ssyncadd.s32 $0xFFFFFF80  }
0x1d: {  	[tilespmem:s17], [sflag:$0x2] =	stream.linear.gather [hbm4b:s7+s2], $0x80, $0x38;
	[tilespmem:$0x10710] =	vst v63  }
0x1e: {  	_ =	swait.ge [sflag:s14], $0x80  }
0x1f: {  	[sflag:s14] =	ssyncset.done $0x0  }
0x20: {  	[sflag:s14] =	ssyncadd.s32 $0xFFFFFF80  }
0x21: {  	[tilespmem:s18], [sflag:$0x2] =	stream.linear.gather [hbm4b:s8+s2], $0x80, $0x38;
	[tilespmem:$0x10710] =	vst v63  }
0x22: {  	_ =	swait.ge [sflag:s14], $0x80  }
0x23: {  	[sflag:s14] =	ssyncset.done $0x0  }
0x24: {  	[sflag:s14] =	ssyncadd.s32 $0xFFFFFF80  }
0x25: {  	[tilespmem:s19], [sflag:$0x2] =	stream.linear.gather [hbm4b:s9+s2], $0x80, $0x38;
	[tilespmem:$0x10710] =	vst v63  }
0x26: {  	_ =	swait.ge [sflag:s14], $0x80  }
0x27: {  	[sflag:s14] =	ssyncset.done $0x0  }
0x28: {  	[sflag:s14] =	ssyncadd.s32 $0xFFFFFF80  }
0x29: {  	[tilespmem:s20], [sflag:$0x2] =	stream.linear.gather [hbm4b:s10+s2], $0x80, $0x38;
	[tilespmem:$0x10710] =	vst v63  }
0x2a: {  	_ =	swait.ge [sflag:s14], $0x80  }
0x2b: {  	[sflag:s14] =	ssyncset.done $0x0  }
0x2c: {  	[sflag:s14] =	ssyncadd.s32 $0xFFFFFF80  }
0x2d: {  	[tilespmem:s21], [sflag:$0x2] =	stream.linear.gather [hbm4b:s11+s2], $0x80, $0x38;
	[tilespmem:$0x10710] =	vst v63  }
0x2e: {  	_ =	swait.ge [sflag:s14], $0x80  }
0x2f: {  	[sflag:s14] =	ssyncset.done $0x0  }
0x30: {  	[sflag:s14] =	ssyncadd.s32 $0xFFFFFF80  }
0x31: {  	[tilespmem:s22], [sflag:$0x1] =	stream.indirect.gather [hbm4b:s3+s16], $0x80, s2, s16, $0xb8;
	[tilespmem:$0x10710] =	vst v63  }
0x32: {  	_ = 	snop  }
0x33: {  	[tilespmem:s23], [sflag:$0x1] =	stream.indirect.gather [hbm4b:s3+s16], $0x80, s0, s16, $0xb8;
	[tilespmem:$0x10710] =	vst v63  }
0x34: {  	_ = 	snop  }
0x35: {  	[tilespmem:s24], [sflag:$0x1] =	stream.indirect.gather [hbm4b:s3+s16], $0x80, s16, s16, $0xb8;
	[tilespmem:$0x10710] =	vst v63  }
0x36: {  	_ = 	snop  }
0x37: {  	[tilespmem:s25], [sflag:$0x1] =	stream.indirect.gather [hbm4b:s3+s16], $0x80, s17, s16, $0xb8;
	[tilespmem:$0x10710] =	vst v63  }
0x38: {  	_ =	swait.ge [sflag:s26], $0x4000  }
0x39: {  	[sflag:s26] =	ssyncset.done $0x0  }
0x3a: {  	[sflag:s26] =	ssyncadd.s32 $0xFFFFC000  }
0x3b: {  	_ =	swait.ge [sflag:s26], $0x4000  }
0x3c: {  	[sflag:s26] =	ssyncset.done $0x0  }
0x3d: {  	s31 =	simm.s32 $0x0;
	[sflag:s26] =	ssyncadd.s32 $0xFFFFC000  }
0x3e: {  	v16 =	vld [tilespmem:s31+$0x8450]  }
0x3f: {  	v17 =	vld [tilespmem:s31+$0x400]  }
0x40: {  	v18 =	vld [tilespmem:s31+$0x410]  }
0x41: {  	v19 =	vld [tilespmem:s31+$0x8440]  }
0x42: {  	v20 =	vld [tilespmem:s31+$0x8460]  }
0x43: {  	v21 =	vld [tilespmem:s31+$0x420]  }
0x44: {  	v22 =	vld [tilespmem:s31+$0x8470]  }
0x45: {  	v23 =	vld [tilespmem:s31+$0x430]  }
0x46: {  	v16 =	vmul.f32 v16, v18;
	v17 =	vmul.f32 v19, v17;
	_ =	sdelay $0x1  }
0x47: {  	v16 =	vadd.f32 v16, v17;
	v17 =	vmul.f32 v20, v21;
	_ =	sdelay $0x1  }
0x48: {  	v16 =	vadd.f32 v17, v16;
	v17 =	vmul.f32 v22, v23;
	_ =	sdelay $0x1  }
0x49: {  	v16 =	vadd.f32 v17, v16;
	_ =	sdelay $0x1  }
0x4a: {  	[tilespmem:$0x10400] =	vst v16  }
0x4b: {  	v16 =	vld [tilespmem:s31+$0x480]  }
0x4c: {  	v17 =	vld [tilespmem:s31+$0x84C0]  }
0x4d: {  	v18 =	vld [tilespmem:s31+$0x490]  }
0x4e: {  	v19 =	vld [tilespmem:s31+$0x84D0]  }
0x4f: {  	v20 =	vld [tilespmem:s31+$0x84E0]  }
0x50: {  	v21 =	vld [tilespmem:s31+$0x4A0]  }
0x51: {  	v22 =	vld [tilespmem:s31+$0x84F0]  }
0x52: {  	v23 =	vld [tilespmem:s31+$0x4B0]  }
0x53: {  	v16 =	vmul.f32 v17, v16;
	v17 =	vmul.f32 v19, v18;
	_ =	sdelay $0x1  }
0x54: {  	v16 =	vadd.f32 v17, v16;
	v17 =	vmul.f32 v20, v21;
	_ =	sdelay $0x1  }
0x55: {  	v16 =	vadd.f32 v17, v16;
	v17 =	vmul.f32 v22, v23;
	_ =	sdelay $0x1  }
0x56: {  	v16 =	vadd.f32 v17, v16;
	_ =	sdelay $0x1  }
0x57: {  	[tilespmem:$0x10411] =	vst v16  }
0x58: {  	v16 =	vld [tilespmem:s31+$0x8550]  }
0x59: {  	v17 =	vld [tilespmem:s31+$0x500]  }
0x5a: {  	v18 =	vld [tilespmem:s31+$0x8540]  }
0x5b: {  	v19 =	vld [tilespmem:s31+$0x510]  }
0x5c: {  	v20 =	vld [tilespmem:s31+$0x8560]  }
0x5d: {  	v21 =	vld [tilespmem:s31+$0x520]  }
0x5e: {  	v22 =	vld [tilespmem:s31+$0x8570]  }
0x5f: {  	v23 =	vld [tilespmem:s31+$0x530]  }
0x60: {  	v17 =	vmul.f32 v18, v17;
	v16 =	vmul.f32 v16, v19;
	_ =	sdelay $0x1  }
0x61: {  	v16 =	vadd.f32 v16, v17;
	v17 =	vmul.f32 v20, v21;
	_ =	sdelay $0x1  }
0x62: {  	v16 =	vadd.f32 v17, v16;
	v17 =	vmul.f32 v22, v23;
	_ =	sdelay $0x1  }
0x63: {  	v16 =	vadd.f32 v17, v16;
	_ =	sdelay $0x1  }
0x64: {  	[tilespmem:$0x10422] =	vst v16  }
0x65: {  	v16 =	vld [tilespmem:s31+$0x85D0]  }
0x66: {  	v17 =	vld [tilespmem:s31+$0x580]  }
0x67: {  	v18 =	vld [tilespmem:s31+$0x85C0]  }
0x68: {  	v19 =	vld [tilespmem:s31+$0x590]  }
0x69: {  	v20 =	vld [tilespmem:s31+$0x5A0]  }
0x6a: {  	v21 =	vld [tilespmem:s31+$0x85E0]  }
0x6b: {  	v22 =	vld [tilespmem:s31+$0x85F0]  }
0x6c: {  	v23 =	vld [tilespmem:s31+$0x5B0]  }
0x6d: {  	v17 =	vmul.f32 v18, v17;
	v16 =	vmul.f32 v16, v19;
	_ =	sdelay $0x1  }
0x6e: {  	v16 =	vadd.f32 v16, v17;
	v17 =	vmul.f32 v21, v20;
	_ =	sdelay $0x1  }
0x6f: {  	v16 =	vadd.f32 v17, v16;
	v17 =	vmul.f32 v22, v23;
	_ =	sdelay $0x1  }
0x70: {  	v16 =	vadd.f32 v17, v16;
	_ =	sdelay $0x1  }
0x71: {  	[tilespmem:$0x10433] =	vst v16  }
0x72: {  	v16 =	vld [tilespmem:s31+$0x8640]  }
0x73: {  	v17 =	vld [tilespmem:s31+$0x8650]  }
0x74: {  	v18 =	vld [tilespmem:s31+$0x600]  }
0x75: {  	v19 =	vld [tilespmem:s31+$0x610]  }
0x76: {  	v20 =	vld [tilespmem:s31+$0x620]  }
0x77: {  	v21 =	vld [tilespmem:s31+$0x8660]  }
0x78: {  	v22 =	vld [tilespmem:s31+$0x8670]  }
0x79: {  	v23 =	vld [tilespmem:s31+$0x630]  }
0x7a: {  	v16 =	vmul.f32 v16, v18;
	v17 =	vmul.f32 v17, v19;
	_ =	sdelay $0x1  }
0x7b: {  	v16 =	vadd.f32 v17, v16;
	v17 =	vmul.f32 v21, v20;
	_ =	sdelay $0x1  }
0x7c: {  	v16 =	vadd.f32 v17, v16;
	v17 =	vmul.f32 v22, v23;
	_ =	sdelay $0x1  }
0x7d: {  	v16 =	vadd.f32 v17, v16;
	_ =	sdelay $0x1  }
0x7e: {  	[tilespmem:$0x10444] =	vst v16  }
0x7f: {  	v16 =	vld [tilespmem:s31+$0x86C0]  }
0x80: {  	v17 =	vld [tilespmem:s31+$0x86D0]  }
0x81: {  	v18 =	vld [tilespmem:s31+$0x680]  }
0x82: {  	v19 =	vld [tilespmem:s31+$0x690]  }
0x83: {  	v20 =	vld [tilespmem:s31+$0x6A0]  }
0x84: {  	v21 =	vld [tilespmem:s31+$0x86E0]  }
0x85: {  	v22 =	vld [tilespmem:s31+$0x86F0]  }
0x86: {  	v23 =	vld [tilespmem:s31+$0x6B0]  }
0x87: {  	v16 =	vmul.f32 v16, v18;
	v17 =	vmul.f32 v17, v19;
	_ =	sdelay $0x1  }
0x88: {  	v16 =	vadd.f32 v17, v16;
	v17 =	vmul.f32 v21, v20;
	_ =	sdelay $0x1  }
0x89: {  	v16 =	vadd.f32 v17, v16;
	v17 =	vmul.f32 v22, v23;
	_ =	sdelay $0x1  }
0x8a: {  	v16 =	vadd.f32 v17, v16;
	_ =	sdelay $0x1  }
0x8b: {  	[tilespmem:$0x10455] =	vst v16  }
0x8c: {  	v16 =	vld [tilespmem:s31+$0x8740]  }
0x8d: {  	v17 =	vld [tilespmem:s31+$0x8750]  }
0x8e: {  	v18 =	vld [tilespmem:s31+$0x710]  }
0x8f: {  	v19 =	vld [tilespmem:s31+$0x700]  }
0x90: {  	v20 =	vld [tilespmem:s31+$0x8760]  }
0x91: {  	v21 =	vld [tilespmem:s31+$0x720]  }
0x92: {  	v22 =	vld [tilespmem:s31+$0x8770]  }
0x93: {  	v23 =	vld [tilespmem:s31+$0x730]  }
0x94: {  	v17 =	vmul.f32 v17, v18;
	v16 =	vmul.f32 v16, v19;
	_ =	sdelay $0x1  }
0x95: {  	v16 =	vadd.f32 v17, v16;
	v17 =	vmul.f32 v20, v21;
	_ =	sdelay $0x1  }
0x96: {  	v16 =	vadd.f32 v17, v16;
	v17 =	vmul.f32 v22, v23;
	_ =	sdelay $0x1  }
0x97: {  	v16 =	vadd.f32 v17, v16;
	_ =	sdelay $0x1  }
0x98: {  	[tilespmem:$0x10466] =	vst v16  }
0x99: {  	v16 =	vld [tilespmem:s31+$0x780]  }
0x9a: {  	v17 =	vld [tilespmem:s31+$0x87C0]  }
0x9b: {  	v18 =	vld [tilespmem:s31+$0x87D0]  }
0x9c: {  	v19 =	vld [tilespmem:s31+$0x790]  }
0x9d: {  	v20 =	vld [tilespmem:s31+$0x87E0]  }
0x9e: {  	v21 =	vld [tilespmem:s31+$0x7A0]  }
0x9f: {  	v22 =	vld [tilespmem:s31+$0x87F0]  }
0xa0: {  	v23 =	vld [tilespmem:s31+$0x7B0]  }
0xa1: {  	v16 =	vmul.f32 v17, v16;
	v17 =	vmul.f32 v18, v19;
	_ =	sdelay $0x1  }
0xa2: {  	v16 =	vadd.f32 v17, v16;
	v17 =	vmul.f32 v20, v21;
	_ =	sdelay $0x1  }
0xa3: {  	v16 =	vadd.f32 v17, v16;
	v17 =	vmul.f32 v22, v23;
	_ =	sdelay $0x1  }
0xa4: {  	v16 =	vadd.f32 v17, v16;
	_ =	sdelay $0x1  }
0xa5: {  	[tilespmem:$0x10477] =	vst v16  }
0xa6: {  	v16 =	vld [tilespmem:s31+$0x8840]  }
0xa7: {  	v17 =	vld [tilespmem:s31+$0x8850]  }
0xa8: {  	v18 =	vld [tilespmem:s31+$0x800]  }
0xa9: {  	v19 =	vld [tilespmem:s31+$0x810]  }
0xaa: {  	v20 =	vld [tilespmem:s31+$0x8860]  }
0xab: {  	v21 =	vld [tilespmem:s31+$0x820]  }
0xac: {  	v22 =	vld [tilespmem:s31+$0x8870]  }
0xad: {  	v23 =	vld [tilespmem:s31+$0x830]  }
0xae: {  	v16 =	vmul.f32 v16, v18;
	v17 =	vmul.f32 v17, v19;
	_ =	sdelay $0x1  }
0xaf: {  	v16 =	vadd.f32 v17, v16;
	v17 =	vmul.f32 v20, v21;
	_ =	sdelay $0x1  }
0xb0: {  	v16 =	vadd.f32 v17, v16;
	v17 =	vmul.f32 v22, v23;
	_ =	sdelay $0x1  }
0xb1: {  	v16 =	vadd.f32 v17, v16;
	_ =	sdelay $0x1  }
0xb2: {  	[tilespmem:$0x10488] =	vst v16  }
0xb3: {  	v16 =	vld [tilespmem:s31+$0x88C0]  }
0xb4: {  	v17 =	vld [tilespmem:s31+$0x88D0]  }
0xb5: {  	v18 =	vld [tilespmem:s31+$0x890]  }
0xb6: {  	v19 =	vld [tilespmem:s31+$0x880]  }
0xb7: {  	v20 =	vld [tilespmem:s31+$0x8A0]  }
0xb8: {  	v21 =	vld [tilespmem:s31+$0x88E0]  }
0xb9: {  	v22 =	vld [tilespmem:s31+$0x8B0]  }
0xba: {  	v23 =	vld [tilespmem:s31+$0x88F0]  }
0xbb: {  	v17 =	vmul.f32 v17, v18;
	v16 =	vmul.f32 v16, v19;
	_ =	sdelay $0x1  }
0xbc: {  	v16 =	vadd.f32 v17, v16;
	v17 =	vmul.f32 v21, v20;
	_ =	sdelay $0x1  }
0xbd: {  	v16 =	vadd.f32 v17, v16;
	v17 =	vmul.f32 v23, v22;
	_ =	sdelay $0x1  }
0xbe: {  	v16 =	vadd.f32 v17, v16;
	_ =	sdelay $0x1  }
0xbf: {  	[tilespmem:$0x10499] =	vst v16  }
0xc0: {  	v16 =	vld [tilespmem:s31+$0x8950]  }
0xc1: {  	v17 =	vld [tilespmem:s31+$0x8940]  }
0xc2: {  	v18 =	vld [tilespmem:s31+$0x900]  }
0xc3: {  	v19 =	vld [tilespmem:s31+$0x910]  }
0xc4: {  	v20 =	vld [tilespmem:s31+$0x920]  }
0xc5: {  	v21 =	vld [tilespmem:s31+$0x8960]  }
0xc6: {  	v22 =	vld [tilespmem:s31+$0x930]  }
0xc7: {  	v23 =	vld [tilespmem:s31+$0x8970]  }
0xc8: {  	v17 =	vmul.f32 v17, v18;
	v16 =	vmul.f32 v16, v19;
	_ =	sdelay $0x1  }
0xc9: {  	v16 =	vadd.f32 v16, v17;
	v17 =	vmul.f32 v21, v20;
	_ =	sdelay $0x1  }
0xca: {  	v16 =	vadd.f32 v17, v16;
	v17 =	vmul.f32 v23, v22;
	_ =	sdelay $0x1  }
0xcb: {  	v16 =	vadd.f32 v17, v16;
	_ =	sdelay $0x1  }
0xcc: {  	[tilespmem:$0x104AA] =	vst v16  }
0xcd: {  	v16 =	vld [tilespmem:s31+$0x89C0]  }
0xce: {  	v17 =	vld [tilespmem:s31+$0x89D0]  }
0xcf: {  	v18 =	vld [tilespmem:s31+$0x980]  }
0xd0: {  	v19 =	vld [tilespmem:s31+$0x990]  }
0xd1: {  	v20 =	vld [tilespmem:s31+$0x9A0]  }
0xd2: {  	v21 =	vld [tilespmem:s31+$0x89E0]  }
0xd3: {  	v22 =	vld [tilespmem:s31+$0x9B0]  }
0xd4: {  	v23 =	vld [tilespmem:s31+$0x89F0]  }
0xd5: {  	v16 =	vmul.f32 v16, v18;
	v17 =	vmul.f32 v17, v19;
	_ =	sdelay $0x1  }
0xd6: {  	v16 =	vadd.f32 v17, v16;
	v17 =	vmul.f32 v21, v20;
	_ =	sdelay $0x1  }
0xd7: {  	v16 =	vadd.f32 v17, v16;
	v17 =	vmul.f32 v23, v22;
	_ =	sdelay $0x1  }
0xd8: {  	v16 =	vadd.f32 v17, v16;
	_ =	sdelay $0x1  }
0xd9: {  	[tilespmem:$0x104BB] =	vst v16  }
0xda: {  	v16 =	vld [tilespmem:s31+$0x8A40]  }
0xdb: {  	v17 =	vld [tilespmem:s31+$0x8A50]  }
0xdc: {  	v18 =	vld [tilespmem:s31+$0xA00]  }
0xdd: {  	v19 =	vld [tilespmem:s31+$0xA10]  }
0xde: {  	v20 =	vld [tilespmem:s31+$0xA20]  }
0xdf: {  	v21 =	vld [tilespmem:s31+$0x8A60]  }
0xe0: {  	v22 =	vld [tilespmem:s31+$0xA30]  }
0xe1: {  	v23 =	vld [tilespmem:s31+$0x8A70]  }
0xe2: {  	v16 =	vmul.f32 v16, v18;
	v17 =	vmul.f32 v17, v19;
	_ =	sdelay $0x1  }
0xe3: {  	v16 =	vadd.f32 v17, v16;
	v17 =	vmul.f32 v21, v20;
	_ =	sdelay $0x1  }
0xe4: {  	v16 =	vadd.f32 v17, v16;
	v17 =	vmul.f32 v23, v22;
	_ =	sdelay $0x1  }
0xe5: {  	v16 =	vadd.f32 v17, v16;
	_ =	sdelay $0x1  }
0xe6: {  	[tilespmem:$0x104CC] =	vst v16  }
0xe7: {  	v16 =	vld [tilespmem:s31+$0x8AC0]  }
0xe8: {  	v17 =	vld [tilespmem:s31+$0x8AD0]  }
0xe9: {  	v18 =	vld [tilespmem:s31+$0xA80]  }
0xea: {  	v19 =	vld [tilespmem:s31+$0xA90]  }
0xeb: {  	v20 =	vld [tilespmem:s31+$0xAA0]  }
0xec: {  	v21 =	vld [tilespmem:s31+$0x8AE0]  }
0xed: {  	v22 =	vld [tilespmem:s31+$0xAB0]  }
0xee: {  	v23 =	vld [tilespmem:s31+$0x8AF0]  }
0xef: {  	v16 =	vmul.f32 v16, v18;
	v17 =	vmul.f32 v17, v19;
	_ =	sdelay $0x1  }
0xf0: {  	v16 =	vadd.f32 v17, v16;
	v17 =	vmul.f32 v21, v20;
	_ =	sdelay $0x1  }
0xf1: {  	v16 =	vadd.f32 v17, v16;
	v17 =	vmul.f32 v23, v22;
	_ =	sdelay $0x1  }
0xf2: {  	v16 =	vadd.f32 v17, v16;
	_ =	sdelay $0x1  }
0xf3: {  	[tilespmem:$0x104DD] =	vst v16  }
0xf4: {  	v16 =	vld [tilespmem:s31+$0x8B40]  }
0xf5: {  	v17 =	vld [tilespmem:s31+$0x8B50]  }
0xf6: {  	v18 =	vld [tilespmem:s31+$0xB00]  }
0xf7: {  	v19 =	vld [tilespmem:s31+$0xB10]  }
0xf8: {  	v20 =	vld [tilespmem:s31+$0xB20]  }
0xf9: {  	v21 =	vld [tilespmem:s31+$0x8B60]  }
0xfa: {  	v22 =	vld [tilespmem:s31+$0xB30]  }
0xfb: {  	v23 =	vld [tilespmem:s31+$0x8B70]  }
0xfc: {  	v16 =	vmul.f32 v16, v18;
	v17 =	vmul.f32 v17, v19;
	_ =	sdelay $0x1  }
0xfd: {  	v16 =	vadd.f32 v17, v16;
	v17 =	vmul.f32 v21, v20;
	_ =	sdelay $0x1  }
0xfe: {  	v16 =	vadd.f32 v17, v16;
	v17 =	vmul.f32 v23, v22;
	_ =	sdelay $0x1  }
0xff: {  	v16 =	vadd.f32 v17, v16;
	_ =	sdelay $0x1  }
0x100: {  	[tilespmem:$0x104EE] =	vst v16  }
0x101: {  	v16 =	vld [tilespmem:s31+$0x8BC0]  }
0x102: {  	v19 =	vld [tilespmem:s31+$0xB80]  }
0x103: {  	v17 =	vld [tilespmem:s31+$0x8BD0]  }
0x104: {  	v20 =	vld [tilespmem:s31+$0xB90]  }
0x105: {  	s1 =	simm.s32 $0x2000;
	s29 =	simm.s32 $0x10510;
	s0 =	simm.s32 $0x10510;
	v18 =	vld [tilespmem:s31+$0xBA0]  }
.LBB2_2:
0x106: {  	p0 =	sne.s32 s1, $0xE000  }
0x107: {  	v21 =	vld [tilespmem:s31+$0x8BE0];
	s29 =	sadd.s32 $0x10, s29;
	s15 =	smov.u32 s1;
	s1 =	sadd.s32 $0x2000, s1  }
0x108: {  	v16 =	vmul.f32 v16, v19;
	v19 =	vld [tilespmem:s31+$0xBB0]  }
0x109: {  	v22 =	vld [tilespmem:s31+$0x8BF0]  }
0x10a: {  	v17 =	vmul.f32 v17, v20;
	_ =	sdelay $0x1  }
0x10b: {  	v16 =	vadd.f32 v17, v16;
	v17 =	vmul.f32 v21, v18;
	_ =	sdelay $0x1  }
0x10c: {  	v16 =	vadd.f32 v17, v16;
	v17 =	vmul.f32 v22, v19;
	_ =	sdelay $0x1  }
0x10d: {  	v16 =	vadd.f32 v17, v16;
	_ =	sdelay $0x1  }
0x10e: {  	[tilespmem:$0x104FF] =	vst v16  }
0x10f: {  	v16 =	vld.idx.msk [tilespmem:v0+s28+$0x0], $0xffff  }
0x110: {  	v17 =	vld.idx.msk [tilespmem:v1+s28+$0x0], $0xffff  }
0x111: {  	v18 =	vld.idx.msk [tilespmem:v2+s28+$0x0], $0xffff  }
0x112: {  	v19 =	vld.idx.msk [tilespmem:v3+s28+$0x0], $0xffff  }
0x113: {  	v20 =	vld.idx.msk [tilespmem:v4+s28+$0x0], $0xffff  }
0x114: {  	v21 =	vld.idx.msk [tilespmem:v5+s28+$0x0], $0xffff  }
0x115: {  	v22 =	vld.idx.msk [tilespmem:v6+s28+$0x0], $0xffff  }
0x116: {  	v16 =	vadd.f32 v17, v16;
	v17 =	vld.idx.msk [tilespmem:v7+s28+$0x0], $0xffff  }
0x117: {  	v23 =	vld.idx.msk [tilespmem:v8+s28+$0x0], $0xffff  }
0x118: {  	v16 =	vadd.f32 v18, v16;
	v18 =	vld.idx.msk [tilespmem:v9+s28+$0x0], $0xffff  }
0x119: {  	v24 =	vld.idx.msk [tilespmem:v10+s28+$0x0], $0xffff  }
0x11a: {  	v16 =	vadd.f32 v19, v16;
	v19 =	vld.idx.msk [tilespmem:v11+s28+$0x0], $0xffff  }
0x11b: {  	v25 =	vld.idx.msk [tilespmem:v12+s28+$0x0], $0xffff  }
0x11c: {  	v16 =	vadd.f32 v20, v16;
	v20 =	vld.idx.msk [tilespmem:v13+s28+$0x0], $0xffff  }
0x11d: {  	v26 =	vld.idx.msk [tilespmem:v14+s28+$0x0], $0xffff  }
0x11e: {  	v16 =	vadd.f32 v21, v16;
	v21 =	vld.idx.msk [tilespmem:v15+s28+$0x0], $0xffff;
	_ =	sdelay $0x1  }
0x11f: {  	v16 =	vadd.f32 v22, v16;
	_ =	sdelay $0x1  }
0x120: {  	v16 =	vadd.f32 v17, v16;
	_ =	sdelay $0x1  }
0x121: {  	v16 =	vadd.f32 v23, v16;
	_ =	sdelay $0x1  }
0x122: {  	v16 =	vadd.f32 v18, v16;
	_ =	sdelay $0x1  }
0x123: {  	v16 =	vadd.f32 v24, v16;
	_ =	sdelay $0x1  }
0x124: {  	v16 =	vadd.f32 v19, v16;
	_ =	sdelay $0x1  }
0x125: {  	v16 =	vadd.f32 v25, v16;
	_ =	sdelay $0x1  }
0x126: {  	v16 =	vadd.f32 v20, v16;
	_ =	sdelay $0x1  }
0x127: {  	v16 =	vadd.f32 v26, v16;
	_ =	sdelay $0x1  }
0x128: {  	v16 =	vadd.f32 v21, v16;
	_ =	sdelay $0x1  }
0x129: {  	s31 =	sshra.s32 s15, $0x2;
	[tilespmem:s0+$0x0] =	vst v16;
	s0 =	smov.u32 s29  }
0x12a: {  	v16 =	vld [tilespmem:s31+$0x8450]  }
0x12b: {  	v17 =	vld [tilespmem:s31+$0x400]  }
0x12c: {  	v18 =	vld [tilespmem:s31+$0x410]  }
0x12d: {  	v19 =	vld [tilespmem:s31+$0x8440]  }
0x12e: {  	v20 =	vld [tilespmem:s31+$0x8460]  }
0x12f: {  	v21 =	vld [tilespmem:s31+$0x420]  }
0x130: {  	v22 =	vld [tilespmem:s31+$0x8470]  }
0x131: {  	v16 =	vmul.f32 v16, v18;
	v18 =	vld [tilespmem:s31+$0x430]  }
0x132: {  	v17 =	vmul.f32 v19, v17;
	_ =	sdelay $0x1  }
0x133: {  	v16 =	vadd.f32 v16, v17;
	v17 =	vmul.f32 v20, v21;
	_ =	sdelay $0x1  }
0x134: {  	v16 =	vadd.f32 v17, v16;
	v17 =	vmul.f32 v22, v18;
	_ =	sdelay $0x1  }
0x135: {  	v16 =	vadd.f32 v17, v16;
	_ =	sdelay $0x1  }
0x136: {  	[tilespmem:$0x10400] =	vst v16  }
0x137: {  	v16 =	vld [tilespmem:s31+$0x480]  }
0x138: {  	v17 =	vld [tilespmem:s31+$0x84C0]  }
0x139: {  	v18 =	vld [tilespmem:s31+$0x490]  }
0x13a: {  	v19 =	vld [tilespmem:s31+$0x84D0]  }
0x13b: {  	v20 =	vld [tilespmem:s31+$0x84E0]  }
0x13c: {  	v21 =	vld [tilespmem:s31+$0x4A0]  }
0x13d: {  	v16 =	vmul.f32 v17, v16;
	v17 =	vld [tilespmem:s31+$0x84F0]  }
0x13e: {  	v22 =	vld [tilespmem:s31+$0x4B0]  }
0x13f: {  	v18 =	vmul.f32 v19, v18;
	_ =	sdelay $0x1  }
0x140: {  	v16 =	vadd.f32 v18, v16;
	v18 =	vmul.f32 v20, v21;
	_ =	sdelay $0x1  }
0x141: {  	v16 =	vadd.f32 v18, v16;
	v17 =	vmul.f32 v17, v22;
	_ =	sdelay $0x1  }
0x142: {  	v16 =	vadd.f32 v17, v16;
	_ =	sdelay $0x1  }
0x143: {  	[tilespmem:$0x10411] =	vst v16  }
0x144: {  	v16 =	vld [tilespmem:s31+$0x8550]  }
0x145: {  	v17 =	vld [tilespmem:s31+$0x500]  }
0x146: {  	v18 =	vld [tilespmem:s31+$0x8540]  }
0x147: {  	v19 =	vld [tilespmem:s31+$0x510]  }
0x148: {  	v20 =	vld [tilespmem:s31+$0x8560]  }
0x149: {  	v21 =	vld [tilespmem:s31+$0x520]  }
0x14a: {  	v22 =	vld [tilespmem:s31+$0x8570]  }
0x14b: {  	v17 =	vmul.f32 v18, v17;
	v18 =	vld [tilespmem:s31+$0x530]  }
0x14c: {  	v16 =	vmul.f32 v16, v19;
	_ =	sdelay $0x1  }
0x14d: {  	v16 =	vadd.f32 v16, v17;
	v17 =	vmul.f32 v20, v21;
	_ =	sdelay $0x1  }
0x14e: {  	v16 =	vadd.f32 v17, v16;
	v17 =	vmul.f32 v22, v18;
	_ =	sdelay $0x1  }
0x14f: {  	v16 =	vadd.f32 v17, v16;
	_ =	sdelay $0x1  }
0x150: {  	[tilespmem:$0x10422] =	vst v16  }
0x151: {  	v16 =	vld [tilespmem:s31+$0x85D0]  }
0x152: {  	v17 =	vld [tilespmem:s31+$0x580]  }
0x153: {  	v18 =	vld [tilespmem:s31+$0x85C0]  }
0x154: {  	v19 =	vld [tilespmem:s31+$0x590]  }
0x155: {  	v20 =	vld [tilespmem:s31+$0x5A0]  }
0x156: {  	v21 =	vld [tilespmem:s31+$0x85E0]  }
0x157: {  	v22 =	vld [tilespmem:s31+$0x85F0]  }
0x158: {  	v17 =	vmul.f32 v18, v17;
	v18 =	vld [tilespmem:s31+$0x5B0]  }
0x159: {  	v16 =	vmul.f32 v16, v19;
	_ =	sdelay $0x1  }
0x15a: {  	v16 =	vadd.f32 v16, v17;
	v17 =	vmul.f32 v21, v20;
	_ =	sdelay $0x1  }
0x15b: {  	v16 =	vadd.f32 v17, v16;
	v17 =	vmul.f32 v22, v18;
	_ =	sdelay $0x1  }
0x15c: {  	v16 =	vadd.f32 v17, v16;
	_ =	sdelay $0x1  }
0x15d: {  	[tilespmem:$0x10433] =	vst v16  }
0x15e: {  	v16 =	vld [tilespmem:s31+$0x8640]  }
0x15f: {  	v17 =	vld [tilespmem:s31+$0x8650]  }
0x160: {  	v18 =	vld [tilespmem:s31+$0x600]  }
0x161: {  	v19 =	vld [tilespmem:s31+$0x610]  }
0x162: {  	v20 =	vld [tilespmem:s31+$0x620]  }
0x163: {  	v21 =	vld [tilespmem:s31+$0x8660]  }
0x164: {  	v22 =	vld [tilespmem:s31+$0x8670]  }
0x165: {  	v16 =	vmul.f32 v16, v18;
	v18 =	vld [tilespmem:s31+$0x630]  }
0x166: {  	v17 =	vmul.f32 v17, v19;
	_ =	sdelay $0x1  }
0x167: {  	v16 =	vadd.f32 v17, v16;
	v17 =	vmul.f32 v21, v20;
	_ =	sdelay $0x1  }
0x168: {  	v16 =	vadd.f32 v17, v16;
	v17 =	vmul.f32 v22, v18;
	_ =	sdelay $0x1  }
0x169: {  	v16 =	vadd.f32 v17, v16;
	_ =	sdelay $0x1  }
0x16a: {  	[tilespmem:$0x10444] =	vst v16  }
0x16b: {  	v16 =	vld [tilespmem:s31+$0x86C0]  }
0x16c: {  	v17 =	vld [tilespmem:s31+$0x86D0]  }
0x16d: {  	v18 =	vld [tilespmem:s31+$0x680]  }
0x16e: {  	v19 =	vld [tilespmem:s31+$0x690]  }
0x16f: {  	v20 =	vld [tilespmem:s31+$0x6A0]  }
0x170: {  	v21 =	vld [tilespmem:s31+$0x86E0]  }
0x171: {  	v22 =	vld [tilespmem:s31+$0x86F0]  }
0x172: {  	v16 =	vmul.f32 v16, v18;
	v18 =	vld [tilespmem:s31+$0x6B0]  }
0x173: {  	v17 =	vmul.f32 v17, v19;
	_ =	sdelay $0x1  }
0x174: {  	v16 =	vadd.f32 v17, v16;
	v17 =	vmul.f32 v21, v20;
	_ =	sdelay $0x1  }
0x175: {  	v16 =	vadd.f32 v17, v16;
	v17 =	vmul.f32 v22, v18;
	_ =	sdelay $0x1  }
0x176: {  	v16 =	vadd.f32 v17, v16;
	_ =	sdelay $0x1  }
0x177: {  	[tilespmem:$0x10455] =	vst v16  }
0x178: {  	v16 =	vld [tilespmem:s31+$0x8740]  }
0x179: {  	v17 =	vld [tilespmem:s31+$0x8750]  }
0x17a: {  	v18 =	vld [tilespmem:s31+$0x710]  }
0x17b: {  	v19 =	vld [tilespmem:s31+$0x700]  }
0x17c: {  	v20 =	vld [tilespmem:s31+$0x8760]  }
0x17d: {  	v21 =	vld [tilespmem:s31+$0x720]  }
0x17e: {  	v22 =	vld [tilespmem:s31+$0x8770]  }
0x17f: {  	v17 =	vmul.f32 v17, v18;
	v18 =	vld [tilespmem:s31+$0x730]  }
0x180: {  	v16 =	vmul.f32 v16, v19;
	_ =	sdelay $0x1  }
0x181: {  	v16 =	vadd.f32 v17, v16;
	v17 =	vmul.f32 v20, v21;
	_ =	sdelay $0x1  }
0x182: {  	v16 =	vadd.f32 v17, v16;
	v17 =	vmul.f32 v22, v18;
	_ =	sdelay $0x1  }
0x183: {  	v16 =	vadd.f32 v17, v16;
	_ =	sdelay $0x1  }
0x184: {  	[tilespmem:$0x10466] =	vst v16  }
0x185: {  	v16 =	vld [tilespmem:s31+$0x780]  }
0x186: {  	v17 =	vld [tilespmem:s31+$0x87C0]  }
0x187: {  	v18 =	vld [tilespmem:s31+$0x87D0]  }
0x188: {  	v19 =	vld [tilespmem:s31+$0x790]  }
0x189: {  	v20 =	vld [tilespmem:s31+$0x87E0]  }
0x18a: {  	v21 =	vld [tilespmem:s31+$0x7A0]  }
0x18b: {  	v16 =	vmul.f32 v17, v16;
	v17 =	vld [tilespmem:s31+$0x87F0]  }
0x18c: {  	v22 =	vld [tilespmem:s31+$0x7B0]  }
0x18d: {  	v18 =	vmul.f32 v18, v19;
	_ =	sdelay $0x1  }
0x18e: {  	v16 =	vadd.f32 v18, v16;
	v18 =	vmul.f32 v20, v21;
	_ =	sdelay $0x1  }
0x18f: {  	v16 =	vadd.f32 v18, v16;
	v17 =	vmul.f32 v17, v22;
	_ =	sdelay $0x1  }
0x190: {  	v16 =	vadd.f32 v17, v16;
	_ =	sdelay $0x1  }
0x191: {  	[tilespmem:$0x10477] =	vst v16  }
0x192: {  	v16 =	vld [tilespmem:s31+$0x8840]  }
0x193: {  	v17 =	vld [tilespmem:s31+$0x8850]  }
0x194: {  	v18 =	vld [tilespmem:s31+$0x800]  }
0x195: {  	v19 =	vld [tilespmem:s31+$0x810]  }
0x196: {  	v20 =	vld [tilespmem:s31+$0x8860]  }
0x197: {  	v21 =	vld [tilespmem:s31+$0x820]  }
0x198: {  	v22 =	vld [tilespmem:s31+$0x8870]  }
0x199: {  	v16 =	vmul.f32 v16, v18;
	v18 =	vld [tilespmem:s31+$0x830]  }
0x19a: {  	v17 =	vmul.f32 v17, v19;
	_ =	sdelay $0x1  }
0x19b: {  	v16 =	vadd.f32 v17, v16;
	v17 =	vmul.f32 v20, v21;
	_ =	sdelay $0x1  }
0x19c: {  	v16 =	vadd.f32 v17, v16;
	v17 =	vmul.f32 v22, v18;
	_ =	sdelay $0x1  }
0x19d: {  	v16 =	vadd.f32 v17, v16;
	_ =	sdelay $0x1  }
0x19e: {  	[tilespmem:$0x10488] =	vst v16  }
0x19f: {  	v16 =	vld [tilespmem:s31+$0x88C0]  }
0x1a0: {  	v17 =	vld [tilespmem:s31+$0x88D0]  }
0x1a1: {  	v18 =	vld [tilespmem:s31+$0x890]  }
0x1a2: {  	v19 =	vld [tilespmem:s31+$0x880]  }
0x1a3: {  	v20 =	vld [tilespmem:s31+$0x8A0]  }
0x1a4: {  	v21 =	vld [tilespmem:s31+$0x88E0]  }
0x1a5: {  	v22 =	vld [tilespmem:s31+$0x8B0]  }
0x1a6: {  	v17 =	vmul.f32 v17, v18;
	v18 =	vld [tilespmem:s31+$0x88F0]  }
0x1a7: {  	v16 =	vmul.f32 v16, v19;
	_ =	sdelay $0x1  }
0x1a8: {  	v16 =	vadd.f32 v17, v16;
	v17 =	vmul.f32 v21, v20;
	_ =	sdelay $0x1  }
0x1a9: {  	v16 =	vadd.f32 v17, v16;
	v17 =	vmul.f32 v18, v22;
	_ =	sdelay $0x1  }
0x1aa: {  	v16 =	vadd.f32 v17, v16;
	_ =	sdelay $0x1  }
0x1ab: {  	[tilespmem:$0x10499] =	vst v16  }
0x1ac: {  	v16 =	vld [tilespmem:s31+$0x8950]  }
0x1ad: {  	v17 =	vld [tilespmem:s31+$0x8940]  }
0x1ae: {  	v18 =	vld [tilespmem:s31+$0x900]  }
0x1af: {  	v19 =	vld [tilespmem:s31+$0x910]  }
0x1b0: {  	v20 =	vld [tilespmem:s31+$0x920]  }
0x1b1: {  	v21 =	vld [tilespmem:s31+$0x8960]  }
0x1b2: {  	v22 =	vld [tilespmem:s31+$0x930]  }
0x1b3: {  	v17 =	vmul.f32 v17, v18;
	v18 =	vld [tilespmem:s31+$0x8970]  }
0x1b4: {  	v16 =	vmul.f32 v16, v19;
	_ =	sdelay $0x1  }
0x1b5: {  	v16 =	vadd.f32 v16, v17;
	v17 =	vmul.f32 v21, v20;
	_ =	sdelay $0x1  }
0x1b6: {  	v16 =	vadd.f32 v17, v16;
	v17 =	vmul.f32 v18, v22;
	_ =	sdelay $0x1  }
0x1b7: {  	v16 =	vadd.f32 v17, v16;
	_ =	sdelay $0x1  }
0x1b8: {  	[tilespmem:$0x104AA] =	vst v16  }
0x1b9: {  	v16 =	vld [tilespmem:s31+$0x89C0]  }
0x1ba: {  	v17 =	vld [tilespmem:s31+$0x89D0]  }
0x1bb: {  	v18 =	vld [tilespmem:s31+$0x980]  }
0x1bc: {  	v19 =	vld [tilespmem:s31+$0x990]  }
0x1bd: {  	v20 =	vld [tilespmem:s31+$0x9A0]  }
0x1be: {  	v21 =	vld [tilespmem:s31+$0x89E0]  }
0x1bf: {  	v22 =	vld [tilespmem:s31+$0x9B0]  }
0x1c0: {  	v16 =	vmul.f32 v16, v18;
	v18 =	vld [tilespmem:s31+$0x89F0]  }
0x1c1: {  	v17 =	vmul.f32 v17, v19;
	_ =	sdelay $0x1  }
0x1c2: {  	v16 =	vadd.f32 v17, v16;
	v17 =	vmul.f32 v21, v20;
	_ =	sdelay $0x1  }
0x1c3: {  	v16 =	vadd.f32 v17, v16;
	v17 =	vmul.f32 v18, v22;
	_ =	sdelay $0x1  }
0x1c4: {  	v16 =	vadd.f32 v17, v16;
	_ =	sdelay $0x1  }
0x1c5: {  	[tilespmem:$0x104BB] =	vst v16  }
0x1c6: {  	v16 =	vld [tilespmem:s31+$0x8A40]  }
0x1c7: {  	v17 =	vld [tilespmem:s31+$0x8A50]  }
0x1c8: {  	v18 =	vld [tilespmem:s31+$0xA00]  }
0x1c9: {  	v19 =	vld [tilespmem:s31+$0xA10]  }
0x1ca: {  	v20 =	vld [tilespmem:s31+$0xA20]  }
0x1cb: {  	v21 =	vld [tilespmem:s31+$0x8A60]  }
0x1cc: {  	v22 =	vld [tilespmem:s31+$0xA30]  }
0x1cd: {  	v16 =	vmul.f32 v16, v18;
	v18 =	vld [tilespmem:s31+$0x8A70]  }
0x1ce: {  	v17 =	vmul.f32 v17, v19;
	_ =	sdelay $0x1  }
0x1cf: {  	v16 =	vadd.f32 v17, v16;
	v17 =	vmul.f32 v21, v20;
	_ =	sdelay $0x1  }
0x1d0: {  	v16 =	vadd.f32 v17, v16;
	v17 =	vmul.f32 v18, v22;
	_ =	sdelay $0x1  }
0x1d1: {  	v16 =	vadd.f32 v17, v16;
	_ =	sdelay $0x1  }
0x1d2: {  	[tilespmem:$0x104CC] =	vst v16  }
0x1d3: {  	v16 =	vld [tilespmem:s31+$0x8AC0]  }
0x1d4: {  	v17 =	vld [tilespmem:s31+$0x8AD0]  }
0x1d5: {  	v18 =	vld [tilespmem:s31+$0xA80]  }
0x1d6: {  	v19 =	vld [tilespmem:s31+$0xA90]  }
0x1d7: {  	v20 =	vld [tilespmem:s31+$0xAA0]  }
0x1d8: {  	v21 =	vld [tilespmem:s31+$0x8AE0]  }
0x1d9: {  	v22 =	vld [tilespmem:s31+$0xAB0]  }
0x1da: {  	v16 =	vmul.f32 v16, v18;
	v18 =	vld [tilespmem:s31+$0x8AF0]  }
0x1db: {  	v17 =	vmul.f32 v17, v19;
	_ =	sdelay $0x1  }
0x1dc: {  	v16 =	vadd.f32 v17, v16;
	v17 =	vmul.f32 v21, v20;
	_ =	sdelay $0x1  }
0x1dd: {  	v16 =	vadd.f32 v17, v16;
	v17 =	vmul.f32 v18, v22;
	_ =	sdelay $0x1  }
0x1de: {  	v16 =	vadd.f32 v17, v16;
	_ =	sdelay $0x1  }
0x1df: {  	[tilespmem:$0x104DD] =	vst v16  }
0x1e0: {  	v16 =	vld [tilespmem:s31+$0x8B40]  }
0x1e1: {  	v17 =	vld [tilespmem:s31+$0x8B50]  }
0x1e2: {  	v18 =	vld [tilespmem:s31+$0xB00]  }
0x1e3: {  	v19 =	vld [tilespmem:s31+$0xB10]  }
0x1e4: {  	v20 =	vld [tilespmem:s31+$0xB20]  }
0x1e5: {  	v21 =	vld [tilespmem:s31+$0x8B60]  }
0x1e6: {  	v22 =	vld [tilespmem:s31+$0xB30]  }
0x1e7: {  	v16 =	vmul.f32 v16, v18;
	v18 =	vld [tilespmem:s31+$0x8B70]  }
0x1e8: {  	v17 =	vmul.f32 v17, v19;
	_ =	sdelay $0x1  }
0x1e9: {  	v16 =	vadd.f32 v17, v16;
	v17 =	vmul.f32 v21, v20;
	_ =	sdelay $0x1  }
0x1ea: {  	v16 =	vadd.f32 v17, v16;
	v17 =	vmul.f32 v18, v22;
	_ =	sdelay $0x1  }
0x1eb: {  	v16 =	vadd.f32 v17, v16;
	_ =	sdelay $0x1  }
0x1ec: {  	[tilespmem:$0x104EE] =	vst v16  }
.Ltmp0:
0x1ed: {  	v16 =	vld [tilespmem:s31+$0x8BC0];
	(pc) =	sbr.rel @p0 .LBB2_2-.Ltmp0, $4  }
0x1ee: {  	v19 =	vld [tilespmem:s31+$0xB80]  }
0x1ef: {  	v17 =	vld [tilespmem:s31+$0x8BD0]  }
0x1f0: {  	v20 =	vld [tilespmem:s31+$0xB90]  }
0x1f1: {  	v18 =	vld [tilespmem:s31+$0xBA0]  }
0x1f2: {  	v21 =	vld [tilespmem:s31+$0x8BE0]  }
0x1f3: {  	v22 =	vld [tilespmem:s31+$0xBB0]  }
0x1f4: {  	v23 =	vld [tilespmem:s31+$0x8BF0]  }
0x1f5: {  	v16 =	vmul.f32 v16, v19;
	v17 =	vmul.f32 v17, v20;
	_ =	sdelay $0x1  }
0x1f6: {  	v16 =	vadd.f32 v17, v16;
	v17 =	vmul.f32 v21, v18;
	_ =	sdelay $0x1  }
0x1f7: {  	v16 =	vadd.f32 v17, v16;
	v17 =	vmul.f32 v23, v22;
	_ =	sdelay $0x1  }
0x1f8: {  	v16 =	vadd.f32 v17, v16;
	_ =	sdelay $0x1  }
0x1f9: {  	[tilespmem:$0x104FF] =	vst v16  }
0x1fa: {  	v16 =	vld.idx.msk [tilespmem:v0+s28+$0x0], $0xffff  }
0x1fb: {  	v17 =	vld.idx.msk [tilespmem:v1+s28+$0x0], $0xffff;
	_ =	sdelay $0x1  }
0x1fc: {  	v18 =	vld.idx.msk [tilespmem:v2+s28+$0x0], $0xffff;
	_ =	sdelay $0x1  }
0x1fd: {  	v19 =	vld.idx.msk [tilespmem:v3+s28+$0x0], $0xffff  }
0x1fe: {  	v16 =	vadd.f32 v17, v16  }
0x1ff: {  	v17 =	vld.idx.msk [tilespmem:v4+s28+$0x0], $0xffff  }
0x200: {  	v16 =	vadd.f32 v18, v16  }
0x201: {  	v18 =	vld.idx.msk [tilespmem:v5+s28+$0x0], $0xffff  }
0x202: {  	v16 =	vadd.f32 v19, v16  }
0x203: {  	v19 =	vld.idx.msk [tilespmem:v6+s28+$0x0], $0xffff  }
0x204: {  	v16 =	vadd.f32 v17, v16  }
0x205: {  	v17 =	vld.idx.msk [tilespmem:v7+s28+$0x0], $0xffff  }
0x206: {  	v16 =	vadd.f32 v18, v16  }
0x207: {  	v18 =	vld.idx.msk [tilespmem:v8+s28+$0x0], $0xffff  }
0x208: {  	v16 =	vadd.f32 v19, v16  }
0x209: {  	v19 =	vld.idx.msk [tilespmem:v9+s28+$0x0], $0xffff  }
0x20a: {  	v16 =	vadd.f32 v17, v16  }
0x20b: {  	v17 =	vld.idx.msk [tilespmem:v10+s28+$0x0], $0xffff  }
0x20c: {  	v16 =	vadd.f32 v18, v16  }
0x20d: {  	v18 =	vld.idx.msk [tilespmem:v11+s28+$0x0], $0xffff  }
0x20e: {  	v16 =	vadd.f32 v19, v16  }
0x20f: {  	v19 =	vld.idx.msk [tilespmem:v12+s28+$0x0], $0xffff  }
0x210: {  	v16 =	vadd.f32 v17, v16  }
0x211: {  	v17 =	vld.idx.msk [tilespmem:v13+s28+$0x0], $0xffff  }
0x212: {  	v16 =	vadd.f32 v18, v16  }
0x213: {  	v18 =	vld.idx.msk [tilespmem:v14+s28+$0x0], $0xffff  }
0x214: {  	v16 =	vadd.f32 v19, v16  }
0x215: {  	v19 =	vld.idx.msk [tilespmem:v15+s28+$0x0], $0xffff  }
0x216: {  	v16 =	vadd.f32 v17, v16;
	_ =	sdelay $0x1  }
0x217: {  	v16 =	vadd.f32 v18, v16;
	_ =	sdelay $0x1  }
0x218: {  	v16 =	vadd.f32 v19, v16;
	_ =	sdelay $0x1  }
0x219: {  	[tilespmem:s0+$0x0] =	vst v16  }
0x21a: {  	[tilespmem:s22], [sflag:$0x1] =	stream.indirect.gather [hbm4b:s3+s16], $0x80, s18, s16, $0xb8;
	[tilespmem:$0x10710] =	vst v63  }
0x21b: {  	_ = 	snop  }
0x21c: {  	[tilespmem:s23], [sflag:$0x1] =	stream.indirect.gather [hbm4b:s3+s16], $0x80, s19, s16, $0xb8;
	[tilespmem:$0x10710] =	vst v63  }
0x21d: {  	_ =	swait.ge [sflag:s26], $0x4000  }
0x21e: {  	[sflag:s26] =	ssyncset.done $0x0  }
0x21f: {  	[sflag:s26] =	ssyncadd.s32 $0xFFFFC000  }
0x220: {  	_ =	swait.ge [sflag:s26], $0x4000  }
0x221: {  	[sflag:s26] =	ssyncset.done $0x0  }
0x222: {  	s31 =	simm.s32 $0x0;
	[sflag:s26] =	ssyncadd.s32 $0xFFFFC000  }
0x223: {  	v16 =	vld [tilespmem:s31+$0xC450]  }
0x224: {  	v17 =	vld [tilespmem:s31+$0x4400]  }
0x225: {  	v18 =	vld [tilespmem:s31+$0x4410]  }
0x226: {  	v19 =	vld [tilespmem:s31+$0xC440]  }
0x227: {  	v20 =	vld [tilespmem:s31+$0xC460]  }
0x228: {  	v21 =	vld [tilespmem:s31+$0x4420]  }
0x229: {  	v22 =	vld [tilespmem:s31+$0xC470]  }
0x22a: {  	v23 =	vld [tilespmem:s31+$0x4430]  }
0x22b: {  	v16 =	vmul.f32 v16, v18;
	v17 =	vmul.f32 v19, v17;
	_ =	sdelay $0x1  }
0x22c: {  	v16 =	vadd.f32 v16, v17;
	v17 =	vmul.f32 v20, v21;
	_ =	sdelay $0x1  }
0x22d: {  	v16 =	vadd.f32 v17, v16;
	v17 =	vmul.f32 v22, v23;
	_ =	sdelay $0x1  }
0x22e: {  	v16 =	vadd.f32 v17, v16;
	_ =	sdelay $0x1  }
0x22f: {  	[tilespmem:$0x10400] =	vst v16  }
0x230: {  	v16 =	vld [tilespmem:s31+$0x4480]  }
0x231: {  	v17 =	vld [tilespmem:s31+$0xC4C0]  }
0x232: {  	v18 =	vld [tilespmem:s31+$0x4490]  }
0x233: {  	v19 =	vld [tilespmem:s31+$0xC4D0]  }
0x234: {  	v20 =	vld [tilespmem:s31+$0xC4E0]  }
0x235: {  	v21 =	vld [tilespmem:s31+$0x44A0]  }
0x236: {  	v22 =	vld [tilespmem:s31+$0xC4F0]  }
0x237: {  	v23 =	vld [tilespmem:s31+$0x44B0]  }
0x238: {  	v16 =	vmul.f32 v17, v16;
	v17 =	vmul.f32 v19, v18;
	_ =	sdelay $0x1  }
0x239: {  	v16 =	vadd.f32 v17, v16;
	v17 =	vmul.f32 v20, v21;
	_ =	sdelay $0x1  }
0x23a: {  	v16 =	vadd.f32 v17, v16;
	v17 =	vmul.f32 v22, v23;
	_ =	sdelay $0x1  }
0x23b: {  	v16 =	vadd.f32 v17, v16;
	_ =	sdelay $0x1  }
0x23c: {  	[tilespmem:$0x10411] =	vst v16  }
0x23d: {  	v16 =	vld [tilespmem:s31+$0xC550]  }
0x23e: {  	v17 =	vld [tilespmem:s31+$0x4500]  }
0x23f: {  	v18 =	vld [tilespmem:s31+$0xC540]  }
0x240: {  	v19 =	vld [tilespmem:s31+$0x4510]  }
0x241: {  	v20 =	vld [tilespmem:s31+$0xC560]  }
0x242: {  	v21 =	vld [tilespmem:s31+$0x4520]  }
0x243: {  	v22 =	vld [tilespmem:s31+$0xC570]  }
0x244: {  	v23 =	vld [tilespmem:s31+$0x4530]  }
0x245: {  	v17 =	vmul.f32 v18, v17;
	v16 =	vmul.f32 v16, v19;
	_ =	sdelay $0x1  }
0x246: {  	v16 =	vadd.f32 v16, v17;
	v17 =	vmul.f32 v20, v21;
	_ =	sdelay $0x1  }
0x247: {  	v16 =	vadd.f32 v17, v16;
	v17 =	vmul.f32 v22, v23;
	_ =	sdelay $0x1  }
0x248: {  	v16 =	vadd.f32 v17, v16;
	_ =	sdelay $0x1  }
0x249: {  	[tilespmem:$0x10422] =	vst v16  }
0x24a: {  	v16 =	vld [tilespmem:s31+$0xC5D0]  }
0x24b: {  	v17 =	vld [tilespmem:s31+$0x4580]  }
0x24c: {  	v18 =	vld [tilespmem:s31+$0xC5C0]  }
0x24d: {  	v19 =	vld [tilespmem:s31+$0x4590]  }
0x24e: {  	v20 =	vld [tilespmem:s31+$0x45A0]  }
0x24f: {  	v21 =	vld [tilespmem:s31+$0xC5E0]  }
0x250: {  	v22 =	vld [tilespmem:s31+$0xC5F0]  }
0x251: {  	v23 =	vld [tilespmem:s31+$0x45B0]  }
0x252: {  	v17 =	vmul.f32 v18, v17;
	v16 =	vmul.f32 v16, v19;
	_ =	sdelay $0x1  }
0x253: {  	v16 =	vadd.f32 v16, v17;
	v17 =	vmul.f32 v21, v20;
	_ =	sdelay $0x1  }
0x254: {  	v16 =	vadd.f32 v17, v16;
	v17 =	vmul.f32 v22, v23;
	_ =	sdelay $0x1  }
0x255: {  	v16 =	vadd.f32 v17, v16;
	_ =	sdelay $0x1  }
0x256: {  	[tilespmem:$0x10433] =	vst v16  }
0x257: {  	v16 =	vld [tilespmem:s31+$0xC640]  }
0x258: {  	v17 =	vld [tilespmem:s31+$0xC650]  }
0x259: {  	v18 =	vld [tilespmem:s31+$0x4600]  }
0x25a: {  	v19 =	vld [tilespmem:s31+$0x4610]  }
0x25b: {  	v20 =	vld [tilespmem:s31+$0x4620]  }
0x25c: {  	v21 =	vld [tilespmem:s31+$0xC660]  }
0x25d: {  	v22 =	vld [tilespmem:s31+$0xC670]  }
0x25e: {  	v23 =	vld [tilespmem:s31+$0x4630]  }
0x25f: {  	v16 =	vmul.f32 v16, v18;
	v17 =	vmul.f32 v17, v19;
	_ =	sdelay $0x1  }
0x260: {  	v16 =	vadd.f32 v17, v16;
	v17 =	vmul.f32 v21, v20;
	_ =	sdelay $0x1  }
0x261: {  	v16 =	vadd.f32 v17, v16;
	v17 =	vmul.f32 v22, v23;
	_ =	sdelay $0x1  }
0x262: {  	v16 =	vadd.f32 v17, v16;
	_ =	sdelay $0x1  }
0x263: {  	[tilespmem:$0x10444] =	vst v16  }
0x264: {  	v16 =	vld [tilespmem:s31+$0xC6C0]  }
0x265: {  	v17 =	vld [tilespmem:s31+$0xC6D0]  }
0x266: {  	v18 =	vld [tilespmem:s31+$0x4680]  }
0x267: {  	v19 =	vld [tilespmem:s31+$0x4690]  }
0x268: {  	v20 =	vld [tilespmem:s31+$0x46A0]  }
0x269: {  	v21 =	vld [tilespmem:s31+$0xC6E0]  }
0x26a: {  	v22 =	vld [tilespmem:s31+$0xC6F0]  }
0x26b: {  	v23 =	vld [tilespmem:s31+$0x46B0]  }
0x26c: {  	v16 =	vmul.f32 v16, v18;
	v17 =	vmul.f32 v17, v19;
	_ =	sdelay $0x1  }
0x26d: {  	v16 =	vadd.f32 v17, v16;
	v17 =	vmul.f32 v21, v20;
	_ =	sdelay $0x1  }
0x26e: {  	v16 =	vadd.f32 v17, v16;
	v17 =	vmul.f32 v22, v23;
	_ =	sdelay $0x1  }
0x26f: {  	v16 =	vadd.f32 v17, v16;
	_ =	sdelay $0x1  }
0x270: {  	[tilespmem:$0x10455] =	vst v16  }
0x271: {  	v16 =	vld [tilespmem:s31+$0xC740]  }
0x272: {  	v17 =	vld [tilespmem:s31+$0xC750]  }
0x273: {  	v18 =	vld [tilespmem:s31+$0x4710]  }
0x274: {  	v19 =	vld [tilespmem:s31+$0x4700]  }
0x275: {  	v20 =	vld [tilespmem:s31+$0xC760]  }
0x276: {  	v21 =	vld [tilespmem:s31+$0x4720]  }
0x277: {  	v22 =	vld [tilespmem:s31+$0xC770]  }
0x278: {  	v23 =	vld [tilespmem:s31+$0x4730]  }
0x279: {  	v17 =	vmul.f32 v17, v18;
	v16 =	vmul.f32 v16, v19;
	_ =	sdelay $0x1  }
0x27a: {  	v16 =	vadd.f32 v17, v16;
	v17 =	vmul.f32 v20, v21;
	_ =	sdelay $0x1  }
0x27b: {  	v16 =	vadd.f32 v17, v16;
	v17 =	vmul.f32 v22, v23;
	_ =	sdelay $0x1  }
0x27c: {  	v16 =	vadd.f32 v17, v16;
	_ =	sdelay $0x1  }
0x27d: {  	[tilespmem:$0x10466] =	vst v16  }
0x27e: {  	v16 =	vld [tilespmem:s31+$0x4780]  }
0x27f: {  	v17 =	vld [tilespmem:s31+$0xC7C0]  }
0x280: {  	v18 =	vld [tilespmem:s31+$0xC7D0]  }
0x281: {  	v19 =	vld [tilespmem:s31+$0x4790]  }
0x282: {  	v20 =	vld [tilespmem:s31+$0xC7E0]  }
0x283: {  	v21 =	vld [tilespmem:s31+$0x47A0]  }
0x284: {  	v22 =	vld [tilespmem:s31+$0xC7F0]  }
0x285: {  	v23 =	vld [tilespmem:s31+$0x47B0]  }
0x286: {  	v16 =	vmul.f32 v17, v16;
	v17 =	vmul.f32 v18, v19;
	_ =	sdelay $0x1  }
0x287: {  	v16 =	vadd.f32 v17, v16;
	v17 =	vmul.f32 v20, v21;
	_ =	sdelay $0x1  }
0x288: {  	v16 =	vadd.f32 v17, v16;
	v17 =	vmul.f32 v22, v23;
	_ =	sdelay $0x1  }
0x289: {  	v16 =	vadd.f32 v17, v16;
	_ =	sdelay $0x1  }
0x28a: {  	[tilespmem:$0x10477] =	vst v16  }
0x28b: {  	v16 =	vld [tilespmem:s31+$0xC840]  }
0x28c: {  	v17 =	vld [tilespmem:s31+$0xC850]  }
0x28d: {  	v18 =	vld [tilespmem:s31+$0x4800]  }
0x28e: {  	v19 =	vld [tilespmem:s31+$0x4810]  }
0x28f: {  	v20 =	vld [tilespmem:s31+$0xC860]  }
0x290: {  	v21 =	vld [tilespmem:s31+$0x4820]  }
0x291: {  	v22 =	vld [tilespmem:s31+$0xC870]  }
0x292: {  	v23 =	vld [tilespmem:s31+$0x4830]  }
0x293: {  	v16 =	vmul.f32 v16, v18;
	v17 =	vmul.f32 v17, v19;
	_ =	sdelay $0x1  }
0x294: {  	v16 =	vadd.f32 v17, v16;
	v17 =	vmul.f32 v20, v21;
	_ =	sdelay $0x1  }
0x295: {  	v16 =	vadd.f32 v17, v16;
	v17 =	vmul.f32 v22, v23;
	_ =	sdelay $0x1  }
0x296: {  	v16 =	vadd.f32 v17, v16;
	_ =	sdelay $0x1  }
0x297: {  	[tilespmem:$0x10488] =	vst v16  }
0x298: {  	v16 =	vld [tilespmem:s31+$0xC8C0]  }
0x299: {  	v17 =	vld [tilespmem:s31+$0xC8D0]  }
0x29a: {  	v18 =	vld [tilespmem:s31+$0x4890]  }
0x29b: {  	v19 =	vld [tilespmem:s31+$0x4880]  }
0x29c: {  	v20 =	vld [tilespmem:s31+$0x48A0]  }
0x29d: {  	v21 =	vld [tilespmem:s31+$0xC8E0]  }
0x29e: {  	v22 =	vld [tilespmem:s31+$0x48B0]  }
0x29f: {  	v23 =	vld [tilespmem:s31+$0xC8F0]  }
0x2a0: {  	v17 =	vmul.f32 v17, v18;
	v16 =	vmul.f32 v16, v19;
	_ =	sdelay $0x1  }
0x2a1: {  	v16 =	vadd.f32 v17, v16;
	v17 =	vmul.f32 v21, v20;
	_ =	sdelay $0x1  }
0x2a2: {  	v16 =	vadd.f32 v17, v16;
	v17 =	vmul.f32 v23, v22;
	_ =	sdelay $0x1  }
0x2a3: {  	v16 =	vadd.f32 v17, v16;
	_ =	sdelay $0x1  }
0x2a4: {  	[tilespmem:$0x10499] =	vst v16  }
0x2a5: {  	v16 =	vld [tilespmem:s31+$0xC950]  }
0x2a6: {  	v17 =	vld [tilespmem:s31+$0xC940]  }
0x2a7: {  	v18 =	vld [tilespmem:s31+$0x4900]  }
0x2a8: {  	v19 =	vld [tilespmem:s31+$0x4910]  }
0x2a9: {  	v20 =	vld [tilespmem:s31+$0x4920]  }
0x2aa: {  	v21 =	vld [tilespmem:s31+$0xC960]  }
0x2ab: {  	v22 =	vld [tilespmem:s31+$0x4930]  }
0x2ac: {  	v23 =	vld [tilespmem:s31+$0xC970]  }
0x2ad: {  	v17 =	vmul.f32 v17, v18;
	v16 =	vmul.f32 v16, v19;
	_ =	sdelay $0x1  }
0x2ae: {  	v16 =	vadd.f32 v16, v17;
	v17 =	vmul.f32 v21, v20;
	_ =	sdelay $0x1  }
0x2af: {  	v16 =	vadd.f32 v17, v16;
	v17 =	vmul.f32 v23, v22;
	_ =	sdelay $0x1  }
0x2b0: {  	v16 =	vadd.f32 v17, v16;
	_ =	sdelay $0x1  }
0x2b1: {  	[tilespmem:$0x104AA] =	vst v16  }
0x2b2: {  	v16 =	vld [tilespmem:s31+$0xC9C0]  }
0x2b3: {  	v17 =	vld [tilespmem:s31+$0xC9D0]  }
0x2b4: {  	v18 =	vld [tilespmem:s31+$0x4980]  }
0x2b5: {  	v19 =	vld [tilespmem:s31+$0x4990]  }
0x2b6: {  	v20 =	vld [tilespmem:s31+$0x49A0]  }
0x2b7: {  	v21 =	vld [tilespmem:s31+$0xC9E0]  }
0x2b8: {  	v22 =	vld [tilespmem:s31+$0x49B0]  }
0x2b9: {  	v23 =	vld [tilespmem:s31+$0xC9F0]  }
0x2ba: {  	v16 =	vmul.f32 v16, v18;
	v17 =	vmul.f32 v17, v19;
	_ =	sdelay $0x1  }
0x2bb: {  	v16 =	vadd.f32 v17, v16;
	v17 =	vmul.f32 v21, v20;
	_ =	sdelay $0x1  }
0x2bc: {  	v16 =	vadd.f32 v17, v16;
	v17 =	vmul.f32 v23, v22;
	_ =	sdelay $0x1  }
0x2bd: {  	v16 =	vadd.f32 v17, v16;
	_ =	sdelay $0x1  }
0x2be: {  	[tilespmem:$0x104BB] =	vst v16  }
0x2bf: {  	v16 =	vld [tilespmem:s31+$0xCA40]  }
0x2c0: {  	v17 =	vld [tilespmem:s31+$0xCA50]  }
0x2c1: {  	v18 =	vld [tilespmem:s31+$0x4A00]  }
0x2c2: {  	v19 =	vld [tilespmem:s31+$0x4A10]  }
0x2c3: {  	v20 =	vld [tilespmem:s31+$0x4A20]  }
0x2c4: {  	v21 =	vld [tilespmem:s31+$0xCA60]  }
0x2c5: {  	v22 =	vld [tilespmem:s31+$0x4A30]  }
0x2c6: {  	v23 =	vld [tilespmem:s31+$0xCA70]  }
0x2c7: {  	v16 =	vmul.f32 v16, v18;
	v17 =	vmul.f32 v17, v19;
	_ =	sdelay $0x1  }
0x2c8: {  	v16 =	vadd.f32 v17, v16;
	v17 =	vmul.f32 v21, v20;
	_ =	sdelay $0x1  }
0x2c9: {  	v16 =	vadd.f32 v17, v16;
	v17 =	vmul.f32 v23, v22;
	_ =	sdelay $0x1  }
0x2ca: {  	v16 =	vadd.f32 v17, v16;
	_ =	sdelay $0x1  }
0x2cb: {  	[tilespmem:$0x104CC] =	vst v16  }
0x2cc: {  	v16 =	vld [tilespmem:s31+$0xCAC0]  }
0x2cd: {  	v17 =	vld [tilespmem:s31+$0xCAD0]  }
0x2ce: {  	v18 =	vld [tilespmem:s31+$0x4A80]  }
0x2cf: {  	v19 =	vld [tilespmem:s31+$0x4A90]  }
0x2d0: {  	v20 =	vld [tilespmem:s31+$0x4AA0]  }
0x2d1: {  	v21 =	vld [tilespmem:s31+$0xCAE0]  }
0x2d2: {  	v22 =	vld [tilespmem:s31+$0x4AB0]  }
0x2d3: {  	v23 =	vld [tilespmem:s31+$0xCAF0]  }
0x2d4: {  	v16 =	vmul.f32 v16, v18;
	v17 =	vmul.f32 v17, v19;
	_ =	sdelay $0x1  }
0x2d5: {  	v16 =	vadd.f32 v17, v16;
	v17 =	vmul.f32 v21, v20;
	_ =	sdelay $0x1  }
0x2d6: {  	v16 =	vadd.f32 v17, v16;
	v17 =	vmul.f32 v23, v22;
	_ =	sdelay $0x1  }
0x2d7: {  	v16 =	vadd.f32 v17, v16;
	_ =	sdelay $0x1  }
0x2d8: {  	[tilespmem:$0x104DD] =	vst v16  }
0x2d9: {  	v16 =	vld [tilespmem:s31+$0xCB40]  }
0x2da: {  	v17 =	vld [tilespmem:s31+$0xCB50]  }
0x2db: {  	v18 =	vld [tilespmem:s31+$0x4B00]  }
0x2dc: {  	v19 =	vld [tilespmem:s31+$0x4B10]  }
0x2dd: {  	v20 =	vld [tilespmem:s31+$0x4B20]  }
0x2de: {  	v21 =	vld [tilespmem:s31+$0xCB60]  }
0x2df: {  	v22 =	vld [tilespmem:s31+$0x4B30]  }
0x2e0: {  	v23 =	vld [tilespmem:s31+$0xCB70]  }
0x2e1: {  	v16 =	vmul.f32 v16, v18;
	v17 =	vmul.f32 v17, v19;
	_ =	sdelay $0x1  }
0x2e2: {  	v16 =	vadd.f32 v17, v16;
	v17 =	vmul.f32 v21, v20;
	_ =	sdelay $0x1  }
0x2e3: {  	v16 =	vadd.f32 v17, v16;
	v17 =	vmul.f32 v23, v22;
	_ =	sdelay $0x1  }
0x2e4: {  	v16 =	vadd.f32 v17, v16;
	_ =	sdelay $0x1  }
0x2e5: {  	[tilespmem:$0x104EE] =	vst v16  }
0x2e6: {  	v16 =	vld [tilespmem:s31+$0xCBC0]  }
0x2e7: {  	v19 =	vld [tilespmem:s31+$0x4B80]  }
0x2e8: {  	v17 =	vld [tilespmem:s31+$0xCBD0]  }
0x2e9: {  	v20 =	vld [tilespmem:s31+$0x4B90]  }
0x2ea: {  	s1 =	simm.s32 $0x10590;
	s29 =	simm.s32 $0x2000;
	s0 =	simm.s32 $0x10590;
	v18 =	vld [tilespmem:s31+$0x4BA0]  }
.LBB2_4:
0x2eb: {  	p0 =	sne.s32 s29, $0xE000  }
0x2ec: {  	v21 =	vld [tilespmem:s31+$0xCBE0];
	s1 =	sadd.s32 $0x10, s1;
	s15 =	smov.u32 s29;
	s29 =	sadd.s32 $0x2000, s29  }
0x2ed: {  	v16 =	vmul.f32 v16, v19;
	v19 =	vld [tilespmem:s31+$0x4BB0]  }
0x2ee: {  	v22 =	vld [tilespmem:s31+$0xCBF0]  }
0x2ef: {  	v17 =	vmul.f32 v17, v20;
	_ =	sdelay $0x1  }
0x2f0: {  	v16 =	vadd.f32 v17, v16;
	v17 =	vmul.f32 v21, v18;
	_ =	sdelay $0x1  }
0x2f1: {  	v16 =	vadd.f32 v17, v16;
	v17 =	vmul.f32 v22, v19;
	_ =	sdelay $0x1  }
0x2f2: {  	v16 =	vadd.f32 v17, v16;
	_ =	sdelay $0x1  }
0x2f3: {  	[tilespmem:$0x104FF] =	vst v16  }
0x2f4: {  	v16 =	vld.idx.msk [tilespmem:v0+s28+$0x0], $0xffff  }
0x2f5: {  	v17 =	vld.idx.msk [tilespmem:v1+s28+$0x0], $0xffff  }
0x2f6: {  	v18 =	vld.idx.msk [tilespmem:v2+s28+$0x0], $0xffff  }
0x2f7: {  	v19 =	vld.idx.msk [tilespmem:v3+s28+$0x0], $0xffff  }
0x2f8: {  	v20 =	vld.idx.msk [tilespmem:v4+s28+$0x0], $0xffff  }
0x2f9: {  	v21 =	vld.idx.msk [tilespmem:v5+s28+$0x0], $0xffff  }
0x2fa: {  	v22 =	vld.idx.msk [tilespmem:v6+s28+$0x0], $0xffff  }
0x2fb: {  	v16 =	vadd.f32 v17, v16;
	v17 =	vld.idx.msk [tilespmem:v7+s28+$0x0], $0xffff  }
0x2fc: {  	v23 =	vld.idx.msk [tilespmem:v8+s28+$0x0], $0xffff  }
0x2fd: {  	v16 =	vadd.f32 v18, v16;
	v18 =	vld.idx.msk [tilespmem:v9+s28+$0x0], $0xffff  }
0x2fe: {  	v24 =	vld.idx.msk [tilespmem:v10+s28+$0x0], $0xffff  }
0x2ff: {  	v16 =	vadd.f32 v19, v16;
	v19 =	vld.idx.msk [tilespmem:v11+s28+$0x0], $0xffff  }
0x300: {  	v25 =	vld.idx.msk [tilespmem:v12+s28+$0x0], $0xffff  }
0x301: {  	v16 =	vadd.f32 v20, v16;
	v20 =	vld.idx.msk [tilespmem:v13+s28+$0x0], $0xffff  }
0x302: {  	v26 =	vld.idx.msk [tilespmem:v14+s28+$0x0], $0xffff  }
0x303: {  	v16 =	vadd.f32 v21, v16;
	v21 =	vld.idx.msk [tilespmem:v15+s28+$0x0], $0xffff;
	_ =	sdelay $0x1  }
0x304: {  	v16 =	vadd.f32 v22, v16;
	_ =	sdelay $0x1  }
0x305: {  	v16 =	vadd.f32 v17, v16;
	_ =	sdelay $0x1  }
0x306: {  	v16 =	vadd.f32 v23, v16;
	_ =	sdelay $0x1  }
0x307: {  	v16 =	vadd.f32 v18, v16;
	_ =	sdelay $0x1  }
0x308: {  	v16 =	vadd.f32 v24, v16;
	_ =	sdelay $0x1  }
0x309: {  	v16 =	vadd.f32 v19, v16;
	_ =	sdelay $0x1  }
0x30a: {  	v16 =	vadd.f32 v25, v16;
	_ =	sdelay $0x1  }
0x30b: {  	v16 =	vadd.f32 v20, v16;
	_ =	sdelay $0x1  }
0x30c: {  	v16 =	vadd.f32 v26, v16;
	_ =	sdelay $0x1  }
0x30d: {  	v16 =	vadd.f32 v21, v16;
	_ =	sdelay $0x1  }
0x30e: {  	s31 =	sshra.s32 s15, $0x2;
	[tilespmem:s0+$0x0] =	vst v16;
	s0 =	smov.u32 s1  }
0x30f: {  	v16 =	vld [tilespmem:s31+$0xC450]  }
0x310: {  	v17 =	vld [tilespmem:s31+$0x4400]  }
0x311: {  	v18 =	vld [tilespmem:s31+$0x4410]  }
0x312: {  	v19 =	vld [tilespmem:s31+$0xC440]  }
0x313: {  	v20 =	vld [tilespmem:s31+$0xC460]  }
0x314: {  	v21 =	vld [tilespmem:s31+$0x4420]  }
0x315: {  	v22 =	vld [tilespmem:s31+$0xC470]  }
0x316: {  	v16 =	vmul.f32 v16, v18;
	v18 =	vld [tilespmem:s31+$0x4430]  }
0x317: {  	v17 =	vmul.f32 v19, v17;
	_ =	sdelay $0x1  }
0x318: {  	v16 =	vadd.f32 v16, v17;
	v17 =	vmul.f32 v20, v21;
	_ =	sdelay $0x1  }
0x319: {  	v16 =	vadd.f32 v17, v16;
	v17 =	vmul.f32 v22, v18;
	_ =	sdelay $0x1  }
0x31a: {  	v16 =	vadd.f32 v17, v16;
	_ =	sdelay $0x1  }
0x31b: {  	[tilespmem:$0x10400] =	vst v16  }
0x31c: {  	v16 =	vld [tilespmem:s31+$0x4480]  }
0x31d: {  	v17 =	vld [tilespmem:s31+$0xC4C0]  }
0x31e: {  	v18 =	vld [tilespmem:s31+$0x4490]  }
0x31f: {  	v19 =	vld [tilespmem:s31+$0xC4D0]  }
0x320: {  	v20 =	vld [tilespmem:s31+$0xC4E0]  }
0x321: {  	v21 =	vld [tilespmem:s31+$0x44A0]  }
0x322: {  	v16 =	vmul.f32 v17, v16;
	v17 =	vld [tilespmem:s31+$0xC4F0]  }
0x323: {  	v22 =	vld [tilespmem:s31+$0x44B0]  }
0x324: {  	v18 =	vmul.f32 v19, v18;
	_ =	sdelay $0x1  }
0x325: {  	v16 =	vadd.f32 v18, v16;
	v18 =	vmul.f32 v20, v21;
	_ =	sdelay $0x1  }
0x326: {  	v16 =	vadd.f32 v18, v16;
	v17 =	vmul.f32 v17, v22;
	_ =	sdelay $0x1  }
0x327: {  	v16 =	vadd.f32 v17, v16;
	_ =	sdelay $0x1  }
0x328: {  	[tilespmem:$0x10411] =	vst v16  }
0x329: {  	v16 =	vld [tilespmem:s31+$0xC550]  }
0x32a: {  	v17 =	vld [tilespmem:s31+$0x4500]  }
0x32b: {  	v18 =	vld [tilespmem:s31+$0xC540]  }
0x32c: {  	v19 =	vld [tilespmem:s31+$0x4510]  }
0x32d: {  	v20 =	vld [tilespmem:s31+$0xC560]  }
0x32e: {  	v21 =	vld [tilespmem:s31+$0x4520]  }
0x32f: {  	v22 =	vld [tilespmem:s31+$0xC570]  }
0x330: {  	v17 =	vmul.f32 v18, v17;
	v18 =	vld [tilespmem:s31+$0x4530]  }
0x331: {  	v16 =	vmul.f32 v16, v19;
	_ =	sdelay $0x1  }
0x332: {  	v16 =	vadd.f32 v16, v17;
	v17 =	vmul.f32 v20, v21;
	_ =	sdelay $0x1  }
0x333: {  	v16 =	vadd.f32 v17, v16;
	v17 =	vmul.f32 v22, v18;
	_ =	sdelay $0x1  }
0x334: {  	v16 =	vadd.f32 v17, v16;
	_ =	sdelay $0x1  }
0x335: {  	[tilespmem:$0x10422] =	vst v16  }
0x336: {  	v16 =	vld [tilespmem:s31+$0xC5D0]  }
0x337: {  	v17 =	vld [tilespmem:s31+$0x4580]  }
0x338: {  	v18 =	vld [tilespmem:s31+$0xC5C0]  }
0x339: {  	v19 =	vld [tilespmem:s31+$0x4590]  }
0x33a: {  	v20 =	vld [tilespmem:s31+$0x45A0]  }
0x33b: {  	v21 =	vld [tilespmem:s31+$0xC5E0]  }
0x33c: {  	v22 =	vld [tilespmem:s31+$0xC5F0]  }
0x33d: {  	v17 =	vmul.f32 v18, v17;
	v18 =	vld [tilespmem:s31+$0x45B0]  }
0x33e: {  	v16 =	vmul.f32 v16, v19;
	_ =	sdelay $0x1  }
0x33f: {  	v16 =	vadd.f32 v16, v17;
	v17 =	vmul.f32 v21, v20;
	_ =	sdelay $0x1  }
0x340: {  	v16 =	vadd.f32 v17, v16;
	v17 =	vmul.f32 v22, v18;
	_ =	sdelay $0x1  }
0x341: {  	v16 =	vadd.f32 v17, v16;
	_ =	sdelay $0x1  }
0x342: {  	[tilespmem:$0x10433] =	vst v16  }
0x343: {  	v16 =	vld [tilespmem:s31+$0xC640]  }
0x344: {  	v17 =	vld [tilespmem:s31+$0xC650]  }
0x345: {  	v18 =	vld [tilespmem:s31+$0x4600]  }
0x346: {  	v19 =	vld [tilespmem:s31+$0x4610]  }
0x347: {  	v20 =	vld [tilespmem:s31+$0x4620]  }
0x348: {  	v21 =	vld [tilespmem:s31+$0xC660]  }
0x349: {  	v22 =	vld [tilespmem:s31+$0xC670]  }
0x34a: {  	v16 =	vmul.f32 v16, v18;
	v18 =	vld [tilespmem:s31+$0x4630]  }
0x34b: {  	v17 =	vmul.f32 v17, v19;
	_ =	sdelay $0x1  }
0x34c: {  	v16 =	vadd.f32 v17, v16;
	v17 =	vmul.f32 v21, v20;
	_ =	sdelay $0x1  }
0x34d: {  	v16 =	vadd.f32 v17, v16;
	v17 =	vmul.f32 v22, v18;
	_ =	sdelay $0x1  }
0x34e: {  	v16 =	vadd.f32 v17, v16;
	_ =	sdelay $0x1  }
0x34f: {  	[tilespmem:$0x10444] =	vst v16  }
0x350: {  	v16 =	vld [tilespmem:s31+$0xC6C0]  }
0x351: {  	v17 =	vld [tilespmem:s31+$0xC6D0]  }
0x352: {  	v18 =	vld [tilespmem:s31+$0x4680]  }
0x353: {  	v19 =	vld [tilespmem:s31+$0x4690]  }
0x354: {  	v20 =	vld [tilespmem:s31+$0x46A0]  }
0x355: {  	v21 =	vld [tilespmem:s31+$0xC6E0]  }
0x356: {  	v22 =	vld [tilespmem:s31+$0xC6F0]  }
0x357: {  	v16 =	vmul.f32 v16, v18;
	v18 =	vld [tilespmem:s31+$0x46B0]  }
0x358: {  	v17 =	vmul.f32 v17, v19;
	_ =	sdelay $0x1  }
0x359: {  	v16 =	vadd.f32 v17, v16;
	v17 =	vmul.f32 v21, v20;
	_ =	sdelay $0x1  }
0x35a: {  	v16 =	vadd.f32 v17, v16;
	v17 =	vmul.f32 v22, v18;
	_ =	sdelay $0x1  }
0x35b: {  	v16 =	vadd.f32 v17, v16;
	_ =	sdelay $0x1  }
0x35c: {  	[tilespmem:$0x10455] =	vst v16  }
0x35d: {  	v16 =	vld [tilespmem:s31+$0xC740]  }
0x35e: {  	v17 =	vld [tilespmem:s31+$0xC750]  }
0x35f: {  	v18 =	vld [tilespmem:s31+$0x4710]  }
0x360: {  	v19 =	vld [tilespmem:s31+$0x4700]  }
0x361: {  	v20 =	vld [tilespmem:s31+$0xC760]  }
0x362: {  	v21 =	vld [tilespmem:s31+$0x4720]  }
0x363: {  	v22 =	vld [tilespmem:s31+$0xC770]  }
0x364: {  	v17 =	vmul.f32 v17, v18;
	v18 =	vld [tilespmem:s31+$0x4730]  }
0x365: {  	v16 =	vmul.f32 v16, v19;
	_ =	sdelay $0x1  }
0x366: {  	v16 =	vadd.f32 v17, v16;
	v17 =	vmul.f32 v20, v21;
	_ =	sdelay $0x1  }
0x367: {  	v16 =	vadd.f32 v17, v16;
	v17 =	vmul.f32 v22, v18;
	_ =	sdelay $0x1  }
0x368: {  	v16 =	vadd.f32 v17, v16;
	_ =	sdelay $0x1  }
0x369: {  	[tilespmem:$0x10466] =	vst v16  }
0x36a: {  	v16 =	vld [tilespmem:s31+$0x4780]  }
0x36b: {  	v17 =	vld [tilespmem:s31+$0xC7C0]  }
0x36c: {  	v18 =	vld [tilespmem:s31+$0xC7D0]  }
0x36d: {  	v19 =	vld [tilespmem:s31+$0x4790]  }
0x36e: {  	v20 =	vld [tilespmem:s31+$0xC7E0]  }
0x36f: {  	v21 =	vld [tilespmem:s31+$0x47A0]  }
0x370: {  	v16 =	vmul.f32 v17, v16;
	v17 =	vld [tilespmem:s31+$0xC7F0]  }
0x371: {  	v22 =	vld [tilespmem:s31+$0x47B0]  }
0x372: {  	v18 =	vmul.f32 v18, v19;
	_ =	sdelay $0x1  }
0x373: {  	v16 =	vadd.f32 v18, v16;
	v18 =	vmul.f32 v20, v21;
	_ =	sdelay $0x1  }
0x374: {  	v16 =	vadd.f32 v18, v16;
	v17 =	vmul.f32 v17, v22;
	_ =	sdelay $0x1  }
0x375: {  	v16 =	vadd.f32 v17, v16;
	_ =	sdelay $0x1  }
0x376: {  	[tilespmem:$0x10477] =	vst v16  }
0x377: {  	v16 =	vld [tilespmem:s31+$0xC840]  }
0x378: {  	v17 =	vld [tilespmem:s31+$0xC850]  }
0x379: {  	v18 =	vld [tilespmem:s31+$0x4800]  }
0x37a: {  	v19 =	vld [tilespmem:s31+$0x4810]  }
0x37b: {  	v20 =	vld [tilespmem:s31+$0xC860]  }
0x37c: {  	v21 =	vld [tilespmem:s31+$0x4820]  }
0x37d: {  	v22 =	vld [tilespmem:s31+$0xC870]  }
0x37e: {  	v16 =	vmul.f32 v16, v18;
	v18 =	vld [tilespmem:s31+$0x4830]  }
0x37f: {  	v17 =	vmul.f32 v17, v19;
	_ =	sdelay $0x1  }
0x380: {  	v16 =	vadd.f32 v17, v16;
	v17 =	vmul.f32 v20, v21;
	_ =	sdelay $0x1  }
0x381: {  	v16 =	vadd.f32 v17, v16;
	v17 =	vmul.f32 v22, v18;
	_ =	sdelay $0x1  }
0x382: {  	v16 =	vadd.f32 v17, v16;
	_ =	sdelay $0x1  }
0x383: {  	[tilespmem:$0x10488] =	vst v16  }
0x384: {  	v16 =	vld [tilespmem:s31+$0xC8C0]  }
0x385: {  	v17 =	vld [tilespmem:s31+$0xC8D0]  }
0x386: {  	v18 =	vld [tilespmem:s31+$0x4890]  }
0x387: {  	v19 =	vld [tilespmem:s31+$0x4880]  }
0x388: {  	v20 =	vld [tilespmem:s31+$0x48A0]  }
0x389: {  	v21 =	vld [tilespmem:s31+$0xC8E0]  }
0x38a: {  	v22 =	vld [tilespmem:s31+$0x48B0]  }
0x38b: {  	v17 =	vmul.f32 v17, v18;
	v18 =	vld [tilespmem:s31+$0xC8F0]  }
0x38c: {  	v16 =	vmul.f32 v16, v19;
	_ =	sdelay $0x1  }
0x38d: {  	v16 =	vadd.f32 v17, v16;
	v17 =	vmul.f32 v21, v20;
	_ =	sdelay $0x1  }
0x38e: {  	v16 =	vadd.f32 v17, v16;
	v17 =	vmul.f32 v18, v22;
	_ =	sdelay $0x1  }
0x38f: {  	v16 =	vadd.f32 v17, v16;
	_ =	sdelay $0x1  }
0x390: {  	[tilespmem:$0x10499] =	vst v16  }
0x391: {  	v16 =	vld [tilespmem:s31+$0xC950]  }
0x392: {  	v17 =	vld [tilespmem:s31+$0xC940]  }
0x393: {  	v18 =	vld [tilespmem:s31+$0x4900]  }
0x394: {  	v19 =	vld [tilespmem:s31+$0x4910]  }
0x395: {  	v20 =	vld [tilespmem:s31+$0x4920]  }
0x396: {  	v21 =	vld [tilespmem:s31+$0xC960]  }
0x397: {  	v22 =	vld [tilespmem:s31+$0x4930]  }
0x398: {  	v17 =	vmul.f32 v17, v18;
	v18 =	vld [tilespmem:s31+$0xC970]  }
0x399: {  	v16 =	vmul.f32 v16, v19;
	_ =	sdelay $0x1  }
0x39a: {  	v16 =	vadd.f32 v16, v17;
	v17 =	vmul.f32 v21, v20;
	_ =	sdelay $0x1  }
0x39b: {  	v16 =	vadd.f32 v17, v16;
	v17 =	vmul.f32 v18, v22;
	_ =	sdelay $0x1  }
0x39c: {  	v16 =	vadd.f32 v17, v16;
	_ =	sdelay $0x1  }
0x39d: {  	[tilespmem:$0x104AA] =	vst v16  }
0x39e: {  	v16 =	vld [tilespmem:s31+$0xC9C0]  }
0x39f: {  	v17 =	vld [tilespmem:s31+$0xC9D0]  }
0x3a0: {  	v18 =	vld [tilespmem:s31+$0x4980]  }
0x3a1: {  	v19 =	vld [tilespmem:s31+$0x4990]  }
0x3a2: {  	v20 =	vld [tilespmem:s31+$0x49A0]  }
0x3a3: {  	v21 =	vld [tilespmem:s31+$0xC9E0]  }
0x3a4: {  	v22 =	vld [tilespmem:s31+$0x49B0]  }
0x3a5: {  	v16 =	vmul.f32 v16, v18;
	v18 =	vld [tilespmem:s31+$0xC9F0]  }
0x3a6: {  	v17 =	vmul.f32 v17, v19;
	_ =	sdelay $0x1  }
0x3a7: {  	v16 =	vadd.f32 v17, v16;
	v17 =	vmul.f32 v21, v20;
	_ =	sdelay $0x1  }
0x3a8: {  	v16 =	vadd.f32 v17, v16;
	v17 =	vmul.f32 v18, v22;
	_ =	sdelay $0x1  }
0x3a9: {  	v16 =	vadd.f32 v17, v16;
	_ =	sdelay $0x1  }
0x3aa: {  	[tilespmem:$0x104BB] =	vst v16  }
0x3ab: {  	v16 =	vld [tilespmem:s31+$0xCA40]  }
0x3ac: {  	v17 =	vld [tilespmem:s31+$0xCA50]  }
0x3ad: {  	v18 =	vld [tilespmem:s31+$0x4A00]  }
0x3ae: {  	v19 =	vld [tilespmem:s31+$0x4A10]  }
0x3af: {  	v20 =	vld [tilespmem:s31+$0x4A20]  }
0x3b0: {  	v21 =	vld [tilespmem:s31+$0xCA60]  }
0x3b1: {  	v22 =	vld [tilespmem:s31+$0x4A30]  }
0x3b2: {  	v16 =	vmul.f32 v16, v18;
	v18 =	vld [tilespmem:s31+$0xCA70]  }
0x3b3: {  	v17 =	vmul.f32 v17, v19;
	_ =	sdelay $0x1  }
0x3b4: {  	v16 =	vadd.f32 v17, v16;
	v17 =	vmul.f32 v21, v20;
	_ =	sdelay $0x1  }
0x3b5: {  	v16 =	vadd.f32 v17, v16;
	v17 =	vmul.f32 v18, v22;
	_ =	sdelay $0x1  }
0x3b6: {  	v16 =	vadd.f32 v17, v16;
	_ =	sdelay $0x1  }
0x3b7: {  	[tilespmem:$0x104CC] =	vst v16  }
0x3b8: {  	v16 =	vld [tilespmem:s31+$0xCAC0]  }
0x3b9: {  	v17 =	vld [tilespmem:s31+$0xCAD0]  }
0x3ba: {  	v18 =	vld [tilespmem:s31+$0x4A80]  }
0x3bb: {  	v19 =	vld [tilespmem:s31+$0x4A90]  }
0x3bc: {  	v20 =	vld [tilespmem:s31+$0x4AA0]  }
0x3bd: {  	v21 =	vld [tilespmem:s31+$0xCAE0]  }
0x3be: {  	v22 =	vld [tilespmem:s31+$0x4AB0]  }
0x3bf: {  	v16 =	vmul.f32 v16, v18;
	v18 =	vld [tilespmem:s31+$0xCAF0]  }
0x3c0: {  	v17 =	vmul.f32 v17, v19;
	_ =	sdelay $0x1  }
0x3c1: {  	v16 =	vadd.f32 v17, v16;
	v17 =	vmul.f32 v21, v20;
	_ =	sdelay $0x1  }
0x3c2: {  	v16 =	vadd.f32 v17, v16;
	v17 =	vmul.f32 v18, v22;
	_ =	sdelay $0x1  }
0x3c3: {  	v16 =	vadd.f32 v17, v16;
	_ =	sdelay $0x1  }
0x3c4: {  	[tilespmem:$0x104DD] =	vst v16  }
0x3c5: {  	v16 =	vld [tilespmem:s31+$0xCB40]  }
0x3c6: {  	v17 =	vld [tilespmem:s31+$0xCB50]  }
0x3c7: {  	v18 =	vld [tilespmem:s31+$0x4B00]  }
0x3c8: {  	v19 =	vld [tilespmem:s31+$0x4B10]  }
0x3c9: {  	v20 =	vld [tilespmem:s31+$0x4B20]  }
0x3ca: {  	v21 =	vld [tilespmem:s31+$0xCB60]  }
0x3cb: {  	v22 =	vld [tilespmem:s31+$0x4B30]  }
0x3cc: {  	v16 =	vmul.f32 v16, v18;
	v18 =	vld [tilespmem:s31+$0xCB70]  }
0x3cd: {  	v17 =	vmul.f32 v17, v19;
	_ =	sdelay $0x1  }
0x3ce: {  	v16 =	vadd.f32 v17, v16;
	v17 =	vmul.f32 v21, v20;
	_ =	sdelay $0x1  }
0x3cf: {  	v16 =	vadd.f32 v17, v16;
	v17 =	vmul.f32 v18, v22;
	_ =	sdelay $0x1  }
0x3d0: {  	v16 =	vadd.f32 v17, v16;
	_ =	sdelay $0x1  }
0x3d1: {  	[tilespmem:$0x104EE] =	vst v16  }
.Ltmp1:
0x3d2: {  	v16 =	vld [tilespmem:s31+$0xCBC0];
	(pc) =	sbr.rel @p0 .LBB2_4-.Ltmp1, $4  }
0x3d3: {  	v19 =	vld [tilespmem:s31+$0x4B80]  }
0x3d4: {  	v17 =	vld [tilespmem:s31+$0xCBD0]  }
0x3d5: {  	v20 =	vld [tilespmem:s31+$0x4B90]  }
0x3d6: {  	v18 =	vld [tilespmem:s31+$0x4BA0]  }
0x3d7: {  	v21 =	vld [tilespmem:s31+$0xCBE0]  }
0x3d8: {  	v22 =	vld [tilespmem:s31+$0x4BB0]  }
0x3d9: {  	v23 =	vld [tilespmem:s31+$0xCBF0]  }
0x3da: {  	v16 =	vmul.f32 v16, v19;
	v17 =	vmul.f32 v17, v20;
	_ =	sdelay $0x1  }
0x3db: {  	v16 =	vadd.f32 v17, v16;
	v17 =	vmul.f32 v21, v18;
	_ =	sdelay $0x1  }
0x3dc: {  	v16 =	vadd.f32 v17, v16;
	v17 =	vmul.f32 v23, v22;
	_ =	sdelay $0x1  }
0x3dd: {  	v16 =	vadd.f32 v17, v16;
	_ =	sdelay $0x1  }
0x3de: {  	[tilespmem:$0x104FF] =	vst v16  }
0x3df: {  	v16 =	vld.idx.msk [tilespmem:v0+s28+$0x0], $0xffff  }
0x3e0: {  	v17 =	vld.idx.msk [tilespmem:v1+s28+$0x0], $0xffff;
	_ =	sdelay $0x1  }
0x3e1: {  	v18 =	vld.idx.msk [tilespmem:v2+s28+$0x0], $0xffff;
	_ =	sdelay $0x1  }
0x3e2: {  	v19 =	vld.idx.msk [tilespmem:v3+s28+$0x0], $0xffff  }
0x3e3: {  	v16 =	vadd.f32 v17, v16  }
0x3e4: {  	v17 =	vld.idx.msk [tilespmem:v4+s28+$0x0], $0xffff  }
0x3e5: {  	v16 =	vadd.f32 v18, v16  }
0x3e6: {  	v18 =	vld.idx.msk [tilespmem:v5+s28+$0x0], $0xffff  }
0x3e7: {  	v16 =	vadd.f32 v19, v16  }
0x3e8: {  	v19 =	vld.idx.msk [tilespmem:v6+s28+$0x0], $0xffff  }
0x3e9: {  	v16 =	vadd.f32 v17, v16  }
0x3ea: {  	v17 =	vld.idx.msk [tilespmem:v7+s28+$0x0], $0xffff  }
0x3eb: {  	v16 =	vadd.f32 v18, v16  }
0x3ec: {  	v18 =	vld.idx.msk [tilespmem:v8+s28+$0x0], $0xffff  }
0x3ed: {  	v16 =	vadd.f32 v19, v16  }
0x3ee: {  	v19 =	vld.idx.msk [tilespmem:v9+s28+$0x0], $0xffff  }
0x3ef: {  	v16 =	vadd.f32 v17, v16  }
0x3f0: {  	v17 =	vld.idx.msk [tilespmem:v10+s28+$0x0], $0xffff  }
0x3f1: {  	v16 =	vadd.f32 v18, v16  }
0x3f2: {  	v18 =	vld.idx.msk [tilespmem:v11+s28+$0x0], $0xffff  }
0x3f3: {  	v16 =	vadd.f32 v19, v16  }
0x3f4: {  	v19 =	vld.idx.msk [tilespmem:v12+s28+$0x0], $0xffff  }
0x3f5: {  	v16 =	vadd.f32 v17, v16  }
0x3f6: {  	v17 =	vld.idx.msk [tilespmem:v13+s28+$0x0], $0xffff  }
0x3f7: {  	v16 =	vadd.f32 v18, v16  }
0x3f8: {  	v18 =	vld.idx.msk [tilespmem:v14+s28+$0x0], $0xffff  }
0x3f9: {  	v16 =	vadd.f32 v19, v16  }
0x3fa: {  	v19 =	vld.idx.msk [tilespmem:v15+s28+$0x0], $0xffff  }
0x3fb: {  	v16 =	vadd.f32 v17, v16;
	_ =	sdelay $0x1  }
0x3fc: {  	v16 =	vadd.f32 v18, v16;
	_ =	sdelay $0x1  }
0x3fd: {  	v16 =	vadd.f32 v19, v16;
	_ =	sdelay $0x1  }
0x3fe: {  	[tilespmem:s0+$0x0] =	vst v16  }
0x3ff: {  	[tilespmem:s24], [sflag:$0x1] =	stream.indirect.gather [hbm4b:s3+s16], $0x80, s20, s16, $0xb8;
	[tilespmem:$0x10710] =	vst v63  }
0x400: {  	_ = 	snop  }
0x401: {  	[tilespmem:s25], [sflag:$0x1] =	stream.indirect.gather [hbm4b:s3+s16], $0x80, s21, s16, $0xb8;
	[tilespmem:$0x10710] =	vst v63  }
0x402: {  	_ =	swait.ge [sflag:s26], $0x4000  }
0x403: {  	[sflag:s26] =	ssyncset.done $0x0  }
0x404: {  	[sflag:s26] =	ssyncadd.s32 $0xFFFFC000  }
0x405: {  	_ =	swait.ge [sflag:s26], $0x4000  }
0x406: {  	[sflag:s26] =	ssyncset.done $0x0  }
0x407: {  	s31 =	simm.s32 $0x0;
	[sflag:s26] =	ssyncadd.s32 $0xFFFFC000  }
0x408: {  	v16 =	vld [tilespmem:s31+$0x8450]  }
0x409: {  	v17 =	vld [tilespmem:s31+$0x400]  }
0x40a: {  	v18 =	vld [tilespmem:s31+$0x410]  }
0x40b: {  	v19 =	vld [tilespmem:s31+$0x8440]  }
0x40c: {  	v20 =	vld [tilespmem:s31+$0x8460]  }
0x40d: {  	v21 =	vld [tilespmem:s31+$0x420]  }
0x40e: {  	v22 =	vld [tilespmem:s31+$0x8470]  }
0x40f: {  	v23 =	vld [tilespmem:s31+$0x430]  }
0x410: {  	v16 =	vmul.f32 v16, v18;
	v17 =	vmul.f32 v19, v17;
	_ =	sdelay $0x1  }
0x411: {  	v16 =	vadd.f32 v16, v17;
	v17 =	vmul.f32 v20, v21;
	_ =	sdelay $0x1  }
0x412: {  	v16 =	vadd.f32 v17, v16;
	v17 =	vmul.f32 v22, v23;
	_ =	sdelay $0x1  }
0x413: {  	v16 =	vadd.f32 v17, v16;
	_ =	sdelay $0x1  }
0x414: {  	[tilespmem:$0x10400] =	vst v16  }
0x415: {  	v16 =	vld [tilespmem:s31+$0x480]  }
0x416: {  	v17 =	vld [tilespmem:s31+$0x84C0]  }
0x417: {  	v18 =	vld [tilespmem:s31+$0x490]  }
0x418: {  	v19 =	vld [tilespmem:s31+$0x84D0]  }
0x419: {  	v20 =	vld [tilespmem:s31+$0x84E0]  }
0x41a: {  	v21 =	vld [tilespmem:s31+$0x4A0]  }
0x41b: {  	v22 =	vld [tilespmem:s31+$0x84F0]  }
0x41c: {  	v23 =	vld [tilespmem:s31+$0x4B0]  }
0x41d: {  	v16 =	vmul.f32 v17, v16;
	v17 =	vmul.f32 v19, v18;
	_ =	sdelay $0x1  }
0x41e: {  	v16 =	vadd.f32 v17, v16;
	v17 =	vmul.f32 v20, v21;
	_ =	sdelay $0x1  }
0x41f: {  	v16 =	vadd.f32 v17, v16;
	v17 =	vmul.f32 v22, v23;
	_ =	sdelay $0x1  }
0x420: {  	v16 =	vadd.f32 v17, v16;
	_ =	sdelay $0x1  }
0x421: {  	[tilespmem:$0x10411] =	vst v16  }
0x422: {  	v16 =	vld [tilespmem:s31+$0x8550]  }
0x423: {  	v17 =	vld [tilespmem:s31+$0x500]  }
0x424: {  	v18 =	vld [tilespmem:s31+$0x8540]  }
0x425: {  	v19 =	vld [tilespmem:s31+$0x510]  }
0x426: {  	v20 =	vld [tilespmem:s31+$0x8560]  }
0x427: {  	v21 =	vld [tilespmem:s31+$0x520]  }
0x428: {  	v22 =	vld [tilespmem:s31+$0x8570]  }
0x429: {  	v23 =	vld [tilespmem:s31+$0x530]  }
0x42a: {  	v17 =	vmul.f32 v18, v17;
	v16 =	vmul.f32 v16, v19;
	_ =	sdelay $0x1  }
0x42b: {  	v16 =	vadd.f32 v16, v17;
	v17 =	vmul.f32 v20, v21;
	_ =	sdelay $0x1  }
0x42c: {  	v16 =	vadd.f32 v17, v16;
	v17 =	vmul.f32 v22, v23;
	_ =	sdelay $0x1  }
0x42d: {  	v16 =	vadd.f32 v17, v16;
	_ =	sdelay $0x1  }
0x42e: {  	[tilespmem:$0x10422] =	vst v16  }
0x42f: {  	v16 =	vld [tilespmem:s31+$0x85D0]  }
0x430: {  	v17 =	vld [tilespmem:s31+$0x580]  }
0x431: {  	v18 =	vld [tilespmem:s31+$0x85C0]  }
0x432: {  	v19 =	vld [tilespmem:s31+$0x590]  }
0x433: {  	v20 =	vld [tilespmem:s31+$0x5A0]  }
0x434: {  	v21 =	vld [tilespmem:s31+$0x85E0]  }
0x435: {  	v22 =	vld [tilespmem:s31+$0x85F0]  }
0x436: {  	v23 =	vld [tilespmem:s31+$0x5B0]  }
0x437: {  	v17 =	vmul.f32 v18, v17;
	v16 =	vmul.f32 v16, v19;
	_ =	sdelay $0x1  }
0x438: {  	v16 =	vadd.f32 v16, v17;
	v17 =	vmul.f32 v21, v20;
	_ =	sdelay $0x1  }
0x439: {  	v16 =	vadd.f32 v17, v16;
	v17 =	vmul.f32 v22, v23;
	_ =	sdelay $0x1  }
0x43a: {  	v16 =	vadd.f32 v17, v16;
	_ =	sdelay $0x1  }
0x43b: {  	[tilespmem:$0x10433] =	vst v16  }
0x43c: {  	v16 =	vld [tilespmem:s31+$0x8640]  }
0x43d: {  	v17 =	vld [tilespmem:s31+$0x8650]  }
0x43e: {  	v18 =	vld [tilespmem:s31+$0x600]  }
0x43f: {  	v19 =	vld [tilespmem:s31+$0x610]  }
0x440: {  	v20 =	vld [tilespmem:s31+$0x620]  }
0x441: {  	v21 =	vld [tilespmem:s31+$0x8660]  }
0x442: {  	v22 =	vld [tilespmem:s31+$0x8670]  }
0x443: {  	v23 =	vld [tilespmem:s31+$0x630]  }
0x444: {  	v16 =	vmul.f32 v16, v18;
	v17 =	vmul.f32 v17, v19;
	_ =	sdelay $0x1  }
0x445: {  	v16 =	vadd.f32 v17, v16;
	v17 =	vmul.f32 v21, v20;
	_ =	sdelay $0x1  }
0x446: {  	v16 =	vadd.f32 v17, v16;
	v17 =	vmul.f32 v22, v23;
	_ =	sdelay $0x1  }
0x447: {  	v16 =	vadd.f32 v17, v16;
	_ =	sdelay $0x1  }
0x448: {  	[tilespmem:$0x10444] =	vst v16  }
0x449: {  	v16 =	vld [tilespmem:s31+$0x86C0]  }
0x44a: {  	v17 =	vld [tilespmem:s31+$0x86D0]  }
0x44b: {  	v18 =	vld [tilespmem:s31+$0x680]  }
0x44c: {  	v19 =	vld [tilespmem:s31+$0x690]  }
0x44d: {  	v20 =	vld [tilespmem:s31+$0x6A0]  }
0x44e: {  	v21 =	vld [tilespmem:s31+$0x86E0]  }
0x44f: {  	v22 =	vld [tilespmem:s31+$0x86F0]  }
0x450: {  	v23 =	vld [tilespmem:s31+$0x6B0]  }
0x451: {  	v16 =	vmul.f32 v16, v18;
	v17 =	vmul.f32 v17, v19;
	_ =	sdelay $0x1  }
0x452: {  	v16 =	vadd.f32 v17, v16;
	v17 =	vmul.f32 v21, v20;
	_ =	sdelay $0x1  }
0x453: {  	v16 =	vadd.f32 v17, v16;
	v17 =	vmul.f32 v22, v23;
	_ =	sdelay $0x1  }
0x454: {  	v16 =	vadd.f32 v17, v16;
	_ =	sdelay $0x1  }
0x455: {  	[tilespmem:$0x10455] =	vst v16  }
0x456: {  	v16 =	vld [tilespmem:s31+$0x8740]  }
0x457: {  	v17 =	vld [tilespmem:s31+$0x8750]  }
0x458: {  	v18 =	vld [tilespmem:s31+$0x710]  }
0x459: {  	v19 =	vld [tilespmem:s31+$0x700]  }
0x45a: {  	v20 =	vld [tilespmem:s31+$0x8760]  }
0x45b: {  	v21 =	vld [tilespmem:s31+$0x720]  }
0x45c: {  	v22 =	vld [tilespmem:s31+$0x8770]  }
0x45d: {  	v23 =	vld [tilespmem:s31+$0x730]  }
0x45e: {  	v17 =	vmul.f32 v17, v18;
	v16 =	vmul.f32 v16, v19;
	_ =	sdelay $0x1  }
0x45f: {  	v16 =	vadd.f32 v17, v16;
	v17 =	vmul.f32 v20, v21;
	_ =	sdelay $0x1  }
0x460: {  	v16 =	vadd.f32 v17, v16;
	v17 =	vmul.f32 v22, v23;
	_ =	sdelay $0x1  }
0x461: {  	v16 =	vadd.f32 v17, v16;
	_ =	sdelay $0x1  }
0x462: {  	[tilespmem:$0x10466] =	vst v16  }
0x463: {  	v16 =	vld [tilespmem:s31+$0x780]  }
0x464: {  	v17 =	vld [tilespmem:s31+$0x87C0]  }
0x465: {  	v18 =	vld [tilespmem:s31+$0x87D0]  }
0x466: {  	v19 =	vld [tilespmem:s31+$0x790]  }
0x467: {  	v20 =	vld [tilespmem:s31+$0x87E0]  }
0x468: {  	v21 =	vld [tilespmem:s31+$0x7A0]  }
0x469: {  	v22 =	vld [tilespmem:s31+$0x87F0]  }
0x46a: {  	v23 =	vld [tilespmem:s31+$0x7B0]  }
0x46b: {  	v16 =	vmul.f32 v17, v16;
	v17 =	vmul.f32 v18, v19;
	_ =	sdelay $0x1  }
0x46c: {  	v16 =	vadd.f32 v17, v16;
	v17 =	vmul.f32 v20, v21;
	_ =	sdelay $0x1  }
0x46d: {  	v16 =	vadd.f32 v17, v16;
	v17 =	vmul.f32 v22, v23;
	_ =	sdelay $0x1  }
0x46e: {  	v16 =	vadd.f32 v17, v16;
	_ =	sdelay $0x1  }
0x46f: {  	[tilespmem:$0x10477] =	vst v16  }
0x470: {  	v16 =	vld [tilespmem:s31+$0x8840]  }
0x471: {  	v17 =	vld [tilespmem:s31+$0x8850]  }
0x472: {  	v18 =	vld [tilespmem:s31+$0x800]  }
0x473: {  	v19 =	vld [tilespmem:s31+$0x810]  }
0x474: {  	v20 =	vld [tilespmem:s31+$0x8860]  }
0x475: {  	v21 =	vld [tilespmem:s31+$0x820]  }
0x476: {  	v22 =	vld [tilespmem:s31+$0x8870]  }
0x477: {  	v23 =	vld [tilespmem:s31+$0x830]  }
0x478: {  	v16 =	vmul.f32 v16, v18;
	v17 =	vmul.f32 v17, v19;
	_ =	sdelay $0x1  }
0x479: {  	v16 =	vadd.f32 v17, v16;
	v17 =	vmul.f32 v20, v21;
	_ =	sdelay $0x1  }
0x47a: {  	v16 =	vadd.f32 v17, v16;
	v17 =	vmul.f32 v22, v23;
	_ =	sdelay $0x1  }
0x47b: {  	v16 =	vadd.f32 v17, v16;
	_ =	sdelay $0x1  }
0x47c: {  	[tilespmem:$0x10488] =	vst v16  }
0x47d: {  	v16 =	vld [tilespmem:s31+$0x88C0]  }
0x47e: {  	v17 =	vld [tilespmem:s31+$0x88D0]  }
0x47f: {  	v18 =	vld [tilespmem:s31+$0x890]  }
0x480: {  	v19 =	vld [tilespmem:s31+$0x880]  }
0x481: {  	v20 =	vld [tilespmem:s31+$0x8A0]  }
0x482: {  	v21 =	vld [tilespmem:s31+$0x88E0]  }
0x483: {  	v22 =	vld [tilespmem:s31+$0x8B0]  }
0x484: {  	v23 =	vld [tilespmem:s31+$0x88F0]  }
0x485: {  	v17 =	vmul.f32 v17, v18;
	v16 =	vmul.f32 v16, v19;
	_ =	sdelay $0x1  }
0x486: {  	v16 =	vadd.f32 v17, v16;
	v17 =	vmul.f32 v21, v20;
	_ =	sdelay $0x1  }
0x487: {  	v16 =	vadd.f32 v17, v16;
	v17 =	vmul.f32 v23, v22;
	_ =	sdelay $0x1  }
0x488: {  	v16 =	vadd.f32 v17, v16;
	_ =	sdelay $0x1  }
0x489: {  	[tilespmem:$0x10499] =	vst v16  }
0x48a: {  	v16 =	vld [tilespmem:s31+$0x8950]  }
0x48b: {  	v17 =	vld [tilespmem:s31+$0x8940]  }
0x48c: {  	v18 =	vld [tilespmem:s31+$0x900]  }
0x48d: {  	v19 =	vld [tilespmem:s31+$0x910]  }
0x48e: {  	v20 =	vld [tilespmem:s31+$0x920]  }
0x48f: {  	v21 =	vld [tilespmem:s31+$0x8960]  }
0x490: {  	v22 =	vld [tilespmem:s31+$0x930]  }
0x491: {  	v23 =	vld [tilespmem:s31+$0x8970]  }
0x492: {  	v17 =	vmul.f32 v17, v18;
	v16 =	vmul.f32 v16, v19;
	_ =	sdelay $0x1  }
0x493: {  	v16 =	vadd.f32 v16, v17;
	v17 =	vmul.f32 v21, v20;
	_ =	sdelay $0x1  }
0x494: {  	v16 =	vadd.f32 v17, v16;
	v17 =	vmul.f32 v23, v22;
	_ =	sdelay $0x1  }
0x495: {  	v16 =	vadd.f32 v17, v16;
	_ =	sdelay $0x1  }
0x496: {  	[tilespmem:$0x104AA] =	vst v16  }
0x497: {  	v16 =	vld [tilespmem:s31+$0x89C0]  }
0x498: {  	v17 =	vld [tilespmem:s31+$0x89D0]  }
0x499: {  	v18 =	vld [tilespmem:s31+$0x980]  }
0x49a: {  	v19 =	vld [tilespmem:s31+$0x990]  }
0x49b: {  	v20 =	vld [tilespmem:s31+$0x9A0]  }
0x49c: {  	v21 =	vld [tilespmem:s31+$0x89E0]  }
0x49d: {  	v22 =	vld [tilespmem:s31+$0x9B0]  }
0x49e: {  	v23 =	vld [tilespmem:s31+$0x89F0]  }
0x49f: {  	v16 =	vmul.f32 v16, v18;
	v17 =	vmul.f32 v17, v19;
	_ =	sdelay $0x1  }
0x4a0: {  	v16 =	vadd.f32 v17, v16;
	v17 =	vmul.f32 v21, v20;
	_ =	sdelay $0x1  }
0x4a1: {  	v16 =	vadd.f32 v17, v16;
	v17 =	vmul.f32 v23, v22;
	_ =	sdelay $0x1  }
0x4a2: {  	v16 =	vadd.f32 v17, v16;
	_ =	sdelay $0x1  }
0x4a3: {  	[tilespmem:$0x104BB] =	vst v16  }
0x4a4: {  	v16 =	vld [tilespmem:s31+$0x8A40]  }
0x4a5: {  	v17 =	vld [tilespmem:s31+$0x8A50]  }
0x4a6: {  	v18 =	vld [tilespmem:s31+$0xA00]  }
0x4a7: {  	v19 =	vld [tilespmem:s31+$0xA10]  }
0x4a8: {  	v20 =	vld [tilespmem:s31+$0xA20]  }
0x4a9: {  	v21 =	vld [tilespmem:s31+$0x8A60]  }
0x4aa: {  	v22 =	vld [tilespmem:s31+$0xA30]  }
0x4ab: {  	v23 =	vld [tilespmem:s31+$0x8A70]  }
0x4ac: {  	v16 =	vmul.f32 v16, v18;
	v17 =	vmul.f32 v17, v19;
	_ =	sdelay $0x1  }
0x4ad: {  	v16 =	vadd.f32 v17, v16;
	v17 =	vmul.f32 v21, v20;
	_ =	sdelay $0x1  }
0x4ae: {  	v16 =	vadd.f32 v17, v16;
	v17 =	vmul.f32 v23, v22;
	_ =	sdelay $0x1  }
0x4af: {  	v16 =	vadd.f32 v17, v16;
	_ =	sdelay $0x1  }
0x4b0: {  	[tilespmem:$0x104CC] =	vst v16  }
0x4b1: {  	v16 =	vld [tilespmem:s31+$0x8AC0]  }
0x4b2: {  	v17 =	vld [tilespmem:s31+$0x8AD0]  }
0x4b3: {  	v18 =	vld [tilespmem:s31+$0xA80]  }
0x4b4: {  	v19 =	vld [tilespmem:s31+$0xA90]  }
0x4b5: {  	v20 =	vld [tilespmem:s31+$0xAA0]  }
0x4b6: {  	v21 =	vld [tilespmem:s31+$0x8AE0]  }
0x4b7: {  	v22 =	vld [tilespmem:s31+$0xAB0]  }
0x4b8: {  	v23 =	vld [tilespmem:s31+$0x8AF0]  }
0x4b9: {  	v16 =	vmul.f32 v16, v18;
	v17 =	vmul.f32 v17, v19;
	_ =	sdelay $0x1  }
0x4ba: {  	v16 =	vadd.f32 v17, v16;
	v17 =	vmul.f32 v21, v20;
	_ =	sdelay $0x1  }
0x4bb: {  	v16 =	vadd.f32 v17, v16;
	v17 =	vmul.f32 v23, v22;
	_ =	sdelay $0x1  }
0x4bc: {  	v16 =	vadd.f32 v17, v16;
	_ =	sdelay $0x1  }
0x4bd: {  	[tilespmem:$0x104DD] =	vst v16  }
0x4be: {  	v16 =	vld [tilespmem:s31+$0x8B40]  }
0x4bf: {  	v17 =	vld [tilespmem:s31+$0x8B50]  }
0x4c0: {  	v18 =	vld [tilespmem:s31+$0xB00]  }
0x4c1: {  	v19 =	vld [tilespmem:s31+$0xB10]  }
0x4c2: {  	v20 =	vld [tilespmem:s31+$0xB20]  }
0x4c3: {  	v21 =	vld [tilespmem:s31+$0x8B60]  }
0x4c4: {  	v22 =	vld [tilespmem:s31+$0xB30]  }
0x4c5: {  	v23 =	vld [tilespmem:s31+$0x8B70]  }
0x4c6: {  	v16 =	vmul.f32 v16, v18;
	v17 =	vmul.f32 v17, v19;
	_ =	sdelay $0x1  }
0x4c7: {  	v16 =	vadd.f32 v17, v16;
	v17 =	vmul.f32 v21, v20;
	_ =	sdelay $0x1  }
0x4c8: {  	v16 =	vadd.f32 v17, v16;
	v17 =	vmul.f32 v23, v22;
	_ =	sdelay $0x1  }
0x4c9: {  	v16 =	vadd.f32 v17, v16;
	_ =	sdelay $0x1  }
0x4ca: {  	[tilespmem:$0x104EE] =	vst v16  }
0x4cb: {  	v16 =	vld [tilespmem:s31+$0x8BC0]  }
0x4cc: {  	v19 =	vld [tilespmem:s31+$0xB80]  }
0x4cd: {  	v17 =	vld [tilespmem:s31+$0x8BD0]  }
0x4ce: {  	v20 =	vld [tilespmem:s31+$0xB90]  }
0x4cf: {  	s1 =	simm.s32 $0x10610;
	s29 =	simm.s32 $0x2000;
	s0 =	simm.s32 $0x10610;
	v18 =	vld [tilespmem:s31+$0xBA0]  }
.LBB2_6:
0x4d0: {  	p0 =	sne.s32 s29, $0xE000  }
0x4d1: {  	v21 =	vld [tilespmem:s31+$0x8BE0];
	s1 =	sadd.s32 $0x10, s1;
	s15 =	smov.u32 s29;
	s29 =	sadd.s32 $0x2000, s29  }
0x4d2: {  	v16 =	vmul.f32 v16, v19;
	v19 =	vld [tilespmem:s31+$0xBB0]  }
0x4d3: {  	v22 =	vld [tilespmem:s31+$0x8BF0]  }
0x4d4: {  	v17 =	vmul.f32 v17, v20;
	_ =	sdelay $0x1  }
0x4d5: {  	v16 =	vadd.f32 v17, v16;
	v17 =	vmul.f32 v21, v18;
	_ =	sdelay $0x1  }
0x4d6: {  	v16 =	vadd.f32 v17, v16;
	v17 =	vmul.f32 v22, v19;
	_ =	sdelay $0x1  }
0x4d7: {  	v16 =	vadd.f32 v17, v16;
	_ =	sdelay $0x1  }
0x4d8: {  	[tilespmem:$0x104FF] =	vst v16  }
0x4d9: {  	v16 =	vld.idx.msk [tilespmem:v0+s28+$0x0], $0xffff  }
0x4da: {  	v17 =	vld.idx.msk [tilespmem:v1+s28+$0x0], $0xffff  }
0x4db: {  	v18 =	vld.idx.msk [tilespmem:v2+s28+$0x0], $0xffff  }
0x4dc: {  	v19 =	vld.idx.msk [tilespmem:v3+s28+$0x0], $0xffff  }
0x4dd: {  	v20 =	vld.idx.msk [tilespmem:v4+s28+$0x0], $0xffff  }
0x4de: {  	v21 =	vld.idx.msk [tilespmem:v5+s28+$0x0], $0xffff  }
0x4df: {  	v22 =	vld.idx.msk [tilespmem:v6+s28+$0x0], $0xffff  }
0x4e0: {  	v16 =	vadd.f32 v17, v16;
	v17 =	vld.idx.msk [tilespmem:v7+s28+$0x0], $0xffff  }
0x4e1: {  	v23 =	vld.idx.msk [tilespmem:v8+s28+$0x0], $0xffff  }
0x4e2: {  	v16 =	vadd.f32 v18, v16;
	v18 =	vld.idx.msk [tilespmem:v9+s28+$0x0], $0xffff  }
0x4e3: {  	v24 =	vld.idx.msk [tilespmem:v10+s28+$0x0], $0xffff  }
0x4e4: {  	v16 =	vadd.f32 v19, v16;
	v19 =	vld.idx.msk [tilespmem:v11+s28+$0x0], $0xffff  }
0x4e5: {  	v25 =	vld.idx.msk [tilespmem:v12+s28+$0x0], $0xffff  }
0x4e6: {  	v16 =	vadd.f32 v20, v16;
	v20 =	vld.idx.msk [tilespmem:v13+s28+$0x0], $0xffff  }
0x4e7: {  	v26 =	vld.idx.msk [tilespmem:v14+s28+$0x0], $0xffff  }
0x4e8: {  	v16 =	vadd.f32 v21, v16;
	v21 =	vld.idx.msk [tilespmem:v15+s28+$0x0], $0xffff;
	_ =	sdelay $0x1  }
0x4e9: {  	v16 =	vadd.f32 v22, v16;
	_ =	sdelay $0x1  }
0x4ea: {  	v16 =	vadd.f32 v17, v16;
	_ =	sdelay $0x1  }
0x4eb: {  	v16 =	vadd.f32 v23, v16;
	_ =	sdelay $0x1  }
0x4ec: {  	v16 =	vadd.f32 v18, v16;
	_ =	sdelay $0x1  }
0x4ed: {  	v16 =	vadd.f32 v24, v16;
	_ =	sdelay $0x1  }
0x4ee: {  	v16 =	vadd.f32 v19, v16;
	_ =	sdelay $0x1  }
0x4ef: {  	v16 =	vadd.f32 v25, v16;
	_ =	sdelay $0x1  }
0x4f0: {  	v16 =	vadd.f32 v20, v16;
	_ =	sdelay $0x1  }
0x4f1: {  	v16 =	vadd.f32 v26, v16;
	_ =	sdelay $0x1  }
0x4f2: {  	v16 =	vadd.f32 v21, v16;
	_ =	sdelay $0x1  }
0x4f3: {  	s31 =	sshra.s32 s15, $0x2;
	[tilespmem:s0+$0x0] =	vst v16;
	s0 =	smov.u32 s1  }
0x4f4: {  	v16 =	vld [tilespmem:s31+$0x8450]  }
0x4f5: {  	v17 =	vld [tilespmem:s31+$0x400]  }
0x4f6: {  	v18 =	vld [tilespmem:s31+$0x410]  }
0x4f7: {  	v19 =	vld [tilespmem:s31+$0x8440]  }
0x4f8: {  	v20 =	vld [tilespmem:s31+$0x8460]  }
0x4f9: {  	v21 =	vld [tilespmem:s31+$0x420]  }
0x4fa: {  	v22 =	vld [tilespmem:s31+$0x8470]  }
0x4fb: {  	v16 =	vmul.f32 v16, v18;
	v18 =	vld [tilespmem:s31+$0x430]  }
0x4fc: {  	v17 =	vmul.f32 v19, v17;
	_ =	sdelay $0x1  }
0x4fd: {  	v16 =	vadd.f32 v16, v17;
	v17 =	vmul.f32 v20, v21;
	_ =	sdelay $0x1  }
0x4fe: {  	v16 =	vadd.f32 v17, v16;
	v17 =	vmul.f32 v22, v18;
	_ =	sdelay $0x1  }
0x4ff: {  	v16 =	vadd.f32 v17, v16;
	_ =	sdelay $0x1  }
0x500: {  	[tilespmem:$0x10400] =	vst v16  }
0x501: {  	v16 =	vld [tilespmem:s31+$0x480]  }
0x502: {  	v17 =	vld [tilespmem:s31+$0x84C0]  }
0x503: {  	v18 =	vld [tilespmem:s31+$0x490]  }
0x504: {  	v19 =	vld [tilespmem:s31+$0x84D0]  }
0x505: {  	v20 =	vld [tilespmem:s31+$0x84E0]  }
0x506: {  	v21 =	vld [tilespmem:s31+$0x4A0]  }
0x507: {  	v16 =	vmul.f32 v17, v16;
	v17 =	vld [tilespmem:s31+$0x84F0]  }
0x508: {  	v22 =	vld [tilespmem:s31+$0x4B0]  }
0x509: {  	v18 =	vmul.f32 v19, v18;
	_ =	sdelay $0x1  }
0x50a: {  	v16 =	vadd.f32 v18, v16;
	v18 =	vmul.f32 v20, v21;
	_ =	sdelay $0x1  }
0x50b: {  	v16 =	vadd.f32 v18, v16;
	v17 =	vmul.f32 v17, v22;
	_ =	sdelay $0x1  }
0x50c: {  	v16 =	vadd.f32 v17, v16;
	_ =	sdelay $0x1  }
0x50d: {  	[tilespmem:$0x10411] =	vst v16  }
0x50e: {  	v16 =	vld [tilespmem:s31+$0x8550]  }
0x50f: {  	v17 =	vld [tilespmem:s31+$0x500]  }
0x510: {  	v18 =	vld [tilespmem:s31+$0x8540]  }
0x511: {  	v19 =	vld [tilespmem:s31+$0x510]  }
0x512: {  	v20 =	vld [tilespmem:s31+$0x8560]  }
0x513: {  	v21 =	vld [tilespmem:s31+$0x520]  }
0x514: {  	v22 =	vld [tilespmem:s31+$0x8570]  }
0x515: {  	v17 =	vmul.f32 v18, v17;
	v18 =	vld [tilespmem:s31+$0x530]  }
0x516: {  	v16 =	vmul.f32 v16, v19;
	_ =	sdelay $0x1  }
0x517: {  	v16 =	vadd.f32 v16, v17;
	v17 =	vmul.f32 v20, v21;
	_ =	sdelay $0x1  }
0x518: {  	v16 =	vadd.f32 v17, v16;
	v17 =	vmul.f32 v22, v18;
	_ =	sdelay $0x1  }
0x519: {  	v16 =	vadd.f32 v17, v16;
	_ =	sdelay $0x1  }
0x51a: {  	[tilespmem:$0x10422] =	vst v16  }
0x51b: {  	v16 =	vld [tilespmem:s31+$0x85D0]  }
0x51c: {  	v17 =	vld [tilespmem:s31+$0x580]  }
0x51d: {  	v18 =	vld [tilespmem:s31+$0x85C0]  }
0x51e: {  	v19 =	vld [tilespmem:s31+$0x590]  }
0x51f: {  	v20 =	vld [tilespmem:s31+$0x5A0]  }
0x520: {  	v21 =	vld [tilespmem:s31+$0x85E0]  }
0x521: {  	v22 =	vld [tilespmem:s31+$0x85F0]  }
0x522: {  	v17 =	vmul.f32 v18, v17;
	v18 =	vld [tilespmem:s31+$0x5B0]  }
0x523: {  	v16 =	vmul.f32 v16, v19;
	_ =	sdelay $0x1  }
0x524: {  	v16 =	vadd.f32 v16, v17;
	v17 =	vmul.f32 v21, v20;
	_ =	sdelay $0x1  }
0x525: {  	v16 =	vadd.f32 v17, v16;
	v17 =	vmul.f32 v22, v18;
	_ =	sdelay $0x1  }
0x526: {  	v16 =	vadd.f32 v17, v16;
	_ =	sdelay $0x1  }
0x527: {  	[tilespmem:$0x10433] =	vst v16  }
0x528: {  	v16 =	vld [tilespmem:s31+$0x8640]  }
0x529: {  	v17 =	vld [tilespmem:s31+$0x8650]  }
0x52a: {  	v18 =	vld [tilespmem:s31+$0x600]  }
0x52b: {  	v19 =	vld [tilespmem:s31+$0x610]  }
0x52c: {  	v20 =	vld [tilespmem:s31+$0x620]  }
0x52d: {  	v21 =	vld [tilespmem:s31+$0x8660]  }
0x52e: {  	v22 =	vld [tilespmem:s31+$0x8670]  }
0x52f: {  	v16 =	vmul.f32 v16, v18;
	v18 =	vld [tilespmem:s31+$0x630]  }
0x530: {  	v17 =	vmul.f32 v17, v19;
	_ =	sdelay $0x1  }
0x531: {  	v16 =	vadd.f32 v17, v16;
	v17 =	vmul.f32 v21, v20;
	_ =	sdelay $0x1  }
0x532: {  	v16 =	vadd.f32 v17, v16;
	v17 =	vmul.f32 v22, v18;
	_ =	sdelay $0x1  }
0x533: {  	v16 =	vadd.f32 v17, v16;
	_ =	sdelay $0x1  }
0x534: {  	[tilespmem:$0x10444] =	vst v16  }
0x535: {  	v16 =	vld [tilespmem:s31+$0x86C0]  }
0x536: {  	v17 =	vld [tilespmem:s31+$0x86D0]  }
0x537: {  	v18 =	vld [tilespmem:s31+$0x680]  }
0x538: {  	v19 =	vld [tilespmem:s31+$0x690]  }
0x539: {  	v20 =	vld [tilespmem:s31+$0x6A0]  }
0x53a: {  	v21 =	vld [tilespmem:s31+$0x86E0]  }
0x53b: {  	v22 =	vld [tilespmem:s31+$0x86F0]  }
0x53c: {  	v16 =	vmul.f32 v16, v18;
	v18 =	vld [tilespmem:s31+$0x6B0]  }
0x53d: {  	v17 =	vmul.f32 v17, v19;
	_ =	sdelay $0x1  }
0x53e: {  	v16 =	vadd.f32 v17, v16;
	v17 =	vmul.f32 v21, v20;
	_ =	sdelay $0x1  }
0x53f: {  	v16 =	vadd.f32 v17, v16;
	v17 =	vmul.f32 v22, v18;
	_ =	sdelay $0x1  }
0x540: {  	v16 =	vadd.f32 v17, v16;
	_ =	sdelay $0x1  }
0x541: {  	[tilespmem:$0x10455] =	vst v16  }
0x542: {  	v16 =	vld [tilespmem:s31+$0x8740]  }
0x543: {  	v17 =	vld [tilespmem:s31+$0x8750]  }
0x544: {  	v18 =	vld [tilespmem:s31+$0x710]  }
0x545: {  	v19 =	vld [tilespmem:s31+$0x700]  }
0x546: {  	v20 =	vld [tilespmem:s31+$0x8760]  }
0x547: {  	v21 =	vld [tilespmem:s31+$0x720]  }
0x548: {  	v22 =	vld [tilespmem:s31+$0x8770]  }
0x549: {  	v17 =	vmul.f32 v17, v18;
	v18 =	vld [tilespmem:s31+$0x730]  }
0x54a: {  	v16 =	vmul.f32 v16, v19;
	_ =	sdelay $0x1  }
0x54b: {  	v16 =	vadd.f32 v17, v16;
	v17 =	vmul.f32 v20, v21;
	_ =	sdelay $0x1  }
0x54c: {  	v16 =	vadd.f32 v17, v16;
	v17 =	vmul.f32 v22, v18;
	_ =	sdelay $0x1  }
0x54d: {  	v16 =	vadd.f32 v17, v16;
	_ =	sdelay $0x1  }
0x54e: {  	[tilespmem:$0x10466] =	vst v16  }
0x54f: {  	v16 =	vld [tilespmem:s31+$0x780]  }
0x550: {  	v17 =	vld [tilespmem:s31+$0x87C0]  }
0x551: {  	v18 =	vld [tilespmem:s31+$0x87D0]  }
0x552: {  	v19 =	vld [tilespmem:s31+$0x790]  }
0x553: {  	v20 =	vld [tilespmem:s31+$0x87E0]  }
0x554: {  	v21 =	vld [tilespmem:s31+$0x7A0]  }
0x555: {  	v16 =	vmul.f32 v17, v16;
	v17 =	vld [tilespmem:s31+$0x87F0]  }
0x556: {  	v22 =	vld [tilespmem:s31+$0x7B0]  }
0x557: {  	v18 =	vmul.f32 v18, v19;
	_ =	sdelay $0x1  }
0x558: {  	v16 =	vadd.f32 v18, v16;
	v18 =	vmul.f32 v20, v21;
	_ =	sdelay $0x1  }
0x559: {  	v16 =	vadd.f32 v18, v16;
	v17 =	vmul.f32 v17, v22;
	_ =	sdelay $0x1  }
0x55a: {  	v16 =	vadd.f32 v17, v16;
	_ =	sdelay $0x1  }
0x55b: {  	[tilespmem:$0x10477] =	vst v16  }
0x55c: {  	v16 =	vld [tilespmem:s31+$0x8840]  }
0x55d: {  	v17 =	vld [tilespmem:s31+$0x8850]  }
0x55e: {  	v18 =	vld [tilespmem:s31+$0x800]  }
0x55f: {  	v19 =	vld [tilespmem:s31+$0x810]  }
0x560: {  	v20 =	vld [tilespmem:s31+$0x8860]  }
0x561: {  	v21 =	vld [tilespmem:s31+$0x820]  }
0x562: {  	v22 =	vld [tilespmem:s31+$0x8870]  }
0x563: {  	v16 =	vmul.f32 v16, v18;
	v18 =	vld [tilespmem:s31+$0x830]  }
0x564: {  	v17 =	vmul.f32 v17, v19;
	_ =	sdelay $0x1  }
0x565: {  	v16 =	vadd.f32 v17, v16;
	v17 =	vmul.f32 v20, v21;
	_ =	sdelay $0x1  }
0x566: {  	v16 =	vadd.f32 v17, v16;
	v17 =	vmul.f32 v22, v18;
	_ =	sdelay $0x1  }
0x567: {  	v16 =	vadd.f32 v17, v16;
	_ =	sdelay $0x1  }
0x568: {  	[tilespmem:$0x10488] =	vst v16  }
0x569: {  	v16 =	vld [tilespmem:s31+$0x88C0]  }
0x56a: {  	v17 =	vld [tilespmem:s31+$0x88D0]  }
0x56b: {  	v18 =	vld [tilespmem:s31+$0x890]  }
0x56c: {  	v19 =	vld [tilespmem:s31+$0x880]  }
0x56d: {  	v20 =	vld [tilespmem:s31+$0x8A0]  }
0x56e: {  	v21 =	vld [tilespmem:s31+$0x88E0]  }
0x56f: {  	v22 =	vld [tilespmem:s31+$0x8B0]  }
0x570: {  	v17 =	vmul.f32 v17, v18;
	v18 =	vld [tilespmem:s31+$0x88F0]  }
0x571: {  	v16 =	vmul.f32 v16, v19;
	_ =	sdelay $0x1  }
0x572: {  	v16 =	vadd.f32 v17, v16;
	v17 =	vmul.f32 v21, v20;
	_ =	sdelay $0x1  }
0x573: {  	v16 =	vadd.f32 v17, v16;
	v17 =	vmul.f32 v18, v22;
	_ =	sdelay $0x1  }
0x574: {  	v16 =	vadd.f32 v17, v16;
	_ =	sdelay $0x1  }
0x575: {  	[tilespmem:$0x10499] =	vst v16  }
0x576: {  	v16 =	vld [tilespmem:s31+$0x8950]  }
0x577: {  	v17 =	vld [tilespmem:s31+$0x8940]  }
0x578: {  	v18 =	vld [tilespmem:s31+$0x900]  }
0x579: {  	v19 =	vld [tilespmem:s31+$0x910]  }
0x57a: {  	v20 =	vld [tilespmem:s31+$0x920]  }
0x57b: {  	v21 =	vld [tilespmem:s31+$0x8960]  }
0x57c: {  	v22 =	vld [tilespmem:s31+$0x930]  }
0x57d: {  	v17 =	vmul.f32 v17, v18;
	v18 =	vld [tilespmem:s31+$0x8970]  }
0x57e: {  	v16 =	vmul.f32 v16, v19;
	_ =	sdelay $0x1  }
0x57f: {  	v16 =	vadd.f32 v16, v17;
	v17 =	vmul.f32 v21, v20;
	_ =	sdelay $0x1  }
0x580: {  	v16 =	vadd.f32 v17, v16;
	v17 =	vmul.f32 v18, v22;
	_ =	sdelay $0x1  }
0x581: {  	v16 =	vadd.f32 v17, v16;
	_ =	sdelay $0x1  }
0x582: {  	[tilespmem:$0x104AA] =	vst v16  }
0x583: {  	v16 =	vld [tilespmem:s31+$0x89C0]  }
0x584: {  	v17 =	vld [tilespmem:s31+$0x89D0]  }
0x585: {  	v18 =	vld [tilespmem:s31+$0x980]  }
0x586: {  	v19 =	vld [tilespmem:s31+$0x990]  }
0x587: {  	v20 =	vld [tilespmem:s31+$0x9A0]  }
0x588: {  	v21 =	vld [tilespmem:s31+$0x89E0]  }
0x589: {  	v22 =	vld [tilespmem:s31+$0x9B0]  }
0x58a: {  	v16 =	vmul.f32 v16, v18;
	v18 =	vld [tilespmem:s31+$0x89F0]  }
0x58b: {  	v17 =	vmul.f32 v17, v19;
	_ =	sdelay $0x1  }
0x58c: {  	v16 =	vadd.f32 v17, v16;
	v17 =	vmul.f32 v21, v20;
	_ =	sdelay $0x1  }
0x58d: {  	v16 =	vadd.f32 v17, v16;
	v17 =	vmul.f32 v18, v22;
	_ =	sdelay $0x1  }
0x58e: {  	v16 =	vadd.f32 v17, v16;
	_ =	sdelay $0x1  }
0x58f: {  	[tilespmem:$0x104BB] =	vst v16  }
0x590: {  	v16 =	vld [tilespmem:s31+$0x8A40]  }
0x591: {  	v17 =	vld [tilespmem:s31+$0x8A50]  }
0x592: {  	v18 =	vld [tilespmem:s31+$0xA00]  }
0x593: {  	v19 =	vld [tilespmem:s31+$0xA10]  }
0x594: {  	v20 =	vld [tilespmem:s31+$0xA20]  }
0x595: {  	v21 =	vld [tilespmem:s31+$0x8A60]  }
0x596: {  	v22 =	vld [tilespmem:s31+$0xA30]  }
0x597: {  	v16 =	vmul.f32 v16, v18;
	v18 =	vld [tilespmem:s31+$0x8A70]  }
0x598: {  	v17 =	vmul.f32 v17, v19;
	_ =	sdelay $0x1  }
0x599: {  	v16 =	vadd.f32 v17, v16;
	v17 =	vmul.f32 v21, v20;
	_ =	sdelay $0x1  }
0x59a: {  	v16 =	vadd.f32 v17, v16;
	v17 =	vmul.f32 v18, v22;
	_ =	sdelay $0x1  }
0x59b: {  	v16 =	vadd.f32 v17, v16;
	_ =	sdelay $0x1  }
0x59c: {  	[tilespmem:$0x104CC] =	vst v16  }
0x59d: {  	v16 =	vld [tilespmem:s31+$0x8AC0]  }
0x59e: {  	v17 =	vld [tilespmem:s31+$0x8AD0]  }
0x59f: {  	v18 =	vld [tilespmem:s31+$0xA80]  }
0x5a0: {  	v19 =	vld [tilespmem:s31+$0xA90]  }
0x5a1: {  	v20 =	vld [tilespmem:s31+$0xAA0]  }
0x5a2: {  	v21 =	vld [tilespmem:s31+$0x8AE0]  }
0x5a3: {  	v22 =	vld [tilespmem:s31+$0xAB0]  }
0x5a4: {  	v16 =	vmul.f32 v16, v18;
	v18 =	vld [tilespmem:s31+$0x8AF0]  }
0x5a5: {  	v17 =	vmul.f32 v17, v19;
	_ =	sdelay $0x1  }
0x5a6: {  	v16 =	vadd.f32 v17, v16;
	v17 =	vmul.f32 v21, v20;
	_ =	sdelay $0x1  }
0x5a7: {  	v16 =	vadd.f32 v17, v16;
	v17 =	vmul.f32 v18, v22;
	_ =	sdelay $0x1  }
0x5a8: {  	v16 =	vadd.f32 v17, v16;
	_ =	sdelay $0x1  }
0x5a9: {  	[tilespmem:$0x104DD] =	vst v16  }
0x5aa: {  	v16 =	vld [tilespmem:s31+$0x8B40]  }
0x5ab: {  	v17 =	vld [tilespmem:s31+$0x8B50]  }
0x5ac: {  	v18 =	vld [tilespmem:s31+$0xB00]  }
0x5ad: {  	v19 =	vld [tilespmem:s31+$0xB10]  }
0x5ae: {  	v20 =	vld [tilespmem:s31+$0xB20]  }
0x5af: {  	v21 =	vld [tilespmem:s31+$0x8B60]  }
0x5b0: {  	v22 =	vld [tilespmem:s31+$0xB30]  }
0x5b1: {  	v16 =	vmul.f32 v16, v18;
	v18 =	vld [tilespmem:s31+$0x8B70]  }
0x5b2: {  	v17 =	vmul.f32 v17, v19;
	_ =	sdelay $0x1  }
0x5b3: {  	v16 =	vadd.f32 v17, v16;
	v17 =	vmul.f32 v21, v20;
	_ =	sdelay $0x1  }
0x5b4: {  	v16 =	vadd.f32 v17, v16;
	v17 =	vmul.f32 v18, v22;
	_ =	sdelay $0x1  }
0x5b5: {  	v16 =	vadd.f32 v17, v16;
	_ =	sdelay $0x1  }
0x5b6: {  	[tilespmem:$0x104EE] =	vst v16  }
.Ltmp2:
0x5b7: {  	v16 =	vld [tilespmem:s31+$0x8BC0];
	(pc) =	sbr.rel @p0 .LBB2_6-.Ltmp2, $4  }
0x5b8: {  	v19 =	vld [tilespmem:s31+$0xB80]  }
0x5b9: {  	v17 =	vld [tilespmem:s31+$0x8BD0]  }
0x5ba: {  	v20 =	vld [tilespmem:s31+$0xB90]  }
0x5bb: {  	v18 =	vld [tilespmem:s31+$0xBA0]  }
0x5bc: {  	v21 =	vld [tilespmem:s31+$0x8BE0]  }
0x5bd: {  	v22 =	vld [tilespmem:s31+$0xBB0]  }
0x5be: {  	v23 =	vld [tilespmem:s31+$0x8BF0]  }
0x5bf: {  	v16 =	vmul.f32 v16, v19;
	v17 =	vmul.f32 v17, v20;
	_ =	sdelay $0x1  }
0x5c0: {  	v16 =	vadd.f32 v17, v16;
	v17 =	vmul.f32 v21, v18;
	_ =	sdelay $0x1  }
0x5c1: {  	v16 =	vadd.f32 v17, v16;
	v17 =	vmul.f32 v23, v22;
	_ =	sdelay $0x1  }
0x5c2: {  	v16 =	vadd.f32 v17, v16;
	_ =	sdelay $0x1  }
0x5c3: {  	[tilespmem:$0x104FF] =	vst v16  }
0x5c4: {  	v16 =	vld.idx.msk [tilespmem:v0+s28+$0x0], $0xffff  }
0x5c5: {  	v17 =	vld.idx.msk [tilespmem:v1+s28+$0x0], $0xffff;
	_ =	sdelay $0x1  }
0x5c6: {  	v18 =	vld.idx.msk [tilespmem:v2+s28+$0x0], $0xffff;
	_ =	sdelay $0x1  }
0x5c7: {  	v19 =	vld.idx.msk [tilespmem:v3+s28+$0x0], $0xffff  }
0x5c8: {  	v16 =	vadd.f32 v17, v16  }
0x5c9: {  	v17 =	vld.idx.msk [tilespmem:v4+s28+$0x0], $0xffff  }
0x5ca: {  	v16 =	vadd.f32 v18, v16  }
0x5cb: {  	v18 =	vld.idx.msk [tilespmem:v5+s28+$0x0], $0xffff  }
0x5cc: {  	v16 =	vadd.f32 v19, v16  }
0x5cd: {  	v19 =	vld.idx.msk [tilespmem:v6+s28+$0x0], $0xffff  }
0x5ce: {  	v16 =	vadd.f32 v17, v16  }
0x5cf: {  	v17 =	vld.idx.msk [tilespmem:v7+s28+$0x0], $0xffff  }
0x5d0: {  	v16 =	vadd.f32 v18, v16  }
0x5d1: {  	v18 =	vld.idx.msk [tilespmem:v8+s28+$0x0], $0xffff  }
0x5d2: {  	v16 =	vadd.f32 v19, v16  }
0x5d3: {  	v19 =	vld.idx.msk [tilespmem:v9+s28+$0x0], $0xffff  }
0x5d4: {  	v16 =	vadd.f32 v17, v16  }
0x5d5: {  	v17 =	vld.idx.msk [tilespmem:v10+s28+$0x0], $0xffff  }
0x5d6: {  	v16 =	vadd.f32 v18, v16  }
0x5d7: {  	v18 =	vld.idx.msk [tilespmem:v11+s28+$0x0], $0xffff  }
0x5d8: {  	v16 =	vadd.f32 v19, v16  }
0x5d9: {  	v19 =	vld.idx.msk [tilespmem:v12+s28+$0x0], $0xffff  }
0x5da: {  	v16 =	vadd.f32 v17, v16  }
0x5db: {  	v17 =	vld.idx.msk [tilespmem:v13+s28+$0x0], $0xffff  }
0x5dc: {  	v16 =	vadd.f32 v18, v16  }
0x5dd: {  	v18 =	vld.idx.msk [tilespmem:v14+s28+$0x0], $0xffff  }
0x5de: {  	v16 =	vadd.f32 v19, v16  }
0x5df: {  	v19 =	vld.idx.msk [tilespmem:v15+s28+$0x0], $0xffff  }
0x5e0: {  	v16 =	vadd.f32 v17, v16;
	_ =	sdelay $0x1  }
0x5e1: {  	v16 =	vadd.f32 v18, v16;
	_ =	sdelay $0x1  }
0x5e2: {  	v16 =	vadd.f32 v19, v16;
	_ =	sdelay $0x1  }
0x5e3: {  	[tilespmem:s0+$0x0] =	vst v16  }
0x5e4: {  	_ =	swait.ge [sflag:s26], $0x4000  }
0x5e5: {  	[sflag:s26] =	ssyncset.done $0x0  }
0x5e6: {  	[sflag:s26] =	ssyncadd.s32 $0xFFFFC000  }
0x5e7: {  	_ =	swait.ge [sflag:s26], $0x4000  }
0x5e8: {  	[sflag:s26] =	ssyncset.done $0x0  }
0x5e9: {  	s31 =	simm.s32 $0x0;
	[sflag:s26] =	ssyncadd.s32 $0xFFFFC000  }
0x5ea: {  	v16 =	vld [tilespmem:s31+$0xC450]  }
0x5eb: {  	v17 =	vld [tilespmem:s31+$0x4400]  }
0x5ec: {  	v18 =	vld [tilespmem:s31+$0x4410]  }
0x5ed: {  	v19 =	vld [tilespmem:s31+$0xC440]  }
0x5ee: {  	v20 =	vld [tilespmem:s31+$0xC460]  }
0x5ef: {  	v21 =	vld [tilespmem:s31+$0x4420]  }
0x5f0: {  	v22 =	vld [tilespmem:s31+$0xC470]  }
0x5f1: {  	v23 =	vld [tilespmem:s31+$0x4430]  }
0x5f2: {  	v16 =	vmul.f32 v16, v18;
	v17 =	vmul.f32 v19, v17;
	_ =	sdelay $0x1  }
0x5f3: {  	v16 =	vadd.f32 v16, v17;
	v17 =	vmul.f32 v20, v21;
	_ =	sdelay $0x1  }
0x5f4: {  	v16 =	vadd.f32 v17, v16;
	v17 =	vmul.f32 v22, v23;
	_ =	sdelay $0x1  }
0x5f5: {  	v16 =	vadd.f32 v17, v16;
	_ =	sdelay $0x1  }
0x5f6: {  	[tilespmem:$0x10400] =	vst v16  }
0x5f7: {  	v16 =	vld [tilespmem:s31+$0x4480]  }
0x5f8: {  	v17 =	vld [tilespmem:s31+$0xC4C0]  }
0x5f9: {  	v18 =	vld [tilespmem:s31+$0x4490]  }
0x5fa: {  	v19 =	vld [tilespmem:s31+$0xC4D0]  }
0x5fb: {  	v20 =	vld [tilespmem:s31+$0xC4E0]  }
0x5fc: {  	v21 =	vld [tilespmem:s31+$0x44A0]  }
0x5fd: {  	v22 =	vld [tilespmem:s31+$0xC4F0]  }
0x5fe: {  	v23 =	vld [tilespmem:s31+$0x44B0]  }
0x5ff: {  	v16 =	vmul.f32 v17, v16;
	v17 =	vmul.f32 v19, v18;
	_ =	sdelay $0x1  }
0x600: {  	v16 =	vadd.f32 v17, v16;
	v17 =	vmul.f32 v20, v21;
	_ =	sdelay $0x1  }
0x601: {  	v16 =	vadd.f32 v17, v16;
	v17 =	vmul.f32 v22, v23;
	_ =	sdelay $0x1  }
0x602: {  	v16 =	vadd.f32 v17, v16;
	_ =	sdelay $0x1  }
0x603: {  	[tilespmem:$0x10411] =	vst v16  }
0x604: {  	v16 =	vld [tilespmem:s31+$0xC550]  }
0x605: {  	v17 =	vld [tilespmem:s31+$0x4500]  }
0x606: {  	v18 =	vld [tilespmem:s31+$0xC540]  }
0x607: {  	v19 =	vld [tilespmem:s31+$0x4510]  }
0x608: {  	v20 =	vld [tilespmem:s31+$0xC560]  }
0x609: {  	v21 =	vld [tilespmem:s31+$0x4520]  }
0x60a: {  	v22 =	vld [tilespmem:s31+$0xC570]  }
0x60b: {  	v23 =	vld [tilespmem:s31+$0x4530]  }
0x60c: {  	v17 =	vmul.f32 v18, v17;
	v16 =	vmul.f32 v16, v19;
	_ =	sdelay $0x1  }
0x60d: {  	v16 =	vadd.f32 v16, v17;
	v17 =	vmul.f32 v20, v21;
	_ =	sdelay $0x1  }
0x60e: {  	v16 =	vadd.f32 v17, v16;
	v17 =	vmul.f32 v22, v23;
	_ =	sdelay $0x1  }
0x60f: {  	v16 =	vadd.f32 v17, v16;
	_ =	sdelay $0x1  }
0x610: {  	[tilespmem:$0x10422] =	vst v16  }
0x611: {  	v16 =	vld [tilespmem:s31+$0xC5D0]  }
0x612: {  	v17 =	vld [tilespmem:s31+$0x4580]  }
0x613: {  	v18 =	vld [tilespmem:s31+$0xC5C0]  }
0x614: {  	v19 =	vld [tilespmem:s31+$0x4590]  }
0x615: {  	v20 =	vld [tilespmem:s31+$0x45A0]  }
0x616: {  	v21 =	vld [tilespmem:s31+$0xC5E0]  }
0x617: {  	v22 =	vld [tilespmem:s31+$0xC5F0]  }
0x618: {  	v23 =	vld [tilespmem:s31+$0x45B0]  }
0x619: {  	v17 =	vmul.f32 v18, v17;
	v16 =	vmul.f32 v16, v19;
	_ =	sdelay $0x1  }
0x61a: {  	v16 =	vadd.f32 v16, v17;
	v17 =	vmul.f32 v21, v20;
	_ =	sdelay $0x1  }
0x61b: {  	v16 =	vadd.f32 v17, v16;
	v17 =	vmul.f32 v22, v23;
	_ =	sdelay $0x1  }
0x61c: {  	v16 =	vadd.f32 v17, v16;
	_ =	sdelay $0x1  }
0x61d: {  	[tilespmem:$0x10433] =	vst v16  }
0x61e: {  	v16 =	vld [tilespmem:s31+$0xC640]  }
0x61f: {  	v17 =	vld [tilespmem:s31+$0xC650]  }
0x620: {  	v18 =	vld [tilespmem:s31+$0x4600]  }
0x621: {  	v19 =	vld [tilespmem:s31+$0x4610]  }
0x622: {  	v20 =	vld [tilespmem:s31+$0x4620]  }
0x623: {  	v21 =	vld [tilespmem:s31+$0xC660]  }
0x624: {  	v22 =	vld [tilespmem:s31+$0xC670]  }
0x625: {  	v23 =	vld [tilespmem:s31+$0x4630]  }
0x626: {  	v16 =	vmul.f32 v16, v18;
	v17 =	vmul.f32 v17, v19;
	_ =	sdelay $0x1  }
0x627: {  	v16 =	vadd.f32 v17, v16;
	v17 =	vmul.f32 v21, v20;
	_ =	sdelay $0x1  }
0x628: {  	v16 =	vadd.f32 v17, v16;
	v17 =	vmul.f32 v22, v23;
	_ =	sdelay $0x1  }
0x629: {  	v16 =	vadd.f32 v17, v16;
	_ =	sdelay $0x1  }
0x62a: {  	[tilespmem:$0x10444] =	vst v16  }
0x62b: {  	v16 =	vld [tilespmem:s31+$0xC6C0]  }
0x62c: {  	v17 =	vld [tilespmem:s31+$0xC6D0]  }
0x62d: {  	v18 =	vld [tilespmem:s31+$0x4680]  }
0x62e: {  	v19 =	vld [tilespmem:s31+$0x4690]  }
0x62f: {  	v20 =	vld [tilespmem:s31+$0x46A0]  }
0x630: {  	v21 =	vld [tilespmem:s31+$0xC6E0]  }
0x631: {  	v22 =	vld [tilespmem:s31+$0xC6F0]  }
0x632: {  	v23 =	vld [tilespmem:s31+$0x46B0]  }
0x633: {  	v16 =	vmul.f32 v16, v18;
	v17 =	vmul.f32 v17, v19;
	_ =	sdelay $0x1  }
0x634: {  	v16 =	vadd.f32 v17, v16;
	v17 =	vmul.f32 v21, v20;
	_ =	sdelay $0x1  }
0x635: {  	v16 =	vadd.f32 v17, v16;
	v17 =	vmul.f32 v22, v23;
	_ =	sdelay $0x1  }
0x636: {  	v16 =	vadd.f32 v17, v16;
	_ =	sdelay $0x1  }
0x637: {  	[tilespmem:$0x10455] =	vst v16  }
0x638: {  	v16 =	vld [tilespmem:s31+$0xC740]  }
0x639: {  	v17 =	vld [tilespmem:s31+$0xC750]  }
0x63a: {  	v18 =	vld [tilespmem:s31+$0x4710]  }
0x63b: {  	v19 =	vld [tilespmem:s31+$0x4700]  }
0x63c: {  	v20 =	vld [tilespmem:s31+$0xC760]  }
0x63d: {  	v21 =	vld [tilespmem:s31+$0x4720]  }
0x63e: {  	v22 =	vld [tilespmem:s31+$0xC770]  }
0x63f: {  	v23 =	vld [tilespmem:s31+$0x4730]  }
0x640: {  	v17 =	vmul.f32 v17, v18;
	v16 =	vmul.f32 v16, v19;
	_ =	sdelay $0x1  }
0x641: {  	v16 =	vadd.f32 v17, v16;
	v17 =	vmul.f32 v20, v21;
	_ =	sdelay $0x1  }
0x642: {  	v16 =	vadd.f32 v17, v16;
	v17 =	vmul.f32 v22, v23;
	_ =	sdelay $0x1  }
0x643: {  	v16 =	vadd.f32 v17, v16;
	_ =	sdelay $0x1  }
0x644: {  	[tilespmem:$0x10466] =	vst v16  }
0x645: {  	v16 =	vld [tilespmem:s31+$0x4780]  }
0x646: {  	v17 =	vld [tilespmem:s31+$0xC7C0]  }
0x647: {  	v18 =	vld [tilespmem:s31+$0xC7D0]  }
0x648: {  	v19 =	vld [tilespmem:s31+$0x4790]  }
0x649: {  	v20 =	vld [tilespmem:s31+$0xC7E0]  }
0x64a: {  	v21 =	vld [tilespmem:s31+$0x47A0]  }
0x64b: {  	v22 =	vld [tilespmem:s31+$0xC7F0]  }
0x64c: {  	v23 =	vld [tilespmem:s31+$0x47B0]  }
0x64d: {  	v16 =	vmul.f32 v17, v16;
	v17 =	vmul.f32 v18, v19;
	_ =	sdelay $0x1  }
0x64e: {  	v16 =	vadd.f32 v17, v16;
	v17 =	vmul.f32 v20, v21;
	_ =	sdelay $0x1  }
0x64f: {  	v16 =	vadd.f32 v17, v16;
	v17 =	vmul.f32 v22, v23;
	_ =	sdelay $0x1  }
0x650: {  	v16 =	vadd.f32 v17, v16;
	_ =	sdelay $0x1  }
0x651: {  	[tilespmem:$0x10477] =	vst v16  }
0x652: {  	v16 =	vld [tilespmem:s31+$0xC840]  }
0x653: {  	v17 =	vld [tilespmem:s31+$0xC850]  }
0x654: {  	v18 =	vld [tilespmem:s31+$0x4800]  }
0x655: {  	v19 =	vld [tilespmem:s31+$0x4810]  }
0x656: {  	v20 =	vld [tilespmem:s31+$0xC860]  }
0x657: {  	v21 =	vld [tilespmem:s31+$0x4820]  }
0x658: {  	v22 =	vld [tilespmem:s31+$0xC870]  }
0x659: {  	v23 =	vld [tilespmem:s31+$0x4830]  }
0x65a: {  	v16 =	vmul.f32 v16, v18;
	v17 =	vmul.f32 v17, v19;
	_ =	sdelay $0x1  }
0x65b: {  	v16 =	vadd.f32 v17, v16;
	v17 =	vmul.f32 v20, v21;
	_ =	sdelay $0x1  }
0x65c: {  	v16 =	vadd.f32 v17, v16;
	v17 =	vmul.f32 v22, v23;
	_ =	sdelay $0x1  }
0x65d: {  	v16 =	vadd.f32 v17, v16;
	_ =	sdelay $0x1  }
0x65e: {  	[tilespmem:$0x10488] =	vst v16  }
0x65f: {  	v16 =	vld [tilespmem:s31+$0xC8C0]  }
0x660: {  	v17 =	vld [tilespmem:s31+$0xC8D0]  }
0x661: {  	v18 =	vld [tilespmem:s31+$0x4890]  }
0x662: {  	v19 =	vld [tilespmem:s31+$0x4880]  }
0x663: {  	v20 =	vld [tilespmem:s31+$0x48A0]  }
0x664: {  	v21 =	vld [tilespmem:s31+$0xC8E0]  }
0x665: {  	v22 =	vld [tilespmem:s31+$0x48B0]  }
0x666: {  	v23 =	vld [tilespmem:s31+$0xC8F0]  }
0x667: {  	v17 =	vmul.f32 v17, v18;
	v16 =	vmul.f32 v16, v19;
	_ =	sdelay $0x1  }
0x668: {  	v16 =	vadd.f32 v17, v16;
	v17 =	vmul.f32 v21, v20;
	_ =	sdelay $0x1  }
0x669: {  	v16 =	vadd.f32 v17, v16;
	v17 =	vmul.f32 v23, v22;
	_ =	sdelay $0x1  }
0x66a: {  	v16 =	vadd.f32 v17, v16;
	_ =	sdelay $0x1  }
0x66b: {  	[tilespmem:$0x10499] =	vst v16  }
0x66c: {  	v16 =	vld [tilespmem:s31+$0xC950]  }
0x66d: {  	v17 =	vld [tilespmem:s31+$0xC940]  }
0x66e: {  	v18 =	vld [tilespmem:s31+$0x4900]  }
0x66f: {  	v19 =	vld [tilespmem:s31+$0x4910]  }
0x670: {  	v20 =	vld [tilespmem:s31+$0x4920]  }
0x671: {  	v21 =	vld [tilespmem:s31+$0xC960]  }
0x672: {  	v22 =	vld [tilespmem:s31+$0x4930]  }
0x673: {  	v23 =	vld [tilespmem:s31+$0xC970]  }
0x674: {  	v17 =	vmul.f32 v17, v18;
	v16 =	vmul.f32 v16, v19;
	_ =	sdelay $0x1  }
0x675: {  	v16 =	vadd.f32 v16, v17;
	v17 =	vmul.f32 v21, v20;
	_ =	sdelay $0x1  }
0x676: {  	v16 =	vadd.f32 v17, v16;
	v17 =	vmul.f32 v23, v22;
	_ =	sdelay $0x1  }
0x677: {  	v16 =	vadd.f32 v17, v16;
	_ =	sdelay $0x1  }
0x678: {  	[tilespmem:$0x104AA] =	vst v16  }
0x679: {  	v16 =	vld [tilespmem:s31+$0xC9C0]  }
0x67a: {  	v17 =	vld [tilespmem:s31+$0xC9D0]  }
0x67b: {  	v18 =	vld [tilespmem:s31+$0x4980]  }
0x67c: {  	v19 =	vld [tilespmem:s31+$0x4990]  }
0x67d: {  	v20 =	vld [tilespmem:s31+$0x49A0]  }
0x67e: {  	v21 =	vld [tilespmem:s31+$0xC9E0]  }
0x67f: {  	v22 =	vld [tilespmem:s31+$0x49B0]  }
0x680: {  	v23 =	vld [tilespmem:s31+$0xC9F0]  }
0x681: {  	v16 =	vmul.f32 v16, v18;
	v17 =	vmul.f32 v17, v19;
	_ =	sdelay $0x1  }
0x682: {  	v16 =	vadd.f32 v17, v16;
	v17 =	vmul.f32 v21, v20;
	_ =	sdelay $0x1  }
0x683: {  	v16 =	vadd.f32 v17, v16;
	v17 =	vmul.f32 v23, v22;
	_ =	sdelay $0x1  }
0x684: {  	v16 =	vadd.f32 v17, v16;
	_ =	sdelay $0x1  }
0x685: {  	[tilespmem:$0x104BB] =	vst v16  }
0x686: {  	v16 =	vld [tilespmem:s31+$0xCA40]  }
0x687: {  	v17 =	vld [tilespmem:s31+$0xCA50]  }
0x688: {  	v18 =	vld [tilespmem:s31+$0x4A00]  }
0x689: {  	v19 =	vld [tilespmem:s31+$0x4A10]  }
0x68a: {  	v20 =	vld [tilespmem:s31+$0x4A20]  }
0x68b: {  	v21 =	vld [tilespmem:s31+$0xCA60]  }
0x68c: {  	v22 =	vld [tilespmem:s31+$0x4A30]  }
0x68d: {  	v23 =	vld [tilespmem:s31+$0xCA70]  }
0x68e: {  	v16 =	vmul.f32 v16, v18;
	v17 =	vmul.f32 v17, v19;
	_ =	sdelay $0x1  }
0x68f: {  	v16 =	vadd.f32 v17, v16;
	v17 =	vmul.f32 v21, v20;
	_ =	sdelay $0x1  }
0x690: {  	v16 =	vadd.f32 v17, v16;
	v17 =	vmul.f32 v23, v22;
	_ =	sdelay $0x1  }
0x691: {  	v16 =	vadd.f32 v17, v16;
	_ =	sdelay $0x1  }
0x692: {  	[tilespmem:$0x104CC] =	vst v16  }
0x693: {  	v16 =	vld [tilespmem:s31+$0xCAC0]  }
0x694: {  	v17 =	vld [tilespmem:s31+$0xCAD0]  }
0x695: {  	v18 =	vld [tilespmem:s31+$0x4A80]  }
0x696: {  	v19 =	vld [tilespmem:s31+$0x4A90]  }
0x697: {  	v20 =	vld [tilespmem:s31+$0x4AA0]  }
0x698: {  	v21 =	vld [tilespmem:s31+$0xCAE0]  }
0x699: {  	v22 =	vld [tilespmem:s31+$0x4AB0]  }
0x69a: {  	v23 =	vld [tilespmem:s31+$0xCAF0]  }
0x69b: {  	v16 =	vmul.f32 v16, v18;
	v17 =	vmul.f32 v17, v19;
	_ =	sdelay $0x1  }
0x69c: {  	v16 =	vadd.f32 v17, v16;
	v17 =	vmul.f32 v21, v20;
	_ =	sdelay $0x1  }
0x69d: {  	v16 =	vadd.f32 v17, v16;
	v17 =	vmul.f32 v23, v22;
	_ =	sdelay $0x1  }
0x69e: {  	v16 =	vadd.f32 v17, v16;
	_ =	sdelay $0x1  }
0x69f: {  	[tilespmem:$0x104DD] =	vst v16  }
0x6a0: {  	v16 =	vld [tilespmem:s31+$0xCB40]  }
0x6a1: {  	v17 =	vld [tilespmem:s31+$0xCB50]  }
0x6a2: {  	v18 =	vld [tilespmem:s31+$0x4B00]  }
0x6a3: {  	v19 =	vld [tilespmem:s31+$0x4B10]  }
0x6a4: {  	v20 =	vld [tilespmem:s31+$0x4B20]  }
0x6a5: {  	v21 =	vld [tilespmem:s31+$0xCB60]  }
0x6a6: {  	v22 =	vld [tilespmem:s31+$0x4B30]  }
0x6a7: {  	v23 =	vld [tilespmem:s31+$0xCB70]  }
0x6a8: {  	v16 =	vmul.f32 v16, v18;
	v17 =	vmul.f32 v17, v19;
	_ =	sdelay $0x1  }
0x6a9: {  	v16 =	vadd.f32 v17, v16;
	v17 =	vmul.f32 v21, v20;
	_ =	sdelay $0x1  }
0x6aa: {  	v16 =	vadd.f32 v17, v16;
	v17 =	vmul.f32 v23, v22;
	_ =	sdelay $0x1  }
0x6ab: {  	v16 =	vadd.f32 v17, v16;
	_ =	sdelay $0x1  }
0x6ac: {  	[tilespmem:$0x104EE] =	vst v16  }
0x6ad: {  	v16 =	vld [tilespmem:s31+$0xCBC0]  }
0x6ae: {  	v19 =	vld [tilespmem:s31+$0x4B80]  }
0x6af: {  	v17 =	vld [tilespmem:s31+$0xCBD0]  }
0x6b0: {  	v20 =	vld [tilespmem:s31+$0x4B90]  }
0x6b1: {  	s1 =	simm.s32 $0x10690;
	s29 =	simm.s32 $0x2000;
	s0 =	simm.s32 $0x10690;
	v18 =	vld [tilespmem:s31+$0x4BA0]  }
.LBB2_8:
0x6b2: {  	p0 =	sne.s32 s29, $0xE000  }
0x6b3: {  	v21 =	vld [tilespmem:s31+$0xCBE0];
	s1 =	sadd.s32 $0x10, s1;
	s15 =	smov.u32 s29;
	s29 =	sadd.s32 $0x2000, s29  }
0x6b4: {  	v16 =	vmul.f32 v16, v19;
	v19 =	vld [tilespmem:s31+$0x4BB0]  }
0x6b5: {  	v22 =	vld [tilespmem:s31+$0xCBF0]  }
0x6b6: {  	v17 =	vmul.f32 v17, v20;
	_ =	sdelay $0x1  }
0x6b7: {  	v16 =	vadd.f32 v17, v16;
	v17 =	vmul.f32 v21, v18;
	_ =	sdelay $0x1  }
0x6b8: {  	v16 =	vadd.f32 v17, v16;
	v17 =	vmul.f32 v22, v19;
	_ =	sdelay $0x1  }
0x6b9: {  	v16 =	vadd.f32 v17, v16;
	_ =	sdelay $0x1  }
0x6ba: {  	[tilespmem:$0x104FF] =	vst v16  }
0x6bb: {  	v16 =	vld.idx.msk [tilespmem:v0+s28+$0x0], $0xffff  }
0x6bc: {  	v17 =	vld.idx.msk [tilespmem:v1+s28+$0x0], $0xffff  }
0x6bd: {  	v18 =	vld.idx.msk [tilespmem:v2+s28+$0x0], $0xffff  }
0x6be: {  	v19 =	vld.idx.msk [tilespmem:v3+s28+$0x0], $0xffff  }
0x6bf: {  	v20 =	vld.idx.msk [tilespmem:v4+s28+$0x0], $0xffff  }
0x6c0: {  	v21 =	vld.idx.msk [tilespmem:v5+s28+$0x0], $0xffff  }
0x6c1: {  	v22 =	vld.idx.msk [tilespmem:v6+s28+$0x0], $0xffff  }
0x6c2: {  	v16 =	vadd.f32 v17, v16;
	v17 =	vld.idx.msk [tilespmem:v7+s28+$0x0], $0xffff  }
0x6c3: {  	v23 =	vld.idx.msk [tilespmem:v8+s28+$0x0], $0xffff  }
0x6c4: {  	v16 =	vadd.f32 v18, v16;
	v18 =	vld.idx.msk [tilespmem:v9+s28+$0x0], $0xffff  }
0x6c5: {  	v24 =	vld.idx.msk [tilespmem:v10+s28+$0x0], $0xffff  }
0x6c6: {  	v16 =	vadd.f32 v19, v16;
	v19 =	vld.idx.msk [tilespmem:v11+s28+$0x0], $0xffff  }
0x6c7: {  	v25 =	vld.idx.msk [tilespmem:v12+s28+$0x0], $0xffff  }
0x6c8: {  	v16 =	vadd.f32 v20, v16;
	v20 =	vld.idx.msk [tilespmem:v13+s28+$0x0], $0xffff  }
0x6c9: {  	v26 =	vld.idx.msk [tilespmem:v14+s28+$0x0], $0xffff  }
0x6ca: {  	v16 =	vadd.f32 v21, v16;
	v21 =	vld.idx.msk [tilespmem:v15+s28+$0x0], $0xffff;
	_ =	sdelay $0x1  }
0x6cb: {  	v16 =	vadd.f32 v22, v16;
	_ =	sdelay $0x1  }
0x6cc: {  	v16 =	vadd.f32 v17, v16;
	_ =	sdelay $0x1  }
0x6cd: {  	v16 =	vadd.f32 v23, v16;
	_ =	sdelay $0x1  }
0x6ce: {  	v16 =	vadd.f32 v18, v16;
	_ =	sdelay $0x1  }
0x6cf: {  	v16 =	vadd.f32 v24, v16;
	_ =	sdelay $0x1  }
0x6d0: {  	v16 =	vadd.f32 v19, v16;
	_ =	sdelay $0x1  }
0x6d1: {  	v16 =	vadd.f32 v25, v16;
	_ =	sdelay $0x1  }
0x6d2: {  	v16 =	vadd.f32 v20, v16;
	_ =	sdelay $0x1  }
0x6d3: {  	v16 =	vadd.f32 v26, v16;
	_ =	sdelay $0x1  }
0x6d4: {  	v16 =	vadd.f32 v21, v16;
	_ =	sdelay $0x1  }
0x6d5: {  	s31 =	sshra.s32 s15, $0x2;
	[tilespmem:s0+$0x0] =	vst v16;
	s0 =	smov.u32 s1  }
0x6d6: {  	v16 =	vld [tilespmem:s31+$0xC450]  }
0x6d7: {  	v17 =	vld [tilespmem:s31+$0x4400]  }
0x6d8: {  	v18 =	vld [tilespmem:s31+$0x4410]  }
0x6d9: {  	v19 =	vld [tilespmem:s31+$0xC440]  }
0x6da: {  	v20 =	vld [tilespmem:s31+$0xC460]  }
0x6db: {  	v21 =	vld [tilespmem:s31+$0x4420]  }
0x6dc: {  	v22 =	vld [tilespmem:s31+$0xC470]  }
0x6dd: {  	v16 =	vmul.f32 v16, v18;
	v18 =	vld [tilespmem:s31+$0x4430]  }
0x6de: {  	v17 =	vmul.f32 v19, v17;
	_ =	sdelay $0x1  }
0x6df: {  	v16 =	vadd.f32 v16, v17;
	v17 =	vmul.f32 v20, v21;
	_ =	sdelay $0x1  }
0x6e0: {  	v16 =	vadd.f32 v17, v16;
	v17 =	vmul.f32 v22, v18;
	_ =	sdelay $0x1  }
0x6e1: {  	v16 =	vadd.f32 v17, v16;
	_ =	sdelay $0x1  }
0x6e2: {  	[tilespmem:$0x10400] =	vst v16  }
0x6e3: {  	v16 =	vld [tilespmem:s31+$0x4480]  }
0x6e4: {  	v17 =	vld [tilespmem:s31+$0xC4C0]  }
0x6e5: {  	v18 =	vld [tilespmem:s31+$0x4490]  }
0x6e6: {  	v19 =	vld [tilespmem:s31+$0xC4D0]  }
0x6e7: {  	v20 =	vld [tilespmem:s31+$0xC4E0]  }
0x6e8: {  	v21 =	vld [tilespmem:s31+$0x44A0]  }
0x6e9: {  	v16 =	vmul.f32 v17, v16;
	v17 =	vld [tilespmem:s31+$0xC4F0]  }
0x6ea: {  	v22 =	vld [tilespmem:s31+$0x44B0]  }
0x6eb: {  	v18 =	vmul.f32 v19, v18;
	_ =	sdelay $0x1  }
0x6ec: {  	v16 =	vadd.f32 v18, v16;
	v18 =	vmul.f32 v20, v21;
	_ =	sdelay $0x1  }
0x6ed: {  	v16 =	vadd.f32 v18, v16;
	v17 =	vmul.f32 v17, v22;
	_ =	sdelay $0x1  }
0x6ee: {  	v16 =	vadd.f32 v17, v16;
	_ =	sdelay $0x1  }
0x6ef: {  	[tilespmem:$0x10411] =	vst v16  }
0x6f0: {  	v16 =	vld [tilespmem:s31+$0xC550]  }
0x6f1: {  	v17 =	vld [tilespmem:s31+$0x4500]  }
0x6f2: {  	v18 =	vld [tilespmem:s31+$0xC540]  }
0x6f3: {  	v19 =	vld [tilespmem:s31+$0x4510]  }
0x6f4: {  	v20 =	vld [tilespmem:s31+$0xC560]  }
0x6f5: {  	v21 =	vld [tilespmem:s31+$0x4520]  }
0x6f6: {  	v22 =	vld [tilespmem:s31+$0xC570]  }
0x6f7: {  	v17 =	vmul.f32 v18, v17;
	v18 =	vld [tilespmem:s31+$0x4530]  }
0x6f8: {  	v16 =	vmul.f32 v16, v19;
	_ =	sdelay $0x1  }
0x6f9: {  	v16 =	vadd.f32 v16, v17;
	v17 =	vmul.f32 v20, v21;
	_ =	sdelay $0x1  }
0x6fa: {  	v16 =	vadd.f32 v17, v16;
	v17 =	vmul.f32 v22, v18;
	_ =	sdelay $0x1  }
0x6fb: {  	v16 =	vadd.f32 v17, v16;
	_ =	sdelay $0x1  }
0x6fc: {  	[tilespmem:$0x10422] =	vst v16  }
0x6fd: {  	v16 =	vld [tilespmem:s31+$0xC5D0]  }
0x6fe: {  	v17 =	vld [tilespmem:s31+$0x4580]  }
0x6ff: {  	v18 =	vld [tilespmem:s31+$0xC5C0]  }
0x700: {  	v19 =	vld [tilespmem:s31+$0x4590]  }
0x701: {  	v20 =	vld [tilespmem:s31+$0x45A0]  }
0x702: {  	v21 =	vld [tilespmem:s31+$0xC5E0]  }
0x703: {  	v22 =	vld [tilespmem:s31+$0xC5F0]  }
0x704: {  	v17 =	vmul.f32 v18, v17;
	v18 =	vld [tilespmem:s31+$0x45B0]  }
0x705: {  	v16 =	vmul.f32 v16, v19;
	_ =	sdelay $0x1  }
0x706: {  	v16 =	vadd.f32 v16, v17;
	v17 =	vmul.f32 v21, v20;
	_ =	sdelay $0x1  }
0x707: {  	v16 =	vadd.f32 v17, v16;
	v17 =	vmul.f32 v22, v18;
	_ =	sdelay $0x1  }
0x708: {  	v16 =	vadd.f32 v17, v16;
	_ =	sdelay $0x1  }
0x709: {  	[tilespmem:$0x10433] =	vst v16  }
0x70a: {  	v16 =	vld [tilespmem:s31+$0xC640]  }
0x70b: {  	v17 =	vld [tilespmem:s31+$0xC650]  }
0x70c: {  	v18 =	vld [tilespmem:s31+$0x4600]  }
0x70d: {  	v19 =	vld [tilespmem:s31+$0x4610]  }
0x70e: {  	v20 =	vld [tilespmem:s31+$0x4620]  }
0x70f: {  	v21 =	vld [tilespmem:s31+$0xC660]  }
0x710: {  	v22 =	vld [tilespmem:s31+$0xC670]  }
0x711: {  	v16 =	vmul.f32 v16, v18;
	v18 =	vld [tilespmem:s31+$0x4630]  }
0x712: {  	v17 =	vmul.f32 v17, v19;
	_ =	sdelay $0x1  }
0x713: {  	v16 =	vadd.f32 v17, v16;
	v17 =	vmul.f32 v21, v20;
	_ =	sdelay $0x1  }
0x714: {  	v16 =	vadd.f32 v17, v16;
	v17 =	vmul.f32 v22, v18;
	_ =	sdelay $0x1  }
0x715: {  	v16 =	vadd.f32 v17, v16;
	_ =	sdelay $0x1  }
0x716: {  	[tilespmem:$0x10444] =	vst v16  }
0x717: {  	v16 =	vld [tilespmem:s31+$0xC6C0]  }
0x718: {  	v17 =	vld [tilespmem:s31+$0xC6D0]  }
0x719: {  	v18 =	vld [tilespmem:s31+$0x4680]  }
0x71a: {  	v19 =	vld [tilespmem:s31+$0x4690]  }
0x71b: {  	v20 =	vld [tilespmem:s31+$0x46A0]  }
0x71c: {  	v21 =	vld [tilespmem:s31+$0xC6E0]  }
0x71d: {  	v22 =	vld [tilespmem:s31+$0xC6F0]  }
0x71e: {  	v16 =	vmul.f32 v16, v18;
	v18 =	vld [tilespmem:s31+$0x46B0]  }
0x71f: {  	v17 =	vmul.f32 v17, v19;
	_ =	sdelay $0x1  }
0x720: {  	v16 =	vadd.f32 v17, v16;
	v17 =	vmul.f32 v21, v20;
	_ =	sdelay $0x1  }
0x721: {  	v16 =	vadd.f32 v17, v16;
	v17 =	vmul.f32 v22, v18;
	_ =	sdelay $0x1  }
0x722: {  	v16 =	vadd.f32 v17, v16;
	_ =	sdelay $0x1  }
0x723: {  	[tilespmem:$0x10455] =	vst v16  }
0x724: {  	v16 =	vld [tilespmem:s31+$0xC740]  }
0x725: {  	v17 =	vld [tilespmem:s31+$0xC750]  }
0x726: {  	v18 =	vld [tilespmem:s31+$0x4710]  }
0x727: {  	v19 =	vld [tilespmem:s31+$0x4700]  }
0x728: {  	v20 =	vld [tilespmem:s31+$0xC760]  }
0x729: {  	v21 =	vld [tilespmem:s31+$0x4720]  }
0x72a: {  	v22 =	vld [tilespmem:s31+$0xC770]  }
0x72b: {  	v17 =	vmul.f32 v17, v18;
	v18 =	vld [tilespmem:s31+$0x4730]  }
0x72c: {  	v16 =	vmul.f32 v16, v19;
	_ =	sdelay $0x1  }
0x72d: {  	v16 =	vadd.f32 v17, v16;
	v17 =	vmul.f32 v20, v21;
	_ =	sdelay $0x1  }
0x72e: {  	v16 =	vadd.f32 v17, v16;
	v17 =	vmul.f32 v22, v18;
	_ =	sdelay $0x1  }
0x72f: {  	v16 =	vadd.f32 v17, v16;
	_ =	sdelay $0x1  }
0x730: {  	[tilespmem:$0x10466] =	vst v16  }
0x731: {  	v16 =	vld [tilespmem:s31+$0x4780]  }
0x732: {  	v17 =	vld [tilespmem:s31+$0xC7C0]  }
0x733: {  	v18 =	vld [tilespmem:s31+$0xC7D0]  }
0x734: {  	v19 =	vld [tilespmem:s31+$0x4790]  }
0x735: {  	v20 =	vld [tilespmem:s31+$0xC7E0]  }
0x736: {  	v21 =	vld [tilespmem:s31+$0x47A0]  }
0x737: {  	v16 =	vmul.f32 v17, v16;
	v17 =	vld [tilespmem:s31+$0xC7F0]  }
0x738: {  	v22 =	vld [tilespmem:s31+$0x47B0]  }
0x739: {  	v18 =	vmul.f32 v18, v19;
	_ =	sdelay $0x1  }
0x73a: {  	v16 =	vadd.f32 v18, v16;
	v18 =	vmul.f32 v20, v21;
	_ =	sdelay $0x1  }
0x73b: {  	v16 =	vadd.f32 v18, v16;
	v17 =	vmul.f32 v17, v22;
	_ =	sdelay $0x1  }
0x73c: {  	v16 =	vadd.f32 v17, v16;
	_ =	sdelay $0x1  }
0x73d: {  	[tilespmem:$0x10477] =	vst v16  }
0x73e: {  	v16 =	vld [tilespmem:s31+$0xC840]  }
0x73f: {  	v17 =	vld [tilespmem:s31+$0xC850]  }
0x740: {  	v18 =	vld [tilespmem:s31+$0x4800]  }
0x741: {  	v19 =	vld [tilespmem:s31+$0x4810]  }
0x742: {  	v20 =	vld [tilespmem:s31+$0xC860]  }
0x743: {  	v21 =	vld [tilespmem:s31+$0x4820]  }
0x744: {  	v22 =	vld [tilespmem:s31+$0xC870]  }
0x745: {  	v16 =	vmul.f32 v16, v18;
	v18 =	vld [tilespmem:s31+$0x4830]  }
0x746: {  	v17 =	vmul.f32 v17, v19;
	_ =	sdelay $0x1  }
0x747: {  	v16 =	vadd.f32 v17, v16;
	v17 =	vmul.f32 v20, v21;
	_ =	sdelay $0x1  }
0x748: {  	v16 =	vadd.f32 v17, v16;
	v17 =	vmul.f32 v22, v18;
	_ =	sdelay $0x1  }
0x749: {  	v16 =	vadd.f32 v17, v16;
	_ =	sdelay $0x1  }
0x74a: {  	[tilespmem:$0x10488] =	vst v16  }
0x74b: {  	v16 =	vld [tilespmem:s31+$0xC8C0]  }
0x74c: {  	v17 =	vld [tilespmem:s31+$0xC8D0]  }
0x74d: {  	v18 =	vld [tilespmem:s31+$0x4890]  }
0x74e: {  	v19 =	vld [tilespmem:s31+$0x4880]  }
0x74f: {  	v20 =	vld [tilespmem:s31+$0x48A0]  }
0x750: {  	v21 =	vld [tilespmem:s31+$0xC8E0]  }
0x751: {  	v22 =	vld [tilespmem:s31+$0x48B0]  }
0x752: {  	v17 =	vmul.f32 v17, v18;
	v18 =	vld [tilespmem:s31+$0xC8F0]  }
0x753: {  	v16 =	vmul.f32 v16, v19;
	_ =	sdelay $0x1  }
0x754: {  	v16 =	vadd.f32 v17, v16;
	v17 =	vmul.f32 v21, v20;
	_ =	sdelay $0x1  }
0x755: {  	v16 =	vadd.f32 v17, v16;
	v17 =	vmul.f32 v18, v22;
	_ =	sdelay $0x1  }
0x756: {  	v16 =	vadd.f32 v17, v16;
	_ =	sdelay $0x1  }
0x757: {  	[tilespmem:$0x10499] =	vst v16  }
0x758: {  	v16 =	vld [tilespmem:s31+$0xC950]  }
0x759: {  	v17 =	vld [tilespmem:s31+$0xC940]  }
0x75a: {  	v18 =	vld [tilespmem:s31+$0x4900]  }
0x75b: {  	v19 =	vld [tilespmem:s31+$0x4910]  }
0x75c: {  	v20 =	vld [tilespmem:s31+$0x4920]  }
0x75d: {  	v21 =	vld [tilespmem:s31+$0xC960]  }
0x75e: {  	v22 =	vld [tilespmem:s31+$0x4930]  }
0x75f: {  	v17 =	vmul.f32 v17, v18;
	v18 =	vld [tilespmem:s31+$0xC970]  }
0x760: {  	v16 =	vmul.f32 v16, v19;
	_ =	sdelay $0x1  }
0x761: {  	v16 =	vadd.f32 v16, v17;
	v17 =	vmul.f32 v21, v20;
	_ =	sdelay $0x1  }
0x762: {  	v16 =	vadd.f32 v17, v16;
	v17 =	vmul.f32 v18, v22;
	_ =	sdelay $0x1  }
0x763: {  	v16 =	vadd.f32 v17, v16;
	_ =	sdelay $0x1  }
0x764: {  	[tilespmem:$0x104AA] =	vst v16  }
0x765: {  	v16 =	vld [tilespmem:s31+$0xC9C0]  }
0x766: {  	v17 =	vld [tilespmem:s31+$0xC9D0]  }
0x767: {  	v18 =	vld [tilespmem:s31+$0x4980]  }
0x768: {  	v19 =	vld [tilespmem:s31+$0x4990]  }
0x769: {  	v20 =	vld [tilespmem:s31+$0x49A0]  }
0x76a: {  	v21 =	vld [tilespmem:s31+$0xC9E0]  }
0x76b: {  	v22 =	vld [tilespmem:s31+$0x49B0]  }
0x76c: {  	v16 =	vmul.f32 v16, v18;
	v18 =	vld [tilespmem:s31+$0xC9F0]  }
0x76d: {  	v17 =	vmul.f32 v17, v19;
	_ =	sdelay $0x1  }
0x76e: {  	v16 =	vadd.f32 v17, v16;
	v17 =	vmul.f32 v21, v20;
	_ =	sdelay $0x1  }
0x76f: {  	v16 =	vadd.f32 v17, v16;
	v17 =	vmul.f32 v18, v22;
	_ =	sdelay $0x1  }
0x770: {  	v16 =	vadd.f32 v17, v16;
	_ =	sdelay $0x1  }
0x771: {  	[tilespmem:$0x104BB] =	vst v16  }
0x772: {  	v16 =	vld [tilespmem:s31+$0xCA40]  }
0x773: {  	v17 =	vld [tilespmem:s31+$0xCA50]  }
0x774: {  	v18 =	vld [tilespmem:s31+$0x4A00]  }
0x775: {  	v19 =	vld [tilespmem:s31+$0x4A10]  }
0x776: {  	v20 =	vld [tilespmem:s31+$0x4A20]  }
0x777: {  	v21 =	vld [tilespmem:s31+$0xCA60]  }
0x778: {  	v22 =	vld [tilespmem:s31+$0x4A30]  }
0x779: {  	v16 =	vmul.f32 v16, v18;
	v18 =	vld [tilespmem:s31+$0xCA70]  }
0x77a: {  	v17 =	vmul.f32 v17, v19;
	_ =	sdelay $0x1  }
0x77b: {  	v16 =	vadd.f32 v17, v16;
	v17 =	vmul.f32 v21, v20;
	_ =	sdelay $0x1  }
0x77c: {  	v16 =	vadd.f32 v17, v16;
	v17 =	vmul.f32 v18, v22;
	_ =	sdelay $0x1  }
0x77d: {  	v16 =	vadd.f32 v17, v16;
	_ =	sdelay $0x1  }
0x77e: {  	[tilespmem:$0x104CC] =	vst v16  }
0x77f: {  	v16 =	vld [tilespmem:s31+$0xCAC0]  }
0x780: {  	v17 =	vld [tilespmem:s31+$0xCAD0]  }
0x781: {  	v18 =	vld [tilespmem:s31+$0x4A80]  }
0x782: {  	v19 =	vld [tilespmem:s31+$0x4A90]  }
0x783: {  	v20 =	vld [tilespmem:s31+$0x4AA0]  }
0x784: {  	v21 =	vld [tilespmem:s31+$0xCAE0]  }
0x785: {  	v22 =	vld [tilespmem:s31+$0x4AB0]  }
0x786: {  	v16 =	vmul.f32 v16, v18;
	v18 =	vld [tilespmem:s31+$0xCAF0]  }
0x787: {  	v17 =	vmul.f32 v17, v19;
	_ =	sdelay $0x1  }
0x788: {  	v16 =	vadd.f32 v17, v16;
	v17 =	vmul.f32 v21, v20;
	_ =	sdelay $0x1  }
0x789: {  	v16 =	vadd.f32 v17, v16;
	v17 =	vmul.f32 v18, v22;
	_ =	sdelay $0x1  }
0x78a: {  	v16 =	vadd.f32 v17, v16;
	_ =	sdelay $0x1  }
0x78b: {  	[tilespmem:$0x104DD] =	vst v16  }
0x78c: {  	v16 =	vld [tilespmem:s31+$0xCB40]  }
0x78d: {  	v17 =	vld [tilespmem:s31+$0xCB50]  }
0x78e: {  	v18 =	vld [tilespmem:s31+$0x4B00]  }
0x78f: {  	v19 =	vld [tilespmem:s31+$0x4B10]  }
0x790: {  	v20 =	vld [tilespmem:s31+$0x4B20]  }
0x791: {  	v21 =	vld [tilespmem:s31+$0xCB60]  }
0x792: {  	v22 =	vld [tilespmem:s31+$0x4B30]  }
0x793: {  	v16 =	vmul.f32 v16, v18;
	v18 =	vld [tilespmem:s31+$0xCB70]  }
0x794: {  	v17 =	vmul.f32 v17, v19;
	_ =	sdelay $0x1  }
0x795: {  	v16 =	vadd.f32 v17, v16;
	v17 =	vmul.f32 v21, v20;
	_ =	sdelay $0x1  }
0x796: {  	v16 =	vadd.f32 v17, v16;
	v17 =	vmul.f32 v18, v22;
	_ =	sdelay $0x1  }
0x797: {  	v16 =	vadd.f32 v17, v16;
	_ =	sdelay $0x1  }
0x798: {  	[tilespmem:$0x104EE] =	vst v16  }
.Ltmp3:
0x799: {  	v16 =	vld [tilespmem:s31+$0xCBC0];
	(pc) =	sbr.rel @p0 .LBB2_8-.Ltmp3, $4  }
0x79a: {  	v19 =	vld [tilespmem:s31+$0x4B80]  }
0x79b: {  	v17 =	vld [tilespmem:s31+$0xCBD0]  }
0x79c: {  	v20 =	vld [tilespmem:s31+$0x4B90]  }
0x79d: {  	v18 =	vld [tilespmem:s31+$0x4BA0]  }
0x79e: {  	v21 =	vld [tilespmem:s31+$0xCBE0]  }
0x79f: {  	v22 =	vld [tilespmem:s31+$0x4BB0]  }
0x7a0: {  	v23 =	vld [tilespmem:s31+$0xCBF0]  }
0x7a1: {  	v16 =	vmul.f32 v16, v19;
	v17 =	vmul.f32 v17, v20;
	_ =	sdelay $0x1  }
0x7a2: {  	v16 =	vadd.f32 v17, v16;
	v17 =	vmul.f32 v21, v18;
	_ =	sdelay $0x1  }
0x7a3: {  	v16 =	vadd.f32 v17, v16;
	v17 =	vmul.f32 v23, v22;
	_ =	sdelay $0x1  }
0x7a4: {  	v16 =	vadd.f32 v17, v16;
	_ =	sdelay $0x1  }
0x7a5: {  	[tilespmem:$0x104FF] =	vst v16  }
0x7a6: {  	v16 =	vld.idx.msk [tilespmem:v0+s28+$0x0], $0xffff  }
0x7a7: {  	v17 =	vld.idx.msk [tilespmem:v1+s28+$0x0], $0xffff;
	_ =	sdelay $0x1  }
0x7a8: {  	v54 =	vld.idx.msk [tilespmem:v2+s28+$0x0], $0xffff;
	_ =	sdelay $0x1  }
0x7a9: {  	v55 =	vld.idx.msk [tilespmem:v3+s28+$0x0], $0xffff  }
0x7aa: {  	v16 =	vadd.f32 v17, v16  }
0x7ab: {  	v17 =	vld.idx.msk [tilespmem:v4+s28+$0x0], $0xffff  }
0x7ac: {  	v16 =	vadd.f32 v54, v16  }
0x7ad: {  	v56 =	vld.idx.msk [tilespmem:v5+s28+$0x0], $0xffff  }
0x7ae: {  	v16 =	vadd.f32 v55, v16  }
0x7af: {  	v57 =	vld.idx.msk [tilespmem:v6+s28+$0x0], $0xffff  }
0x7b0: {  	v16 =	vadd.f32 v17, v16  }
0x7b1: {  	v17 =	vld.idx.msk [tilespmem:v7+s28+$0x0], $0xffff  }
0x7b2: {  	v16 =	vadd.f32 v56, v16  }
0x7b3: {  	v58 =	vld.idx.msk [tilespmem:v8+s28+$0x0], $0xffff  }
0x7b4: {  	v16 =	vadd.f32 v57, v16  }
0x7b5: {  	v59 =	vld.idx.msk [tilespmem:v9+s28+$0x0], $0xffff  }
0x7b6: {  	v16 =	vadd.f32 v17, v16  }
0x7b7: {  	v17 =	vld.idx.msk [tilespmem:v10+s28+$0x0], $0xffff  }
0x7b8: {  	v16 =	vadd.f32 v58, v16  }
0x7b9: {  	v60 =	vld.idx.msk [tilespmem:v11+s28+$0x0], $0xffff  }
0x7ba: {  	v16 =	vadd.f32 v59, v16  }
0x7bb: {  	v61 =	vld.idx.msk [tilespmem:v12+s28+$0x0], $0xffff  }
0x7bc: {  	v16 =	vadd.f32 v17, v16  }
0x7bd: {  	v17 =	vld.idx.msk [tilespmem:v13+s28+$0x0], $0xffff  }
0x7be: {  	v16 =	vadd.f32 v60, v16  }
0x7bf: {  	v62 =	vld.idx.msk [tilespmem:v14+s28+$0x0], $0xffff  }
0x7c0: {  	v16 =	vadd.f32 v61, v16  }
0x7c1: {  	v63 =	vld.idx.msk [tilespmem:v15+s28+$0x0], $0xffff  }
0x7c2: {  	v16 =	vadd.f32 v17, v16;
	_ =	sdelay $0x1  }
0x7c3: {  	v16 =	vadd.f32 v62, v16;
	_ =	sdelay $0x1  }
0x7c4: {  	s30 =	sadd.s32 $0x1, s30;
	v16 =	vadd.f32 v63, v16  }
0x7c5: {  	p0 =	sne.s32 s30, s13  }
.Ltmp4:
0x7c6: {  	s31 =	simm.s32 $0x10510;
	[tilespmem:s0+$0x0] =	vst v16;
	(pc) =	sbr.rel @p0 .LBB2_1-.Ltmp4, $4  }
0x7c7: {  	[hbm4b:s12+s2] =	stream.linear.scatter [tilespmem:s31], [sflag:$0x2], $0x200, $0x38;
	[tilespmem:$0x10710] =	vst v63  }
0x7c8: {  	_ =	swait.ge [sflag:s14], $0x200  }
0x7c9: {  	[sflag:s14] =	ssyncset.done $0x0  }
0x7ca: {  	[sflag:s14] =	ssyncadd.s32 $0xFFFFFE00  }
0x7cb: {  	_ =	sfence.sel $0x180000  }
0x7cc: {  	[bflag:$0x0] =	sbarrier.arrive $0xFFFF  }
0x7cd: {  	_ =	strace $0x90000047  }
0x7ce: {  	s0 =	stileid.u32;
	[bflag:$0x2] =	sbarrier.arrive $0xFFFF  }
0x7cf: {  	p0 =	sne.s32 s0, $0x0;
	s0 =	rddreg [dreg:$0x3]  }
0x7d0: {  	s0 =	sadd.s32 @!p0 $0x100000, s0  }
0x7d1: {  	[sflag:s0] =	ssyncadd.tile.s32 @!p0 $0x1;
	_ =	shalt  }
.Lfunc_end2:
_tile_overlayer_lowered:
.L_overlay_start_2:
0x7d2: {  	(tag) =	ssettag $0x2  }
0x7d3: {  	s0 =	rddreg [dreg:$0x0];
	s2 =	stileid.u32  }
0x7d4: {  	s1 =	rddreg [dreg:$0x1];
	p0 =	sne.s32 s2, $0x0  }
0x7d5: {  	s3 =	rddreg [dreg:$0x2];
	[bflag:$0x3] =	sbarrier.arrive $0xFFFF;
	s2 =	simm.s32 @!p0 $0x1C02  }
0x7d6: {  	[timem:s3], [sflag:s2] =	dma.local @!p0 [hbm:s0], s1  }
0x7d7: {  	s0 =	simm.s32 @!p0 $0x2  }
0x7d8: {  	_ =	swait.ge @!p0 [sflag:s0], s1  }
0x7d9: {  	s1 =	ssub.s32 @!p0 $0x0, s1;
	[sflag:s0] =	ssyncset.done @!p0 $0x0  }
0x7da: {  	[sflag:s0] =	ssyncadd.s32 @!p0 s1  }
0x7db: {  	[bflag:$0x3] =	sbarrier.arrive $0xFFFF  }
0x7dc: {  	_ =	shalt  }

</sc_bundles>
